<compile_context>
chip_gen: v7x
topology: tpu7x:2x2x1
jax: 0.10.2.dev20260603
libtpu: 0.0.44.dev20260713+nightly
codegen_flags: <defaults>
</compile_context>

<pallas_src>
import functools

import jax
import jax.numpy as jnp
from jax import lax
from jax.experimental import pallas as pl
from jax.experimental.pallas import tpu as pltpu
from jax.experimental.pallas import tpu_sc as plsc

N = 10000
E = 320000
D = 128

NC = 2
NS = 16
NW = NC * NS
K = 128
NCH = E // K
CPW = NCH // NW
XTRA = NCH - NW * CPW
DB = CPW + 10
NCHP = NCH + 8
NACC = 10240
RPT = NACC // NS



@functools.cache
def _make_sc_segsum(with_deg):
    mesh = plsc.VectorSubcoreMesh(
        core_axis_name="c", subcore_axis_name="s",
        num_cores=NC, num_subcores=NS,
    )
    out_type = [jax.ShapeDtypeStruct((NC, NACC, D), jnp.float32)]
    scratch = [
        pltpu.VMEM((K,), jnp.int32),
        pltpu.VMEM((K,), jnp.int32),
        pltpu.VMEM((DB, K), jnp.int32),
        pltpu.VMEM((K, D), jnp.float32),
        pltpu.VMEM((K, D), jnp.float32),
        pltpu.VMEM((16, D), jnp.float32),
        pltpu.VMEM_SHARED((NACC, D), jnp.float32),
        pltpu.SemaphoreType.DMA,
        pltpu.SemaphoreType.DMA,
        pltpu.SemaphoreType.DMA,
        pltpu.SemaphoreType.DMA,
        pltpu.SemaphoreType.DMA,
        pltpu.SemaphoreType.DMA,
    ]
    if with_deg:
        out_type.append(jax.ShapeDtypeStruct((NC, NACC), jnp.float32))
        scratch += [
            pltpu.VMEM((K,), jnp.float32),
            pltpu.VMEM((RPT,), jnp.float32),
            pltpu.VMEM_SHARED((NACC,), jnp.float32),
            pltpu.SemaphoreType.DMA,
            pltpu.SemaphoreType.DMA,
        ]
    return pl.kernel(
        functools.partial(_sc_segsum_body, with_deg),
        out_type=out_type,
        mesh=mesh,
        scratch_types=scratch,
    )


def _sc_segsum_body(with_deg, table, srcp, dst2d, out, *rest):
    if with_deg:
        (dout, sidx0, sidx1, dbuf, rows0, rows1, zbuf, acc,
         sg0, sg1, ss0, ss1, si, st, ones, dzero, dacc, sd0, sd1) = rest
        sd = (sd0, sd1)
    else:
        (sidx0, sidx1, dbuf, rows0, rows1, zbuf, acc,
         sg0, sg1, ss0, ss1, si, st) = rest
    c = lax.axis_index("c")
    s = lax.axis_index("s")
    sidx = (sidx0, sidx1)
    rows = (rows0, rows1)
    sg = (sg0, sg1)
    ss = (ss0, ss1)

    w = c * NS + s
    cs = w * CPW + jnp.minimum(w, XTRA)
    cs8 = (cs // 8) * 8
    off = cs - cs8
    e0 = cs * K
    has_x = w < XTRA

    def load_src(t, b):
        pltpu.async_copy(srcp.at[pl.ds(e0 + t * K, K)], sidx[b], si)

    def wait_src(b):
        pltpu.make_async_copy(srcp.at[pl.ds(e0, K)], sidx[b], si).wait()

    pltpu.async_copy(dst2d.at[pl.ds(cs8, DB)], dbuf, st)
    load_src(0, 0)

    z16 = jnp.zeros((16,), jnp.float32)
    for i in range(16):
        for j in range(D // 16):
            zbuf[i, pl.ds(j * 16, 16)] = z16
    row0 = s * RPT

    @pl.loop(0, RPT // 16)
    def _zero(j):
        pltpu.sync_copy(zbuf, acc.at[pl.ds(row0 + j * 16, 16)])

    if with_deg:
        o16 = jnp.ones((16,), jnp.float32)
        for j in range(K // 16):
            ones[pl.ds(j * 16, 16)] = o16
        for j in range(RPT // 16):
            dzero[pl.ds(j * 16, 16)] = z16
        pltpu.sync_copy(dzero, dacc.at[pl.ds(row0, RPT)])

    plsc.subcore_barrier()

    pltpu.make_async_copy(dst2d.at[pl.ds(cs8, DB)], dbuf, st).wait()
    wait_src(0)

    def start_gather(b):
        pltpu.async_copy(table.at[sidx[b]], rows[b], sg[b])

    def wait_gather(b):
        pltpu.make_async_copy(table.at[sidx[b]], rows[b], sg[b]).wait()

    def start_scatter(t, b):
        pltpu.async_copy(rows[b], acc.at[dbuf.at[off + t]], ss[b], add=True)

    def wait_scatter(b):
        pltpu.make_async_copy(rows[b], acc.at[dbuf.at[0]], ss[b]).wait()

    def start_deg(t, b):
        pltpu.async_copy(ones, dacc.at[dbuf.at[off + t]], sd[b], add=True)

    def wait_deg(b):
        pltpu.make_async_copy(ones, dacc.at[dbuf.at[0]], sd[b]).wait()

    start_gather(0)
    load_src(1, 1)
    wait_src(1)
    start_gather(1)

    def step(t, b, first, cond_prep):
        wait_gather(b)
        start_scatter(t, b)
        if with_deg:
            if not first:
                wait_deg(b)
            start_deg(t, b)

        def _p():
            load_src(t + 2, b)
            wait_scatter(b)
            wait_src(b)
            start_gather(b)

        if cond_prep:
            pl.when(t + 2 < CPW)(_p)
        else:
            _p()

    step(0, 0, True, False)
    step(1, 1, True, False)

    @pl.loop(2, CPW, step=2)
    def _body(t0):
        for b in range(2):
            step(t0 + b, b, False, True)

    wait_scatter(0)
    wait_scatter(1)
    if with_deg:
        wait_deg(0)
        wait_deg(1)

    @pl.when(has_x)
    def _extra():
        pltpu.async_copy(srcp.at[pl.ds(e0 + CPW * K, K)], sidx0, st).wait()
        pltpu.async_copy(table.at[sidx0], rows0, st).wait()
        pltpu.sync_copy(rows0, acc.at[dbuf.at[off + CPW]], add=True)
        if with_deg:
            pltpu.async_copy(ones, dacc.at[dbuf.at[off + CPW]], st,
                             add=True).wait()

    plsc.subcore_barrier()
    pltpu.sync_copy(acc.at[pl.ds(row0, RPT)], out.at[c, pl.ds(row0, RPT)])
    if with_deg:
        pltpu.sync_copy(dacc.at[pl.ds(row0, RPT)],
                        dout.at[c, pl.ds(row0, RPT)])




def _stage_a_body(x_ref, wl_ref, wr_ref, g_ref, r_ref):
    x = x_ref[...]
    g_ref[...] = jnp.dot(x, wl_ref[...], preferred_element_type=jnp.float32)
    r_ref[...] = jnp.dot(x, wr_ref[...], preferred_element_type=jnp.float32)


_stage_a = pl.pallas_call(
    _stage_a_body,
    out_shape=[
        jax.ShapeDtypeStruct((N, D), jnp.float32),
        jax.ShapeDtypeStruct((N, D), jnp.float32),
    ],
)


def _stage_c_body(acc_ref, dega_ref, degb_ref, r_ref, b_ref, wl_ref, wr_ref,
                  g2_ref, r2_ref):
    ssum = acc_ref[0, :N, :] + acc_ref[1, :N, :]
    deg = jnp.maximum(dega_ref[:N, :] + degb_ref[:N, :], 1.0)
    h = jnp.maximum(ssum / deg + b_ref[...] + r_ref[...], 0.0)
    g2_ref[...] = jnp.dot(h, wl_ref[...], preferred_element_type=jnp.float32)
    r2_ref[...] = jnp.dot(h, wr_ref[...], preferred_element_type=jnp.float32)


_stage_c = pl.pallas_call(
    _stage_c_body,
    out_shape=[
        jax.ShapeDtypeStruct((N, D), jnp.float32),
        jax.ShapeDtypeStruct((N, D), jnp.float32),
    ],
)


def _stage_e_body(acc_ref, dega_ref, degb_ref, r_ref, b_ref, wa_ref, ba_ref,
                  wc_ref, bc_ref, logits_ref, values_ref):
    ssum = acc_ref[0, :N, :] + acc_ref[1, :N, :]
    deg = jnp.maximum(dega_ref[:N, :] + degb_ref[:N, :], 1.0)
    h = jnp.maximum(ssum / deg + b_ref[...] + r_ref[...], 0.0)
    logits_ref[...] = (
        jnp.dot(h, wa_ref[...], preferred_element_type=jnp.float32)
        + ba_ref[...]
    )
    values_ref[...] = (
        jnp.dot(h, wc_ref[...], preferred_element_type=jnp.float32)
        + bc_ref[...]
    )


_stage_e = pl.pallas_call(
    _stage_e_body,
    out_shape=[
        jax.ShapeDtypeStruct((N, 64), jnp.float32),
        jax.ShapeDtypeStruct((N, 1), jnp.float32),
    ],
)




def kernel(x, edge_index, W1l, b1, W1r, W2l, b2, W2r, Wa, ba, Wc, bc):
    srcp = edge_index[0].astype(jnp.int32)
    dstp = edge_index[1].astype(jnp.int32)
    dst2d = jnp.concatenate(
        [dstp, jnp.zeros((NCHP * K - E,), jnp.int32)]).reshape(NCHP, K)

    sc_segsum_deg = _make_sc_segsum(True)
    sc_segsum = _make_sc_segsum(False)

    g1, r1 = _stage_a(x, W1l, W1r)
    acc1, degs = sc_segsum_deg(g1, srcp, dst2d)
    dega = degs[0].reshape(NACC, 1)
    degb = degs[1].reshape(NACC, 1)
    g2, r2 = _stage_c(acc1, dega, degb, r1, b1.reshape(1, D), W2l, W2r)
    (acc2,) = sc_segsum(g2, srcp, dst2d)
    logits, values = _stage_e(
        acc2, dega, degb, r2, b2.reshape(1, D),
        Wa, ba.reshape(1, 64), Wc, bc.reshape(1, 1),
    )
    return logits, values.reshape(N)

# --- scband reference (transcript-rebuilt; emitter-appended) ---
"""Pipeline reference for scband-gnnactor-critic-20332375179289 (READ-ONLY COPY).

The authoritative reference and input builder live on the scoring server;
editing this copy changes nothing except your own understanding.
"""

import jax, jax.numpy as jnp
import numpy as np

N = 10000
E = 320000
D_IN = 128
D_H = 128
D_OUT = 64


def setup_inputs(seed: int = 0) -> dict:
    key = jax.random.key(seed)
    ks = jax.random.split(key, 14)
    x = jax.random.normal(ks[0], (N, D_IN), dtype=jnp.float32)
    edge_index = jax.random.randint(ks[1], (2, E), 0, N)
    s = 0.1
    return {
        'x': x,
        'edge_index': edge_index,
        'W1l': jax.random.normal(ks[2], (D_IN, D_H), dtype=jnp.float32) * s,
        'b1': jnp.zeros((D_H,), dtype=jnp.float32),
        'W1r': jax.random.normal(ks[3], (D_IN, D_H), dtype=jnp.float32) * s,
        'W2l': jax.random.normal(ks[4], (D_H, D_H), dtype=jnp.float32) * s,
        'b2': jnp.zeros((D_H,), dtype=jnp.float32),
        'W2r': jax.random.normal(ks[5], (D_H, D_H), dtype=jnp.float32) * s,
        'Wa': jax.random.normal(ks[6], (D_H, D_OUT), dtype=jnp.float32) * s,
        'ba': jnp.zeros((D_OUT,), dtype=jnp.float32),
        'Wc': jax.random.normal(ks[7], (D_H, 1), dtype=jnp.float32) * s,
        'bc': jnp.zeros((1,), dtype=jnp.float32),
    }


def reference(x, edge_index, W1l, b1, W1r, W2l, b2, W2r, Wa, ba, Wc, bc):
    src = edge_index[0]
    dst = edge_index[1]

    def sage(h, Wl, bl, Wr):
        # SAGEConv with mean aggregation: out = lin_l(mean_{j in N(i)} h_j) + lin_r(h_i)
        msg = h[src]  # gather over edges
        agg = jax.ops.segment_sum(msg, dst, num_segments=N)  # scatter-add
        deg = jax.ops.segment_sum(jnp.ones((src.shape[0],), dtype=h.dtype), dst, num_segments=N)
        agg = agg / jnp.maximum(deg, 1.0)[:, None]
        return agg @ Wl + bl + h @ Wr

    h = jax.nn.relu(sage(x, W1l, b1, W1r))
    h = jax.nn.relu(sage(h, W2l, b2, W2r))
    logits = h @ Wa + ba
    values = (h @ Wc + bc).squeeze(-1)
    return logits, values

if __name__ == "__main__":
    import jax
    _d = setup_inputs()
    print(jax.jit(kernel)(*tuple(_d.values())))

</pallas_src>

<mosaic_0001>
#map = affine_map<(d0, d1) -> (0, 0)>
#map1 = affine_map<(d0, d1) -> (0)>
#map2 = affine_map<(d0, d1) -> (0, 0, 0)>
module attributes {stable_mosaic.version = 14 : i64} {
  func.func @_sc_segsum_body(%arg0: i32, %arg1: i32, %arg2: memref<10000x128xf32, #tpu.memory_space<hbm>>, %arg3: memref<320000xi32, #tpu.memory_space<hbm>>, %arg4: memref<2508x128xi32, #tpu.memory_space<hbm>>, %arg5: memref<2x10240x128xf32, #tpu.memory_space<hbm>>, %arg6: memref<2x10240xf32, #tpu.memory_space<hbm>>, %arg7: memref<128xi32, #tpu.memory_space<vmem>>, %arg8: memref<128xi32, #tpu.memory_space<vmem>>, %arg9: memref<88x128xi32, #tpu.memory_space<vmem>>, %arg10: memref<128x128xf32, #tpu.memory_space<vmem>>, %arg11: memref<128x128xf32, #tpu.memory_space<vmem>>, %arg12: memref<16x128xf32, #tpu.memory_space<vmem>>, %arg13: memref<10240x128xf32, #tpu.memory_space<vmem_shared>>, %arg14: memref<!tpu.dma_semaphore, #tpu.memory_space<semaphore_mem>>, %arg15: memref<!tpu.dma_semaphore, #tpu.memory_space<semaphore_mem>>, %arg16: memref<!tpu.dma_semaphore, #tpu.memory_space<semaphore_mem>>, %arg17: memref<!tpu.dma_semaphore, #tpu.memory_space<semaphore_mem>>, %arg18: memref<!tpu.dma_semaphore, #tpu.memory_space<semaphore_mem>>, %arg19: memref<!tpu.dma_semaphore, #tpu.memory_space<semaphore_mem>>, %arg20: memref<128xf32, #tpu.memory_space<vmem>>, %arg21: memref<640xf32, #tpu.memory_space<vmem>>, %arg22: memref<10240xf32, #tpu.memory_space<vmem_shared>>, %arg23: memref<!tpu.dma_semaphore, #tpu.memory_space<semaphore_mem>>, %arg24: memref<!tpu.dma_semaphore, #tpu.memory_space<semaphore_mem>>) attributes {dimension_semantics = [#tpu.dimension_semantics<core_parallel>, #tpu.dimension_semantics<subcore_parallel>], iteration_bounds = array<i64: 2, 16>, scalar_prefetch = 0 : i64, scratch_operands = 18 : i64, tpu.core_type = #tpu.core_type<sc_vector_subcore>, window_params = [{transform_indices = #map}, {transform_indices = #map1}, {transform_indices = #map}, {transform_indices = #map2}, {transform_indices = #map}]} {
    %mul3A = arith.constant 16 : i32
    %mul3A_0 = arith.muli %arg0, %mul3A : i32
    %add3A = arith.addi %mul3A_0, %arg1 : i32
    %mul3A_1 = arith.constant 78 : i32
    %mul3A_2 = arith.muli %add3A, %mul3A_1 : i32
    %min3A = arith.constant 4 : i32
    %min3A_3 = arith.minsi %add3A, %min3A : i32
    %add3A_4 = arith.addi %mul3A_2, %min3A_3 : i32
    %jit3A = arith.constant 8 : i32
    %div3A = arith.divsi %add3A_4, %jit3A : i32
    %sign3A = arith.constant 0 : i32
    %sign3A_5 = arith.cmpi sgt, %add3A_4, %sign3A : i32
    %sign3A_6 = arith.extui %sign3A_5 : i1 to i32
    %sign3A_7 = arith.constant 0 : i32
    %sign3A_8 = arith.cmpi slt, %add3A_4, %sign3A_7 : i32
    %sign3A_9 = arith.extui %sign3A_8 : i1 to i32
    %sign3A_10 = arith.subi %sign3A_6, %sign3A_9 : i32
    %sign3A_11 = arith.constant 0 : i32
    %sign3A_12 = arith.cmpi sgt, %jit3A, %sign3A_11 : i32
    %sign3A_13 = arith.extui %sign3A_12 : i1 to i32
    %sign3A_14 = arith.constant 0 : i32
    %sign3A_15 = arith.cmpi slt, %jit3A, %sign3A_14 : i32
    %sign3A_16 = arith.extui %sign3A_15 : i1 to i32
    %sign3A_17 = arith.subi %sign3A_13, %sign3A_16 : i32
    %ne3A = arith.cmpi ne, %sign3A_10, %sign3A_17 : i32
    %rem3A = arith.remsi %add3A_4, %jit3A : i32
    %ne3A_18 = arith.constant 0 : i32
    %ne3A_19 = arith.cmpi ne, %rem3A, %ne3A_18 : i32
    %and3A = arith.andi %ne3A, %ne3A_19 : i1
    %sub3A = arith.constant 1 : i32
    %sub3A_20 = arith.subi %div3A, %sub3A : i32
    %select_n3A = arith.select %and3A, %sub3A_20, %div3A : i32
    %mul3A_21 = arith.constant 8 : i32
    %mul3A_22 = arith.muli %select_n3A, %mul3A_21 : i32
    %sub3A_23 = arith.subi %add3A_4, %mul3A_22 : i32
    %mul3A_24 = arith.constant 128 : i32
    %mul3A_25 = arith.muli %add3A_4, %mul3A_24 : i32
    %lt3A = arith.constant 4 : i32
    %lt3A_26 = arith.cmpi slt, %add3A, %lt3A : i32
    %dma_start3A = arith.constant 0 : i32
    %dma_start3A_27 = tpu.memref_slice %arg4[%mul3A_22, %dma_start3A] : memref<2508x128xi32, #tpu.memory_space<hbm>> -> memref<88x128xi32, #tpu.memory_space<hbm>>
    %dma_start3A_28 = arith.constant 0 : i32
    %dma_start3A_29 = tpu.memref_slice %arg4[%mul3A_22, %dma_start3A_28] : memref<2508x128xi32, #tpu.memory_space<hbm>> -> memref<88x128xi32, #tpu.memory_space<hbm>>
    tpu.enqueue_dma source(%dma_start3A_29 : memref<88x128xi32, #tpu.memory_space<hbm>>) target(%arg9 : memref<88x128xi32, #tpu.memory_space<vmem>>) target_semaphore(%arg19 : memref<!tpu.dma_semaphore, #tpu.memory_space<semaphore_mem>>)
    %add3A_30 = arith.constant 0 : i32
    %add3A_31 = arith.addi %mul3A_25, %add3A_30 : i32
    %dma_start3A_32 = tpu.memref_slice %arg3[%add3A_31] : memref<320000xi32, #tpu.memory_space<hbm>> -> memref<128xi32, #tpu.memory_space<hbm>>
    %dma_start3A_33 = tpu.memref_slice %arg3[%add3A_31] : memref<320000xi32, #tpu.memory_space<hbm>> -> memref<128xi32, #tpu.memory_space<hbm>>
    tpu.enqueue_dma source(%dma_start3A_33 : memref<128xi32, #tpu.memory_space<hbm>>) target(%arg7 : memref<128xi32, #tpu.memory_space<vmem>>) target_semaphore(%arg18 : memref<!tpu.dma_semaphore, #tpu.memory_space<semaphore_mem>>)
    %broadcast_in_dim3A = arith.constant 0.000000e+00 : f32
    %broadcast_in_dim3A_34 = vector.broadcast %broadcast_in_dim3A : f32 to vector<16xf32>
    %swap3A = arith.constant 0 : i32
    %swap3A_35 = arith.index_cast %swap3A : i32 to index
    %swap3A_36 = arith.constant 0 : index
    %swap3A_37 = tpu.vector_load %arg12[%swap3A_35, %swap3A_36] {strides = array<i32>} : memref<16x128xf32, #tpu.memory_space<vmem>>, vector<1x16xf32>,
    %swap3A_38 = vector.shape_cast %swap3A_37 : vector<1x16xf32> to vector<16xf32>
    %swap3A_39 = vector.shape_cast %broadcast_in_dim3A_34 : vector<16xf32> to vector<1x16xf32>
    tpu.vector_store %arg12[%swap3A_35, %swap3A_36], %swap3A_39 {strides = array<i32>} : memref<16x128xf32, #tpu.memory_space<vmem>>, vector<1x16xf32>,
    %swap3A_40 = arith.constant 0 : i32
    %swap3A_41 = arith.index_cast %swap3A_40 : i32 to index
    %swap3A_42 = arith.constant 16 : index
    %swap3A_43 = tpu.vector_load %arg12[%swap3A_41, %swap3A_42] {strides = array<i32>} : memref<16x128xf32, #tpu.memory_space<vmem>>, vector<1x16xf32>,
    %swap3A_44 = vector.shape_cast %swap3A_43 : vector<1x16xf32> to vector<16xf32>
    %swap3A_45 = vector.shape_cast %broadcast_in_dim3A_34 : vector<16xf32> to vector<1x16xf32>
    tpu.vector_store %arg12[%swap3A_41, %swap3A_42], %swap3A_45 {strides = array<i32>} : memref<16x128xf32, #tpu.memory_space<vmem>>, vector<1x16xf32>,
    %swap3A_46 = arith.constant 0 : i32
    %swap3A_47 = arith.index_cast %swap3A_46 : i32 to index
    %swap3A_48 = arith.constant 32 : index
    %swap3A_49 = tpu.vector_load %arg12[%swap3A_47, %swap3A_48] {strides = array<i32>} : memref<16x128xf32, #tpu.memory_space<vmem>>, vector<1x16xf32>,
    %swap3A_50 = vector.shape_cast %swap3A_49 : vector<1x16xf32> to vector<16xf32>
    %swap3A_51 = vector.shape_cast %broadcast_in_dim3A_34 : vector<16xf32> to vector<1x16xf32>
    tpu.vector_store %arg12[%swap3A_47, %swap3A_48], %swap3A_51 {strides = array<i32>} : memref<16x128xf32, #tpu.memory_space<vmem>>, vector<1x16xf32>,
    %swap3A_52 = arith.constant 0 : i32
    %swap3A_53 = arith.index_cast %swap3A_52 : i32 to index
    %swap3A_54 = arith.constant 48 : index
    %swap3A_55 = tpu.vector_load %arg12[%swap3A_53, %swap3A_54] {strides = array<i32>} : memref<16x128xf32, #tpu.memory_space<vmem>>, vector<1x16xf32>,
    %swap3A_56 = vector.shape_cast %swap3A_55 : vector<1x16xf32> to vector<16xf32>
    %swap3A_57 = vector.shape_cast %broadcast_in_dim3A_34 : vector<16xf32> to vector<1x16xf32>
    tpu.vector_store %arg12[%swap3A_53, %swap3A_54], %swap3A_57 {strides = array<i32>} : memref<16x128xf32, #tpu.memory_space<vmem>>, vector<1x16xf32>,
    %swap3A_58 = arith.constant 0 : i32
    %swap3A_59 = arith.index_cast %swap3A_58 : i32 to index
    %swap3A_60 = arith.constant 64 : index
    %swap3A_61 = tpu.vector_load %arg12[%swap3A_59, %swap3A_60] {strides = array<i32>} : memref<16x128xf32, #tpu.memory_space<vmem>>, vector<1x16xf32>,
    %swap3A_62 = vector.shape_cast %swap3A_61 : vector<1x16xf32> to vector<16xf32>
    %swap3A_63 = vector.shape_cast %broadcast_in_dim3A_34 : vector<16xf32> to vector<1x16xf32>
    tpu.vector_store %arg12[%swap3A_59, %swap3A_60], %swap3A_63 {strides = array<i32>} : memref<16x128xf32, #tpu.memory_space<vmem>>, vector<1x16xf32>,
    %swap3A_64 = arith.constant 0 : i32
    %swap3A_65 = arith.index_cast %swap3A_64 : i32 to index
    %swap3A_66 = arith.constant 80 : index
    %swap3A_67 = tpu.vector_load %arg12[%swap3A_65, %swap3A_66] {strides = array<i32>} : memref<16x128xf32, #tpu.memory_space<vmem>>, vector<1x16xf32>,
    %swap3A_68 = vector.shape_cast %swap3A_67 : vector<1x16xf32> to vector<16xf32>
    %swap3A_69 = vector.shape_cast %broadcast_in_dim3A_34 : vector<16xf32> to vector<1x16xf32>
    tpu.vector_store %arg12[%swap3A_65, %swap3A_66], %swap3A_69 {strides = array<i32>} : memref<16x128xf32, #tpu.memory_space<vmem>>, vector<1x16xf32>,
    %swap3A_70 = arith.constant 0 : i32
    %swap3A_71 = arith.index_cast %swap3A_70 : i32 to index
    %swap3A_72 = arith.constant 96 : index
    %swap3A_73 = tpu.vector_load %arg12[%swap3A_71, %swap3A_72] {strides = array<i32>} : memref<16x128xf32, #tpu.memory_space<vmem>>, vector<1x16xf32>,
    %swap3A_74 = vector.shape_cast %swap3A_73 : vector<1x16xf32> to vector<16xf32>
    %swap3A_75 = vector.shape_cast %broadcast_in_dim3A_34 : vector<16xf32> to vector<1x16xf32>
    tpu.vector_store %arg12[%swap3A_71, %swap3A_72], %swap3A_75 {strides = array<i32>} : memref<16x128xf32, #tpu.memory_space<vmem>>, vector<1x16xf32>,
    %swap3A_76 = arith.constant 0 : i32
    %swap3A_77 = arith.index_cast %swap3A_76 : i32 to index
    %swap3A_78 = arith.constant 112 : index
    %swap3A_79 = tpu.vector_load %arg12[%swap3A_77, %swap3A_78] {strides = array<i32>} : memref<16x128xf32, #tpu.memory_space<vmem>>, vector<1x16xf32>,
    %swap3A_80 = vector.shape_cast %swap3A_79 : vector<1x16xf32> to vector<16xf32>
    %swap3A_81 = vector.shape_cast %broadcast_in_dim3A_34 : vector<16xf32> to vector<1x16xf32>
    tpu.vector_store %arg12[%swap3A_77, %swap3A_78], %swap3A_81 {strides = array<i32>} : memref<16x128xf32, #tpu.memory_space<vmem>>, vector<1x16xf32>,
    %swap3A_82 = arith.constant 1 : i32
    %swap3A_83 = arith.index_cast %swap3A_82 : i32 to index
    %swap3A_84 = arith.constant 0 : index
    %swap3A_85 = tpu.vector_load %arg12[%swap3A_83, %swap3A_84] {strides = array<i32>} : memref<16x128xf32, #tpu.memory_space<vmem>>, vector<1x16xf32>,
    %swap3A_86 = vector.shape_cast %swap3A_85 : vector<1x16xf32> to vector<16xf32>
    %swap3A_87 = vector.shape_cast %broadcast_in_dim3A_34 : vector<16xf32> to vector<1x16xf32>
    tpu.vector_store %arg12[%swap3A_83, %swap3A_84], %swap3A_87 {strides = array<i32>} : memref<16x128xf32, #tpu.memory_space<vmem>>, vector<1x16xf32>,
    %swap3A_88 = arith.constant 1 : i32
    %swap3A_89 = arith.index_cast %swap3A_88 : i32 to index
    %swap3A_90 = arith.constant 16 : index
    %swap3A_91 = tpu.vector_load %arg12[%swap3A_89, %swap3A_90] {strides = array<i32>} : memref<16x128xf32, #tpu.memory_space<vmem>>, vector<1x16xf32>,
    %swap3A_92 = vector.shape_cast %swap3A_91 : vector<1x16xf32> to vector<16xf32>
    %swap3A_93 = vector.shape_cast %broadcast_in_dim3A_34 : vector<16xf32> to vector<1x16xf32>
    tpu.vector_store %arg12[%swap3A_89, %swap3A_90], %swap3A_93 {strides = array<i32>} : memref<16x128xf32, #tpu.memory_space<vmem>>, vector<1x16xf32>,
    %swap3A_94 = arith.constant 1 : i32
    %swap3A_95 = arith.index_cast %swap3A_94 : i32 to index
    %swap3A_96 = arith.constant 32 : index
    %swap3A_97 = tpu.vector_load %arg12[%swap3A_95, %swap3A_96] {strides = array<i32>} : memref<16x128xf32, #tpu.memory_space<vmem>>, vector<1x16xf32>,
    %swap3A_98 = vector.shape_cast %swap3A_97 : vector<1x16xf32> to vector<16xf32>
    %swap3A_99 = vector.shape_cast %broadcast_in_dim3A_34 : vector<16xf32> to vector<1x16xf32>
    tpu.vector_store %arg12[%swap3A_95, %swap3A_96], %swap3A_99 {strides = array<i32>} : memref<16x128xf32, #tpu.memory_space<vmem>>, vector<1x16xf32>,
    %swap3A_100 = arith.constant 1 : i32
    %swap3A_101 = arith.index_cast %swap3A_100 : i32 to index
    %swap3A_102 = arith.constant 48 : index
    %swap3A_103 = tpu.vector_load %arg12[%swap3A_101, %swap3A_102] {strides = array<i32>} : memref<16x128xf32, #tpu.memory_space<vmem>>, vector<1x16xf32>,
    %swap3A_104 = vector.shape_cast %swap3A_103 : vector<1x16xf32> to vector<16xf32>
    %swap3A_105 = vector.shape_cast %broadcast_in_dim3A_34 : vector<16xf32> to vector<1x16xf32>
    tpu.vector_store %arg12[%swap3A_101, %swap3A_102], %swap3A_105 {strides = array<i32>} : memref<16x128xf32, #tpu.memory_space<vmem>>, vector<1x16xf32>,
    %swap3A_106 = arith.constant 1 : i32
    %swap3A_107 = arith.index_cast %swap3A_106 : i32 to index
    %swap3A_108 = arith.constant 64 : index
    %swap3A_109 = tpu.vector_load %arg12[%swap3A_107, %swap3A_108] {strides = array<i32>} : memref<16x128xf32, #tpu.memory_space<vmem>>, vector<1x16xf32>,
    %swap3A_110 = vector.shape_cast %swap3A_109 : vector<1x16xf32> to vector<16xf32>
    %swap3A_111 = vector.shape_cast %broadcast_in_dim3A_34 : vector<16xf32> to vector<1x16xf32>
    tpu.vector_store %arg12[%swap3A_107, %swap3A_108], %swap3A_111 {strides = array<i32>} : memref<16x128xf32, #tpu.memory_space<vmem>>, vector<1x16xf32>,
    %swap3A_112 = arith.constant 1 : i32
    %swap3A_113 = arith.index_cast %swap3A_112 : i32 to index
    %swap3A_114 = arith.constant 80 : index
    %swap3A_115 = tpu.vector_load %arg12[%swap3A_113, %swap3A_114] {strides = array<i32>} : memref<16x128xf32, #tpu.memory_space<vmem>>, vector<1x16xf32>,
    %swap3A_116 = vector.shape_cast %swap3A_115 : vector<1x16xf32> to vector<16xf32>
    %swap3A_117 = vector.shape_cast %broadcast_in_dim3A_34 : vector<16xf32> to vector<1x16xf32>
    tpu.vector_store %arg12[%swap3A_113, %swap3A_114], %swap3A_117 {strides = array<i32>} : memref<16x128xf32, #tpu.memory_space<vmem>>, vector<1x16xf32>,
    %swap3A_118 = arith.constant 1 : i32
    %swap3A_119 = arith.index_cast %swap3A_118 : i32 to index
    %swap3A_120 = arith.constant 96 : index
    %swap3A_121 = tpu.vector_load %arg12[%swap3A_119, %swap3A_120] {strides = array<i32>} : memref<16x128xf32, #tpu.memory_space<vmem>>, vector<1x16xf32>,
    %swap3A_122 = vector.shape_cast %swap3A_121 : vector<1x16xf32> to vector<16xf32>
    %swap3A_123 = vector.shape_cast %broadcast_in_dim3A_34 : vector<16xf32> to vector<1x16xf32>
    tpu.vector_store %arg12[%swap3A_119, %swap3A_120], %swap3A_123 {strides = array<i32>} : memref<16x128xf32, #tpu.memory_space<vmem>>, vector<1x16xf32>,
    %swap3A_124 = arith.constant 1 : i32
    %swap3A_125 = arith.index_cast %swap3A_124 : i32 to index
    %swap3A_126 = arith.constant 112 : index
    %swap3A_127 = tpu.vector_load %arg12[%swap3A_125, %swap3A_126] {strides = array<i32>} : memref<16x128xf32, #tpu.memory_space<vmem>>, vector<1x16xf32>,
    %swap3A_128 = vector.shape_cast %swap3A_127 : vector<1x16xf32> to vector<16xf32>
    %swap3A_129 = vector.shape_cast %broadcast_in_dim3A_34 : vector<16xf32> to vector<1x16xf32>
    tpu.vector_store %arg12[%swap3A_125, %swap3A_126], %swap3A_129 {strides = array<i32>} : memref<16x128xf32, #tpu.memory_space<vmem>>, vector<1x16xf32>,
    %swap3A_130 = arith.constant 2 : i32
    %swap3A_131 = arith.index_cast %swap3A_130 : i32 to index
    %swap3A_132 = arith.constant 0 : index
    %swap3A_133 = tpu.vector_load %arg12[%swap3A_131, %swap3A_132] {strides = array<i32>} : memref<16x128xf32, #tpu.memory_space<vmem>>, vector<1x16xf32>,
    %swap3A_134 = vector.shape_cast %swap3A_133 : vector<1x16xf32> to vector<16xf32>
    %swap3A_135 = vector.shape_cast %broadcast_in_dim3A_34 : vector<16xf32> to vector<1x16xf32>
    tpu.vector_store %arg12[%swap3A_131, %swap3A_132], %swap3A_135 {strides = array<i32>} : memref<16x128xf32, #tpu.memory_space<vmem>>, vector<1x16xf32>,
    %swap3A_136 = arith.constant 2 : i32
    %swap3A_137 = arith.index_cast %swap3A_136 : i32 to index
    %swap3A_138 = arith.constant 16 : index
    %swap3A_139 = tpu.vector_load %arg12[%swap3A_137, %swap3A_138] {strides = array<i32>} : memref<16x128xf32, #tpu.memory_space<vmem>>, vector<1x16xf32>,
    %swap3A_140 = vector.shape_cast %swap3A_139 : vector<1x16xf32> to vector<16xf32>
    %swap3A_141 = vector.shape_cast %broadcast_in_dim3A_34 : vector<16xf32> to vector<1x16xf32>
    tpu.vector_store %arg12[%swap3A_137, %swap3A_138], %swap3A_141 {strides = array<i32>} : memref<16x128xf32, #tpu.memory_space<vmem>>, vector<1x16xf32>,
    %swap3A_142 = arith.constant 2 : i32
    %swap3A_143 = arith.index_cast %swap3A_142 : i32 to index
    %swap3A_144 = arith.constant 32 : index
    %swap3A_145 = tpu.vector_load %arg12[%swap3A_143, %swap3A_144] {strides = array<i32>} : memref<16x128xf32, #tpu.memory_space<vmem>>, vector<1x16xf32>,
    %swap3A_146 = vector.shape_cast %swap3A_145 : vector<1x16xf32> to vector<16xf32>
    %swap3A_147 = vector.shape_cast %broadcast_in_dim3A_34 : vector<16xf32> to vector<1x16xf32>
    tpu.vector_store %arg12[%swap3A_143, %swap3A_144], %swap3A_147 {strides = array<i32>} : memref<16x128xf32, #tpu.memory_space<vmem>>, vector<1x16xf32>,
    %swap3A_148 = arith.constant 2 : i32
    %swap3A_149 = arith.index_cast %swap3A_148 : i32 to index
    %swap3A_150 = arith.constant 48 : index
    %swap3A_151 = tpu.vector_load %arg12[%swap3A_149, %swap3A_150] {strides = array<i32>} : memref<16x128xf32, #tpu.memory_space<vmem>>, vector<1x16xf32>,
    %swap3A_152 = vector.shape_cast %swap3A_151 : vector<1x16xf32> to vector<16xf32>
    %swap3A_153 = vector.shape_cast %broadcast_in_dim3A_34 : vector<16xf32> to vector<1x16xf32>
    tpu.vector_store %arg12[%swap3A_149, %swap3A_150], %swap3A_153 {strides = array<i32>} : memref<16x128xf32, #tpu.memory_space<vmem>>, vector<1x16xf32>,
    %swap3A_154 = arith.constant 2 : i32
    %swap3A_155 = arith.index_cast %swap3A_154 : i32 to index
    %swap3A_156 = arith.constant 64 : index
    %swap3A_157 = tpu.vector_load %arg12[%swap3A_155, %swap3A_156] {strides = array<i32>} : memref<16x128xf32, #tpu.memory_space<vmem>>, vector<1x16xf32>,
    %swap3A_158 = vector.shape_cast %swap3A_157 : vector<1x16xf32> to vector<16xf32>
    %swap3A_159 = vector.shape_cast %broadcast_in_dim3A_34 : vector<16xf32> to vector<1x16xf32>
    tpu.vector_store %arg12[%swap3A_155, %swap3A_156], %swap3A_159 {strides = array<i32>} : memref<16x128xf32, #tpu.memory_space<vmem>>, vector<1x16xf32>,
    %swap3A_160 = arith.constant 2 : i32
    %swap3A_161 = arith.index_cast %swap3A_160 : i32 to index
    %swap3A_162 = arith.constant 80 : index
    %swap3A_163 = tpu.vector_load %arg12[%swap3A_161, %swap3A_162] {strides = array<i32>} : memref<16x128xf32, #tpu.memory_space<vmem>>, vector<1x16xf32>,
    %swap3A_164 = vector.shape_cast %swap3A_163 : vector<1x16xf32> to vector<16xf32>
    %swap3A_165 = vector.shape_cast %broadcast_in_dim3A_34 : vector<16xf32> to vector<1x16xf32>
    tpu.vector_store %arg12[%swap3A_161, %swap3A_162], %swap3A_165 {strides = array<i32>} : memref<16x128xf32, #tpu.memory_space<vmem>>, vector<1x16xf32>,
    %swap3A_166 = arith.constant 2 : i32
    %swap3A_167 = arith.index_cast %swap3A_166 : i32 to index
    %swap3A_168 = arith.constant 96 : index
    %swap3A_169 = tpu.vector_load %arg12[%swap3A_167, %swap3A_168] {strides = array<i32>} : memref<16x128xf32, #tpu.memory_space<vmem>>, vector<1x16xf32>,
    %swap3A_170 = vector.shape_cast %swap3A_169 : vector<1x16xf32> to vector<16xf32>
    %swap3A_171 = vector.shape_cast %broadcast_in_dim3A_34 : vector<16xf32> to vector<1x16xf32>
    tpu.vector_store %arg12[%swap3A_167, %swap3A_168], %swap3A_171 {strides = array<i32>} : memref<16x128xf32, #tpu.memory_space<vmem>>, vector<1x16xf32>,
    %swap3A_172 = arith.constant 2 : i32
    %swap3A_173 = arith.index_cast %swap3A_172 : i32 to index
    %swap3A_174 = arith.constant 112 : index
    %swap3A_175 = tpu.vector_load %arg12[%swap3A_173, %swap3A_174] {strides = array<i32>} : memref<16x128xf32, #tpu.memory_space<vmem>>, vector<1x16xf32>,
    %swap3A_176 = vector.shape_cast %swap3A_175 : vector<1x16xf32> to vector<16xf32>
    %swap3A_177 = vector.shape_cast %broadcast_in_dim3A_34 : vector<16xf32> to vector<1x16xf32>
    tpu.vector_store %arg12[%swap3A_173, %swap3A_174], %swap3A_177 {strides = array<i32>} : memref<16x128xf32, #tpu.memory_space<vmem>>, vector<1x16xf32>,
    %swap3A_178 = arith.constant 3 : i32
    %swap3A_179 = arith.index_cast %swap3A_178 : i32 to index
    %swap3A_180 = arith.constant 0 : index
    %swap3A_181 = tpu.vector_load %arg12[%swap3A_179, %swap3A_180] {strides = array<i32>} : memref<16x128xf32, #tpu.memory_space<vmem>>, vector<1x16xf32>,
    %swap3A_182 = vector.shape_cast %swap3A_181 : vector<1x16xf32> to vector<16xf32>
    %swap3A_183 = vector.shape_cast %broadcast_in_dim3A_34 : vector<16xf32> to vector<1x16xf32>
    tpu.vector_store %arg12[%swap3A_179, %swap3A_180], %swap3A_183 {strides = array<i32>} : memref<16x128xf32, #tpu.memory_space<vmem>>, vector<1x16xf32>,
    %swap3A_184 = arith.constant 3 : i32
    %swap3A_185 = arith.index_cast %swap3A_184 : i32 to index
    %swap3A_186 = arith.constant 16 : index
    %swap3A_187 = tpu.vector_load %arg12[%swap3A_185, %swap3A_186] {strides = array<i32>} : memref<16x128xf32, #tpu.memory_space<vmem>>, vector<1x16xf32>,
    %swap3A_188 = vector.shape_cast %swap3A_187 : vector<1x16xf32> to vector<16xf32>
    %swap3A_189 = vector.shape_cast %broadcast_in_dim3A_34 : vector<16xf32> to vector<1x16xf32>
    tpu.vector_store %arg12[%swap3A_185, %swap3A_186], %swap3A_189 {strides = array<i32>} : memref<16x128xf32, #tpu.memory_space<vmem>>, vector<1x16xf32>,
    %swap3A_190 = arith.constant 3 : i32
    %swap3A_191 = arith.index_cast %swap3A_190 : i32 to index
    %swap3A_192 = arith.constant 32 : index
    %swap3A_193 = tpu.vector_load %arg12[%swap3A_191, %swap3A_192] {strides = array<i32>} : memref<16x128xf32, #tpu.memory_space<vmem>>, vector<1x16xf32>,
    %swap3A_194 = vector.shape_cast %swap3A_193 : vector<1x16xf32> to vector<16xf32>
    %swap3A_195 = vector.shape_cast %broadcast_in_dim3A_34 : vector<16xf32> to vector<1x16xf32>
    tpu.vector_store %arg12[%swap3A_191, %swap3A_192], %swap3A_195 {strides = array<i32>} : memref<16x128xf32, #tpu.memory_space<vmem>>, vector<1x16xf32>,
    %swap3A_196 = arith.constant 3 : i32
    %swap3A_197 = arith.index_cast %swap3A_196 : i32 to index
    %swap3A_198 = arith.constant 48 : index
    %swap3A_199 = tpu.vector_load %arg12[%swap3A_197, %swap3A_198] {strides = array<i32>} : memref<16x128xf32, #tpu.memory_space<vmem>>, vector<1x16xf32>,
    %swap3A_200 = vector.shape_cast %swap3A_199 : vector<1x16xf32> to vector<16xf32>
    %swap3A_201 = vector.shape_cast %broadcast_in_dim3A_34 : vector<16xf32> to vector<1x16xf32>
    tpu.vector_store %arg12[%swap3A_197, %swap3A_198], %swap3A_201 {strides = array<i32>} : memref<16x128xf32, #tpu.memory_space<vmem>>, vector<1x16xf32>,
    %swap3A_202 = arith.constant 3 : i32
    %swap3A_203 = arith.index_cast %swap3A_202 : i32 to index
    %swap3A_204 = arith.constant 64 : index
    %swap3A_205 = tpu.vector_load %arg12[%swap3A_203, %swap3A_204] {strides = array<i32>} : memref<16x128xf32, #tpu.memory_space<vmem>>, vector<1x16xf32>,
    %swap3A_206 = vector.shape_cast %swap3A_205 : vector<1x16xf32> to vector<16xf32>
    %swap3A_207 = vector.shape_cast %broadcast_in_dim3A_34 : vector<16xf32> to vector<1x16xf32>
    tpu.vector_store %arg12[%swap3A_203, %swap3A_204], %swap3A_207 {strides = array<i32>} : memref<16x128xf32, #tpu.memory_space<vmem>>, vector<1x16xf32>,
    %swap3A_208 = arith.constant 3 : i32
    %swap3A_209 = arith.index_cast %swap3A_208 : i32 to index
    %swap3A_210 = arith.constant 80 : index
    %swap3A_211 = tpu.vector_load %arg12[%swap3A_209, %swap3A_210] {strides = array<i32>} : memref<16x128xf32, #tpu.memory_space<vmem>>, vector<1x16xf32>,
    %swap3A_212 = vector.shape_cast %swap3A_211 : vector<1x16xf32> to vector<16xf32>
    %swap3A_213 = vector.shape_cast %broadcast_in_dim3A_34 : vector<16xf32> to vector<1x16xf32>
    tpu.vector_store %arg12[%swap3A_209, %swap3A_210], %swap3A_213 {strides = array<i32>} : memref<16x128xf32, #tpu.memory_space<vmem>>, vector<1x16xf32>,
    %swap3A_214 = arith.constant 3 : i32
    %swap3A_215 = arith.index_cast %swap3A_214 : i32 to index
    %swap3A_216 = arith.constant 96 : index
    %swap3A_217 = tpu.vector_load %arg12[%swap3A_215, %swap3A_216] {strides = array<i32>} : memref<16x128xf32, #tpu.memory_space<vmem>>, vector<1x16xf32>,
    %swap3A_218 = vector.shape_cast %swap3A_217 : vector<1x16xf32> to vector<16xf32>
    %swap3A_219 = vector.shape_cast %broadcast_in_dim3A_34 : vector<16xf32> to vector<1x16xf32>
    tpu.vector_store %arg12[%swap3A_215, %swap3A_216], %swap3A_219 {strides = array<i32>} : memref<16x128xf32, #tpu.memory_space<vmem>>, vector<1x16xf32>,
    %swap3A_220 = arith.constant 3 : i32
    %swap3A_221 = arith.index_cast %swap3A_220 : i32 to index
    %swap3A_222 = arith.constant 112 : index
    %swap3A_223 = tpu.vector_load %arg12[%swap3A_221, %swap3A_222] {strides = array<i32>} : memref<16x128xf32, #tpu.memory_space<vmem>>, vector<1x16xf32>,
    %swap3A_224 = vector.shape_cast %swap3A_223 : vector<1x16xf32> to vector<16xf32>
    %swap3A_225 = vector.shape_cast %broadcast_in_dim3A_34 : vector<16xf32> to vector<1x16xf32>
    tpu.vector_store %arg12[%swap3A_221, %swap3A_222], %swap3A_225 {strides = array<i32>} : memref<16x128xf32, #tpu.memory_space<vmem>>, vector<1x16xf32>,
    %swap3A_226 = arith.constant 4 : i32
    %swap3A_227 = arith.index_cast %swap3A_226 : i32 to index
    %swap3A_228 = arith.constant 0 : index
    %swap3A_229 = tpu.vector_load %arg12[%swap3A_227, %swap3A_228] {strides = array<i32>} : memref<16x128xf32, #tpu.memory_space<vmem>>, vector<1x16xf32>,
    %swap3A_230 = vector.shape_cast %swap3A_229 : vector<1x16xf32> to vector<16xf32>
    %swap3A_231 = vector.shape_cast %broadcast_in_dim3A_34 : vector<16xf32> to vector<1x16xf32>
    tpu.vector_store %arg12[%swap3A_227, %swap3A_228], %swap3A_231 {strides = array<i32>} : memref<16x128xf32, #tpu.memory_space<vmem>>, vector<1x16xf32>,
    %swap3A_232 = arith.constant 4 : i32
    %swap3A_233 = arith.index_cast %swap3A_232 : i32 to index
    %swap3A_234 = arith.constant 16 : index
    %swap3A_235 = tpu.vector_load %arg12[%swap3A_233, %swap3A_234] {strides = array<i32>} : memref<16x128xf32, #tpu.memory_space<vmem>>, vector<1x16xf32>,
    %swap3A_236 = vector.shape_cast %swap3A_235 : vector<1x16xf32> to vector<16xf32>
    %swap3A_237 = vector.shape_cast %broadcast_in_dim3A_34 : vector<16xf32> to vector<1x16xf32>
    tpu.vector_store %arg12[%swap3A_233, %swap3A_234], %swap3A_237 {strides = array<i32>} : memref<16x128xf32, #tpu.memory_space<vmem>>, vector<1x16xf32>,
    %swap3A_238 = arith.constant 4 : i32
    %swap3A_239 = arith.index_cast %swap3A_238 : i32 to index
    %swap3A_240 = arith.constant 32 : index
    %swap3A_241 = tpu.vector_load %arg12[%swap3A_239, %swap3A_240] {strides = array<i32>} : memref<16x128xf32, #tpu.memory_space<vmem>>, vector<1x16xf32>,
    %swap3A_242 = vector.shape_cast %swap3A_241 : vector<1x16xf32> to vector<16xf32>
    %swap3A_243 = vector.shape_cast %broadcast_in_dim3A_34 : vector<16xf32> to vector<1x16xf32>
    tpu.vector_store %arg12[%swap3A_239, %swap3A_240], %swap3A_243 {strides = array<i32>} : memref<16x128xf32, #tpu.memory_space<vmem>>, vector<1x16xf32>,
    %swap3A_244 = arith.constant 4 : i32
    %swap3A_245 = arith.index_cast %swap3A_244 : i32 to index
    %swap3A_246 = arith.constant 48 : index
    %swap3A_247 = tpu.vector_load %arg12[%swap3A_245, %swap3A_246] {strides = array<i32>} : memref<16x128xf32, #tpu.memory_space<vmem>>, vector<1x16xf32>,
    %swap3A_248 = vector.shape_cast %swap3A_247 : vector<1x16xf32> to vector<16xf32>
    %swap3A_249 = vector.shape_cast %broadcast_in_dim3A_34 : vector<16xf32> to vector<1x16xf32>
    tpu.vector_store %arg12[%swap3A_245, %swap3A_246], %swap3A_249 {strides = array<i32>} : memref<16x128xf32, #tpu.memory_space<vmem>>, vector<1x16xf32>,
    %swap3A_250 = arith.constant 4 : i32
    %swap3A_251 = arith.index_cast %swap3A_250 : i32 to index
    %swap3A_252 = arith.constant 64 : index
    %swap3A_253 = tpu.vector_load %arg12[%swap3A_251, %swap3A_252] {strides = array<i32>} : memref<16x128xf32, #tpu.memory_space<vmem>>, vector<1x16xf32>,
    %swap3A_254 = vector.shape_cast %swap3A_253 : vector<1x16xf32> to vector<16xf32>
    %swap3A_255 = vector.shape_cast %broadcast_in_dim3A_34 : vector<16xf32> to vector<1x16xf32>
    tpu.vector_store %arg12[%swap3A_251, %swap3A_252], %swap3A_255 {strides = array<i32>} : memref<16x128xf32, #tpu.memory_space<vmem>>, vector<1x16xf32>,
    %swap3A_256 = arith.constant 4 : i32
    %swap3A_257 = arith.index_cast %swap3A_256 : i32 to index
    %swap3A_258 = arith.constant 80 : index
    %swap3A_259 = tpu.vector_load %arg12[%swap3A_257, %swap3A_258] {strides = array<i32>} : memref<16x128xf32, #tpu.memory_space<vmem>>, vector<1x16xf32>,
    %swap3A_260 = vector.shape_cast %swap3A_259 : vector<1x16xf32> to vector<16xf32>
    %swap3A_261 = vector.shape_cast %broadcast_in_dim3A_34 : vector<16xf32> to vector<1x16xf32>
    tpu.vector_store %arg12[%swap3A_257, %swap3A_258], %swap3A_261 {strides = array<i32>} : memref<16x128xf32, #tpu.memory_space<vmem>>, vector<1x16xf32>,
    %swap3A_262 = arith.constant 4 : i32
    %swap3A_263 = arith.index_cast %swap3A_262 : i32 to index
    %swap3A_264 = arith.constant 96 : index
    %swap3A_265 = tpu.vector_load %arg12[%swap3A_263, %swap3A_264] {strides = array<i32>} : memref<16x128xf32, #tpu.memory_space<vmem>>, vector<1x16xf32>,
    %swap3A_266 = vector.shape_cast %swap3A_265 : vector<1x16xf32> to vector<16xf32>
    %swap3A_267 = vector.shape_cast %broadcast_in_dim3A_34 : vector<16xf32> to vector<1x16xf32>
    tpu.vector_store %arg12[%swap3A_263, %swap3A_264], %swap3A_267 {strides = array<i32>} : memref<16x128xf32, #tpu.memory_space<vmem>>, vector<1x16xf32>,
    %swap3A_268 = arith.constant 4 : i32
    %swap3A_269 = arith.index_cast %swap3A_268 : i32 to index
    %swap3A_270 = arith.constant 112 : index
    %swap3A_271 = tpu.vector_load %arg12[%swap3A_269, %swap3A_270] {strides = array<i32>} : memref<16x128xf32, #tpu.memory_space<vmem>>, vector<1x16xf32>,
    %swap3A_272 = vector.shape_cast %swap3A_271 : vector<1x16xf32> to vector<16xf32>
    %swap3A_273 = vector.shape_cast %broadcast_in_dim3A_34 : vector<16xf32> to vector<1x16xf32>
    tpu.vector_store %arg12[%swap3A_269, %swap3A_270], %swap3A_273 {strides = array<i32>} : memref<16x128xf32, #tpu.memory_space<vmem>>, vector<1x16xf32>,
    %swap3A_274 = arith.constant 5 : i32
    %swap3A_275 = arith.index_cast %swap3A_274 : i32 to index
    %swap3A_276 = arith.constant 0 : index
    %swap3A_277 = tpu.vector_load %arg12[%swap3A_275, %swap3A_276] {strides = array<i32>} : memref<16x128xf32, #tpu.memory_space<vmem>>, vector<1x16xf32>,
    %swap3A_278 = vector.shape_cast %swap3A_277 : vector<1x16xf32> to vector<16xf32>
    %swap3A_279 = vector.shape_cast %broadcast_in_dim3A_34 : vector<16xf32> to vector<1x16xf32>
    tpu.vector_store %arg12[%swap3A_275, %swap3A_276], %swap3A_279 {strides = array<i32>} : memref<16x128xf32, #tpu.memory_space<vmem>>, vector<1x16xf32>,
    %swap3A_280 = arith.constant 5 : i32
    %swap3A_281 = arith.index_cast %swap3A_280 : i32 to index
    %swap3A_282 = arith.constant 16 : index
    %swap3A_283 = tpu.vector_load %arg12[%swap3A_281, %swap3A_282] {strides = array<i32>} : memref<16x128xf32, #tpu.memory_space<vmem>>, vector<1x16xf32>,
    %swap3A_284 = vector.shape_cast %swap3A_283 : vector<1x16xf32> to vector<16xf32>
    %swap3A_285 = vector.shape_cast %broadcast_in_dim3A_34 : vector<16xf32> to vector<1x16xf32>
    tpu.vector_store %arg12[%swap3A_281, %swap3A_282], %swap3A_285 {strides = array<i32>} : memref<16x128xf32, #tpu.memory_space<vmem>>, vector<1x16xf32>,
    %swap3A_286 = arith.constant 5 : i32
    %swap3A_287 = arith.index_cast %swap3A_286 : i32 to index
    %swap3A_288 = arith.constant 32 : index
    %swap3A_289 = tpu.vector_load %arg12[%swap3A_287, %swap3A_288] {strides = array<i32>} : memref<16x128xf32, #tpu.memory_space<vmem>>, vector<1x16xf32>,
    %swap3A_290 = vector.shape_cast %swap3A_289 : vector<1x16xf32> to vector<16xf32>
    %swap3A_291 = vector.shape_cast %broadcast_in_dim3A_34 : vector<16xf32> to vector<1x16xf32>
    tpu.vector_store %arg12[%swap3A_287, %swap3A_288], %swap3A_291 {strides = array<i32>} : memref<16x128xf32, #tpu.memory_space<vmem>>, vector<1x16xf32>,
    %swap3A_292 = arith.constant 5 : i32
    %swap3A_293 = arith.index_cast %swap3A_292 : i32 to index
    %swap3A_294 = arith.constant 48 : index
    %swap3A_295 = tpu.vector_load %arg12[%swap3A_293, %swap3A_294] {strides = array<i32>} : memref<16x128xf32, #tpu.memory_space<vmem>>, vector<1x16xf32>,
    %swap3A_296 = vector.shape_cast %swap3A_295 : vector<1x16xf32> to vector<16xf32>
    %swap3A_297 = vector.shape_cast %broadcast_in_dim3A_34 : vector<16xf32> to vector<1x16xf32>
    tpu.vector_store %arg12[%swap3A_293, %swap3A_294], %swap3A_297 {strides = array<i32>} : memref<16x128xf32, #tpu.memory_space<vmem>>, vector<1x16xf32>,
    %swap3A_298 = arith.constant 5 : i32
    %swap3A_299 = arith.index_cast %swap3A_298 : i32 to index
    %swap3A_300 = arith.constant 64 : index
    %swap3A_301 = tpu.vector_load %arg12[%swap3A_299, %swap3A_300] {strides = array<i32>} : memref<16x128xf32, #tpu.memory_space<vmem>>, vector<1x16xf32>,
    %swap3A_302 = vector.shape_cast %swap3A_301 : vector<1x16xf32> to vector<16xf32>
    %swap3A_303 = vector.shape_cast %broadcast_in_dim3A_34 : vector<16xf32> to vector<1x16xf32>
    tpu.vector_store %arg12[%swap3A_299, %swap3A_300], %swap3A_303 {strides = array<i32>} : memref<16x128xf32, #tpu.memory_space<vmem>>, vector<1x16xf32>,
    %swap3A_304 = arith.constant 5 : i32
    %swap3A_305 = arith.index_cast %swap3A_304 : i32 to index
    %swap3A_306 = arith.constant 80 : index
    %swap3A_307 = tpu.vector_load %arg12[%swap3A_305, %swap3A_306] {strides = array<i32>} : memref<16x128xf32, #tpu.memory_space<vmem>>, vector<1x16xf32>,
    %swap3A_308 = vector.shape_cast %swap3A_307 : vector<1x16xf32> to vector<16xf32>
    %swap3A_309 = vector.shape_cast %broadcast_in_dim3A_34 : vector<16xf32> to vector<1x16xf32>
    tpu.vector_store %arg12[%swap3A_305, %swap3A_306], %swap3A_309 {strides = array<i32>} : memref<16x128xf32, #tpu.memory_space<vmem>>, vector<1x16xf32>,
    %swap3A_310 = arith.constant 5 : i32
    %swap3A_311 = arith.index_cast %swap3A_310 : i32 to index
    %swap3A_312 = arith.constant 96 : index
    %swap3A_313 = tpu.vector_load %arg12[%swap3A_311, %swap3A_312] {strides = array<i32>} : memref<16x128xf32, #tpu.memory_space<vmem>>, vector<1x16xf32>,
    %swap3A_314 = vector.shape_cast %swap3A_313 : vector<1x16xf32> to vector<16xf32>
    %swap3A_315 = vector.shape_cast %broadcast_in_dim3A_34 : vector<16xf32> to vector<1x16xf32>
    tpu.vector_store %arg12[%swap3A_311, %swap3A_312], %swap3A_315 {strides = array<i32>} : memref<16x128xf32, #tpu.memory_space<vmem>>, vector<1x16xf32>,
    %swap3A_316 = arith.constant 5 : i32
    %swap3A_317 = arith.index_cast %swap3A_316 : i32 to index
    %swap3A_318 = arith.constant 112 : index
    %swap3A_319 = tpu.vector_load %arg12[%swap3A_317, %swap3A_318] {strides = array<i32>} : memref<16x128xf32, #tpu.memory_space<vmem>>, vector<1x16xf32>,
    %swap3A_320 = vector.shape_cast %swap3A_319 : vector<1x16xf32> to vector<16xf32>
    %swap3A_321 = vector.shape_cast %broadcast_in_dim3A_34 : vector<16xf32> to vector<1x16xf32>
    tpu.vector_store %arg12[%swap3A_317, %swap3A_318], %swap3A_321 {strides = array<i32>} : memref<16x128xf32, #tpu.memory_space<vmem>>, vector<1x16xf32>,
    %swap3A_322 = arith.constant 6 : i32
    %swap3A_323 = arith.index_cast %swap3A_322 : i32 to index
    %swap3A_324 = arith.constant 0 : index
    %swap3A_325 = tpu.vector_load %arg12[%swap3A_323, %swap3A_324] {strides = array<i32>} : memref<16x128xf32, #tpu.memory_space<vmem>>, vector<1x16xf32>,
    %swap3A_326 = vector.shape_cast %swap3A_325 : vector<1x16xf32> to vector<16xf32>
    %swap3A_327 = vector.shape_cast %broadcast_in_dim3A_34 : vector<16xf32> to vector<1x16xf32>
    tpu.vector_store %arg12[%swap3A_323, %swap3A_324], %swap3A_327 {strides = array<i32>} : memref<16x128xf32, #tpu.memory_space<vmem>>, vector<1x16xf32>,
    %swap3A_328 = arith.constant 6 : i32
    %swap3A_329 = arith.index_cast %swap3A_328 : i32 to index
    %swap3A_330 = arith.constant 16 : index
    %swap3A_331 = tpu.vector_load %arg12[%swap3A_329, %swap3A_330] {strides = array<i32>} : memref<16x128xf32, #tpu.memory_space<vmem>>, vector<1x16xf32>,
    %swap3A_332 = vector.shape_cast %swap3A_331 : vector<1x16xf32> to vector<16xf32>
    %swap3A_333 = vector.shape_cast %broadcast_in_dim3A_34 : vector<16xf32> to vector<1x16xf32>
    tpu.vector_store %arg12[%swap3A_329, %swap3A_330], %swap3A_333 {strides = array<i32>} : memref<16x128xf32, #tpu.memory_space<vmem>>, vector<1x16xf32>,
    %swap3A_334 = arith.constant 6 : i32
    %swap3A_335 = arith.index_cast %swap3A_334 : i32 to index
    %swap3A_336 = arith.constant 32 : index
    %swap3A_337 = tpu.vector_load %arg12[%swap3A_335, %swap3A_336] {strides = array<i32>} : memref<16x128xf32, #tpu.memory_space<vmem>>, vector<1x16xf32>,
    %swap3A_338 = vector.shape_cast %swap3A_337 : vector<1x16xf32> to vector<16xf32>
    %swap3A_339 = vector.shape_cast %broadcast_in_dim3A_34 : vector<16xf32> to vector<1x16xf32>
    tpu.vector_store %arg12[%swap3A_335, %swap3A_336], %swap3A_339 {strides = array<i32>} : memref<16x128xf32, #tpu.memory_space<vmem>>, vector<1x16xf32>,
    %swap3A_340 = arith.constant 6 : i32
    %swap3A_341 = arith.index_cast %swap3A_340 : i32 to index
    %swap3A_342 = arith.constant 48 : index
    %swap3A_343 = tpu.vector_load %arg12[%swap3A_341, %swap3A_342] {strides = array<i32>} : memref<16x128xf32, #tpu.memory_space<vmem>>, vector<1x16xf32>,
    %swap3A_344 = vector.shape_cast %swap3A_343 : vector<1x16xf32> to vector<16xf32>
    %swap3A_345 = vector.shape_cast %broadcast_in_dim3A_34 : vector<16xf32> to vector<1x16xf32>
    tpu.vector_store %arg12[%swap3A_341, %swap3A_342], %swap3A_345 {strides = array<i32>} : memref<16x128xf32, #tpu.memory_space<vmem>>, vector<1x16xf32>,
    %swap3A_346 = arith.constant 6 : i32
    %swap3A_347 = arith.index_cast %swap3A_346 : i32 to index
    %swap3A_348 = arith.constant 64 : index
    %swap3A_349 = tpu.vector_load %arg12[%swap3A_347, %swap3A_348] {strides = array<i32>} : memref<16x128xf32, #tpu.memory_space<vmem>>, vector<1x16xf32>,
    %swap3A_350 = vector.shape_cast %swap3A_349 : vector<1x16xf32> to vector<16xf32>
    %swap3A_351 = vector.shape_cast %broadcast_in_dim3A_34 : vector<16xf32> to vector<1x16xf32>
    tpu.vector_store %arg12[%swap3A_347, %swap3A_348], %swap3A_351 {strides = array<i32>} : memref<16x128xf32, #tpu.memory_space<vmem>>, vector<1x16xf32>,
    %swap3A_352 = arith.constant 6 : i32
    %swap3A_353 = arith.index_cast %swap3A_352 : i32 to index
    %swap3A_354 = arith.constant 80 : index
    %swap3A_355 = tpu.vector_load %arg12[%swap3A_353, %swap3A_354] {strides = array<i32>} : memref<16x128xf32, #tpu.memory_space<vmem>>, vector<1x16xf32>,
    %swap3A_356 = vector.shape_cast %swap3A_355 : vector<1x16xf32> to vector<16xf32>
    %swap3A_357 = vector.shape_cast %broadcast_in_dim3A_34 : vector<16xf32> to vector<1x16xf32>
    tpu.vector_store %arg12[%swap3A_353, %swap3A_354], %swap3A_357 {strides = array<i32>} : memref<16x128xf32, #tpu.memory_space<vmem>>, vector<1x16xf32>,
    %swap3A_358 = arith.constant 6 : i32
    %swap3A_359 = arith.index_cast %swap3A_358 : i32 to index
    %swap3A_360 = arith.constant 96 : index
    %swap3A_361 = tpu.vector_load %arg12[%swap3A_359, %swap3A_360] {strides = array<i32>} : memref<16x128xf32, #tpu.memory_space<vmem>>, vector<1x16xf32>,
    %swap3A_362 = vector.shape_cast %swap3A_361 : vector<1x16xf32> to vector<16xf32>
    %swap3A_363 = vector.shape_cast %broadcast_in_dim3A_34 : vector<16xf32> to vector<1x16xf32>
    tpu.vector_store %arg12[%swap3A_359, %swap3A_360], %swap3A_363 {strides = array<i32>} : memref<16x128xf32, #tpu.memory_space<vmem>>, vector<1x16xf32>,
    %swap3A_364 = arith.constant 6 : i32
    %swap3A_365 = arith.index_cast %swap3A_364 : i32 to index
    %swap3A_366 = arith.constant 112 : index
    %swap3A_367 = tpu.vector_load %arg12[%swap3A_365, %swap3A_366] {strides = array<i32>} : memref<16x128xf32, #tpu.memory_space<vmem>>, vector<1x16xf32>,
    %swap3A_368 = vector.shape_cast %swap3A_367 : vector<1x16xf32> to vector<16xf32>
    %swap3A_369 = vector.shape_cast %broadcast_in_dim3A_34 : vector<16xf32> to vector<1x16xf32>
    tpu.vector_store %arg12[%swap3A_365, %swap3A_366], %swap3A_369 {strides = array<i32>} : memref<16x128xf32, #tpu.memory_space<vmem>>, vector<1x16xf32>,
    %swap3A_370 = arith.constant 7 : i32
    %swap3A_371 = arith.index_cast %swap3A_370 : i32 to index
    %swap3A_372 = arith.constant 0 : index
    %swap3A_373 = tpu.vector_load %arg12[%swap3A_371, %swap3A_372] {strides = array<i32>} : memref<16x128xf32, #tpu.memory_space<vmem>>, vector<1x16xf32>,
    %swap3A_374 = vector.shape_cast %swap3A_373 : vector<1x16xf32> to vector<16xf32>
    %swap3A_375 = vector.shape_cast %broadcast_in_dim3A_34 : vector<16xf32> to vector<1x16xf32>
    tpu.vector_store %arg12[%swap3A_371, %swap3A_372], %swap3A_375 {strides = array<i32>} : memref<16x128xf32, #tpu.memory_space<vmem>>, vector<1x16xf32>,
    %swap3A_376 = arith.constant 7 : i32
    %swap3A_377 = arith.index_cast %swap3A_376 : i32 to index
    %swap3A_378 = arith.constant 16 : index
    %swap3A_379 = tpu.vector_load %arg12[%swap3A_377, %swap3A_378] {strides = array<i32>} : memref<16x128xf32, #tpu.memory_space<vmem>>, vector<1x16xf32>,
    %swap3A_380 = vector.shape_cast %swap3A_379 : vector<1x16xf32> to vector<16xf32>
    %swap3A_381 = vector.shape_cast %broadcast_in_dim3A_34 : vector<16xf32> to vector<1x16xf32>
    tpu.vector_store %arg12[%swap3A_377, %swap3A_378], %swap3A_381 {strides = array<i32>} : memref<16x128xf32, #tpu.memory_space<vmem>>, vector<1x16xf32>,
    %swap3A_382 = arith.constant 7 : i32
    %swap3A_383 = arith.index_cast %swap3A_382 : i32 to index
    %swap3A_384 = arith.constant 32 : index
    %swap3A_385 = tpu.vector_load %arg12[%swap3A_383, %swap3A_384] {strides = array<i32>} : memref<16x128xf32, #tpu.memory_space<vmem>>, vector<1x16xf32>,
    %swap3A_386 = vector.shape_cast %swap3A_385 : vector<1x16xf32> to vector<16xf32>
    %swap3A_387 = vector.shape_cast %broadcast_in_dim3A_34 : vector<16xf32> to vector<1x16xf32>
    tpu.vector_store %arg12[%swap3A_383, %swap3A_384], %swap3A_387 {strides = array<i32>} : memref<16x128xf32, #tpu.memory_space<vmem>>, vector<1x16xf32>,
    %swap3A_388 = arith.constant 7 : i32
    %swap3A_389 = arith.index_cast %swap3A_388 : i32 to index
    %swap3A_390 = arith.constant 48 : index
    %swap3A_391 = tpu.vector_load %arg12[%swap3A_389, %swap3A_390] {strides = array<i32>} : memref<16x128xf32, #tpu.memory_space<vmem>>, vector<1x16xf32>,
    %swap3A_392 = vector.shape_cast %swap3A_391 : vector<1x16xf32> to vector<16xf32>
    %swap3A_393 = vector.shape_cast %broadcast_in_dim3A_34 : vector<16xf32> to vector<1x16xf32>
    tpu.vector_store %arg12[%swap3A_389, %swap3A_390], %swap3A_393 {strides = array<i32>} : memref<16x128xf32, #tpu.memory_space<vmem>>, vector<1x16xf32>,
    %swap3A_394 = arith.constant 7 : i32
    %swap3A_395 = arith.index_cast %swap3A_394 : i32 to index
    %swap3A_396 = arith.constant 64 : index
    %swap3A_397 = tpu.vector_load %arg12[%swap3A_395, %swap3A_396] {strides = array<i32>} : memref<16x128xf32, #tpu.memory_space<vmem>>, vector<1x16xf32>,
    %swap3A_398 = vector.shape_cast %swap3A_397 : vector<1x16xf32> to vector<16xf32>
    %swap3A_399 = vector.shape_cast %broadcast_in_dim3A_34 : vector<16xf32> to vector<1x16xf32>
    tpu.vector_store %arg12[%swap3A_395, %swap3A_396], %swap3A_399 {strides = array<i32>} : memref<16x128xf32, #tpu.memory_space<vmem>>, vector<1x16xf32>,
    %swap3A_400 = arith.constant 7 : i32
    %swap3A_401 = arith.index_cast %swap3A_400 : i32 to index
    %swap3A_402 = arith.constant 80 : index
    %swap3A_403 = tpu.vector_load %arg12[%swap3A_401, %swap3A_402] {strides = array<i32>} : memref<16x128xf32, #tpu.memory_space<vmem>>, vector<1x16xf32>,
    %swap3A_404 = vector.shape_cast %swap3A_403 : vector<1x16xf32> to vector<16xf32>
    %swap3A_405 = vector.shape_cast %broadcast_in_dim3A_34 : vector<16xf32> to vector<1x16xf32>
    tpu.vector_store %arg12[%swap3A_401, %swap3A_402], %swap3A_405 {strides = array<i32>} : memref<16x128xf32, #tpu.memory_space<vmem>>, vector<1x16xf32>,
    %swap3A_406 = arith.constant 7 : i32
    %swap3A_407 = arith.index_cast %swap3A_406 : i32 to index
    %swap3A_408 = arith.constant 96 : index
    %swap3A_409 = tpu.vector_load %arg12[%swap3A_407, %swap3A_408] {strides = array<i32>} : memref<16x128xf32, #tpu.memory_space<vmem>>, vector<1x16xf32>,
    %swap3A_410 = vector.shape_cast %swap3A_409 : vector<1x16xf32> to vector<16xf32>
    %swap3A_411 = vector.shape_cast %broadcast_in_dim3A_34 : vector<16xf32> to vector<1x16xf32>
    tpu.vector_store %arg12[%swap3A_407, %swap3A_408], %swap3A_411 {strides = array<i32>} : memref<16x128xf32, #tpu.memory_space<vmem>>, vector<1x16xf32>,
    %swap3A_412 = arith.constant 7 : i32
    %swap3A_413 = arith.index_cast %swap3A_412 : i32 to index
    %swap3A_414 = arith.constant 112 : index
    %swap3A_415 = tpu.vector_load %arg12[%swap3A_413, %swap3A_414] {strides = array<i32>} : memref<16x128xf32, #tpu.memory_space<vmem>>, vector<1x16xf32>,
    %swap3A_416 = vector.shape_cast %swap3A_415 : vector<1x16xf32> to vector<16xf32>
    %swap3A_417 = vector.shape_cast %broadcast_in_dim3A_34 : vector<16xf32> to vector<1x16xf32>
    tpu.vector_store %arg12[%swap3A_413, %swap3A_414], %swap3A_417 {strides = array<i32>} : memref<16x128xf32, #tpu.memory_space<vmem>>, vector<1x16xf32>,
    %swap3A_418 = arith.constant 8 : i32
    %swap3A_419 = arith.index_cast %swap3A_418 : i32 to index
    %swap3A_420 = arith.constant 0 : index
    %swap3A_421 = tpu.vector_load %arg12[%swap3A_419, %swap3A_420] {strides = array<i32>} : memref<16x128xf32, #tpu.memory_space<vmem>>, vector<1x16xf32>,
    %swap3A_422 = vector.shape_cast %swap3A_421 : vector<1x16xf32> to vector<16xf32>
    %swap3A_423 = vector.shape_cast %broadcast_in_dim3A_34 : vector<16xf32> to vector<1x16xf32>
    tpu.vector_store %arg12[%swap3A_419, %swap3A_420], %swap3A_423 {strides = array<i32>} : memref<16x128xf32, #tpu.memory_space<vmem>>, vector<1x16xf32>,
    %swap3A_424 = arith.constant 8 : i32
    %swap3A_425 = arith.index_cast %swap3A_424 : i32 to index
    %swap3A_426 = arith.constant 16 : index
    %swap3A_427 = tpu.vector_load %arg12[%swap3A_425, %swap3A_426] {strides = array<i32>} : memref<16x128xf32, #tpu.memory_space<vmem>>, vector<1x16xf32>,
    %swap3A_428 = vector.shape_cast %swap3A_427 : vector<1x16xf32> to vector<16xf32>
    %swap3A_429 = vector.shape_cast %broadcast_in_dim3A_34 : vector<16xf32> to vector<1x16xf32>
    tpu.vector_store %arg12[%swap3A_425, %swap3A_426], %swap3A_429 {strides = array<i32>} : memref<16x128xf32, #tpu.memory_space<vmem>>, vector<1x16xf32>,
    %swap3A_430 = arith.constant 8 : i32
    %swap3A_431 = arith.index_cast %swap3A_430 : i32 to index
    %swap3A_432 = arith.constant 32 : index
    %swap3A_433 = tpu.vector_load %arg12[%swap3A_431, %swap3A_432] {strides = array<i32>} : memref<16x128xf32, #tpu.memory_space<vmem>>, vector<1x16xf32>,
    %swap3A_434 = vector.shape_cast %swap3A_433 : vector<1x16xf32> to vector<16xf32>
    %swap3A_435 = vector.shape_cast %broadcast_in_dim3A_34 : vector<16xf32> to vector<1x16xf32>
    tpu.vector_store %arg12[%swap3A_431, %swap3A_432], %swap3A_435 {strides = array<i32>} : memref<16x128xf32, #tpu.memory_space<vmem>>, vector<1x16xf32>,
    %swap3A_436 = arith.constant 8 : i32
    %swap3A_437 = arith.index_cast %swap3A_436 : i32 to index
    %swap3A_438 = arith.constant 48 : index
    %swap3A_439 = tpu.vector_load %arg12[%swap3A_437, %swap3A_438] {strides = array<i32>} : memref<16x128xf32, #tpu.memory_space<vmem>>, vector<1x16xf32>,
    %swap3A_440 = vector.shape_cast %swap3A_439 : vector<1x16xf32> to vector<16xf32>
    %swap3A_441 = vector.shape_cast %broadcast_in_dim3A_34 : vector<16xf32> to vector<1x16xf32>
    tpu.vector_store %arg12[%swap3A_437, %swap3A_438], %swap3A_441 {strides = array<i32>} : memref<16x128xf32, #tpu.memory_space<vmem>>, vector<1x16xf32>,
    %swap3A_442 = arith.constant 8 : i32
    %swap3A_443 = arith.index_cast %swap3A_442 : i32 to index
    %swap3A_444 = arith.constant 64 : index
    %swap3A_445 = tpu.vector_load %arg12[%swap3A_443, %swap3A_444] {strides = array<i32>} : memref<16x128xf32, #tpu.memory_space<vmem>>, vector<1x16xf32>,
    %swap3A_446 = vector.shape_cast %swap3A_445 : vector<1x16xf32> to vector<16xf32>
    %swap3A_447 = vector.shape_cast %broadcast_in_dim3A_34 : vector<16xf32> to vector<1x16xf32>
    tpu.vector_store %arg12[%swap3A_443, %swap3A_444], %swap3A_447 {strides = array<i32>} : memref<16x128xf32, #tpu.memory_space<vmem>>, vector<1x16xf32>,
    %swap3A_448 = arith.constant 8 : i32
    %swap3A_449 = arith.index_cast %swap3A_448 : i32 to index
    %swap3A_450 = arith.constant 80 : index
    %swap3A_451 = tpu.vector_load %arg12[%swap3A_449, %swap3A_450] {strides = array<i32>} : memref<16x128xf32, #tpu.memory_space<vmem>>, vector<1x16xf32>,
    %swap3A_452 = vector.shape_cast %swap3A_451 : vector<1x16xf32> to vector<16xf32>
    %swap3A_453 = vector.shape_cast %broadcast_in_dim3A_34 : vector<16xf32> to vector<1x16xf32>
    tpu.vector_store %arg12[%swap3A_449, %swap3A_450], %swap3A_453 {strides = array<i32>} : memref<16x128xf32, #tpu.memory_space<vmem>>, vector<1x16xf32>,
    %swap3A_454 = arith.constant 8 : i32
    %swap3A_455 = arith.index_cast %swap3A_454 : i32 to index
    %swap3A_456 = arith.constant 96 : index
    %swap3A_457 = tpu.vector_load %arg12[%swap3A_455, %swap3A_456] {strides = array<i32>} : memref<16x128xf32, #tpu.memory_space<vmem>>, vector<1x16xf32>,
    %swap3A_458 = vector.shape_cast %swap3A_457 : vector<1x16xf32> to vector<16xf32>
    %swap3A_459 = vector.shape_cast %broadcast_in_dim3A_34 : vector<16xf32> to vector<1x16xf32>
    tpu.vector_store %arg12[%swap3A_455, %swap3A_456], %swap3A_459 {strides = array<i32>} : memref<16x128xf32, #tpu.memory_space<vmem>>, vector<1x16xf32>,
    %swap3A_460 = arith.constant 8 : i32
    %swap3A_461 = arith.index_cast %swap3A_460 : i32 to index
    %swap3A_462 = arith.constant 112 : index
    %swap3A_463 = tpu.vector_load %arg12[%swap3A_461, %swap3A_462] {strides = array<i32>} : memref<16x128xf32, #tpu.memory_space<vmem>>, vector<1x16xf32>,
    %swap3A_464 = vector.shape_cast %swap3A_463 : vector<1x16xf32> to vector<16xf32>
    %swap3A_465 = vector.shape_cast %broadcast_in_dim3A_34 : vector<16xf32> to vector<1x16xf32>
    tpu.vector_store %arg12[%swap3A_461, %swap3A_462], %swap3A_465 {strides = array<i32>} : memref<16x128xf32, #tpu.memory_space<vmem>>, vector<1x16xf32>,
    %swap3A_466 = arith.constant 9 : i32
    %swap3A_467 = arith.index_cast %swap3A_466 : i32 to index
    %swap3A_468 = arith.constant 0 : index
    %swap3A_469 = tpu.vector_load %arg12[%swap3A_467, %swap3A_468] {strides = array<i32>} : memref<16x128xf32, #tpu.memory_space<vmem>>, vector<1x16xf32>,
    %swap3A_470 = vector.shape_cast %swap3A_469 : vector<1x16xf32> to vector<16xf32>
    %swap3A_471 = vector.shape_cast %broadcast_in_dim3A_34 : vector<16xf32> to vector<1x16xf32>
    tpu.vector_store %arg12[%swap3A_467, %swap3A_468], %swap3A_471 {strides = array<i32>} : memref<16x128xf32, #tpu.memory_space<vmem>>, vector<1x16xf32>,
    %swap3A_472 = arith.constant 9 : i32
    %swap3A_473 = arith.index_cast %swap3A_472 : i32 to index
    %swap3A_474 = arith.constant 16 : index
    %swap3A_475 = tpu.vector_load %arg12[%swap3A_473, %swap3A_474] {strides = array<i32>} : memref<16x128xf32, #tpu.memory_space<vmem>>, vector<1x16xf32>,
    %swap3A_476 = vector.shape_cast %swap3A_475 : vector<1x16xf32> to vector<16xf32>
    %swap3A_477 = vector.shape_cast %broadcast_in_dim3A_34 : vector<16xf32> to vector<1x16xf32>
    tpu.vector_store %arg12[%swap3A_473, %swap3A_474], %swap3A_477 {strides = array<i32>} : memref<16x128xf32, #tpu.memory_space<vmem>>, vector<1x16xf32>,
    %swap3A_478 = arith.constant 9 : i32
    %swap3A_479 = arith.index_cast %swap3A_478 : i32 to index
    %swap3A_480 = arith.constant 32 : index
    %swap3A_481 = tpu.vector_load %arg12[%swap3A_479, %swap3A_480] {strides = array<i32>} : memref<16x128xf32, #tpu.memory_space<vmem>>, vector<1x16xf32>,
    %swap3A_482 = vector.shape_cast %swap3A_481 : vector<1x16xf32> to vector<16xf32>
    %swap3A_483 = vector.shape_cast %broadcast_in_dim3A_34 : vector<16xf32> to vector<1x16xf32>
    tpu.vector_store %arg12[%swap3A_479, %swap3A_480], %swap3A_483 {strides = array<i32>} : memref<16x128xf32, #tpu.memory_space<vmem>>, vector<1x16xf32>,
    %swap3A_484 = arith.constant 9 : i32
    %swap3A_485 = arith.index_cast %swap3A_484 : i32 to index
    %swap3A_486 = arith.constant 48 : index
    %swap3A_487 = tpu.vector_load %arg12[%swap3A_485, %swap3A_486] {strides = array<i32>} : memref<16x128xf32, #tpu.memory_space<vmem>>, vector<1x16xf32>,
    %swap3A_488 = vector.shape_cast %swap3A_487 : vector<1x16xf32> to vector<16xf32>
    %swap3A_489 = vector.shape_cast %broadcast_in_dim3A_34 : vector<16xf32> to vector<1x16xf32>
    tpu.vector_store %arg12[%swap3A_485, %swap3A_486], %swap3A_489 {strides = array<i32>} : memref<16x128xf32, #tpu.memory_space<vmem>>, vector<1x16xf32>,
    %swap3A_490 = arith.constant 9 : i32
    %swap3A_491 = arith.index_cast %swap3A_490 : i32 to index
    %swap3A_492 = arith.constant 64 : index
    %swap3A_493 = tpu.vector_load %arg12[%swap3A_491, %swap3A_492] {strides = array<i32>} : memref<16x128xf32, #tpu.memory_space<vmem>>, vector<1x16xf32>,
    %swap3A_494 = vector.shape_cast %swap3A_493 : vector<1x16xf32> to vector<16xf32>
    %swap3A_495 = vector.shape_cast %broadcast_in_dim3A_34 : vector<16xf32> to vector<1x16xf32>
    tpu.vector_store %arg12[%swap3A_491, %swap3A_492], %swap3A_495 {strides = array<i32>} : memref<16x128xf32, #tpu.memory_space<vmem>>, vector<1x16xf32>,
    %swap3A_496 = arith.constant 9 : i32
    %swap3A_497 = arith.index_cast %swap3A_496 : i32 to index
    %swap3A_498 = arith.constant 80 : index
    %swap3A_499 = tpu.vector_load %arg12[%swap3A_497, %swap3A_498] {strides = array<i32>} : memref<16x128xf32, #tpu.memory_space<vmem>>, vector<1x16xf32>,
    %swap3A_500 = vector.shape_cast %swap3A_499 : vector<1x16xf32> to vector<16xf32>
    %swap3A_501 = vector.shape_cast %broadcast_in_dim3A_34 : vector<16xf32> to vector<1x16xf32>
    tpu.vector_store %arg12[%swap3A_497, %swap3A_498], %swap3A_501 {strides = array<i32>} : memref<16x128xf32, #tpu.memory_space<vmem>>, vector<1x16xf32>,
    %swap3A_502 = arith.constant 9 : i32
    %swap3A_503 = arith.index_cast %swap3A_502 : i32 to index
    %swap3A_504 = arith.constant 96 : index
    %swap3A_505 = tpu.vector_load %arg12[%swap3A_503, %swap3A_504] {strides = array<i32>} : memref<16x128xf32, #tpu.memory_space<vmem>>, vector<1x16xf32>,
    %swap3A_506 = vector.shape_cast %swap3A_505 : vector<1x16xf32> to vector<16xf32>
    %swap3A_507 = vector.shape_cast %broadcast_in_dim3A_34 : vector<16xf32> to vector<1x16xf32>
    tpu.vector_store %arg12[%swap3A_503, %swap3A_504], %swap3A_507 {strides = array<i32>} : memref<16x128xf32, #tpu.memory_space<vmem>>, vector<1x16xf32>,
    %swap3A_508 = arith.constant 9 : i32
    %swap3A_509 = arith.index_cast %swap3A_508 : i32 to index
    %swap3A_510 = arith.constant 112 : index
    %swap3A_511 = tpu.vector_load %arg12[%swap3A_509, %swap3A_510] {strides = array<i32>} : memref<16x128xf32, #tpu.memory_space<vmem>>, vector<1x16xf32>,
    %swap3A_512 = vector.shape_cast %swap3A_511 : vector<1x16xf32> to vector<16xf32>
    %swap3A_513 = vector.shape_cast %broadcast_in_dim3A_34 : vector<16xf32> to vector<1x16xf32>
    tpu.vector_store %arg12[%swap3A_509, %swap3A_510], %swap3A_513 {strides = array<i32>} : memref<16x128xf32, #tpu.memory_space<vmem>>, vector<1x16xf32>,
    %swap3A_514 = arith.constant 10 : i32
    %swap3A_515 = arith.index_cast %swap3A_514 : i32 to index
    %swap3A_516 = arith.constant 0 : index
    %swap3A_517 = tpu.vector_load %arg12[%swap3A_515, %swap3A_516] {strides = array<i32>} : memref<16x128xf32, #tpu.memory_space<vmem>>, vector<1x16xf32>,
    %swap3A_518 = vector.shape_cast %swap3A_517 : vector<1x16xf32> to vector<16xf32>
    %swap3A_519 = vector.shape_cast %broadcast_in_dim3A_34 : vector<16xf32> to vector<1x16xf32>
    tpu.vector_store %arg12[%swap3A_515, %swap3A_516], %swap3A_519 {strides = array<i32>} : memref<16x128xf32, #tpu.memory_space<vmem>>, vector<1x16xf32>,
    %swap3A_520 = arith.constant 10 : i32
    %swap3A_521 = arith.index_cast %swap3A_520 : i32 to index
    %swap3A_522 = arith.constant 16 : index
    %swap3A_523 = tpu.vector_load %arg12[%swap3A_521, %swap3A_522] {strides = array<i32>} : memref<16x128xf32, #tpu.memory_space<vmem>>, vector<1x16xf32>,
    %swap3A_524 = vector.shape_cast %swap3A_523 : vector<1x16xf32> to vector<16xf32>
    %swap3A_525 = vector.shape_cast %broadcast_in_dim3A_34 : vector<16xf32> to vector<1x16xf32>
    tpu.vector_store %arg12[%swap3A_521, %swap3A_522], %swap3A_525 {strides = array<i32>} : memref<16x128xf32, #tpu.memory_space<vmem>>, vector<1x16xf32>,
    %swap3A_526 = arith.constant 10 : i32
    %swap3A_527 = arith.index_cast %swap3A_526 : i32 to index
    %swap3A_528 = arith.constant 32 : index
    %swap3A_529 = tpu.vector_load %arg12[%swap3A_527, %swap3A_528] {strides = array<i32>} : memref<16x128xf32, #tpu.memory_space<vmem>>, vector<1x16xf32>,
    %swap3A_530 = vector.shape_cast %swap3A_529 : vector<1x16xf32> to vector<16xf32>
    %swap3A_531 = vector.shape_cast %broadcast_in_dim3A_34 : vector<16xf32> to vector<1x16xf32>
    tpu.vector_store %arg12[%swap3A_527, %swap3A_528], %swap3A_531 {strides = array<i32>} : memref<16x128xf32, #tpu.memory_space<vmem>>, vector<1x16xf32>,
    %swap3A_532 = arith.constant 10 : i32
    %swap3A_533 = arith.index_cast %swap3A_532 : i32 to index
    %swap3A_534 = arith.constant 48 : index
    %swap3A_535 = tpu.vector_load %arg12[%swap3A_533, %swap3A_534] {strides = array<i32>} : memref<16x128xf32, #tpu.memory_space<vmem>>, vector<1x16xf32>,
    %swap3A_536 = vector.shape_cast %swap3A_535 : vector<1x16xf32> to vector<16xf32>
    %swap3A_537 = vector.shape_cast %broadcast_in_dim3A_34 : vector<16xf32> to vector<1x16xf32>
    tpu.vector_store %arg12[%swap3A_533, %swap3A_534], %swap3A_537 {strides = array<i32>} : memref<16x128xf32, #tpu.memory_space<vmem>>, vector<1x16xf32>,
    %swap3A_538 = arith.constant 10 : i32
    %swap3A_539 = arith.index_cast %swap3A_538 : i32 to index
    %swap3A_540 = arith.constant 64 : index
    %swap3A_541 = tpu.vector_load %arg12[%swap3A_539, %swap3A_540] {strides = array<i32>} : memref<16x128xf32, #tpu.memory_space<vmem>>, vector<1x16xf32>,
    %swap3A_542 = vector.shape_cast %swap3A_541 : vector<1x16xf32> to vector<16xf32>
    %swap3A_543 = vector.shape_cast %broadcast_in_dim3A_34 : vector<16xf32> to vector<1x16xf32>
    tpu.vector_store %arg12[%swap3A_539, %swap3A_540], %swap3A_543 {strides = array<i32>} : memref<16x128xf32, #tpu.memory_space<vmem>>, vector<1x16xf32>,
    %swap3A_544 = arith.constant 10 : i32
    %swap3A_545 = arith.index_cast %swap3A_544 : i32 to index
    %swap3A_546 = arith.constant 80 : index
    %swap3A_547 = tpu.vector_load %arg12[%swap3A_545, %swap3A_546] {strides = array<i32>} : memref<16x128xf32, #tpu.memory_space<vmem>>, vector<1x16xf32>,
    %swap3A_548 = vector.shape_cast %swap3A_547 : vector<1x16xf32> to vector<16xf32>
    %swap3A_549 = vector.shape_cast %broadcast_in_dim3A_34 : vector<16xf32> to vector<1x16xf32>
    tpu.vector_store %arg12[%swap3A_545, %swap3A_546], %swap3A_549 {strides = array<i32>} : memref<16x128xf32, #tpu.memory_space<vmem>>, vector<1x16xf32>,
    %swap3A_550 = arith.constant 10 : i32
    %swap3A_551 = arith.index_cast %swap3A_550 : i32 to index
    %swap3A_552 = arith.constant 96 : index
    %swap3A_553 = tpu.vector_load %arg12[%swap3A_551, %swap3A_552] {strides = array<i32>} : memref<16x128xf32, #tpu.memory_space<vmem>>, vector<1x16xf32>,
    %swap3A_554 = vector.shape_cast %swap3A_553 : vector<1x16xf32> to vector<16xf32>
    %swap3A_555 = vector.shape_cast %broadcast_in_dim3A_34 : vector<16xf32> to vector<1x16xf32>
    tpu.vector_store %arg12[%swap3A_551, %swap3A_552], %swap3A_555 {strides = array<i32>} : memref<16x128xf32, #tpu.memory_space<vmem>>, vector<1x16xf32>,
    %swap3A_556 = arith.constant 10 : i32
    %swap3A_557 = arith.index_cast %swap3A_556 : i32 to index
    %swap3A_558 = arith.constant 112 : index
    %swap3A_559 = tpu.vector_load %arg12[%swap3A_557, %swap3A_558] {strides = array<i32>} : memref<16x128xf32, #tpu.memory_space<vmem>>, vector<1x16xf32>,
    %swap3A_560 = vector.shape_cast %swap3A_559 : vector<1x16xf32> to vector<16xf32>
    %swap3A_561 = vector.shape_cast %broadcast_in_dim3A_34 : vector<16xf32> to vector<1x16xf32>
    tpu.vector_store %arg12[%swap3A_557, %swap3A_558], %swap3A_561 {strides = array<i32>} : memref<16x128xf32, #tpu.memory_space<vmem>>, vector<1x16xf32>,
    %swap3A_562 = arith.constant 11 : i32
    %swap3A_563 = arith.index_cast %swap3A_562 : i32 to index
    %swap3A_564 = arith.constant 0 : index
    %swap3A_565 = tpu.vector_load %arg12[%swap3A_563, %swap3A_564] {strides = array<i32>} : memref<16x128xf32, #tpu.memory_space<vmem>>, vector<1x16xf32>,
    %swap3A_566 = vector.shape_cast %swap3A_565 : vector<1x16xf32> to vector<16xf32>
    %swap3A_567 = vector.shape_cast %broadcast_in_dim3A_34 : vector<16xf32> to vector<1x16xf32>
    tpu.vector_store %arg12[%swap3A_563, %swap3A_564], %swap3A_567 {strides = array<i32>} : memref<16x128xf32, #tpu.memory_space<vmem>>, vector<1x16xf32>,
    %swap3A_568 = arith.constant 11 : i32
    %swap3A_569 = arith.index_cast %swap3A_568 : i32 to index
    %swap3A_570 = arith.constant 16 : index
    %swap3A_571 = tpu.vector_load %arg12[%swap3A_569, %swap3A_570] {strides = array<i32>} : memref<16x128xf32, #tpu.memory_space<vmem>>, vector<1x16xf32>,
    %swap3A_572 = vector.shape_cast %swap3A_571 : vector<1x16xf32> to vector<16xf32>
    %swap3A_573 = vector.shape_cast %broadcast_in_dim3A_34 : vector<16xf32> to vector<1x16xf32>
    tpu.vector_store %arg12[%swap3A_569, %swap3A_570], %swap3A_573 {strides = array<i32>} : memref<16x128xf32, #tpu.memory_space<vmem>>, vector<1x16xf32>,
    %swap3A_574 = arith.constant 11 : i32
    %swap3A_575 = arith.index_cast %swap3A_574 : i32 to index
    %swap3A_576 = arith.constant 32 : index
    %swap3A_577 = tpu.vector_load %arg12[%swap3A_575, %swap3A_576] {strides = array<i32>} : memref<16x128xf32, #tpu.memory_space<vmem>>, vector<1x16xf32>,
    %swap3A_578 = vector.shape_cast %swap3A_577 : vector<1x16xf32> to vector<16xf32>
    %swap3A_579 = vector.shape_cast %broadcast_in_dim3A_34 : vector<16xf32> to vector<1x16xf32>
    tpu.vector_store %arg12[%swap3A_575, %swap3A_576], %swap3A_579 {strides = array<i32>} : memref<16x128xf32, #tpu.memory_space<vmem>>, vector<1x16xf32>,
    %swap3A_580 = arith.constant 11 : i32
    %swap3A_581 = arith.index_cast %swap3A_580 : i32 to index
    %swap3A_582 = arith.constant 48 : index
    %swap3A_583 = tpu.vector_load %arg12[%swap3A_581, %swap3A_582] {strides = array<i32>} : memref<16x128xf32, #tpu.memory_space<vmem>>, vector<1x16xf32>,
    %swap3A_584 = vector.shape_cast %swap3A_583 : vector<1x16xf32> to vector<16xf32>
    %swap3A_585 = vector.shape_cast %broadcast_in_dim3A_34 : vector<16xf32> to vector<1x16xf32>
    tpu.vector_store %arg12[%swap3A_581, %swap3A_582], %swap3A_585 {strides = array<i32>} : memref<16x128xf32, #tpu.memory_space<vmem>>, vector<1x16xf32>,
    %swap3A_586 = arith.constant 11 : i32
    %swap3A_587 = arith.index_cast %swap3A_586 : i32 to index
    %swap3A_588 = arith.constant 64 : index
    %swap3A_589 = tpu.vector_load %arg12[%swap3A_587, %swap3A_588] {strides = array<i32>} : memref<16x128xf32, #tpu.memory_space<vmem>>, vector<1x16xf32>,
    %swap3A_590 = vector.shape_cast %swap3A_589 : vector<1x16xf32> to vector<16xf32>
    %swap3A_591 = vector.shape_cast %broadcast_in_dim3A_34 : vector<16xf32> to vector<1x16xf32>
    tpu.vector_store %arg12[%swap3A_587, %swap3A_588], %swap3A_591 {strides = array<i32>} : memref<16x128xf32, #tpu.memory_space<vmem>>, vector<1x16xf32>,
    %swap3A_592 = arith.constant 11 : i32
    %swap3A_593 = arith.index_cast %swap3A_592 : i32 to index
    %swap3A_594 = arith.constant 80 : index
    %swap3A_595 = tpu.vector_load %arg12[%swap3A_593, %swap3A_594] {strides = array<i32>} : memref<16x128xf32, #tpu.memory_space<vmem>>, vector<1x16xf32>,
    %swap3A_596 = vector.shape_cast %swap3A_595 : vector<1x16xf32> to vector<16xf32>
    %swap3A_597 = vector.shape_cast %broadcast_in_dim3A_34 : vector<16xf32> to vector<1x16xf32>
    tpu.vector_store %arg12[%swap3A_593, %swap3A_594], %swap3A_597 {strides = array<i32>} : memref<16x128xf32, #tpu.memory_space<vmem>>, vector<1x16xf32>,
    %swap3A_598 = arith.constant 11 : i32
    %swap3A_599 = arith.index_cast %swap3A_598 : i32 to index
    %swap3A_600 = arith.constant 96 : index
    %swap3A_601 = tpu.vector_load %arg12[%swap3A_599, %swap3A_600] {strides = array<i32>} : memref<16x128xf32, #tpu.memory_space<vmem>>, vector<1x16xf32>,
    %swap3A_602 = vector.shape_cast %swap3A_601 : vector<1x16xf32> to vector<16xf32>
    %swap3A_603 = vector.shape_cast %broadcast_in_dim3A_34 : vector<16xf32> to vector<1x16xf32>
    tpu.vector_store %arg12[%swap3A_599, %swap3A_600], %swap3A_603 {strides = array<i32>} : memref<16x128xf32, #tpu.memory_space<vmem>>, vector<1x16xf32>,
    %swap3A_604 = arith.constant 11 : i32
    %swap3A_605 = arith.index_cast %swap3A_604 : i32 to index
    %swap3A_606 = arith.constant 112 : index
    %swap3A_607 = tpu.vector_load %arg12[%swap3A_605, %swap3A_606] {strides = array<i32>} : memref<16x128xf32, #tpu.memory_space<vmem>>, vector<1x16xf32>,
    %swap3A_608 = vector.shape_cast %swap3A_607 : vector<1x16xf32> to vector<16xf32>
    %swap3A_609 = vector.shape_cast %broadcast_in_dim3A_34 : vector<16xf32> to vector<1x16xf32>
    tpu.vector_store %arg12[%swap3A_605, %swap3A_606], %swap3A_609 {strides = array<i32>} : memref<16x128xf32, #tpu.memory_space<vmem>>, vector<1x16xf32>,
    %swap3A_610 = arith.constant 12 : i32
    %swap3A_611 = arith.index_cast %swap3A_610 : i32 to index
    %swap3A_612 = arith.constant 0 : index
    %swap3A_613 = tpu.vector_load %arg12[%swap3A_611, %swap3A_612] {strides = array<i32>} : memref<16x128xf32, #tpu.memory_space<vmem>>, vector<1x16xf32>,
    %swap3A_614 = vector.shape_cast %swap3A_613 : vector<1x16xf32> to vector<16xf32>
    %swap3A_615 = vector.shape_cast %broadcast_in_dim3A_34 : vector<16xf32> to vector<1x16xf32>
    tpu.vector_store %arg12[%swap3A_611, %swap3A_612], %swap3A_615 {strides = array<i32>} : memref<16x128xf32, #tpu.memory_space<vmem>>, vector<1x16xf32>,
    %swap3A_616 = arith.constant 12 : i32
    %swap3A_617 = arith.index_cast %swap3A_616 : i32 to index
    %swap3A_618 = arith.constant 16 : index
    %swap3A_619 = tpu.vector_load %arg12[%swap3A_617, %swap3A_618] {strides = array<i32>} : memref<16x128xf32, #tpu.memory_space<vmem>>, vector<1x16xf32>,
    %swap3A_620 = vector.shape_cast %swap3A_619 : vector<1x16xf32> to vector<16xf32>
    %swap3A_621 = vector.shape_cast %broadcast_in_dim3A_34 : vector<16xf32> to vector<1x16xf32>
    tpu.vector_store %arg12[%swap3A_617, %swap3A_618], %swap3A_621 {strides = array<i32>} : memref<16x128xf32, #tpu.memory_space<vmem>>, vector<1x16xf32>,
    %swap3A_622 = arith.constant 12 : i32
    %swap3A_623 = arith.index_cast %swap3A_622 : i32 to index
    %swap3A_624 = arith.constant 32 : index
    %swap3A_625 = tpu.vector_load %arg12[%swap3A_623, %swap3A_624] {strides = array<i32>} : memref<16x128xf32, #tpu.memory_space<vmem>>, vector<1x16xf32>,
    %swap3A_626 = vector.shape_cast %swap3A_625 : vector<1x16xf32> to vector<16xf32>
    %swap3A_627 = vector.shape_cast %broadcast_in_dim3A_34 : vector<16xf32> to vector<1x16xf32>
    tpu.vector_store %arg12[%swap3A_623, %swap3A_624], %swap3A_627 {strides = array<i32>} : memref<16x128xf32, #tpu.memory_space<vmem>>, vector<1x16xf32>,
    %swap3A_628 = arith.constant 12 : i32
    %swap3A_629 = arith.index_cast %swap3A_628 : i32 to index
    %swap3A_630 = arith.constant 48 : index
    %swap3A_631 = tpu.vector_load %arg12[%swap3A_629, %swap3A_630] {strides = array<i32>} : memref<16x128xf32, #tpu.memory_space<vmem>>, vector<1x16xf32>,
    %swap3A_632 = vector.shape_cast %swap3A_631 : vector<1x16xf32> to vector<16xf32>
    %swap3A_633 = vector.shape_cast %broadcast_in_dim3A_34 : vector<16xf32> to vector<1x16xf32>
    tpu.vector_store %arg12[%swap3A_629, %swap3A_630], %swap3A_633 {strides = array<i32>} : memref<16x128xf32, #tpu.memory_space<vmem>>, vector<1x16xf32>,
    %swap3A_634 = arith.constant 12 : i32
    %swap3A_635 = arith.index_cast %swap3A_634 : i32 to index
    %swap3A_636 = arith.constant 64 : index
    %swap3A_637 = tpu.vector_load %arg12[%swap3A_635, %swap3A_636] {strides = array<i32>} : memref<16x128xf32, #tpu.memory_space<vmem>>, vector<1x16xf32>,
    %swap3A_638 = vector.shape_cast %swap3A_637 : vector<1x16xf32> to vector<16xf32>
    %swap3A_639 = vector.shape_cast %broadcast_in_dim3A_34 : vector<16xf32> to vector<1x16xf32>
    tpu.vector_store %arg12[%swap3A_635, %swap3A_636], %swap3A_639 {strides = array<i32>} : memref<16x128xf32, #tpu.memory_space<vmem>>, vector<1x16xf32>,
    %swap3A_640 = arith.constant 12 : i32
    %swap3A_641 = arith.index_cast %swap3A_640 : i32 to index
    %swap3A_642 = arith.constant 80 : index
    %swap3A_643 = tpu.vector_load %arg12[%swap3A_641, %swap3A_642] {strides = array<i32>} : memref<16x128xf32, #tpu.memory_space<vmem>>, vector<1x16xf32>,
    %swap3A_644 = vector.shape_cast %swap3A_643 : vector<1x16xf32> to vector<16xf32>
    %swap3A_645 = vector.shape_cast %broadcast_in_dim3A_34 : vector<16xf32> to vector<1x16xf32>
    tpu.vector_store %arg12[%swap3A_641, %swap3A_642], %swap3A_645 {strides = array<i32>} : memref<16x128xf32, #tpu.memory_space<vmem>>, vector<1x16xf32>,
    %swap3A_646 = arith.constant 12 : i32
    %swap3A_647 = arith.index_cast %swap3A_646 : i32 to index
    %swap3A_648 = arith.constant 96 : index
    %swap3A_649 = tpu.vector_load %arg12[%swap3A_647, %swap3A_648] {strides = array<i32>} : memref<16x128xf32, #tpu.memory_space<vmem>>, vector<1x16xf32>,
    %swap3A_650 = vector.shape_cast %swap3A_649 : vector<1x16xf32> to vector<16xf32>
    %swap3A_651 = vector.shape_cast %broadcast_in_dim3A_34 : vector<16xf32> to vector<1x16xf32>
    tpu.vector_store %arg12[%swap3A_647, %swap3A_648], %swap3A_651 {strides = array<i32>} : memref<16x128xf32, #tpu.memory_space<vmem>>, vector<1x16xf32>,
    %swap3A_652 = arith.constant 12 : i32
    %swap3A_653 = arith.index_cast %swap3A_652 : i32 to index
    %swap3A_654 = arith.constant 112 : index
    %swap3A_655 = tpu.vector_load %arg12[%swap3A_653, %swap3A_654] {strides = array<i32>} : memref<16x128xf32, #tpu.memory_space<vmem>>, vector<1x16xf32>,
    %swap3A_656 = vector.shape_cast %swap3A_655 : vector<1x16xf32> to vector<16xf32>
    %swap3A_657 = vector.shape_cast %broadcast_in_dim3A_34 : vector<16xf32> to vector<1x16xf32>
    tpu.vector_store %arg12[%swap3A_653, %swap3A_654], %swap3A_657 {strides = array<i32>} : memref<16x128xf32, #tpu.memory_space<vmem>>, vector<1x16xf32>,
    %swap3A_658 = arith.constant 13 : i32
    %swap3A_659 = arith.index_cast %swap3A_658 : i32 to index
    %swap3A_660 = arith.constant 0 : index
    %swap3A_661 = tpu.vector_load %arg12[%swap3A_659, %swap3A_660] {strides = array<i32>} : memref<16x128xf32, #tpu.memory_space<vmem>>, vector<1x16xf32>,
    %swap3A_662 = vector.shape_cast %swap3A_661 : vector<1x16xf32> to vector<16xf32>
    %swap3A_663 = vector.shape_cast %broadcast_in_dim3A_34 : vector<16xf32> to vector<1x16xf32>
    tpu.vector_store %arg12[%swap3A_659, %swap3A_660], %swap3A_663 {strides = array<i32>} : memref<16x128xf32, #tpu.memory_space<vmem>>, vector<1x16xf32>,
    %swap3A_664 = arith.constant 13 : i32
    %swap3A_665 = arith.index_cast %swap3A_664 : i32 to index
    %swap3A_666 = arith.constant 16 : index
    %swap3A_667 = tpu.vector_load %arg12[%swap3A_665, %swap3A_666] {strides = array<i32>} : memref<16x128xf32, #tpu.memory_space<vmem>>, vector<1x16xf32>,
    %swap3A_668 = vector.shape_cast %swap3A_667 : vector<1x16xf32> to vector<16xf32>
    %swap3A_669 = vector.shape_cast %broadcast_in_dim3A_34 : vector<16xf32> to vector<1x16xf32>
    tpu.vector_store %arg12[%swap3A_665, %swap3A_666], %swap3A_669 {strides = array<i32>} : memref<16x128xf32, #tpu.memory_space<vmem>>, vector<1x16xf32>,
    %swap3A_670 = arith.constant 13 : i32
    %swap3A_671 = arith.index_cast %swap3A_670 : i32 to index
    %swap3A_672 = arith.constant 32 : index
    %swap3A_673 = tpu.vector_load %arg12[%swap3A_671, %swap3A_672] {strides = array<i32>} : memref<16x128xf32, #tpu.memory_space<vmem>>, vector<1x16xf32>,
    %swap3A_674 = vector.shape_cast %swap3A_673 : vector<1x16xf32> to vector<16xf32>
    %swap3A_675 = vector.shape_cast %broadcast_in_dim3A_34 : vector<16xf32> to vector<1x16xf32>
    tpu.vector_store %arg12[%swap3A_671, %swap3A_672], %swap3A_675 {strides = array<i32>} : memref<16x128xf32, #tpu.memory_space<vmem>>, vector<1x16xf32>,
    %swap3A_676 = arith.constant 13 : i32
    %swap3A_677 = arith.index_cast %swap3A_676 : i32 to index
    %swap3A_678 = arith.constant 48 : index
    %swap3A_679 = tpu.vector_load %arg12[%swap3A_677, %swap3A_678] {strides = array<i32>} : memref<16x128xf32, #tpu.memory_space<vmem>>, vector<1x16xf32>,
    %swap3A_680 = vector.shape_cast %swap3A_679 : vector<1x16xf32> to vector<16xf32>
    %swap3A_681 = vector.shape_cast %broadcast_in_dim3A_34 : vector<16xf32> to vector<1x16xf32>
    tpu.vector_store %arg12[%swap3A_677, %swap3A_678], %swap3A_681 {strides = array<i32>} : memref<16x128xf32, #tpu.memory_space<vmem>>, vector<1x16xf32>,
    %swap3A_682 = arith.constant 13 : i32
    %swap3A_683 = arith.index_cast %swap3A_682 : i32 to index
    %swap3A_684 = arith.constant 64 : index
    %swap3A_685 = tpu.vector_load %arg12[%swap3A_683, %swap3A_684] {strides = array<i32>} : memref<16x128xf32, #tpu.memory_space<vmem>>, vector<1x16xf32>,
    %swap3A_686 = vector.shape_cast %swap3A_685 : vector<1x16xf32> to vector<16xf32>
    %swap3A_687 = vector.shape_cast %broadcast_in_dim3A_34 : vector<16xf32> to vector<1x16xf32>
    tpu.vector_store %arg12[%swap3A_683, %swap3A_684], %swap3A_687 {strides = array<i32>} : memref<16x128xf32, #tpu.memory_space<vmem>>, vector<1x16xf32>,
    %swap3A_688 = arith.constant 13 : i32
    %swap3A_689 = arith.index_cast %swap3A_688 : i32 to index
    %swap3A_690 = arith.constant 80 : index
    %swap3A_691 = tpu.vector_load %arg12[%swap3A_689, %swap3A_690] {strides = array<i32>} : memref<16x128xf32, #tpu.memory_space<vmem>>, vector<1x16xf32>,
    %swap3A_692 = vector.shape_cast %swap3A_691 : vector<1x16xf32> to vector<16xf32>
    %swap3A_693 = vector.shape_cast %broadcast_in_dim3A_34 : vector<16xf32> to vector<1x16xf32>
    tpu.vector_store %arg12[%swap3A_689, %swap3A_690], %swap3A_693 {strides = array<i32>} : memref<16x128xf32, #tpu.memory_space<vmem>>, vector<1x16xf32>,
    %swap3A_694 = arith.constant 13 : i32
    %swap3A_695 = arith.index_cast %swap3A_694 : i32 to index
    %swap3A_696 = arith.constant 96 : index
    %swap3A_697 = tpu.vector_load %arg12[%swap3A_695, %swap3A_696] {strides = array<i32>} : memref<16x128xf32, #tpu.memory_space<vmem>>, vector<1x16xf32>,
    %swap3A_698 = vector.shape_cast %swap3A_697 : vector<1x16xf32> to vector<16xf32>
    %swap3A_699 = vector.shape_cast %broadcast_in_dim3A_34 : vector<16xf32> to vector<1x16xf32>
    tpu.vector_store %arg12[%swap3A_695, %swap3A_696], %swap3A_699 {strides = array<i32>} : memref<16x128xf32, #tpu.memory_space<vmem>>, vector<1x16xf32>,
    %swap3A_700 = arith.constant 13 : i32
    %swap3A_701 = arith.index_cast %swap3A_700 : i32 to index
    %swap3A_702 = arith.constant 112 : index
    %swap3A_703 = tpu.vector_load %arg12[%swap3A_701, %swap3A_702] {strides = array<i32>} : memref<16x128xf32, #tpu.memory_space<vmem>>, vector<1x16xf32>,
    %swap3A_704 = vector.shape_cast %swap3A_703 : vector<1x16xf32> to vector<16xf32>
    %swap3A_705 = vector.shape_cast %broadcast_in_dim3A_34 : vector<16xf32> to vector<1x16xf32>
    tpu.vector_store %arg12[%swap3A_701, %swap3A_702], %swap3A_705 {strides = array<i32>} : memref<16x128xf32, #tpu.memory_space<vmem>>, vector<1x16xf32>,
    %swap3A_706 = arith.constant 14 : i32
    %swap3A_707 = arith.index_cast %swap3A_706 : i32 to index
    %swap3A_708 = arith.constant 0 : index
    %swap3A_709 = tpu.vector_load %arg12[%swap3A_707, %swap3A_708] {strides = array<i32>} : memref<16x128xf32, #tpu.memory_space<vmem>>, vector<1x16xf32>,
    %swap3A_710 = vector.shape_cast %swap3A_709 : vector<1x16xf32> to vector<16xf32>
    %swap3A_711 = vector.shape_cast %broadcast_in_dim3A_34 : vector<16xf32> to vector<1x16xf32>
    tpu.vector_store %arg12[%swap3A_707, %swap3A_708], %swap3A_711 {strides = array<i32>} : memref<16x128xf32, #tpu.memory_space<vmem>>, vector<1x16xf32>,
    %swap3A_712 = arith.constant 14 : i32
    %swap3A_713 = arith.index_cast %swap3A_712 : i32 to index
    %swap3A_714 = arith.constant 16 : index
    %swap3A_715 = tpu.vector_load %arg12[%swap3A_713, %swap3A_714] {strides = array<i32>} : memref<16x128xf32, #tpu.memory_space<vmem>>, vector<1x16xf32>,
    %swap3A_716 = vector.shape_cast %swap3A_715 : vector<1x16xf32> to vector<16xf32>
    %swap3A_717 = vector.shape_cast %broadcast_in_dim3A_34 : vector<16xf32> to vector<1x16xf32>
    tpu.vector_store %arg12[%swap3A_713, %swap3A_714], %swap3A_717 {strides = array<i32>} : memref<16x128xf32, #tpu.memory_space<vmem>>, vector<1x16xf32>,
    %swap3A_718 = arith.constant 14 : i32
    %swap3A_719 = arith.index_cast %swap3A_718 : i32 to index
    %swap3A_720 = arith.constant 32 : index
    %swap3A_721 = tpu.vector_load %arg12[%swap3A_719, %swap3A_720] {strides = array<i32>} : memref<16x128xf32, #tpu.memory_space<vmem>>, vector<1x16xf32>,
    %swap3A_722 = vector.shape_cast %swap3A_721 : vector<1x16xf32> to vector<16xf32>
    %swap3A_723 = vector.shape_cast %broadcast_in_dim3A_34 : vector<16xf32> to vector<1x16xf32>
    tpu.vector_store %arg12[%swap3A_719, %swap3A_720], %swap3A_723 {strides = array<i32>} : memref<16x128xf32, #tpu.memory_space<vmem>>, vector<1x16xf32>,
    %swap3A_724 = arith.constant 14 : i32
    %swap3A_725 = arith.index_cast %swap3A_724 : i32 to index
    %swap3A_726 = arith.constant 48 : index
    %swap3A_727 = tpu.vector_load %arg12[%swap3A_725, %swap3A_726] {strides = array<i32>} : memref<16x128xf32, #tpu.memory_space<vmem>>, vector<1x16xf32>,
    %swap3A_728 = vector.shape_cast %swap3A_727 : vector<1x16xf32> to vector<16xf32>
    %swap3A_729 = vector.shape_cast %broadcast_in_dim3A_34 : vector<16xf32> to vector<1x16xf32>
    tpu.vector_store %arg12[%swap3A_725, %swap3A_726], %swap3A_729 {strides = array<i32>} : memref<16x128xf32, #tpu.memory_space<vmem>>, vector<1x16xf32>,
    %swap3A_730 = arith.constant 14 : i32
    %swap3A_731 = arith.index_cast %swap3A_730 : i32 to index
    %swap3A_732 = arith.constant 64 : index
    %swap3A_733 = tpu.vector_load %arg12[%swap3A_731, %swap3A_732] {strides = array<i32>} : memref<16x128xf32, #tpu.memory_space<vmem>>, vector<1x16xf32>,
    %swap3A_734 = vector.shape_cast %swap3A_733 : vector<1x16xf32> to vector<16xf32>
    %swap3A_735 = vector.shape_cast %broadcast_in_dim3A_34 : vector<16xf32> to vector<1x16xf32>
    tpu.vector_store %arg12[%swap3A_731, %swap3A_732], %swap3A_735 {strides = array<i32>} : memref<16x128xf32, #tpu.memory_space<vmem>>, vector<1x16xf32>,
    %swap3A_736 = arith.constant 14 : i32
    %swap3A_737 = arith.index_cast %swap3A_736 : i32 to index
    %swap3A_738 = arith.constant 80 : index
    %swap3A_739 = tpu.vector_load %arg12[%swap3A_737, %swap3A_738] {strides = array<i32>} : memref<16x128xf32, #tpu.memory_space<vmem>>, vector<1x16xf32>,
    %swap3A_740 = vector.shape_cast %swap3A_739 : vector<1x16xf32> to vector<16xf32>
    %swap3A_741 = vector.shape_cast %broadcast_in_dim3A_34 : vector<16xf32> to vector<1x16xf32>
    tpu.vector_store %arg12[%swap3A_737, %swap3A_738], %swap3A_741 {strides = array<i32>} : memref<16x128xf32, #tpu.memory_space<vmem>>, vector<1x16xf32>,
    %swap3A_742 = arith.constant 14 : i32
    %swap3A_743 = arith.index_cast %swap3A_742 : i32 to index
    %swap3A_744 = arith.constant 96 : index
    %swap3A_745 = tpu.vector_load %arg12[%swap3A_743, %swap3A_744] {strides = array<i32>} : memref<16x128xf32, #tpu.memory_space<vmem>>, vector<1x16xf32>,
    %swap3A_746 = vector.shape_cast %swap3A_745 : vector<1x16xf32> to vector<16xf32>
    %swap3A_747 = vector.shape_cast %broadcast_in_dim3A_34 : vector<16xf32> to vector<1x16xf32>
    tpu.vector_store %arg12[%swap3A_743, %swap3A_744], %swap3A_747 {strides = array<i32>} : memref<16x128xf32, #tpu.memory_space<vmem>>, vector<1x16xf32>,
    %swap3A_748 = arith.constant 14 : i32
    %swap3A_749 = arith.index_cast %swap3A_748 : i32 to index
    %swap3A_750 = arith.constant 112 : index
    %swap3A_751 = tpu.vector_load %arg12[%swap3A_749, %swap3A_750] {strides = array<i32>} : memref<16x128xf32, #tpu.memory_space<vmem>>, vector<1x16xf32>,
    %swap3A_752 = vector.shape_cast %swap3A_751 : vector<1x16xf32> to vector<16xf32>
    %swap3A_753 = vector.shape_cast %broadcast_in_dim3A_34 : vector<16xf32> to vector<1x16xf32>
    tpu.vector_store %arg12[%swap3A_749, %swap3A_750], %swap3A_753 {strides = array<i32>} : memref<16x128xf32, #tpu.memory_space<vmem>>, vector<1x16xf32>,
    %swap3A_754 = arith.constant 15 : i32
    %swap3A_755 = arith.index_cast %swap3A_754 : i32 to index
    %swap3A_756 = arith.constant 0 : index
    %swap3A_757 = tpu.vector_load %arg12[%swap3A_755, %swap3A_756] {strides = array<i32>} : memref<16x128xf32, #tpu.memory_space<vmem>>, vector<1x16xf32>,
    %swap3A_758 = vector.shape_cast %swap3A_757 : vector<1x16xf32> to vector<16xf32>
    %swap3A_759 = vector.shape_cast %broadcast_in_dim3A_34 : vector<16xf32> to vector<1x16xf32>
    tpu.vector_store %arg12[%swap3A_755, %swap3A_756], %swap3A_759 {strides = array<i32>} : memref<16x128xf32, #tpu.memory_space<vmem>>, vector<1x16xf32>,
    %swap3A_760 = arith.constant 15 : i32
    %swap3A_761 = arith.index_cast %swap3A_760 : i32 to index
    %swap3A_762 = arith.constant 16 : index
    %swap3A_763 = tpu.vector_load %arg12[%swap3A_761, %swap3A_762] {strides = array<i32>} : memref<16x128xf32, #tpu.memory_space<vmem>>, vector<1x16xf32>,
    %swap3A_764 = vector.shape_cast %swap3A_763 : vector<1x16xf32> to vector<16xf32>
    %swap3A_765 = vector.shape_cast %broadcast_in_dim3A_34 : vector<16xf32> to vector<1x16xf32>
    tpu.vector_store %arg12[%swap3A_761, %swap3A_762], %swap3A_765 {strides = array<i32>} : memref<16x128xf32, #tpu.memory_space<vmem>>, vector<1x16xf32>,
    %swap3A_766 = arith.constant 15 : i32
    %swap3A_767 = arith.index_cast %swap3A_766 : i32 to index
    %swap3A_768 = arith.constant 32 : index
    %swap3A_769 = tpu.vector_load %arg12[%swap3A_767, %swap3A_768] {strides = array<i32>} : memref<16x128xf32, #tpu.memory_space<vmem>>, vector<1x16xf32>,
    %swap3A_770 = vector.shape_cast %swap3A_769 : vector<1x16xf32> to vector<16xf32>
    %swap3A_771 = vector.shape_cast %broadcast_in_dim3A_34 : vector<16xf32> to vector<1x16xf32>
    tpu.vector_store %arg12[%swap3A_767, %swap3A_768], %swap3A_771 {strides = array<i32>} : memref<16x128xf32, #tpu.memory_space<vmem>>, vector<1x16xf32>,
    %swap3A_772 = arith.constant 15 : i32
    %swap3A_773 = arith.index_cast %swap3A_772 : i32 to index
    %swap3A_774 = arith.constant 48 : index
    %swap3A_775 = tpu.vector_load %arg12[%swap3A_773, %swap3A_774] {strides = array<i32>} : memref<16x128xf32, #tpu.memory_space<vmem>>, vector<1x16xf32>,
    %swap3A_776 = vector.shape_cast %swap3A_775 : vector<1x16xf32> to vector<16xf32>
    %swap3A_777 = vector.shape_cast %broadcast_in_dim3A_34 : vector<16xf32> to vector<1x16xf32>
    tpu.vector_store %arg12[%swap3A_773, %swap3A_774], %swap3A_777 {strides = array<i32>} : memref<16x128xf32, #tpu.memory_space<vmem>>, vector<1x16xf32>,
    %swap3A_778 = arith.constant 15 : i32
    %swap3A_779 = arith.index_cast %swap3A_778 : i32 to index
    %swap3A_780 = arith.constant 64 : index
    %swap3A_781 = tpu.vector_load %arg12[%swap3A_779, %swap3A_780] {strides = array<i32>} : memref<16x128xf32, #tpu.memory_space<vmem>>, vector<1x16xf32>,
    %swap3A_782 = vector.shape_cast %swap3A_781 : vector<1x16xf32> to vector<16xf32>
    %swap3A_783 = vector.shape_cast %broadcast_in_dim3A_34 : vector<16xf32> to vector<1x16xf32>
    tpu.vector_store %arg12[%swap3A_779, %swap3A_780], %swap3A_783 {strides = array<i32>} : memref<16x128xf32, #tpu.memory_space<vmem>>, vector<1x16xf32>,
    %swap3A_784 = arith.constant 15 : i32
    %swap3A_785 = arith.index_cast %swap3A_784 : i32 to index
    %swap3A_786 = arith.constant 80 : index
    %swap3A_787 = tpu.vector_load %arg12[%swap3A_785, %swap3A_786] {strides = array<i32>} : memref<16x128xf32, #tpu.memory_space<vmem>>, vector<1x16xf32>,
    %swap3A_788 = vector.shape_cast %swap3A_787 : vector<1x16xf32> to vector<16xf32>
    %swap3A_789 = vector.shape_cast %broadcast_in_dim3A_34 : vector<16xf32> to vector<1x16xf32>
    tpu.vector_store %arg12[%swap3A_785, %swap3A_786], %swap3A_789 {strides = array<i32>} : memref<16x128xf32, #tpu.memory_space<vmem>>, vector<1x16xf32>,
    %swap3A_790 = arith.constant 15 : i32
    %swap3A_791 = arith.index_cast %swap3A_790 : i32 to index
    %swap3A_792 = arith.constant 96 : index
    %swap3A_793 = tpu.vector_load %arg12[%swap3A_791, %swap3A_792] {strides = array<i32>} : memref<16x128xf32, #tpu.memory_space<vmem>>, vector<1x16xf32>,
    %swap3A_794 = vector.shape_cast %swap3A_793 : vector<1x16xf32> to vector<16xf32>
    %swap3A_795 = vector.shape_cast %broadcast_in_dim3A_34 : vector<16xf32> to vector<1x16xf32>
    tpu.vector_store %arg12[%swap3A_791, %swap3A_792], %swap3A_795 {strides = array<i32>} : memref<16x128xf32, #tpu.memory_space<vmem>>, vector<1x16xf32>,
    %swap3A_796 = arith.constant 15 : i32
    %swap3A_797 = arith.index_cast %swap3A_796 : i32 to index
    %swap3A_798 = arith.constant 112 : index
    %swap3A_799 = tpu.vector_load %arg12[%swap3A_797, %swap3A_798] {strides = array<i32>} : memref<16x128xf32, #tpu.memory_space<vmem>>, vector<1x16xf32>,
    %swap3A_800 = vector.shape_cast %swap3A_799 : vector<1x16xf32> to vector<16xf32>
    %swap3A_801 = vector.shape_cast %broadcast_in_dim3A_34 : vector<16xf32> to vector<1x16xf32>
    tpu.vector_store %arg12[%swap3A_797, %swap3A_798], %swap3A_801 {strides = array<i32>} : memref<16x128xf32, #tpu.memory_space<vmem>>, vector<1x16xf32>,
    %mul3A_802 = arith.constant 640 : i32
    %mul3A_803 = arith.muli %arg1, %mul3A_802 : i32
    %scan3A = arith.constant 0 : i32
    %scan3A_804 = arith.constant 40 : i32
    %scan3A_805 = arith.addi %scan3A, %scan3A_804 : i32
    %scan3A_806 = arith.constant 1 : i32
    scf.for %scan3A_1120 = %scan3A to %scan3A_805 step %scan3A_806  : i32 {
      %mul3A_1121 = arith.constant 1 : i32
      %mul3A_1122 = arith.muli %scan3A_1120, %mul3A_1121 : i32
      %add3A_1123 = arith.constant 0 : i32
      %add3A_1124 = arith.addi %add3A_1123, %mul3A_1122 : i32
      %mul3A_1125 = arith.constant 16 : i32
      %mul3A_1126 = arith.muli %add3A_1124, %mul3A_1125 : i32
      %add3A_1127 = arith.addi %mul3A_803, %mul3A_1126 : i32
      "tpu.region"() ({
        %run_scoped3A = tpu.sem_alloc : memref<!tpu.dma_semaphore, #tpu.memory_space<semaphore_mem>>
        %dma_start3A_1128 = arith.constant 0 : i32
        %dma_start3A_1129 = tpu.memref_slice %arg13[%add3A_1127, %dma_start3A_1128] : memref<10240x128xf32, #tpu.memory_space<vmem_shared>> -> memref<16x128xf32, #tpu.memory_space<vmem_shared>>
        %dma_start3A_1130 = arith.constant 0 : i32
        %dma_start3A_1131 = tpu.memref_slice %arg13[%add3A_1127, %dma_start3A_1130] : memref<10240x128xf32, #tpu.memory_space<vmem_shared>> -> memref<16x128xf32, #tpu.memory_space<vmem_shared>>
        tpu.enqueue_dma source(%arg12 : memref<16x128xf32, #tpu.memory_space<vmem>>) target(%dma_start3A_1131 : memref<16x128xf32, #tpu.memory_space<vmem_shared>>) target_semaphore(%run_scoped3A : memref<!tpu.dma_semaphore, #tpu.memory_space<semaphore_mem>>)
        %dma_wait3A_1132 = arith.constant 0 : i32
        %dma_wait3A_1133 = tpu.memref_slice %arg13[%add3A_1127, %dma_wait3A_1132] : memref<10240x128xf32, #tpu.memory_space<vmem_shared>> -> memref<16x128xf32, #tpu.memory_space<vmem_shared>>
        %dma_wait3A_1134 = arith.constant 0 : i32
        %dma_wait3A_1135 = tpu.memref_slice %arg13[%add3A_1127, %dma_wait3A_1134] : memref<10240x128xf32, #tpu.memory_space<vmem_shared>> -> memref<16x128xf32, #tpu.memory_space<vmem_shared>>
        tpu.wait_dma2 semaphore(%run_scoped3A : memref<!tpu.dma_semaphore, #tpu.memory_space<semaphore_mem>>) src(%arg12 : memref<16x128xf32, #tpu.memory_space<vmem>>) dst(%dma_wait3A_1135 : memref<16x128xf32, #tpu.memory_space<vmem_shared>>)
        tpu.yield
      }) : () -> ()
    }
    %scan3A_807 = arith.constant 40 : i32
    %broadcast_in_dim3A_808 = arith.constant 1.000000e+00 : f32
    %broadcast_in_dim3A_809 = vector.broadcast %broadcast_in_dim3A_808 : f32 to vector<16xf32>
    %swap3A_810 = arith.constant 0 : index
    %swap3A_811 = tpu.vector_load %arg20[%swap3A_810] {strides = array<i32>} : memref<128xf32, #tpu.memory_space<vmem>>, vector<16xf32>,
    %swap3A_812 = vector.shape_cast %swap3A_811 : vector<16xf32> to vector<16xf32>
    %swap3A_813 = vector.shape_cast %broadcast_in_dim3A_809 : vector<16xf32> to vector<16xf32>
    tpu.vector_store %arg20[%swap3A_810], %swap3A_813 {strides = array<i32>} : memref<128xf32, #tpu.memory_space<vmem>>, vector<16xf32>,
    %swap3A_814 = arith.constant 16 : index
    %swap3A_815 = tpu.vector_load %arg20[%swap3A_814] {strides = array<i32>} : memref<128xf32, #tpu.memory_space<vmem>>, vector<16xf32>,
    %swap3A_816 = vector.shape_cast %swap3A_815 : vector<16xf32> to vector<16xf32>
    %swap3A_817 = vector.shape_cast %broadcast_in_dim3A_809 : vector<16xf32> to vector<16xf32>
    tpu.vector_store %arg20[%swap3A_814], %swap3A_817 {strides = array<i32>} : memref<128xf32, #tpu.memory_space<vmem>>, vector<16xf32>,
    %swap3A_818 = arith.constant 32 : index
    %swap3A_819 = tpu.vector_load %arg20[%swap3A_818] {strides = array<i32>} : memref<128xf32, #tpu.memory_space<vmem>>, vector<16xf32>,
    %swap3A_820 = vector.shape_cast %swap3A_819 : vector<16xf32> to vector<16xf32>
    %swap3A_821 = vector.shape_cast %broadcast_in_dim3A_809 : vector<16xf32> to vector<16xf32>
    tpu.vector_store %arg20[%swap3A_818], %swap3A_821 {strides = array<i32>} : memref<128xf32, #tpu.memory_space<vmem>>, vector<16xf32>,
    %swap3A_822 = arith.constant 48 : index
    %swap3A_823 = tpu.vector_load %arg20[%swap3A_822] {strides = array<i32>} : memref<128xf32, #tpu.memory_space<vmem>>, vector<16xf32>,
    %swap3A_824 = vector.shape_cast %swap3A_823 : vector<16xf32> to vector<16xf32>
    %swap3A_825 = vector.shape_cast %broadcast_in_dim3A_809 : vector<16xf32> to vector<16xf32>
    tpu.vector_store %arg20[%swap3A_822], %swap3A_825 {strides = array<i32>} : memref<128xf32, #tpu.memory_space<vmem>>, vector<16xf32>,
    %swap3A_826 = arith.constant 64 : index
    %swap3A_827 = tpu.vector_load %arg20[%swap3A_826] {strides = array<i32>} : memref<128xf32, #tpu.memory_space<vmem>>, vector<16xf32>,
    %swap3A_828 = vector.shape_cast %swap3A_827 : vector<16xf32> to vector<16xf32>
    %swap3A_829 = vector.shape_cast %broadcast_in_dim3A_809 : vector<16xf32> to vector<16xf32>
    tpu.vector_store %arg20[%swap3A_826], %swap3A_829 {strides = array<i32>} : memref<128xf32, #tpu.memory_space<vmem>>, vector<16xf32>,
    %swap3A_830 = arith.constant 80 : index
    %swap3A_831 = tpu.vector_load %arg20[%swap3A_830] {strides = array<i32>} : memref<128xf32, #tpu.memory_space<vmem>>, vector<16xf32>,
    %swap3A_832 = vector.shape_cast %swap3A_831 : vector<16xf32> to vector<16xf32>
    %swap3A_833 = vector.shape_cast %broadcast_in_dim3A_809 : vector<16xf32> to vector<16xf32>
    tpu.vector_store %arg20[%swap3A_830], %swap3A_833 {strides = array<i32>} : memref<128xf32, #tpu.memory_space<vmem>>, vector<16xf32>,
    %swap3A_834 = arith.constant 96 : index
    %swap3A_835 = tpu.vector_load %arg20[%swap3A_834] {strides = array<i32>} : memref<128xf32, #tpu.memory_space<vmem>>, vector<16xf32>,
    %swap3A_836 = vector.shape_cast %swap3A_835 : vector<16xf32> to vector<16xf32>
    %swap3A_837 = vector.shape_cast %broadcast_in_dim3A_809 : vector<16xf32> to vector<16xf32>
    tpu.vector_store %arg20[%swap3A_834], %swap3A_837 {strides = array<i32>} : memref<128xf32, #tpu.memory_space<vmem>>, vector<16xf32>,
    %swap3A_838 = arith.constant 112 : index
    %swap3A_839 = tpu.vector_load %arg20[%swap3A_838] {strides = array<i32>} : memref<128xf32, #tpu.memory_space<vmem>>, vector<16xf32>,
    %swap3A_840 = vector.shape_cast %swap3A_839 : vector<16xf32> to vector<16xf32>
    %swap3A_841 = vector.shape_cast %broadcast_in_dim3A_809 : vector<16xf32> to vector<16xf32>
    tpu.vector_store %arg20[%swap3A_838], %swap3A_841 {strides = array<i32>} : memref<128xf32, #tpu.memory_space<vmem>>, vector<16xf32>,
    %swap3A_842 = arith.constant 0 : index
    %swap3A_843 = tpu.vector_load %arg21[%swap3A_842] {strides = array<i32>} : memref<640xf32, #tpu.memory_space<vmem>>, vector<16xf32>,
    %swap3A_844 = vector.shape_cast %swap3A_843 : vector<16xf32> to vector<16xf32>
    %swap3A_845 = vector.shape_cast %broadcast_in_dim3A_34 : vector<16xf32> to vector<16xf32>
    tpu.vector_store %arg21[%swap3A_842], %swap3A_845 {strides = array<i32>} : memref<640xf32, #tpu.memory_space<vmem>>, vector<16xf32>,
    %swap3A_846 = arith.constant 16 : index
    %swap3A_847 = tpu.vector_load %arg21[%swap3A_846] {strides = array<i32>} : memref<640xf32, #tpu.memory_space<vmem>>, vector<16xf32>,
    %swap3A_848 = vector.shape_cast %swap3A_847 : vector<16xf32> to vector<16xf32>
    %swap3A_849 = vector.shape_cast %broadcast_in_dim3A_34 : vector<16xf32> to vector<16xf32>
    tpu.vector_store %arg21[%swap3A_846], %swap3A_849 {strides = array<i32>} : memref<640xf32, #tpu.memory_space<vmem>>, vector<16xf32>,
    %swap3A_850 = arith.constant 32 : index
    %swap3A_851 = tpu.vector_load %arg21[%swap3A_850] {strides = array<i32>} : memref<640xf32, #tpu.memory_space<vmem>>, vector<16xf32>,
    %swap3A_852 = vector.shape_cast %swap3A_851 : vector<16xf32> to vector<16xf32>
    %swap3A_853 = vector.shape_cast %broadcast_in_dim3A_34 : vector<16xf32> to vector<16xf32>
    tpu.vector_store %arg21[%swap3A_850], %swap3A_853 {strides = array<i32>} : memref<640xf32, #tpu.memory_space<vmem>>, vector<16xf32>,
    %swap3A_854 = arith.constant 48 : index
    %swap3A_855 = tpu.vector_load %arg21[%swap3A_854] {strides = array<i32>} : memref<640xf32, #tpu.memory_space<vmem>>, vector<16xf32>,
    %swap3A_856 = vector.shape_cast %swap3A_855 : vector<16xf32> to vector<16xf32>
    %swap3A_857 = vector.shape_cast %broadcast_in_dim3A_34 : vector<16xf32> to vector<16xf32>
    tpu.vector_store %arg21[%swap3A_854], %swap3A_857 {strides = array<i32>} : memref<640xf32, #tpu.memory_space<vmem>>, vector<16xf32>,
    %swap3A_858 = arith.constant 64 : index
    %swap3A_859 = tpu.vector_load %arg21[%swap3A_858] {strides = array<i32>} : memref<640xf32, #tpu.memory_space<vmem>>, vector<16xf32>,
    %swap3A_860 = vector.shape_cast %swap3A_859 : vector<16xf32> to vector<16xf32>
    %swap3A_861 = vector.shape_cast %broadcast_in_dim3A_34 : vector<16xf32> to vector<16xf32>
    tpu.vector_store %arg21[%swap3A_858], %swap3A_861 {strides = array<i32>} : memref<640xf32, #tpu.memory_space<vmem>>, vector<16xf32>,
    %swap3A_862 = arith.constant 80 : index
    %swap3A_863 = tpu.vector_load %arg21[%swap3A_862] {strides = array<i32>} : memref<640xf32, #tpu.memory_space<vmem>>, vector<16xf32>,
    %swap3A_864 = vector.shape_cast %swap3A_863 : vector<16xf32> to vector<16xf32>
    %swap3A_865 = vector.shape_cast %broadcast_in_dim3A_34 : vector<16xf32> to vector<16xf32>
    tpu.vector_store %arg21[%swap3A_862], %swap3A_865 {strides = array<i32>} : memref<640xf32, #tpu.memory_space<vmem>>, vector<16xf32>,
    %swap3A_866 = arith.constant 96 : index
    %swap3A_867 = tpu.vector_load %arg21[%swap3A_866] {strides = array<i32>} : memref<640xf32, #tpu.memory_space<vmem>>, vector<16xf32>,
    %swap3A_868 = vector.shape_cast %swap3A_867 : vector<16xf32> to vector<16xf32>
    %swap3A_869 = vector.shape_cast %broadcast_in_dim3A_34 : vector<16xf32> to vector<16xf32>
    tpu.vector_store %arg21[%swap3A_866], %swap3A_869 {strides = array<i32>} : memref<640xf32, #tpu.memory_space<vmem>>, vector<16xf32>,
    %swap3A_870 = arith.constant 112 : index
    %swap3A_871 = tpu.vector_load %arg21[%swap3A_870] {strides = array<i32>} : memref<640xf32, #tpu.memory_space<vmem>>, vector<16xf32>,
    %swap3A_872 = vector.shape_cast %swap3A_871 : vector<16xf32> to vector<16xf32>
    %swap3A_873 = vector.shape_cast %broadcast_in_dim3A_34 : vector<16xf32> to vector<16xf32>
    tpu.vector_store %arg21[%swap3A_870], %swap3A_873 {strides = array<i32>} : memref<640xf32, #tpu.memory_space<vmem>>, vector<16xf32>,
    %swap3A_874 = arith.constant 128 : index
    %swap3A_875 = tpu.vector_load %arg21[%swap3A_874] {strides = array<i32>} : memref<640xf32, #tpu.memory_space<vmem>>, vector<16xf32>,
    %swap3A_876 = vector.shape_cast %swap3A_875 : vector<16xf32> to vector<16xf32>
    %swap3A_877 = vector.shape_cast %broadcast_in_dim3A_34 : vector<16xf32> to vector<16xf32>
    tpu.vector_store %arg21[%swap3A_874], %swap3A_877 {strides = array<i32>} : memref<640xf32, #tpu.memory_space<vmem>>, vector<16xf32>,
    %swap3A_878 = arith.constant 144 : index
    %swap3A_879 = tpu.vector_load %arg21[%swap3A_878] {strides = array<i32>} : memref<640xf32, #tpu.memory_space<vmem>>, vector<16xf32>,
    %swap3A_880 = vector.shape_cast %swap3A_879 : vector<16xf32> to vector<16xf32>
    %swap3A_881 = vector.shape_cast %broadcast_in_dim3A_34 : vector<16xf32> to vector<16xf32>
    tpu.vector_store %arg21[%swap3A_878], %swap3A_881 {strides = array<i32>} : memref<640xf32, #tpu.memory_space<vmem>>, vector<16xf32>,
    %swap3A_882 = arith.constant 160 : index
    %swap3A_883 = tpu.vector_load %arg21[%swap3A_882] {strides = array<i32>} : memref<640xf32, #tpu.memory_space<vmem>>, vector<16xf32>,
    %swap3A_884 = vector.shape_cast %swap3A_883 : vector<16xf32> to vector<16xf32>
    %swap3A_885 = vector.shape_cast %broadcast_in_dim3A_34 : vector<16xf32> to vector<16xf32>
    tpu.vector_store %arg21[%swap3A_882], %swap3A_885 {strides = array<i32>} : memref<640xf32, #tpu.memory_space<vmem>>, vector<16xf32>,
    %swap3A_886 = arith.constant 176 : index
    %swap3A_887 = tpu.vector_load %arg21[%swap3A_886] {strides = array<i32>} : memref<640xf32, #tpu.memory_space<vmem>>, vector<16xf32>,
    %swap3A_888 = vector.shape_cast %swap3A_887 : vector<16xf32> to vector<16xf32>
    %swap3A_889 = vector.shape_cast %broadcast_in_dim3A_34 : vector<16xf32> to vector<16xf32>
    tpu.vector_store %arg21[%swap3A_886], %swap3A_889 {strides = array<i32>} : memref<640xf32, #tpu.memory_space<vmem>>, vector<16xf32>,
    %swap3A_890 = arith.constant 192 : index
    %swap3A_891 = tpu.vector_load %arg21[%swap3A_890] {strides = array<i32>} : memref<640xf32, #tpu.memory_space<vmem>>, vector<16xf32>,
    %swap3A_892 = vector.shape_cast %swap3A_891 : vector<16xf32> to vector<16xf32>
    %swap3A_893 = vector.shape_cast %broadcast_in_dim3A_34 : vector<16xf32> to vector<16xf32>
    tpu.vector_store %arg21[%swap3A_890], %swap3A_893 {strides = array<i32>} : memref<640xf32, #tpu.memory_space<vmem>>, vector<16xf32>,
    %swap3A_894 = arith.constant 208 : index
    %swap3A_895 = tpu.vector_load %arg21[%swap3A_894] {strides = array<i32>} : memref<640xf32, #tpu.memory_space<vmem>>, vector<16xf32>,
    %swap3A_896 = vector.shape_cast %swap3A_895 : vector<16xf32> to vector<16xf32>
    %swap3A_897 = vector.shape_cast %broadcast_in_dim3A_34 : vector<16xf32> to vector<16xf32>
    tpu.vector_store %arg21[%swap3A_894], %swap3A_897 {strides = array<i32>} : memref<640xf32, #tpu.memory_space<vmem>>, vector<16xf32>,
    %swap3A_898 = arith.constant 224 : index
    %swap3A_899 = tpu.vector_load %arg21[%swap3A_898] {strides = array<i32>} : memref<640xf32, #tpu.memory_space<vmem>>, vector<16xf32>,
    %swap3A_900 = vector.shape_cast %swap3A_899 : vector<16xf32> to vector<16xf32>
    %swap3A_901 = vector.shape_cast %broadcast_in_dim3A_34 : vector<16xf32> to vector<16xf32>
    tpu.vector_store %arg21[%swap3A_898], %swap3A_901 {strides = array<i32>} : memref<640xf32, #tpu.memory_space<vmem>>, vector<16xf32>,
    %swap3A_902 = arith.constant 240 : index
    %swap3A_903 = tpu.vector_load %arg21[%swap3A_902] {strides = array<i32>} : memref<640xf32, #tpu.memory_space<vmem>>, vector<16xf32>,
    %swap3A_904 = vector.shape_cast %swap3A_903 : vector<16xf32> to vector<16xf32>
    %swap3A_905 = vector.shape_cast %broadcast_in_dim3A_34 : vector<16xf32> to vector<16xf32>
    tpu.vector_store %arg21[%swap3A_902], %swap3A_905 {strides = array<i32>} : memref<640xf32, #tpu.memory_space<vmem>>, vector<16xf32>,
    %swap3A_906 = arith.constant 256 : index
    %swap3A_907 = tpu.vector_load %arg21[%swap3A_906] {strides = array<i32>} : memref<640xf32, #tpu.memory_space<vmem>>, vector<16xf32>,
    %swap3A_908 = vector.shape_cast %swap3A_907 : vector<16xf32> to vector<16xf32>
    %swap3A_909 = vector.shape_cast %broadcast_in_dim3A_34 : vector<16xf32> to vector<16xf32>
    tpu.vector_store %arg21[%swap3A_906], %swap3A_909 {strides = array<i32>} : memref<640xf32, #tpu.memory_space<vmem>>, vector<16xf32>,
    %swap3A_910 = arith.constant 272 : index
    %swap3A_911 = tpu.vector_load %arg21[%swap3A_910] {strides = array<i32>} : memref<640xf32, #tpu.memory_space<vmem>>, vector<16xf32>,
    %swap3A_912 = vector.shape_cast %swap3A_911 : vector<16xf32> to vector<16xf32>
    %swap3A_913 = vector.shape_cast %broadcast_in_dim3A_34 : vector<16xf32> to vector<16xf32>
    tpu.vector_store %arg21[%swap3A_910], %swap3A_913 {strides = array<i32>} : memref<640xf32, #tpu.memory_space<vmem>>, vector<16xf32>,
    %swap3A_914 = arith.constant 288 : index
    %swap3A_915 = tpu.vector_load %arg21[%swap3A_914] {strides = array<i32>} : memref<640xf32, #tpu.memory_space<vmem>>, vector<16xf32>,
    %swap3A_916 = vector.shape_cast %swap3A_915 : vector<16xf32> to vector<16xf32>
    %swap3A_917 = vector.shape_cast %broadcast_in_dim3A_34 : vector<16xf32> to vector<16xf32>
    tpu.vector_store %arg21[%swap3A_914], %swap3A_917 {strides = array<i32>} : memref<640xf32, #tpu.memory_space<vmem>>, vector<16xf32>,
    %swap3A_918 = arith.constant 304 : index
    %swap3A_919 = tpu.vector_load %arg21[%swap3A_918] {strides = array<i32>} : memref<640xf32, #tpu.memory_space<vmem>>, vector<16xf32>,
    %swap3A_920 = vector.shape_cast %swap3A_919 : vector<16xf32> to vector<16xf32>
    %swap3A_921 = vector.shape_cast %broadcast_in_dim3A_34 : vector<16xf32> to vector<16xf32>
    tpu.vector_store %arg21[%swap3A_918], %swap3A_921 {strides = array<i32>} : memref<640xf32, #tpu.memory_space<vmem>>, vector<16xf32>,
    %swap3A_922 = arith.constant 320 : index
    %swap3A_923 = tpu.vector_load %arg21[%swap3A_922] {strides = array<i32>} : memref<640xf32, #tpu.memory_space<vmem>>, vector<16xf32>,
    %swap3A_924 = vector.shape_cast %swap3A_923 : vector<16xf32> to vector<16xf32>
    %swap3A_925 = vector.shape_cast %broadcast_in_dim3A_34 : vector<16xf32> to vector<16xf32>
    tpu.vector_store %arg21[%swap3A_922], %swap3A_925 {strides = array<i32>} : memref<640xf32, #tpu.memory_space<vmem>>, vector<16xf32>,
    %swap3A_926 = arith.constant 336 : index
    %swap3A_927 = tpu.vector_load %arg21[%swap3A_926] {strides = array<i32>} : memref<640xf32, #tpu.memory_space<vmem>>, vector<16xf32>,
    %swap3A_928 = vector.shape_cast %swap3A_927 : vector<16xf32> to vector<16xf32>
    %swap3A_929 = vector.shape_cast %broadcast_in_dim3A_34 : vector<16xf32> to vector<16xf32>
    tpu.vector_store %arg21[%swap3A_926], %swap3A_929 {strides = array<i32>} : memref<640xf32, #tpu.memory_space<vmem>>, vector<16xf32>,
    %swap3A_930 = arith.constant 352 : index
    %swap3A_931 = tpu.vector_load %arg21[%swap3A_930] {strides = array<i32>} : memref<640xf32, #tpu.memory_space<vmem>>, vector<16xf32>,
    %swap3A_932 = vector.shape_cast %swap3A_931 : vector<16xf32> to vector<16xf32>
    %swap3A_933 = vector.shape_cast %broadcast_in_dim3A_34 : vector<16xf32> to vector<16xf32>
    tpu.vector_store %arg21[%swap3A_930], %swap3A_933 {strides = array<i32>} : memref<640xf32, #tpu.memory_space<vmem>>, vector<16xf32>,
    %swap3A_934 = arith.constant 368 : index
    %swap3A_935 = tpu.vector_load %arg21[%swap3A_934] {strides = array<i32>} : memref<640xf32, #tpu.memory_space<vmem>>, vector<16xf32>,
    %swap3A_936 = vector.shape_cast %swap3A_935 : vector<16xf32> to vector<16xf32>
    %swap3A_937 = vector.shape_cast %broadcast_in_dim3A_34 : vector<16xf32> to vector<16xf32>
    tpu.vector_store %arg21[%swap3A_934], %swap3A_937 {strides = array<i32>} : memref<640xf32, #tpu.memory_space<vmem>>, vector<16xf32>,
    %swap3A_938 = arith.constant 384 : index
    %swap3A_939 = tpu.vector_load %arg21[%swap3A_938] {strides = array<i32>} : memref<640xf32, #tpu.memory_space<vmem>>, vector<16xf32>,
    %swap3A_940 = vector.shape_cast %swap3A_939 : vector<16xf32> to vector<16xf32>
    %swap3A_941 = vector.shape_cast %broadcast_in_dim3A_34 : vector<16xf32> to vector<16xf32>
    tpu.vector_store %arg21[%swap3A_938], %swap3A_941 {strides = array<i32>} : memref<640xf32, #tpu.memory_space<vmem>>, vector<16xf32>,
    %swap3A_942 = arith.constant 400 : index
    %swap3A_943 = tpu.vector_load %arg21[%swap3A_942] {strides = array<i32>} : memref<640xf32, #tpu.memory_space<vmem>>, vector<16xf32>,
    %swap3A_944 = vector.shape_cast %swap3A_943 : vector<16xf32> to vector<16xf32>
    %swap3A_945 = vector.shape_cast %broadcast_in_dim3A_34 : vector<16xf32> to vector<16xf32>
    tpu.vector_store %arg21[%swap3A_942], %swap3A_945 {strides = array<i32>} : memref<640xf32, #tpu.memory_space<vmem>>, vector<16xf32>,
    %swap3A_946 = arith.constant 416 : index
    %swap3A_947 = tpu.vector_load %arg21[%swap3A_946] {strides = array<i32>} : memref<640xf32, #tpu.memory_space<vmem>>, vector<16xf32>,
    %swap3A_948 = vector.shape_cast %swap3A_947 : vector<16xf32> to vector<16xf32>
    %swap3A_949 = vector.shape_cast %broadcast_in_dim3A_34 : vector<16xf32> to vector<16xf32>
    tpu.vector_store %arg21[%swap3A_946], %swap3A_949 {strides = array<i32>} : memref<640xf32, #tpu.memory_space<vmem>>, vector<16xf32>,
    %swap3A_950 = arith.constant 432 : index
    %swap3A_951 = tpu.vector_load %arg21[%swap3A_950] {strides = array<i32>} : memref<640xf32, #tpu.memory_space<vmem>>, vector<16xf32>,
    %swap3A_952 = vector.shape_cast %swap3A_951 : vector<16xf32> to vector<16xf32>
    %swap3A_953 = vector.shape_cast %broadcast_in_dim3A_34 : vector<16xf32> to vector<16xf32>
    tpu.vector_store %arg21[%swap3A_950], %swap3A_953 {strides = array<i32>} : memref<640xf32, #tpu.memory_space<vmem>>, vector<16xf32>,
    %swap3A_954 = arith.constant 448 : index
    %swap3A_955 = tpu.vector_load %arg21[%swap3A_954] {strides = array<i32>} : memref<640xf32, #tpu.memory_space<vmem>>, vector<16xf32>,
    %swap3A_956 = vector.shape_cast %swap3A_955 : vector<16xf32> to vector<16xf32>
    %swap3A_957 = vector.shape_cast %broadcast_in_dim3A_34 : vector<16xf32> to vector<16xf32>
    tpu.vector_store %arg21[%swap3A_954], %swap3A_957 {strides = array<i32>} : memref<640xf32, #tpu.memory_space<vmem>>, vector<16xf32>,
    %swap3A_958 = arith.constant 464 : index
    %swap3A_959 = tpu.vector_load %arg21[%swap3A_958] {strides = array<i32>} : memref<640xf32, #tpu.memory_space<vmem>>, vector<16xf32>,
    %swap3A_960 = vector.shape_cast %swap3A_959 : vector<16xf32> to vector<16xf32>
    %swap3A_961 = vector.shape_cast %broadcast_in_dim3A_34 : vector<16xf32> to vector<16xf32>
    tpu.vector_store %arg21[%swap3A_958], %swap3A_961 {strides = array<i32>} : memref<640xf32, #tpu.memory_space<vmem>>, vector<16xf32>,
    %swap3A_962 = arith.constant 480 : index
    %swap3A_963 = tpu.vector_load %arg21[%swap3A_962] {strides = array<i32>} : memref<640xf32, #tpu.memory_space<vmem>>, vector<16xf32>,
    %swap3A_964 = vector.shape_cast %swap3A_963 : vector<16xf32> to vector<16xf32>
    %swap3A_965 = vector.shape_cast %broadcast_in_dim3A_34 : vector<16xf32> to vector<16xf32>
    tpu.vector_store %arg21[%swap3A_962], %swap3A_965 {strides = array<i32>} : memref<640xf32, #tpu.memory_space<vmem>>, vector<16xf32>,
    %swap3A_966 = arith.constant 496 : index
    %swap3A_967 = tpu.vector_load %arg21[%swap3A_966] {strides = array<i32>} : memref<640xf32, #tpu.memory_space<vmem>>, vector<16xf32>,
    %swap3A_968 = vector.shape_cast %swap3A_967 : vector<16xf32> to vector<16xf32>
    %swap3A_969 = vector.shape_cast %broadcast_in_dim3A_34 : vector<16xf32> to vector<16xf32>
    tpu.vector_store %arg21[%swap3A_966], %swap3A_969 {strides = array<i32>} : memref<640xf32, #tpu.memory_space<vmem>>, vector<16xf32>,
    %swap3A_970 = arith.constant 512 : index
    %swap3A_971 = tpu.vector_load %arg21[%swap3A_970] {strides = array<i32>} : memref<640xf32, #tpu.memory_space<vmem>>, vector<16xf32>,
    %swap3A_972 = vector.shape_cast %swap3A_971 : vector<16xf32> to vector<16xf32>
    %swap3A_973 = vector.shape_cast %broadcast_in_dim3A_34 : vector<16xf32> to vector<16xf32>
    tpu.vector_store %arg21[%swap3A_970], %swap3A_973 {strides = array<i32>} : memref<640xf32, #tpu.memory_space<vmem>>, vector<16xf32>,
    %swap3A_974 = arith.constant 528 : index
    %swap3A_975 = tpu.vector_load %arg21[%swap3A_974] {strides = array<i32>} : memref<640xf32, #tpu.memory_space<vmem>>, vector<16xf32>,
    %swap3A_976 = vector.shape_cast %swap3A_975 : vector<16xf32> to vector<16xf32>
    %swap3A_977 = vector.shape_cast %broadcast_in_dim3A_34 : vector<16xf32> to vector<16xf32>
    tpu.vector_store %arg21[%swap3A_974], %swap3A_977 {strides = array<i32>} : memref<640xf32, #tpu.memory_space<vmem>>, vector<16xf32>,
    %swap3A_978 = arith.constant 544 : index
    %swap3A_979 = tpu.vector_load %arg21[%swap3A_978] {strides = array<i32>} : memref<640xf32, #tpu.memory_space<vmem>>, vector<16xf32>,
    %swap3A_980 = vector.shape_cast %swap3A_979 : vector<16xf32> to vector<16xf32>
    %swap3A_981 = vector.shape_cast %broadcast_in_dim3A_34 : vector<16xf32> to vector<16xf32>
    tpu.vector_store %arg21[%swap3A_978], %swap3A_981 {strides = array<i32>} : memref<640xf32, #tpu.memory_space<vmem>>, vector<16xf32>,
    %swap3A_982 = arith.constant 560 : index
    %swap3A_983 = tpu.vector_load %arg21[%swap3A_982] {strides = array<i32>} : memref<640xf32, #tpu.memory_space<vmem>>, vector<16xf32>,
    %swap3A_984 = vector.shape_cast %swap3A_983 : vector<16xf32> to vector<16xf32>
    %swap3A_985 = vector.shape_cast %broadcast_in_dim3A_34 : vector<16xf32> to vector<16xf32>
    tpu.vector_store %arg21[%swap3A_982], %swap3A_985 {strides = array<i32>} : memref<640xf32, #tpu.memory_space<vmem>>, vector<16xf32>,
    %swap3A_986 = arith.constant 576 : index
    %swap3A_987 = tpu.vector_load %arg21[%swap3A_986] {strides = array<i32>} : memref<640xf32, #tpu.memory_space<vmem>>, vector<16xf32>,
    %swap3A_988 = vector.shape_cast %swap3A_987 : vector<16xf32> to vector<16xf32>
    %swap3A_989 = vector.shape_cast %broadcast_in_dim3A_34 : vector<16xf32> to vector<16xf32>
    tpu.vector_store %arg21[%swap3A_986], %swap3A_989 {strides = array<i32>} : memref<640xf32, #tpu.memory_space<vmem>>, vector<16xf32>,
    %swap3A_990 = arith.constant 592 : index
    %swap3A_991 = tpu.vector_load %arg21[%swap3A_990] {strides = array<i32>} : memref<640xf32, #tpu.memory_space<vmem>>, vector<16xf32>,
    %swap3A_992 = vector.shape_cast %swap3A_991 : vector<16xf32> to vector<16xf32>
    %swap3A_993 = vector.shape_cast %broadcast_in_dim3A_34 : vector<16xf32> to vector<16xf32>
    tpu.vector_store %arg21[%swap3A_990], %swap3A_993 {strides = array<i32>} : memref<640xf32, #tpu.memory_space<vmem>>, vector<16xf32>,
    %swap3A_994 = arith.constant 608 : index
    %swap3A_995 = tpu.vector_load %arg21[%swap3A_994] {strides = array<i32>} : memref<640xf32, #tpu.memory_space<vmem>>, vector<16xf32>,
    %swap3A_996 = vector.shape_cast %swap3A_995 : vector<16xf32> to vector<16xf32>
    %swap3A_997 = vector.shape_cast %broadcast_in_dim3A_34 : vector<16xf32> to vector<16xf32>
    tpu.vector_store %arg21[%swap3A_994], %swap3A_997 {strides = array<i32>} : memref<640xf32, #tpu.memory_space<vmem>>, vector<16xf32>,
    %swap3A_998 = arith.constant 624 : index
    %swap3A_999 = tpu.vector_load %arg21[%swap3A_998] {strides = array<i32>} : memref<640xf32, #tpu.memory_space<vmem>>, vector<16xf32>,
    %swap3A_1000 = vector.shape_cast %swap3A_999 : vector<16xf32> to vector<16xf32>
    %swap3A_1001 = vector.shape_cast %broadcast_in_dim3A_34 : vector<16xf32> to vector<16xf32>
    tpu.vector_store %arg21[%swap3A_998], %swap3A_1001 {strides = array<i32>} : memref<640xf32, #tpu.memory_space<vmem>>, vector<16xf32>,
    "tpu.region"() ({
      %run_scoped3A = tpu.sem_alloc : memref<!tpu.dma_semaphore, #tpu.memory_space<semaphore_mem>>
      %dma_start3A_1120 = tpu.memref_slice %arg22[%mul3A_803] : memref<10240xf32, #tpu.memory_space<vmem_shared>> -> memref<640xf32, #tpu.memory_space<vmem_shared>>
      %dma_start3A_1121 = tpu.memref_slice %arg22[%mul3A_803] : memref<10240xf32, #tpu.memory_space<vmem_shared>> -> memref<640xf32, #tpu.memory_space<vmem_shared>>
      tpu.enqueue_dma source(%arg21 : memref<640xf32, #tpu.memory_space<vmem>>) target(%dma_start3A_1121 : memref<640xf32, #tpu.memory_space<vmem_shared>>) target_semaphore(%run_scoped3A : memref<!tpu.dma_semaphore, #tpu.memory_space<semaphore_mem>>)
      %dma_wait3A_1122 = tpu.memref_slice %arg22[%mul3A_803] : memref<10240xf32, #tpu.memory_space<vmem_shared>> -> memref<640xf32, #tpu.memory_space<vmem_shared>>
      %dma_wait3A_1123 = tpu.memref_slice %arg22[%mul3A_803] : memref<10240xf32, #tpu.memory_space<vmem_shared>> -> memref<640xf32, #tpu.memory_space<vmem_shared>>
      tpu.wait_dma2 semaphore(%run_scoped3A : memref<!tpu.dma_semaphore, #tpu.memory_space<semaphore_mem>>) src(%arg21 : memref<640xf32, #tpu.memory_space<vmem>>) dst(%dma_wait3A_1123 : memref<640xf32, #tpu.memory_space<vmem_shared>>)
      tpu.yield
    }) : () -> ()
    %barrier3A = arith.constant 0 : index
    tpu.barrier barrier_id(%barrier3A)
    %dma_wait3A = arith.constant 0 : i32
    %dma_wait3A_1002 = tpu.memref_slice %arg4[%mul3A_22, %dma_wait3A] : memref<2508x128xi32, #tpu.memory_space<hbm>> -> memref<88x128xi32, #tpu.memory_space<hbm>>
    %dma_wait3A_1003 = arith.constant 0 : i32
    %dma_wait3A_1004 = tpu.memref_slice %arg4[%mul3A_22, %dma_wait3A_1003] : memref<2508x128xi32, #tpu.memory_space<hbm>> -> memref<88x128xi32, #tpu.memory_space<hbm>>
    tpu.wait_dma2 semaphore(%arg19 : memref<!tpu.dma_semaphore, #tpu.memory_space<semaphore_mem>>) src(%dma_wait3A_1004 : memref<88x128xi32, #tpu.memory_space<hbm>>) dst(%arg9 : memref<88x128xi32, #tpu.memory_space<vmem>>)
    %dma_wait3A_1005 = tpu.memref_slice %arg3[%mul3A_25] : memref<320000xi32, #tpu.memory_space<hbm>> -> memref<128xi32, #tpu.memory_space<hbm>>
    %dma_wait3A_1006 = tpu.memref_slice %arg3[%mul3A_25] : memref<320000xi32, #tpu.memory_space<hbm>> -> memref<128xi32, #tpu.memory_space<hbm>>
    tpu.wait_dma2 semaphore(%arg18 : memref<!tpu.dma_semaphore, #tpu.memory_space<semaphore_mem>>) src(%dma_wait3A_1006 : memref<128xi32, #tpu.memory_space<hbm>>) dst(%arg7 : memref<128xi32, #tpu.memory_space<vmem>>)
    %dma_start3A_1007 = arith.constant 0 : i32
    %dma_start3A_1008 = arith.constant 0 : i32
    %dma_start3A_1009 = tpu.memref_slice %arg2[%dma_start3A_1007, %dma_start3A_1008] : memref<10000x128xf32, #tpu.memory_space<hbm>> -> memref<10000x128xf32, #tpu.memory_space<hbm>>
    tpu.enqueue_indirect_dma source(%dma_start3A_1009 : memref<10000x128xf32, #tpu.memory_space<hbm>>) target(%arg10 : memref<128x128xf32, #tpu.memory_space<vmem>>) offsets(%arg7 : memref<128xi32, #tpu.memory_space<vmem>>) semaphore(%arg14 : memref<!tpu.dma_semaphore, #tpu.memory_space<semaphore_mem>>)
    %add3A_1010 = arith.constant 128 : i32
    %add3A_1011 = arith.addi %mul3A_25, %add3A_1010 : i32
    %dma_start3A_1012 = tpu.memref_slice %arg3[%add3A_1011] : memref<320000xi32, #tpu.memory_space<hbm>> -> memref<128xi32, #tpu.memory_space<hbm>>
    %dma_start3A_1013 = tpu.memref_slice %arg3[%add3A_1011] : memref<320000xi32, #tpu.memory_space<hbm>> -> memref<128xi32, #tpu.memory_space<hbm>>
    tpu.enqueue_dma source(%dma_start3A_1013 : memref<128xi32, #tpu.memory_space<hbm>>) target(%arg8 : memref<128xi32, #tpu.memory_space<vmem>>) target_semaphore(%arg18 : memref<!tpu.dma_semaphore, #tpu.memory_space<semaphore_mem>>)
    %dma_wait3A_1014 = tpu.memref_slice %arg3[%mul3A_25] : memref<320000xi32, #tpu.memory_space<hbm>> -> memref<128xi32, #tpu.memory_space<hbm>>
    %dma_wait3A_1015 = tpu.memref_slice %arg3[%mul3A_25] : memref<320000xi32, #tpu.memory_space<hbm>> -> memref<128xi32, #tpu.memory_space<hbm>>
    tpu.wait_dma2 semaphore(%arg18 : memref<!tpu.dma_semaphore, #tpu.memory_space<semaphore_mem>>) src(%dma_wait3A_1015 : memref<128xi32, #tpu.memory_space<hbm>>) dst(%arg8 : memref<128xi32, #tpu.memory_space<vmem>>)
    %dma_start3A_1016 = arith.constant 0 : i32
    %dma_start3A_1017 = arith.constant 0 : i32
    %dma_start3A_1018 = tpu.memref_slice %arg2[%dma_start3A_1016, %dma_start3A_1017] : memref<10000x128xf32, #tpu.memory_space<hbm>> -> memref<10000x128xf32, #tpu.memory_space<hbm>>
    tpu.enqueue_indirect_dma source(%dma_start3A_1018 : memref<10000x128xf32, #tpu.memory_space<hbm>>) target(%arg11 : memref<128x128xf32, #tpu.memory_space<vmem>>) offsets(%arg8 : memref<128xi32, #tpu.memory_space<vmem>>) semaphore(%arg15 : memref<!tpu.dma_semaphore, #tpu.memory_space<semaphore_mem>>)
    %dma_wait3A_1019 = arith.constant 0 : i32
    %dma_wait3A_1020 = arith.constant 0 : i32
    %dma_wait3A_1021 = tpu.memref_slice %arg2[%dma_wait3A_1019, %dma_wait3A_1020] : memref<10000x128xf32, #tpu.memory_space<hbm>> -> memref<10000x128xf32, #tpu.memory_space<hbm>>
    tpu.wait_indirect_dma semaphore(%arg14 : memref<!tpu.dma_semaphore, #tpu.memory_space<semaphore_mem>>) src(%dma_wait3A_1021 : memref<10000x128xf32, #tpu.memory_space<hbm>>) dst(%arg10 : memref<128x128xf32, #tpu.memory_space<vmem>>)
    %add3A_1022 = arith.constant 0 : i32
    %add3A_1023 = arith.addi %sub3A_23, %add3A_1022 : i32
    %dma_start3A_1024 = arith.constant 0 : i32
    %dma_start3A_1025 = tpu.memref_slice %arg9[%add3A_1023, %dma_start3A_1024] : memref<88x128xi32, #tpu.memory_space<vmem>> -> memref<1x128xi32, #tpu.memory_space<vmem>>
    %dma_start3A_1026 = tpu.memref_squeeze %dma_start3A_1025 : memref<1x128xi32, #tpu.memory_space<vmem>> -> memref<128xi32, #tpu.memory_space<vmem>>
    %dma_start3A_1027 = arith.constant 0 : i32
    %dma_start3A_1028 = arith.constant 0 : i32
    %dma_start3A_1029 = tpu.memref_slice %arg13[%dma_start3A_1027, %dma_start3A_1028] : memref<10240x128xf32, #tpu.memory_space<vmem_shared>> -> memref<10240x128xf32, #tpu.memory_space<vmem_shared>>
    tpu.enqueue_indirect_dma source(%arg10 : memref<128x128xf32, #tpu.memory_space<vmem>>) target(%dma_start3A_1029 : memref<10240x128xf32, #tpu.memory_space<vmem_shared>>) offsets(%dma_start3A_1026 : memref<128xi32, #tpu.memory_space<vmem>>) semaphore(%arg16 : memref<!tpu.dma_semaphore, #tpu.memory_space<semaphore_mem>>) {add = true}
    %add3A_1030 = arith.constant 0 : i32
    %add3A_1031 = arith.addi %sub3A_23, %add3A_1030 : i32
    %dma_start3A_1032 = arith.constant 0 : i32
    %dma_start3A_1033 = tpu.memref_slice %arg9[%add3A_1031, %dma_start3A_1032] : memref<88x128xi32, #tpu.memory_space<vmem>> -> memref<1x128xi32, #tpu.memory_space<vmem>>
    %dma_start3A_1034 = tpu.memref_squeeze %dma_start3A_1033 : memref<1x128xi32, #tpu.memory_space<vmem>> -> memref<128xi32, #tpu.memory_space<vmem>>
    %dma_start3A_1035 = arith.constant 0 : i32
    %dma_start3A_1036 = tpu.memref_slice %arg22[%dma_start3A_1035] : memref<10240xf32, #tpu.memory_space<vmem_shared>> -> memref<10240xf32, #tpu.memory_space<vmem_shared>>
    tpu.enqueue_indirect_dma source(%arg20 : memref<128xf32, #tpu.memory_space<vmem>>) target(%dma_start3A_1036 : memref<10240xf32, #tpu.memory_space<vmem_shared>>) offsets(%dma_start3A_1034 : memref<128xi32, #tpu.memory_space<vmem>>) semaphore(%arg23 : memref<!tpu.dma_semaphore, #tpu.memory_space<semaphore_mem>>) {add = true}
    %add3A_1037 = arith.constant 256 : i32
    %add3A_1038 = arith.addi %mul3A_25, %add3A_1037 : i32
    %dma_start3A_1039 = tpu.memref_slice %arg3[%add3A_1038] : memref<320000xi32, #tpu.memory_space<hbm>> -> memref<128xi32, #tpu.memory_space<hbm>>
    %dma_start3A_1040 = tpu.memref_slice %arg3[%add3A_1038] : memref<320000xi32, #tpu.memory_space<hbm>> -> memref<128xi32, #tpu.memory_space<hbm>>
    tpu.enqueue_dma source(%dma_start3A_1040 : memref<128xi32, #tpu.memory_space<hbm>>) target(%arg7 : memref<128xi32, #tpu.memory_space<vmem>>) target_semaphore(%arg18 : memref<!tpu.dma_semaphore, #tpu.memory_space<semaphore_mem>>)
    %dma_wait3A_1041 = arith.constant 0 : i32
    %dma_wait3A_1042 = arith.constant 0 : i32
    %dma_wait3A_1043 = tpu.memref_slice %arg9[%dma_wait3A_1041, %dma_wait3A_1042] : memref<88x128xi32, #tpu.memory_space<vmem>> -> memref<1x128xi32, #tpu.memory_space<vmem>>
    %dma_wait3A_1044 = tpu.memref_squeeze %dma_wait3A_1043 : memref<1x128xi32, #tpu.memory_space<vmem>> -> memref<128xi32, #tpu.memory_space<vmem>>
    %dma_wait3A_1045 = arith.constant 0 : i32
    %dma_wait3A_1046 = arith.constant 0 : i32
    %dma_wait3A_1047 = tpu.memref_slice %arg13[%dma_wait3A_1045, %dma_wait3A_1046] : memref<10240x128xf32, #tpu.memory_space<vmem_shared>> -> memref<10240x128xf32, #tpu.memory_space<vmem_shared>>
    tpu.wait_indirect_dma semaphore(%arg16 : memref<!tpu.dma_semaphore, #tpu.memory_space<semaphore_mem>>) src(%arg10 : memref<128x128xf32, #tpu.memory_space<vmem>>) dst(%dma_wait3A_1047 : memref<10240x128xf32, #tpu.memory_space<vmem_shared>>)
    %dma_wait3A_1048 = tpu.memref_slice %arg3[%mul3A_25] : memref<320000xi32, #tpu.memory_space<hbm>> -> memref<128xi32, #tpu.memory_space<hbm>>
    %dma_wait3A_1049 = tpu.memref_slice %arg3[%mul3A_25] : memref<320000xi32, #tpu.memory_space<hbm>> -> memref<128xi32, #tpu.memory_space<hbm>>
    tpu.wait_dma2 semaphore(%arg18 : memref<!tpu.dma_semaphore, #tpu.memory_space<semaphore_mem>>) src(%dma_wait3A_1049 : memref<128xi32, #tpu.memory_space<hbm>>) dst(%arg7 : memref<128xi32, #tpu.memory_space<vmem>>)
    %dma_start3A_1050 = arith.constant 0 : i32
    %dma_start3A_1051 = arith.constant 0 : i32
    %dma_start3A_1052 = tpu.memref_slice %arg2[%dma_start3A_1050, %dma_start3A_1051] : memref<10000x128xf32, #tpu.memory_space<hbm>> -> memref<10000x128xf32, #tpu.memory_space<hbm>>
    tpu.enqueue_indirect_dma source(%dma_start3A_1052 : memref<10000x128xf32, #tpu.memory_space<hbm>>) target(%arg10 : memref<128x128xf32, #tpu.memory_space<vmem>>) offsets(%arg7 : memref<128xi32, #tpu.memory_space<vmem>>) semaphore(%arg14 : memref<!tpu.dma_semaphore, #tpu.memory_space<semaphore_mem>>)
    %dma_wait3A_1053 = arith.constant 0 : i32
    %dma_wait3A_1054 = arith.constant 0 : i32
    %dma_wait3A_1055 = tpu.memref_slice %arg2[%dma_wait3A_1053, %dma_wait3A_1054] : memref<10000x128xf32, #tpu.memory_space<hbm>> -> memref<10000x128xf32, #tpu.memory_space<hbm>>
    tpu.wait_indirect_dma semaphore(%arg15 : memref<!tpu.dma_semaphore, #tpu.memory_space<semaphore_mem>>) src(%dma_wait3A_1055 : memref<10000x128xf32, #tpu.memory_space<hbm>>) dst(%arg11 : memref<128x128xf32, #tpu.memory_space<vmem>>)
    %add3A_1056 = arith.constant 1 : i32
    %add3A_1057 = arith.addi %sub3A_23, %add3A_1056 : i32
    %dma_start3A_1058 = arith.constant 0 : i32
    %dma_start3A_1059 = tpu.memref_slice %arg9[%add3A_1057, %dma_start3A_1058] : memref<88x128xi32, #tpu.memory_space<vmem>> -> memref<1x128xi32, #tpu.memory_space<vmem>>
    %dma_start3A_1060 = tpu.memref_squeeze %dma_start3A_1059 : memref<1x128xi32, #tpu.memory_space<vmem>> -> memref<128xi32, #tpu.memory_space<vmem>>
    %dma_start3A_1061 = arith.constant 0 : i32
    %dma_start3A_1062 = arith.constant 0 : i32
    %dma_start3A_1063 = tpu.memref_slice %arg13[%dma_start3A_1061, %dma_start3A_1062] : memref<10240x128xf32, #tpu.memory_space<vmem_shared>> -> memref<10240x128xf32, #tpu.memory_space<vmem_shared>>
    tpu.enqueue_indirect_dma source(%arg11 : memref<128x128xf32, #tpu.memory_space<vmem>>) target(%dma_start3A_1063 : memref<10240x128xf32, #tpu.memory_space<vmem_shared>>) offsets(%dma_start3A_1060 : memref<128xi32, #tpu.memory_space<vmem>>) semaphore(%arg17 : memref<!tpu.dma_semaphore, #tpu.memory_space<semaphore_mem>>) {add = true}
    %add3A_1064 = arith.constant 1 : i32
    %add3A_1065 = arith.addi %sub3A_23, %add3A_1064 : i32
    %dma_start3A_1066 = arith.constant 0 : i32
    %dma_start3A_1067 = tpu.memref_slice %arg9[%add3A_1065, %dma_start3A_1066] : memref<88x128xi32, #tpu.memory_space<vmem>> -> memref<1x128xi32, #tpu.memory_space<vmem>>
    %dma_start3A_1068 = tpu.memref_squeeze %dma_start3A_1067 : memref<1x128xi32, #tpu.memory_space<vmem>> -> memref<128xi32, #tpu.memory_space<vmem>>
    %dma_start3A_1069 = arith.constant 0 : i32
    %dma_start3A_1070 = tpu.memref_slice %arg22[%dma_start3A_1069] : memref<10240xf32, #tpu.memory_space<vmem_shared>> -> memref<10240xf32, #tpu.memory_space<vmem_shared>>
    tpu.enqueue_indirect_dma source(%arg20 : memref<128xf32, #tpu.memory_space<vmem>>) target(%dma_start3A_1070 : memref<10240xf32, #tpu.memory_space<vmem_shared>>) offsets(%dma_start3A_1068 : memref<128xi32, #tpu.memory_space<vmem>>) semaphore(%arg24 : memref<!tpu.dma_semaphore, #tpu.memory_space<semaphore_mem>>) {add = true}
    %add3A_1071 = arith.constant 384 : i32
    %add3A_1072 = arith.addi %mul3A_25, %add3A_1071 : i32
    %dma_start3A_1073 = tpu.memref_slice %arg3[%add3A_1072] : memref<320000xi32, #tpu.memory_space<hbm>> -> memref<128xi32, #tpu.memory_space<hbm>>
    %dma_start3A_1074 = tpu.memref_slice %arg3[%add3A_1072] : memref<320000xi32, #tpu.memory_space<hbm>> -> memref<128xi32, #tpu.memory_space<hbm>>
    tpu.enqueue_dma source(%dma_start3A_1074 : memref<128xi32, #tpu.memory_space<hbm>>) target(%arg8 : memref<128xi32, #tpu.memory_space<vmem>>) target_semaphore(%arg18 : memref<!tpu.dma_semaphore, #tpu.memory_space<semaphore_mem>>)
    %dma_wait3A_1075 = arith.constant 0 : i32
    %dma_wait3A_1076 = arith.constant 0 : i32
    %dma_wait3A_1077 = tpu.memref_slice %arg9[%dma_wait3A_1075, %dma_wait3A_1076] : memref<88x128xi32, #tpu.memory_space<vmem>> -> memref<1x128xi32, #tpu.memory_space<vmem>>
    %dma_wait3A_1078 = tpu.memref_squeeze %dma_wait3A_1077 : memref<1x128xi32, #tpu.memory_space<vmem>> -> memref<128xi32, #tpu.memory_space<vmem>>
    %dma_wait3A_1079 = arith.constant 0 : i32
    %dma_wait3A_1080 = arith.constant 0 : i32
    %dma_wait3A_1081 = tpu.memref_slice %arg13[%dma_wait3A_1079, %dma_wait3A_1080] : memref<10240x128xf32, #tpu.memory_space<vmem_shared>> -> memref<10240x128xf32, #tpu.memory_space<vmem_shared>>
    tpu.wait_indirect_dma semaphore(%arg17 : memref<!tpu.dma_semaphore, #tpu.memory_space<semaphore_mem>>) src(%arg11 : memref<128x128xf32, #tpu.memory_space<vmem>>) dst(%dma_wait3A_1081 : memref<10240x128xf32, #tpu.memory_space<vmem_shared>>)
    %dma_wait3A_1082 = tpu.memref_slice %arg3[%mul3A_25] : memref<320000xi32, #tpu.memory_space<hbm>> -> memref<128xi32, #tpu.memory_space<hbm>>
    %dma_wait3A_1083 = tpu.memref_slice %arg3[%mul3A_25] : memref<320000xi32, #tpu.memory_space<hbm>> -> memref<128xi32, #tpu.memory_space<hbm>>
    tpu.wait_dma2 semaphore(%arg18 : memref<!tpu.dma_semaphore, #tpu.memory_space<semaphore_mem>>) src(%dma_wait3A_1083 : memref<128xi32, #tpu.memory_space<hbm>>) dst(%arg8 : memref<128xi32, #tpu.memory_space<vmem>>)
    %dma_start3A_1084 = arith.constant 0 : i32
    %dma_start3A_1085 = arith.constant 0 : i32
    %dma_start3A_1086 = tpu.memref_slice %arg2[%dma_start3A_1084, %dma_start3A_1085] : memref<10000x128xf32, #tpu.memory_space<hbm>> -> memref<10000x128xf32, #tpu.memory_space<hbm>>
    tpu.enqueue_indirect_dma source(%dma_start3A_1086 : memref<10000x128xf32, #tpu.memory_space<hbm>>) target(%arg11 : memref<128x128xf32, #tpu.memory_space<vmem>>) offsets(%arg8 : memref<128xi32, #tpu.memory_space<vmem>>) semaphore(%arg15 : memref<!tpu.dma_semaphore, #tpu.memory_space<semaphore_mem>>)
    %scan3A_1087 = arith.constant 0 : i32
    %scan3A_1088 = arith.constant 38 : i32
    %scan3A_1089 = arith.addi %scan3A_1087, %scan3A_1088 : i32
    %scan3A_1090 = arith.constant 1 : i32
    scf.for %scan3A_1120 = %scan3A_1087 to %scan3A_1089 step %scan3A_1090  : i32 {
      %mul3A_1121 = arith.constant 2 : i32
      %mul3A_1122 = arith.muli %scan3A_1120, %mul3A_1121 : i32
      %add3A_1123 = arith.constant 2 : i32
      %add3A_1124 = arith.addi %add3A_1123, %mul3A_1122 : i32
      %add3A_1125 = arith.constant 0 : i32
      %add3A_1126 = arith.addi %add3A_1124, %add3A_1125 : i32
      %dma_wait3A_1127 = arith.constant 0 : i32
      %dma_wait3A_1128 = arith.constant 0 : i32
      %dma_wait3A_1129 = tpu.memref_slice %arg2[%dma_wait3A_1127, %dma_wait3A_1128] : memref<10000x128xf32, #tpu.memory_space<hbm>> -> memref<10000x128xf32, #tpu.memory_space<hbm>>
      tpu.wait_indirect_dma semaphore(%arg14 : memref<!tpu.dma_semaphore, #tpu.memory_space<semaphore_mem>>) src(%dma_wait3A_1129 : memref<10000x128xf32, #tpu.memory_space<hbm>>) dst(%arg10 : memref<128x128xf32, #tpu.memory_space<vmem>>)
      %add3A_1130 = arith.addi %sub3A_23, %add3A_1126 : i32
      %dma_start3A_1131 = arith.constant 0 : i32
      %dma_start3A_1132 = tpu.memref_slice %arg9[%add3A_1130, %dma_start3A_1131] : memref<88x128xi32, #tpu.memory_space<vmem>> -> memref<1x128xi32, #tpu.memory_space<vmem>>
      %dma_start3A_1133 = tpu.memref_squeeze %dma_start3A_1132 : memref<1x128xi32, #tpu.memory_space<vmem>> -> memref<128xi32, #tpu.memory_space<vmem>>
      %dma_start3A_1134 = arith.constant 0 : i32
      %dma_start3A_1135 = arith.constant 0 : i32
      %dma_start3A_1136 = tpu.memref_slice %arg13[%dma_start3A_1134, %dma_start3A_1135] : memref<10240x128xf32, #tpu.memory_space<vmem_shared>> -> memref<10240x128xf32, #tpu.memory_space<vmem_shared>>
      tpu.enqueue_indirect_dma source(%arg10 : memref<128x128xf32, #tpu.memory_space<vmem>>) target(%dma_start3A_1136 : memref<10240x128xf32, #tpu.memory_space<vmem_shared>>) offsets(%dma_start3A_1133 : memref<128xi32, #tpu.memory_space<vmem>>) semaphore(%arg16 : memref<!tpu.dma_semaphore, #tpu.memory_space<semaphore_mem>>) {add = true}
      %dma_wait3A_1137 = arith.constant 0 : i32
      %dma_wait3A_1138 = arith.constant 0 : i32
      %dma_wait3A_1139 = tpu.memref_slice %arg9[%dma_wait3A_1137, %dma_wait3A_1138] : memref<88x128xi32, #tpu.memory_space<vmem>> -> memref<1x128xi32, #tpu.memory_space<vmem>>
      %dma_wait3A_1140 = tpu.memref_squeeze %dma_wait3A_1139 : memref<1x128xi32, #tpu.memory_space<vmem>> -> memref<128xi32, #tpu.memory_space<vmem>>
      %dma_wait3A_1141 = arith.constant 0 : i32
      %dma_wait3A_1142 = tpu.memref_slice %arg22[%dma_wait3A_1141] : memref<10240xf32, #tpu.memory_space<vmem_shared>> -> memref<10240xf32, #tpu.memory_space<vmem_shared>>
      tpu.wait_indirect_dma semaphore(%arg23 : memref<!tpu.dma_semaphore, #tpu.memory_space<semaphore_mem>>) src(%arg20 : memref<128xf32, #tpu.memory_space<vmem>>) dst(%dma_wait3A_1142 : memref<10240xf32, #tpu.memory_space<vmem_shared>>)
      %add3A_1143 = arith.addi %sub3A_23, %add3A_1126 : i32
      %dma_start3A_1144 = arith.constant 0 : i32
      %dma_start3A_1145 = tpu.memref_slice %arg9[%add3A_1143, %dma_start3A_1144] : memref<88x128xi32, #tpu.memory_space<vmem>> -> memref<1x128xi32, #tpu.memory_space<vmem>>
      %dma_start3A_1146 = tpu.memref_squeeze %dma_start3A_1145 : memref<1x128xi32, #tpu.memory_space<vmem>> -> memref<128xi32, #tpu.memory_space<vmem>>
      %dma_start3A_1147 = arith.constant 0 : i32
      %dma_start3A_1148 = tpu.memref_slice %arg22[%dma_start3A_1147] : memref<10240xf32, #tpu.memory_space<vmem_shared>> -> memref<10240xf32, #tpu.memory_space<vmem_shared>>
      tpu.enqueue_indirect_dma source(%arg20 : memref<128xf32, #tpu.memory_space<vmem>>) target(%dma_start3A_1148 : memref<10240xf32, #tpu.memory_space<vmem_shared>>) offsets(%dma_start3A_1146 : memref<128xi32, #tpu.memory_space<vmem>>) semaphore(%arg23 : memref<!tpu.dma_semaphore, #tpu.memory_space<semaphore_mem>>) {add = true}
      %add3A_1149 = arith.constant 2 : i32
      %add3A_1150 = arith.addi %add3A_1126, %add3A_1149 : i32
      %lt3A_1151 = arith.constant 78 : i32
      %lt3A_1152 = arith.cmpi slt, %add3A_1150, %lt3A_1151 : i32
      %convert_element_type3A_1153 = arith.extui %lt3A_1152 : i1 to i32
      %cond3A_1154 = arith.constant 0 : i32
      %cond3A_1155 = arith.cmpi ne, %convert_element_type3A_1153, %cond3A_1154 : i32
      scf.if %cond3A_1155 {
        %add3A_1187 = arith.constant 2 : i32
        %add3A_1188 = arith.addi %add3A_1126, %add3A_1187 : i32
        %mul3A_1189 = arith.constant 128 : i32
        %mul3A_1190 = arith.muli %add3A_1188, %mul3A_1189 : i32
        %add3A_1191 = arith.addi %mul3A_25, %mul3A_1190 : i32
        %dma_start3A_1192 = tpu.memref_slice %arg3[%add3A_1191] : memref<320000xi32, #tpu.memory_space<hbm>> -> memref<128xi32, #tpu.memory_space<hbm>>
        %dma_start3A_1193 = tpu.memref_slice %arg3[%add3A_1191] : memref<320000xi32, #tpu.memory_space<hbm>> -> memref<128xi32, #tpu.memory_space<hbm>>
        tpu.enqueue_dma source(%dma_start3A_1193 : memref<128xi32, #tpu.memory_space<hbm>>) target(%arg7 : memref<128xi32, #tpu.memory_space<vmem>>) target_semaphore(%arg18 : memref<!tpu.dma_semaphore, #tpu.memory_space<semaphore_mem>>)
        %dma_wait3A_1194 = arith.constant 0 : i32
        %dma_wait3A_1195 = arith.constant 0 : i32
        %dma_wait3A_1196 = tpu.memref_slice %arg9[%dma_wait3A_1194, %dma_wait3A_1195] : memref<88x128xi32, #tpu.memory_space<vmem>> -> memref<1x128xi32, #tpu.memory_space<vmem>>
        %dma_wait3A_1197 = tpu.memref_squeeze %dma_wait3A_1196 : memref<1x128xi32, #tpu.memory_space<vmem>> -> memref<128xi32, #tpu.memory_space<vmem>>
        %dma_wait3A_1198 = arith.constant 0 : i32
        %dma_wait3A_1199 = arith.constant 0 : i32
        %dma_wait3A_1200 = tpu.memref_slice %arg13[%dma_wait3A_1198, %dma_wait3A_1199] : memref<10240x128xf32, #tpu.memory_space<vmem_shared>> -> memref<10240x128xf32, #tpu.memory_space<vmem_shared>>
        tpu.wait_indirect_dma semaphore(%arg16 : memref<!tpu.dma_semaphore, #tpu.memory_space<semaphore_mem>>) src(%arg10 : memref<128x128xf32, #tpu.memory_space<vmem>>) dst(%dma_wait3A_1200 : memref<10240x128xf32, #tpu.memory_space<vmem_shared>>)
        %dma_wait3A_1201 = tpu.memref_slice %arg3[%mul3A_25] : memref<320000xi32, #tpu.memory_space<hbm>> -> memref<128xi32, #tpu.memory_space<hbm>>
        %dma_wait3A_1202 = tpu.memref_slice %arg3[%mul3A_25] : memref<320000xi32, #tpu.memory_space<hbm>> -> memref<128xi32, #tpu.memory_space<hbm>>
        tpu.wait_dma2 semaphore(%arg18 : memref<!tpu.dma_semaphore, #tpu.memory_space<semaphore_mem>>) src(%dma_wait3A_1202 : memref<128xi32, #tpu.memory_space<hbm>>) dst(%arg7 : memref<128xi32, #tpu.memory_space<vmem>>)
        %dma_start3A_1203 = arith.constant 0 : i32
        %dma_start3A_1204 = arith.constant 0 : i32
        %dma_start3A_1205 = tpu.memref_slice %arg2[%dma_start3A_1203, %dma_start3A_1204] : memref<10000x128xf32, #tpu.memory_space<hbm>> -> memref<10000x128xf32, #tpu.memory_space<hbm>>
        tpu.enqueue_indirect_dma source(%dma_start3A_1205 : memref<10000x128xf32, #tpu.memory_space<hbm>>) target(%arg10 : memref<128x128xf32, #tpu.memory_space<vmem>>) offsets(%arg7 : memref<128xi32, #tpu.memory_space<vmem>>) semaphore(%arg14 : memref<!tpu.dma_semaphore, #tpu.memory_space<semaphore_mem>>)
      } else {
      }
      %add3A_1156 = arith.constant 1 : i32
      %add3A_1157 = arith.addi %add3A_1124, %add3A_1156 : i32
      %dma_wait3A_1158 = arith.constant 0 : i32
      %dma_wait3A_1159 = arith.constant 0 : i32
      %dma_wait3A_1160 = tpu.memref_slice %arg2[%dma_wait3A_1158, %dma_wait3A_1159] : memref<10000x128xf32, #tpu.memory_space<hbm>> -> memref<10000x128xf32, #tpu.memory_space<hbm>>
      tpu.wait_indirect_dma semaphore(%arg15 : memref<!tpu.dma_semaphore, #tpu.memory_space<semaphore_mem>>) src(%dma_wait3A_1160 : memref<10000x128xf32, #tpu.memory_space<hbm>>) dst(%arg11 : memref<128x128xf32, #tpu.memory_space<vmem>>)
      %add3A_1161 = arith.addi %sub3A_23, %add3A_1157 : i32
      %dma_start3A_1162 = arith.constant 0 : i32
      %dma_start3A_1163 = tpu.memref_slice %arg9[%add3A_1161, %dma_start3A_1162] : memref<88x128xi32, #tpu.memory_space<vmem>> -> memref<1x128xi32, #tpu.memory_space<vmem>>
      %dma_start3A_1164 = tpu.memref_squeeze %dma_start3A_1163 : memref<1x128xi32, #tpu.memory_space<vmem>> -> memref<128xi32, #tpu.memory_space<vmem>>
      %dma_start3A_1165 = arith.constant 0 : i32
      %dma_start3A_1166 = arith.constant 0 : i32
      %dma_start3A_1167 = tpu.memref_slice %arg13[%dma_start3A_1165, %dma_start3A_1166] : memref<10240x128xf32, #tpu.memory_space<vmem_shared>> -> memref<10240x128xf32, #tpu.memory_space<vmem_shared>>
      tpu.enqueue_indirect_dma source(%arg11 : memref<128x128xf32, #tpu.memory_space<vmem>>) target(%dma_start3A_1167 : memref<10240x128xf32, #tpu.memory_space<vmem_shared>>) offsets(%dma_start3A_1164 : memref<128xi32, #tpu.memory_space<vmem>>) semaphore(%arg17 : memref<!tpu.dma_semaphore, #tpu.memory_space<semaphore_mem>>) {add = true}
      %dma_wait3A_1168 = arith.constant 0 : i32
      %dma_wait3A_1169 = arith.constant 0 : i32
      %dma_wait3A_1170 = tpu.memref_slice %arg9[%dma_wait3A_1168, %dma_wait3A_1169] : memref<88x128xi32, #tpu.memory_space<vmem>> -> memref<1x128xi32, #tpu.memory_space<vmem>>
      %dma_wait3A_1171 = tpu.memref_squeeze %dma_wait3A_1170 : memref<1x128xi32, #tpu.memory_space<vmem>> -> memref<128xi32, #tpu.memory_space<vmem>>
      %dma_wait3A_1172 = arith.constant 0 : i32
      %dma_wait3A_1173 = tpu.memref_slice %arg22[%dma_wait3A_1172] : memref<10240xf32, #tpu.memory_space<vmem_shared>> -> memref<10240xf32, #tpu.memory_space<vmem_shared>>
      tpu.wait_indirect_dma semaphore(%arg24 : memref<!tpu.dma_semaphore, #tpu.memory_space<semaphore_mem>>) src(%arg20 : memref<128xf32, #tpu.memory_space<vmem>>) dst(%dma_wait3A_1173 : memref<10240xf32, #tpu.memory_space<vmem_shared>>)
      %add3A_1174 = arith.addi %sub3A_23, %add3A_1157 : i32
      %dma_start3A_1175 = arith.constant 0 : i32
      %dma_start3A_1176 = tpu.memref_slice %arg9[%add3A_1174, %dma_start3A_1175] : memref<88x128xi32, #tpu.memory_space<vmem>> -> memref<1x128xi32, #tpu.memory_space<vmem>>
      %dma_start3A_1177 = tpu.memref_squeeze %dma_start3A_1176 : memref<1x128xi32, #tpu.memory_space<vmem>> -> memref<128xi32, #tpu.memory_space<vmem>>
      %dma_start3A_1178 = arith.constant 0 : i32
      %dma_start3A_1179 = tpu.memref_slice %arg22[%dma_start3A_1178] : memref<10240xf32, #tpu.memory_space<vmem_shared>> -> memref<10240xf32, #tpu.memory_space<vmem_shared>>
      tpu.enqueue_indirect_dma source(%arg20 : memref<128xf32, #tpu.memory_space<vmem>>) target(%dma_start3A_1179 : memref<10240xf32, #tpu.memory_space<vmem_shared>>) offsets(%dma_start3A_1177 : memref<128xi32, #tpu.memory_space<vmem>>) semaphore(%arg24 : memref<!tpu.dma_semaphore, #tpu.memory_space<semaphore_mem>>) {add = true}
      %add3A_1180 = arith.constant 2 : i32
      %add3A_1181 = arith.addi %add3A_1157, %add3A_1180 : i32
      %lt3A_1182 = arith.constant 78 : i32
      %lt3A_1183 = arith.cmpi slt, %add3A_1181, %lt3A_1182 : i32
      %convert_element_type3A_1184 = arith.extui %lt3A_1183 : i1 to i32
      %cond3A_1185 = arith.constant 0 : i32
      %cond3A_1186 = arith.cmpi ne, %convert_element_type3A_1184, %cond3A_1185 : i32
      scf.if %cond3A_1186 {
        %add3A_1187 = arith.constant 2 : i32
        %add3A_1188 = arith.addi %add3A_1157, %add3A_1187 : i32
        %mul3A_1189 = arith.constant 128 : i32
        %mul3A_1190 = arith.muli %add3A_1188, %mul3A_1189 : i32
        %add3A_1191 = arith.addi %mul3A_25, %mul3A_1190 : i32
        %dma_start3A_1192 = tpu.memref_slice %arg3[%add3A_1191] : memref<320000xi32, #tpu.memory_space<hbm>> -> memref<128xi32, #tpu.memory_space<hbm>>
        %dma_start3A_1193 = tpu.memref_slice %arg3[%add3A_1191] : memref<320000xi32, #tpu.memory_space<hbm>> -> memref<128xi32, #tpu.memory_space<hbm>>
        tpu.enqueue_dma source(%dma_start3A_1193 : memref<128xi32, #tpu.memory_space<hbm>>) target(%arg8 : memref<128xi32, #tpu.memory_space<vmem>>) target_semaphore(%arg18 : memref<!tpu.dma_semaphore, #tpu.memory_space<semaphore_mem>>)
        %dma_wait3A_1194 = arith.constant 0 : i32
        %dma_wait3A_1195 = arith.constant 0 : i32
        %dma_wait3A_1196 = tpu.memref_slice %arg9[%dma_wait3A_1194, %dma_wait3A_1195] : memref<88x128xi32, #tpu.memory_space<vmem>> -> memref<1x128xi32, #tpu.memory_space<vmem>>
        %dma_wait3A_1197 = tpu.memref_squeeze %dma_wait3A_1196 : memref<1x128xi32, #tpu.memory_space<vmem>> -> memref<128xi32, #tpu.memory_space<vmem>>
        %dma_wait3A_1198 = arith.constant 0 : i32
        %dma_wait3A_1199 = arith.constant 0 : i32
        %dma_wait3A_1200 = tpu.memref_slice %arg13[%dma_wait3A_1198, %dma_wait3A_1199] : memref<10240x128xf32, #tpu.memory_space<vmem_shared>> -> memref<10240x128xf32, #tpu.memory_space<vmem_shared>>
        tpu.wait_indirect_dma semaphore(%arg17 : memref<!tpu.dma_semaphore, #tpu.memory_space<semaphore_mem>>) src(%arg11 : memref<128x128xf32, #tpu.memory_space<vmem>>) dst(%dma_wait3A_1200 : memref<10240x128xf32, #tpu.memory_space<vmem_shared>>)
        %dma_wait3A_1201 = tpu.memref_slice %arg3[%mul3A_25] : memref<320000xi32, #tpu.memory_space<hbm>> -> memref<128xi32, #tpu.memory_space<hbm>>
        %dma_wait3A_1202 = tpu.memref_slice %arg3[%mul3A_25] : memref<320000xi32, #tpu.memory_space<hbm>> -> memref<128xi32, #tpu.memory_space<hbm>>
        tpu.wait_dma2 semaphore(%arg18 : memref<!tpu.dma_semaphore, #tpu.memory_space<semaphore_mem>>) src(%dma_wait3A_1202 : memref<128xi32, #tpu.memory_space<hbm>>) dst(%arg8 : memref<128xi32, #tpu.memory_space<vmem>>)
        %dma_start3A_1203 = arith.constant 0 : i32
        %dma_start3A_1204 = arith.constant 0 : i32
        %dma_start3A_1205 = tpu.memref_slice %arg2[%dma_start3A_1203, %dma_start3A_1204] : memref<10000x128xf32, #tpu.memory_space<hbm>> -> memref<10000x128xf32, #tpu.memory_space<hbm>>
        tpu.enqueue_indirect_dma source(%dma_start3A_1205 : memref<10000x128xf32, #tpu.memory_space<hbm>>) target(%arg11 : memref<128x128xf32, #tpu.memory_space<vmem>>) offsets(%arg8 : memref<128xi32, #tpu.memory_space<vmem>>) semaphore(%arg15 : memref<!tpu.dma_semaphore, #tpu.memory_space<semaphore_mem>>)
      } else {
      }
    }
    %scan3A_1091 = arith.constant 38 : i32
    %dma_wait3A_1092 = arith.constant 0 : i32
    %dma_wait3A_1093 = arith.constant 0 : i32
    %dma_wait3A_1094 = tpu.memref_slice %arg9[%dma_wait3A_1092, %dma_wait3A_1093] : memref<88x128xi32, #tpu.memory_space<vmem>> -> memref<1x128xi32, #tpu.memory_space<vmem>>
    %dma_wait3A_1095 = tpu.memref_squeeze %dma_wait3A_1094 : memref<1x128xi32, #tpu.memory_space<vmem>> -> memref<128xi32, #tpu.memory_space<vmem>>
    %dma_wait3A_1096 = arith.constant 0 : i32
    %dma_wait3A_1097 = arith.constant 0 : i32
    %dma_wait3A_1098 = tpu.memref_slice %arg13[%dma_wait3A_1096, %dma_wait3A_1097] : memref<10240x128xf32, #tpu.memory_space<vmem_shared>> -> memref<10240x128xf32, #tpu.memory_space<vmem_shared>>
    tpu.wait_indirect_dma semaphore(%arg16 : memref<!tpu.dma_semaphore, #tpu.memory_space<semaphore_mem>>) src(%arg10 : memref<128x128xf32, #tpu.memory_space<vmem>>) dst(%dma_wait3A_1098 : memref<10240x128xf32, #tpu.memory_space<vmem_shared>>)
    %dma_wait3A_1099 = arith.constant 0 : i32
    %dma_wait3A_1100 = arith.constant 0 : i32
    %dma_wait3A_1101 = tpu.memref_slice %arg9[%dma_wait3A_1099, %dma_wait3A_1100] : memref<88x128xi32, #tpu.memory_space<vmem>> -> memref<1x128xi32, #tpu.memory_space<vmem>>
    %dma_wait3A_1102 = tpu.memref_squeeze %dma_wait3A_1101 : memref<1x128xi32, #tpu.memory_space<vmem>> -> memref<128xi32, #tpu.memory_space<vmem>>
    %dma_wait3A_1103 = arith.constant 0 : i32
    %dma_wait3A_1104 = arith.constant 0 : i32
    %dma_wait3A_1105 = tpu.memref_slice %arg13[%dma_wait3A_1103, %dma_wait3A_1104] : memref<10240x128xf32, #tpu.memory_space<vmem_shared>> -> memref<10240x128xf32, #tpu.memory_space<vmem_shared>>
    tpu.wait_indirect_dma semaphore(%arg17 : memref<!tpu.dma_semaphore, #tpu.memory_space<semaphore_mem>>) src(%arg11 : memref<128x128xf32, #tpu.memory_space<vmem>>) dst(%dma_wait3A_1105 : memref<10240x128xf32, #tpu.memory_space<vmem_shared>>)
    %dma_wait3A_1106 = arith.constant 0 : i32
    %dma_wait3A_1107 = arith.constant 0 : i32
    %dma_wait3A_1108 = tpu.memref_slice %arg9[%dma_wait3A_1106, %dma_wait3A_1107] : memref<88x128xi32, #tpu.memory_space<vmem>> -> memref<1x128xi32, #tpu.memory_space<vmem>>
    %dma_wait3A_1109 = tpu.memref_squeeze %dma_wait3A_1108 : memref<1x128xi32, #tpu.memory_space<vmem>> -> memref<128xi32, #tpu.memory_space<vmem>>
    %dma_wait3A_1110 = arith.constant 0 : i32
    %dma_wait3A_1111 = tpu.memref_slice %arg22[%dma_wait3A_1110] : memref<10240xf32, #tpu.memory_space<vmem_shared>> -> memref<10240xf32, #tpu.memory_space<vmem_shared>>
    tpu.wait_indirect_dma semaphore(%arg23 : memref<!tpu.dma_semaphore, #tpu.memory_space<semaphore_mem>>) src(%arg20 : memref<128xf32, #tpu.memory_space<vmem>>) dst(%dma_wait3A_1111 : memref<10240xf32, #tpu.memory_space<vmem_shared>>)
    %dma_wait3A_1112 = arith.constant 0 : i32
    %dma_wait3A_1113 = arith.constant 0 : i32
    %dma_wait3A_1114 = tpu.memref_slice %arg9[%dma_wait3A_1112, %dma_wait3A_1113] : memref<88x128xi32, #tpu.memory_space<vmem>> -> memref<1x128xi32, #tpu.memory_space<vmem>>
    %dma_wait3A_1115 = tpu.memref_squeeze %dma_wait3A_1114 : memref<1x128xi32, #tpu.memory_space<vmem>> -> memref<128xi32, #tpu.memory_space<vmem>>
    %dma_wait3A_1116 = arith.constant 0 : i32
    %dma_wait3A_1117 = tpu.memref_slice %arg22[%dma_wait3A_1116] : memref<10240xf32, #tpu.memory_space<vmem_shared>> -> memref<10240xf32, #tpu.memory_space<vmem_shared>>
    tpu.wait_indirect_dma semaphore(%arg24 : memref<!tpu.dma_semaphore, #tpu.memory_space<semaphore_mem>>) src(%arg20 : memref<128xf32, #tpu.memory_space<vmem>>) dst(%dma_wait3A_1117 : memref<10240xf32, #tpu.memory_space<vmem_shared>>)
    %convert_element_type3A = arith.extui %lt3A_26 : i1 to i32
    %cond3A = arith.constant 0 : i32
    %cond3A_1118 = arith.cmpi ne, %convert_element_type3A, %cond3A : i32
    scf.if %cond3A_1118 {
      %add3A_1120 = arith.constant 9984 : i32
      %add3A_1121 = arith.addi %mul3A_25, %add3A_1120 : i32
      %dma_start3A_1122 = tpu.memref_slice %arg3[%add3A_1121] : memref<320000xi32, #tpu.memory_space<hbm>> -> memref<128xi32, #tpu.memory_space<hbm>>
      %dma_start3A_1123 = tpu.memref_slice %arg3[%add3A_1121] : memref<320000xi32, #tpu.memory_space<hbm>> -> memref<128xi32, #tpu.memory_space<hbm>>
      tpu.enqueue_dma source(%dma_start3A_1123 : memref<128xi32, #tpu.memory_space<hbm>>) target(%arg7 : memref<128xi32, #tpu.memory_space<vmem>>) target_semaphore(%arg19 : memref<!tpu.dma_semaphore, #tpu.memory_space<semaphore_mem>>)
      %dma_wait3A_1124 = tpu.memref_slice %arg3[%add3A_1121] : memref<320000xi32, #tpu.memory_space<hbm>> -> memref<128xi32, #tpu.memory_space<hbm>>
      %dma_wait3A_1125 = tpu.memref_slice %arg3[%add3A_1121] : memref<320000xi32, #tpu.memory_space<hbm>> -> memref<128xi32, #tpu.memory_space<hbm>>
      tpu.wait_dma2 semaphore(%arg19 : memref<!tpu.dma_semaphore, #tpu.memory_space<semaphore_mem>>) src(%dma_wait3A_1125 : memref<128xi32, #tpu.memory_space<hbm>>) dst(%arg7 : memref<128xi32, #tpu.memory_space<vmem>>)
      %dma_start3A_1126 = arith.constant 0 : i32
      %dma_start3A_1127 = arith.constant 0 : i32
      %dma_start3A_1128 = tpu.memref_slice %arg2[%dma_start3A_1126, %dma_start3A_1127] : memref<10000x128xf32, #tpu.memory_space<hbm>> -> memref<10000x128xf32, #tpu.memory_space<hbm>>
      tpu.enqueue_indirect_dma source(%dma_start3A_1128 : memref<10000x128xf32, #tpu.memory_space<hbm>>) target(%arg10 : memref<128x128xf32, #tpu.memory_space<vmem>>) offsets(%arg7 : memref<128xi32, #tpu.memory_space<vmem>>) semaphore(%arg19 : memref<!tpu.dma_semaphore, #tpu.memory_space<semaphore_mem>>)
      %dma_wait3A_1129 = arith.constant 0 : i32
      %dma_wait3A_1130 = arith.constant 0 : i32
      %dma_wait3A_1131 = tpu.memref_slice %arg2[%dma_wait3A_1129, %dma_wait3A_1130] : memref<10000x128xf32, #tpu.memory_space<hbm>> -> memref<10000x128xf32, #tpu.memory_space<hbm>>
      tpu.wait_indirect_dma semaphore(%arg19 : memref<!tpu.dma_semaphore, #tpu.memory_space<semaphore_mem>>) src(%dma_wait3A_1131 : memref<10000x128xf32, #tpu.memory_space<hbm>>) dst(%arg10 : memref<128x128xf32, #tpu.memory_space<vmem>>)
      %add3A_1132 = arith.constant 78 : i32
      %add3A_1133 = arith.addi %sub3A_23, %add3A_1132 : i32
      "tpu.region"() ({
        %run_scoped3A = tpu.sem_alloc : memref<!tpu.dma_semaphore, #tpu.memory_space<semaphore_mem>>
        %dma_start3A_1146 = arith.constant 0 : i32
        %dma_start3A_1147 = tpu.memref_slice %arg9[%add3A_1133, %dma_start3A_1146] : memref<88x128xi32, #tpu.memory_space<vmem>> -> memref<1x128xi32, #tpu.memory_space<vmem>>
        %dma_start3A_1148 = tpu.memref_squeeze %dma_start3A_1147 : memref<1x128xi32, #tpu.memory_space<vmem>> -> memref<128xi32, #tpu.memory_space<vmem>>
        %dma_start3A_1149 = arith.constant 0 : i32
        %dma_start3A_1150 = arith.constant 0 : i32
        %dma_start3A_1151 = tpu.memref_slice %arg13[%dma_start3A_1149, %dma_start3A_1150] : memref<10240x128xf32, #tpu.memory_space<vmem_shared>> -> memref<10240x128xf32, #tpu.memory_space<vmem_shared>>
        tpu.enqueue_indirect_dma source(%arg10 : memref<128x128xf32, #tpu.memory_space<vmem>>) target(%dma_start3A_1151 : memref<10240x128xf32, #tpu.memory_space<vmem_shared>>) offsets(%dma_start3A_1148 : memref<128xi32, #tpu.memory_space<vmem>>) semaphore(%run_scoped3A : memref<!tpu.dma_semaphore, #tpu.memory_space<semaphore_mem>>) {add = true}
        %dma_wait3A_1152 = arith.constant 0 : i32
        %dma_wait3A_1153 = tpu.memref_slice %arg9[%add3A_1133, %dma_wait3A_1152] : memref<88x128xi32, #tpu.memory_space<vmem>> -> memref<1x128xi32, #tpu.memory_space<vmem>>
        %dma_wait3A_1154 = tpu.memref_squeeze %dma_wait3A_1153 : memref<1x128xi32, #tpu.memory_space<vmem>> -> memref<128xi32, #tpu.memory_space<vmem>>
        %dma_wait3A_1155 = arith.constant 0 : i32
        %dma_wait3A_1156 = arith.constant 0 : i32
        %dma_wait3A_1157 = tpu.memref_slice %arg13[%dma_wait3A_1155, %dma_wait3A_1156] : memref<10240x128xf32, #tpu.memory_space<vmem_shared>> -> memref<10240x128xf32, #tpu.memory_space<vmem_shared>>
        tpu.wait_indirect_dma semaphore(%run_scoped3A : memref<!tpu.dma_semaphore, #tpu.memory_space<semaphore_mem>>) src(%arg10 : memref<128x128xf32, #tpu.memory_space<vmem>>) dst(%dma_wait3A_1157 : memref<10240x128xf32, #tpu.memory_space<vmem_shared>>)
        tpu.yield
      }) : () -> ()
      %add3A_1134 = arith.constant 78 : i32
      %add3A_1135 = arith.addi %sub3A_23, %add3A_1134 : i32
      %dma_start3A_1136 = arith.constant 0 : i32
      %dma_start3A_1137 = tpu.memref_slice %arg9[%add3A_1135, %dma_start3A_1136] : memref<88x128xi32, #tpu.memory_space<vmem>> -> memref<1x128xi32, #tpu.memory_space<vmem>>
      %dma_start3A_1138 = tpu.memref_squeeze %dma_start3A_1137 : memref<1x128xi32, #tpu.memory_space<vmem>> -> memref<128xi32, #tpu.memory_space<vmem>>
      %dma_start3A_1139 = arith.constant 0 : i32
      %dma_start3A_1140 = tpu.memref_slice %arg22[%dma_start3A_1139] : memref<10240xf32, #tpu.memory_space<vmem_shared>> -> memref<10240xf32, #tpu.memory_space<vmem_shared>>
      tpu.enqueue_indirect_dma source(%arg20 : memref<128xf32, #tpu.memory_space<vmem>>) target(%dma_start3A_1140 : memref<10240xf32, #tpu.memory_space<vmem_shared>>) offsets(%dma_start3A_1138 : memref<128xi32, #tpu.memory_space<vmem>>) semaphore(%arg19 : memref<!tpu.dma_semaphore, #tpu.memory_space<semaphore_mem>>) {add = true}
      %dma_wait3A_1141 = arith.constant 0 : i32
      %dma_wait3A_1142 = tpu.memref_slice %arg9[%add3A_1135, %dma_wait3A_1141] : memref<88x128xi32, #tpu.memory_space<vmem>> -> memref<1x128xi32, #tpu.memory_space<vmem>>
      %dma_wait3A_1143 = tpu.memref_squeeze %dma_wait3A_1142 : memref<1x128xi32, #tpu.memory_space<vmem>> -> memref<128xi32, #tpu.memory_space<vmem>>
      %dma_wait3A_1144 = arith.constant 0 : i32
      %dma_wait3A_1145 = tpu.memref_slice %arg22[%dma_wait3A_1144] : memref<10240xf32, #tpu.memory_space<vmem_shared>> -> memref<10240xf32, #tpu.memory_space<vmem_shared>>
      tpu.wait_indirect_dma semaphore(%arg19 : memref<!tpu.dma_semaphore, #tpu.memory_space<semaphore_mem>>) src(%arg20 : memref<128xf32, #tpu.memory_space<vmem>>) dst(%dma_wait3A_1145 : memref<10240xf32, #tpu.memory_space<vmem_shared>>)
    } else {
    }
    %barrier3A_1119 = arith.constant 0 : index
    tpu.barrier barrier_id(%barrier3A_1119)
    "tpu.region"() ({
      %run_scoped3A = tpu.sem_alloc : memref<!tpu.dma_semaphore, #tpu.memory_space<semaphore_mem>>
      %dma_start3A_1120 = arith.constant 0 : i32
      %dma_start3A_1121 = tpu.memref_slice %arg5[%arg0, %mul3A_803, %dma_start3A_1120] : memref<2x10240x128xf32, #tpu.memory_space<hbm>> -> memref<1x640x128xf32, #tpu.memory_space<hbm>>
      %dma_start3A_1122 = tpu.memref_squeeze %dma_start3A_1121 : memref<1x640x128xf32, #tpu.memory_space<hbm>> -> memref<640x128xf32, #tpu.memory_space<hbm>>
      %dma_start3A_1123 = arith.constant 0 : i32
      %dma_start3A_1124 = tpu.memref_slice %arg13[%mul3A_803, %dma_start3A_1123] : memref<10240x128xf32, #tpu.memory_space<vmem_shared>> -> memref<640x128xf32, #tpu.memory_space<vmem_shared>>
      tpu.enqueue_dma source(%dma_start3A_1124 : memref<640x128xf32, #tpu.memory_space<vmem_shared>>) target(%dma_start3A_1122 : memref<640x128xf32, #tpu.memory_space<hbm>>) target_semaphore(%run_scoped3A : memref<!tpu.dma_semaphore, #tpu.memory_space<semaphore_mem>>)
      %dma_wait3A_1125 = arith.constant 0 : i32
      %dma_wait3A_1126 = tpu.memref_slice %arg5[%arg0, %mul3A_803, %dma_wait3A_1125] : memref<2x10240x128xf32, #tpu.memory_space<hbm>> -> memref<1x640x128xf32, #tpu.memory_space<hbm>>
      %dma_wait3A_1127 = tpu.memref_squeeze %dma_wait3A_1126 : memref<1x640x128xf32, #tpu.memory_space<hbm>> -> memref<640x128xf32, #tpu.memory_space<hbm>>
      %dma_wait3A_1128 = arith.constant 0 : i32
      %dma_wait3A_1129 = tpu.memref_slice %arg13[%mul3A_803, %dma_wait3A_1128] : memref<10240x128xf32, #tpu.memory_space<vmem_shared>> -> memref<640x128xf32, #tpu.memory_space<vmem_shared>>
      tpu.wait_dma2 semaphore(%run_scoped3A : memref<!tpu.dma_semaphore, #tpu.memory_space<semaphore_mem>>) src(%dma_wait3A_1129 : memref<640x128xf32, #tpu.memory_space<vmem_shared>>) dst(%dma_wait3A_1127 : memref<640x128xf32, #tpu.memory_space<hbm>>)
      tpu.yield
    }) : () -> ()
    "tpu.region"() ({
      %run_scoped3A = tpu.sem_alloc : memref<!tpu.dma_semaphore, #tpu.memory_space<semaphore_mem>>
      %dma_start3A_1120 = tpu.memref_slice %arg6[%arg0, %mul3A_803] : memref<2x10240xf32, #tpu.memory_space<hbm>> -> memref<1x640xf32, #tpu.memory_space<hbm>>
      %dma_start3A_1121 = tpu.memref_squeeze %dma_start3A_1120 : memref<1x640xf32, #tpu.memory_space<hbm>> -> memref<640xf32, #tpu.memory_space<hbm>>
      %dma_start3A_1122 = tpu.memref_slice %arg22[%mul3A_803] : memref<10240xf32, #tpu.memory_space<vmem_shared>> -> memref<640xf32, #tpu.memory_space<vmem_shared>>
      tpu.enqueue_dma source(%dma_start3A_1122 : memref<640xf32, #tpu.memory_space<vmem_shared>>) target(%dma_start3A_1121 : memref<640xf32, #tpu.memory_space<hbm>>) target_semaphore(%run_scoped3A : memref<!tpu.dma_semaphore, #tpu.memory_space<semaphore_mem>>)
      %dma_wait3A_1123 = tpu.memref_slice %arg6[%arg0, %mul3A_803] : memref<2x10240xf32, #tpu.memory_space<hbm>> -> memref<1x640xf32, #tpu.memory_space<hbm>>
      %dma_wait3A_1124 = tpu.memref_squeeze %dma_wait3A_1123 : memref<1x640xf32, #tpu.memory_space<hbm>> -> memref<640xf32, #tpu.memory_space<hbm>>
      %dma_wait3A_1125 = tpu.memref_slice %arg22[%mul3A_803] : memref<10240xf32, #tpu.memory_space<vmem_shared>> -> memref<640xf32, #tpu.memory_space<vmem_shared>>
      tpu.wait_dma2 semaphore(%run_scoped3A : memref<!tpu.dma_semaphore, #tpu.memory_space<semaphore_mem>>) src(%dma_wait3A_1125 : memref<640xf32, #tpu.memory_space<vmem_shared>>) dst(%dma_wait3A_1124 : memref<640xf32, #tpu.memory_space<hbm>>)
      tpu.yield
    }) : () -> ()
    return
  }
}

#map = affine_map<(d0, d1) -> (0, 0)>
#map1 = affine_map<(d0, d1) -> (0)>
#map2 = affine_map<(d0, d1) -> (0, 0, 0)>
module attributes {stable_mosaic.version = 14 : i64} {
  func.func @_sc_segsum_body(%arg0: i32, %arg1: i32, %arg2: memref<10000x128xf32, #tpu.memory_space<hbm>>, %arg3: memref<320000xi32, #tpu.memory_space<hbm>>, %arg4: memref<2508x128xi32, #tpu.memory_space<hbm>>, %arg5: memref<2x10240x128xf32, #tpu.memory_space<hbm>>, %arg6: memref<128xi32, #tpu.memory_space<vmem>>, %arg7: memref<128xi32, #tpu.memory_space<vmem>>, %arg8: memref<88x128xi32, #tpu.memory_space<vmem>>, %arg9: memref<128x128xf32, #tpu.memory_space<vmem>>, %arg10: memref<128x128xf32, #tpu.memory_space<vmem>>, %arg11: memref<16x128xf32, #tpu.memory_space<vmem>>, %arg12: memref<10240x128xf32, #tpu.memory_space<vmem_shared>>, %arg13: memref<!tpu.dma_semaphore, #tpu.memory_space<semaphore_mem>>, %arg14: memref<!tpu.dma_semaphore, #tpu.memory_space<semaphore_mem>>, %arg15: memref<!tpu.dma_semaphore, #tpu.memory_space<semaphore_mem>>, %arg16: memref<!tpu.dma_semaphore, #tpu.memory_space<semaphore_mem>>, %arg17: memref<!tpu.dma_semaphore, #tpu.memory_space<semaphore_mem>>, %arg18: memref<!tpu.dma_semaphore, #tpu.memory_space<semaphore_mem>>) attributes {dimension_semantics = [#tpu.dimension_semantics<core_parallel>, #tpu.dimension_semantics<subcore_parallel>], iteration_bounds = array<i64: 2, 16>, scalar_prefetch = 0 : i64, scratch_operands = 13 : i64, tpu.core_type = #tpu.core_type<sc_vector_subcore>, window_params = [{transform_indices = #map}, {transform_indices = #map1}, {transform_indices = #map}, {transform_indices = #map2}]} {
    %mul3A = arith.constant 16 : i32
    %mul3A_0 = arith.muli %arg0, %mul3A : i32
    %add3A = arith.addi %mul3A_0, %arg1 : i32
    %mul3A_1 = arith.constant 78 : i32
    %mul3A_2 = arith.muli %add3A, %mul3A_1 : i32
    %min3A = arith.constant 4 : i32
    %min3A_3 = arith.minsi %add3A, %min3A : i32
    %add3A_4 = arith.addi %mul3A_2, %min3A_3 : i32
    %jit3A = arith.constant 8 : i32
    %div3A = arith.divsi %add3A_4, %jit3A : i32
    %sign3A = arith.constant 0 : i32
    %sign3A_5 = arith.cmpi sgt, %add3A_4, %sign3A : i32
    %sign3A_6 = arith.extui %sign3A_5 : i1 to i32
    %sign3A_7 = arith.constant 0 : i32
    %sign3A_8 = arith.cmpi slt, %add3A_4, %sign3A_7 : i32
    %sign3A_9 = arith.extui %sign3A_8 : i1 to i32
    %sign3A_10 = arith.subi %sign3A_6, %sign3A_9 : i32
    %sign3A_11 = arith.constant 0 : i32
    %sign3A_12 = arith.cmpi sgt, %jit3A, %sign3A_11 : i32
    %sign3A_13 = arith.extui %sign3A_12 : i1 to i32
    %sign3A_14 = arith.constant 0 : i32
    %sign3A_15 = arith.cmpi slt, %jit3A, %sign3A_14 : i32
    %sign3A_16 = arith.extui %sign3A_15 : i1 to i32
    %sign3A_17 = arith.subi %sign3A_13, %sign3A_16 : i32
    %ne3A = arith.cmpi ne, %sign3A_10, %sign3A_17 : i32
    %rem3A = arith.remsi %add3A_4, %jit3A : i32
    %ne3A_18 = arith.constant 0 : i32
    %ne3A_19 = arith.cmpi ne, %rem3A, %ne3A_18 : i32
    %and3A = arith.andi %ne3A, %ne3A_19 : i1
    %sub3A = arith.constant 1 : i32
    %sub3A_20 = arith.subi %div3A, %sub3A : i32
    %select_n3A = arith.select %and3A, %sub3A_20, %div3A : i32
    %mul3A_21 = arith.constant 8 : i32
    %mul3A_22 = arith.muli %select_n3A, %mul3A_21 : i32
    %sub3A_23 = arith.subi %add3A_4, %mul3A_22 : i32
    %mul3A_24 = arith.constant 128 : i32
    %mul3A_25 = arith.muli %add3A_4, %mul3A_24 : i32
    %lt3A = arith.constant 4 : i32
    %lt3A_26 = arith.cmpi slt, %add3A, %lt3A : i32
    %dma_start3A = arith.constant 0 : i32
    %dma_start3A_27 = tpu.memref_slice %arg4[%mul3A_22, %dma_start3A] : memref<2508x128xi32, #tpu.memory_space<hbm>> -> memref<88x128xi32, #tpu.memory_space<hbm>>
    %dma_start3A_28 = arith.constant 0 : i32
    %dma_start3A_29 = tpu.memref_slice %arg4[%mul3A_22, %dma_start3A_28] : memref<2508x128xi32, #tpu.memory_space<hbm>> -> memref<88x128xi32, #tpu.memory_space<hbm>>
    tpu.enqueue_dma source(%dma_start3A_29 : memref<88x128xi32, #tpu.memory_space<hbm>>) target(%arg8 : memref<88x128xi32, #tpu.memory_space<vmem>>) target_semaphore(%arg18 : memref<!tpu.dma_semaphore, #tpu.memory_space<semaphore_mem>>)
    %add3A_30 = arith.constant 0 : i32
    %add3A_31 = arith.addi %mul3A_25, %add3A_30 : i32
    %dma_start3A_32 = tpu.memref_slice %arg3[%add3A_31] : memref<320000xi32, #tpu.memory_space<hbm>> -> memref<128xi32, #tpu.memory_space<hbm>>
    %dma_start3A_33 = tpu.memref_slice %arg3[%add3A_31] : memref<320000xi32, #tpu.memory_space<hbm>> -> memref<128xi32, #tpu.memory_space<hbm>>
    tpu.enqueue_dma source(%dma_start3A_33 : memref<128xi32, #tpu.memory_space<hbm>>) target(%arg6 : memref<128xi32, #tpu.memory_space<vmem>>) target_semaphore(%arg17 : memref<!tpu.dma_semaphore, #tpu.memory_space<semaphore_mem>>)
    %broadcast_in_dim3A = arith.constant 0.000000e+00 : f32
    %broadcast_in_dim3A_34 = vector.broadcast %broadcast_in_dim3A : f32 to vector<16xf32>
    %swap3A = arith.constant 0 : i32
    %swap3A_35 = arith.index_cast %swap3A : i32 to index
    %swap3A_36 = arith.constant 0 : index
    %swap3A_37 = tpu.vector_load %arg11[%swap3A_35, %swap3A_36] {strides = array<i32>} : memref<16x128xf32, #tpu.memory_space<vmem>>, vector<1x16xf32>,
    %swap3A_38 = vector.shape_cast %swap3A_37 : vector<1x16xf32> to vector<16xf32>
    %swap3A_39 = vector.shape_cast %broadcast_in_dim3A_34 : vector<16xf32> to vector<1x16xf32>
    tpu.vector_store %arg11[%swap3A_35, %swap3A_36], %swap3A_39 {strides = array<i32>} : memref<16x128xf32, #tpu.memory_space<vmem>>, vector<1x16xf32>,
    %swap3A_40 = arith.constant 0 : i32
    %swap3A_41 = arith.index_cast %swap3A_40 : i32 to index
    %swap3A_42 = arith.constant 16 : index
    %swap3A_43 = tpu.vector_load %arg11[%swap3A_41, %swap3A_42] {strides = array<i32>} : memref<16x128xf32, #tpu.memory_space<vmem>>, vector<1x16xf32>,
    %swap3A_44 = vector.shape_cast %swap3A_43 : vector<1x16xf32> to vector<16xf32>
    %swap3A_45 = vector.shape_cast %broadcast_in_dim3A_34 : vector<16xf32> to vector<1x16xf32>
    tpu.vector_store %arg11[%swap3A_41, %swap3A_42], %swap3A_45 {strides = array<i32>} : memref<16x128xf32, #tpu.memory_space<vmem>>, vector<1x16xf32>,
    %swap3A_46 = arith.constant 0 : i32
    %swap3A_47 = arith.index_cast %swap3A_46 : i32 to index
    %swap3A_48 = arith.constant 32 : index
    %swap3A_49 = tpu.vector_load %arg11[%swap3A_47, %swap3A_48] {strides = array<i32>} : memref<16x128xf32, #tpu.memory_space<vmem>>, vector<1x16xf32>,
    %swap3A_50 = vector.shape_cast %swap3A_49 : vector<1x16xf32> to vector<16xf32>
    %swap3A_51 = vector.shape_cast %broadcast_in_dim3A_34 : vector<16xf32> to vector<1x16xf32>
    tpu.vector_store %arg11[%swap3A_47, %swap3A_48], %swap3A_51 {strides = array<i32>} : memref<16x128xf32, #tpu.memory_space<vmem>>, vector<1x16xf32>,
    %swap3A_52 = arith.constant 0 : i32
    %swap3A_53 = arith.index_cast %swap3A_52 : i32 to index
    %swap3A_54 = arith.constant 48 : index
    %swap3A_55 = tpu.vector_load %arg11[%swap3A_53, %swap3A_54] {strides = array<i32>} : memref<16x128xf32, #tpu.memory_space<vmem>>, vector<1x16xf32>,
    %swap3A_56 = vector.shape_cast %swap3A_55 : vector<1x16xf32> to vector<16xf32>
    %swap3A_57 = vector.shape_cast %broadcast_in_dim3A_34 : vector<16xf32> to vector<1x16xf32>
    tpu.vector_store %arg11[%swap3A_53, %swap3A_54], %swap3A_57 {strides = array<i32>} : memref<16x128xf32, #tpu.memory_space<vmem>>, vector<1x16xf32>,
    %swap3A_58 = arith.constant 0 : i32
    %swap3A_59 = arith.index_cast %swap3A_58 : i32 to index
    %swap3A_60 = arith.constant 64 : index
    %swap3A_61 = tpu.vector_load %arg11[%swap3A_59, %swap3A_60] {strides = array<i32>} : memref<16x128xf32, #tpu.memory_space<vmem>>, vector<1x16xf32>,
    %swap3A_62 = vector.shape_cast %swap3A_61 : vector<1x16xf32> to vector<16xf32>
    %swap3A_63 = vector.shape_cast %broadcast_in_dim3A_34 : vector<16xf32> to vector<1x16xf32>
    tpu.vector_store %arg11[%swap3A_59, %swap3A_60], %swap3A_63 {strides = array<i32>} : memref<16x128xf32, #tpu.memory_space<vmem>>, vector<1x16xf32>,
    %swap3A_64 = arith.constant 0 : i32
    %swap3A_65 = arith.index_cast %swap3A_64 : i32 to index
    %swap3A_66 = arith.constant 80 : index
    %swap3A_67 = tpu.vector_load %arg11[%swap3A_65, %swap3A_66] {strides = array<i32>} : memref<16x128xf32, #tpu.memory_space<vmem>>, vector<1x16xf32>,
    %swap3A_68 = vector.shape_cast %swap3A_67 : vector<1x16xf32> to vector<16xf32>
    %swap3A_69 = vector.shape_cast %broadcast_in_dim3A_34 : vector<16xf32> to vector<1x16xf32>
    tpu.vector_store %arg11[%swap3A_65, %swap3A_66], %swap3A_69 {strides = array<i32>} : memref<16x128xf32, #tpu.memory_space<vmem>>, vector<1x16xf32>,
    %swap3A_70 = arith.constant 0 : i32
    %swap3A_71 = arith.index_cast %swap3A_70 : i32 to index
    %swap3A_72 = arith.constant 96 : index
    %swap3A_73 = tpu.vector_load %arg11[%swap3A_71, %swap3A_72] {strides = array<i32>} : memref<16x128xf32, #tpu.memory_space<vmem>>, vector<1x16xf32>,
    %swap3A_74 = vector.shape_cast %swap3A_73 : vector<1x16xf32> to vector<16xf32>
    %swap3A_75 = vector.shape_cast %broadcast_in_dim3A_34 : vector<16xf32> to vector<1x16xf32>
    tpu.vector_store %arg11[%swap3A_71, %swap3A_72], %swap3A_75 {strides = array<i32>} : memref<16x128xf32, #tpu.memory_space<vmem>>, vector<1x16xf32>,
    %swap3A_76 = arith.constant 0 : i32
    %swap3A_77 = arith.index_cast %swap3A_76 : i32 to index
    %swap3A_78 = arith.constant 112 : index
    %swap3A_79 = tpu.vector_load %arg11[%swap3A_77, %swap3A_78] {strides = array<i32>} : memref<16x128xf32, #tpu.memory_space<vmem>>, vector<1x16xf32>,
    %swap3A_80 = vector.shape_cast %swap3A_79 : vector<1x16xf32> to vector<16xf32>
    %swap3A_81 = vector.shape_cast %broadcast_in_dim3A_34 : vector<16xf32> to vector<1x16xf32>
    tpu.vector_store %arg11[%swap3A_77, %swap3A_78], %swap3A_81 {strides = array<i32>} : memref<16x128xf32, #tpu.memory_space<vmem>>, vector<1x16xf32>,
    %swap3A_82 = arith.constant 1 : i32
    %swap3A_83 = arith.index_cast %swap3A_82 : i32 to index
    %swap3A_84 = arith.constant 0 : index
    %swap3A_85 = tpu.vector_load %arg11[%swap3A_83, %swap3A_84] {strides = array<i32>} : memref<16x128xf32, #tpu.memory_space<vmem>>, vector<1x16xf32>,
    %swap3A_86 = vector.shape_cast %swap3A_85 : vector<1x16xf32> to vector<16xf32>
    %swap3A_87 = vector.shape_cast %broadcast_in_dim3A_34 : vector<16xf32> to vector<1x16xf32>
    tpu.vector_store %arg11[%swap3A_83, %swap3A_84], %swap3A_87 {strides = array<i32>} : memref<16x128xf32, #tpu.memory_space<vmem>>, vector<1x16xf32>,
    %swap3A_88 = arith.constant 1 : i32
    %swap3A_89 = arith.index_cast %swap3A_88 : i32 to index
    %swap3A_90 = arith.constant 16 : index
    %swap3A_91 = tpu.vector_load %arg11[%swap3A_89, %swap3A_90] {strides = array<i32>} : memref<16x128xf32, #tpu.memory_space<vmem>>, vector<1x16xf32>,
    %swap3A_92 = vector.shape_cast %swap3A_91 : vector<1x16xf32> to vector<16xf32>
    %swap3A_93 = vector.shape_cast %broadcast_in_dim3A_34 : vector<16xf32> to vector<1x16xf32>
    tpu.vector_store %arg11[%swap3A_89, %swap3A_90], %swap3A_93 {strides = array<i32>} : memref<16x128xf32, #tpu.memory_space<vmem>>, vector<1x16xf32>,
    %swap3A_94 = arith.constant 1 : i32
    %swap3A_95 = arith.index_cast %swap3A_94 : i32 to index
    %swap3A_96 = arith.constant 32 : index
    %swap3A_97 = tpu.vector_load %arg11[%swap3A_95, %swap3A_96] {strides = array<i32>} : memref<16x128xf32, #tpu.memory_space<vmem>>, vector<1x16xf32>,
    %swap3A_98 = vector.shape_cast %swap3A_97 : vector<1x16xf32> to vector<16xf32>
    %swap3A_99 = vector.shape_cast %broadcast_in_dim3A_34 : vector<16xf32> to vector<1x16xf32>
    tpu.vector_store %arg11[%swap3A_95, %swap3A_96], %swap3A_99 {strides = array<i32>} : memref<16x128xf32, #tpu.memory_space<vmem>>, vector<1x16xf32>,
    %swap3A_100 = arith.constant 1 : i32
    %swap3A_101 = arith.index_cast %swap3A_100 : i32 to index
    %swap3A_102 = arith.constant 48 : index
    %swap3A_103 = tpu.vector_load %arg11[%swap3A_101, %swap3A_102] {strides = array<i32>} : memref<16x128xf32, #tpu.memory_space<vmem>>, vector<1x16xf32>,
    %swap3A_104 = vector.shape_cast %swap3A_103 : vector<1x16xf32> to vector<16xf32>
    %swap3A_105 = vector.shape_cast %broadcast_in_dim3A_34 : vector<16xf32> to vector<1x16xf32>
    tpu.vector_store %arg11[%swap3A_101, %swap3A_102], %swap3A_105 {strides = array<i32>} : memref<16x128xf32, #tpu.memory_space<vmem>>, vector<1x16xf32>,
    %swap3A_106 = arith.constant 1 : i32
    %swap3A_107 = arith.index_cast %swap3A_106 : i32 to index
    %swap3A_108 = arith.constant 64 : index
    %swap3A_109 = tpu.vector_load %arg11[%swap3A_107, %swap3A_108] {strides = array<i32>} : memref<16x128xf32, #tpu.memory_space<vmem>>, vector<1x16xf32>,
    %swap3A_110 = vector.shape_cast %swap3A_109 : vector<1x16xf32> to vector<16xf32>
    %swap3A_111 = vector.shape_cast %broadcast_in_dim3A_34 : vector<16xf32> to vector<1x16xf32>
    tpu.vector_store %arg11[%swap3A_107, %swap3A_108], %swap3A_111 {strides = array<i32>} : memref<16x128xf32, #tpu.memory_space<vmem>>, vector<1x16xf32>,
    %swap3A_112 = arith.constant 1 : i32
    %swap3A_113 = arith.index_cast %swap3A_112 : i32 to index
    %swap3A_114 = arith.constant 80 : index
    %swap3A_115 = tpu.vector_load %arg11[%swap3A_113, %swap3A_114] {strides = array<i32>} : memref<16x128xf32, #tpu.memory_space<vmem>>, vector<1x16xf32>,
    %swap3A_116 = vector.shape_cast %swap3A_115 : vector<1x16xf32> to vector<16xf32>
    %swap3A_117 = vector.shape_cast %broadcast_in_dim3A_34 : vector<16xf32> to vector<1x16xf32>
    tpu.vector_store %arg11[%swap3A_113, %swap3A_114], %swap3A_117 {strides = array<i32>} : memref<16x128xf32, #tpu.memory_space<vmem>>, vector<1x16xf32>,
    %swap3A_118 = arith.constant 1 : i32
    %swap3A_119 = arith.index_cast %swap3A_118 : i32 to index
    %swap3A_120 = arith.constant 96 : index
    %swap3A_121 = tpu.vector_load %arg11[%swap3A_119, %swap3A_120] {strides = array<i32>} : memref<16x128xf32, #tpu.memory_space<vmem>>, vector<1x16xf32>,
    %swap3A_122 = vector.shape_cast %swap3A_121 : vector<1x16xf32> to vector<16xf32>
    %swap3A_123 = vector.shape_cast %broadcast_in_dim3A_34 : vector<16xf32> to vector<1x16xf32>
    tpu.vector_store %arg11[%swap3A_119, %swap3A_120], %swap3A_123 {strides = array<i32>} : memref<16x128xf32, #tpu.memory_space<vmem>>, vector<1x16xf32>,
    %swap3A_124 = arith.constant 1 : i32
    %swap3A_125 = arith.index_cast %swap3A_124 : i32 to index
    %swap3A_126 = arith.constant 112 : index
    %swap3A_127 = tpu.vector_load %arg11[%swap3A_125, %swap3A_126] {strides = array<i32>} : memref<16x128xf32, #tpu.memory_space<vmem>>, vector<1x16xf32>,
    %swap3A_128 = vector.shape_cast %swap3A_127 : vector<1x16xf32> to vector<16xf32>
    %swap3A_129 = vector.shape_cast %broadcast_in_dim3A_34 : vector<16xf32> to vector<1x16xf32>
    tpu.vector_store %arg11[%swap3A_125, %swap3A_126], %swap3A_129 {strides = array<i32>} : memref<16x128xf32, #tpu.memory_space<vmem>>, vector<1x16xf32>,
    %swap3A_130 = arith.constant 2 : i32
    %swap3A_131 = arith.index_cast %swap3A_130 : i32 to index
    %swap3A_132 = arith.constant 0 : index
    %swap3A_133 = tpu.vector_load %arg11[%swap3A_131, %swap3A_132] {strides = array<i32>} : memref<16x128xf32, #tpu.memory_space<vmem>>, vector<1x16xf32>,
    %swap3A_134 = vector.shape_cast %swap3A_133 : vector<1x16xf32> to vector<16xf32>
    %swap3A_135 = vector.shape_cast %broadcast_in_dim3A_34 : vector<16xf32> to vector<1x16xf32>
    tpu.vector_store %arg11[%swap3A_131, %swap3A_132], %swap3A_135 {strides = array<i32>} : memref<16x128xf32, #tpu.memory_space<vmem>>, vector<1x16xf32>,
    %swap3A_136 = arith.constant 2 : i32
    %swap3A_137 = arith.index_cast %swap3A_136 : i32 to index
    %swap3A_138 = arith.constant 16 : index
    %swap3A_139 = tpu.vector_load %arg11[%swap3A_137, %swap3A_138] {strides = array<i32>} : memref<16x128xf32, #tpu.memory_space<vmem>>, vector<1x16xf32>,
    %swap3A_140 = vector.shape_cast %swap3A_139 : vector<1x16xf32> to vector<16xf32>
    %swap3A_141 = vector.shape_cast %broadcast_in_dim3A_34 : vector<16xf32> to vector<1x16xf32>
    tpu.vector_store %arg11[%swap3A_137, %swap3A_138], %swap3A_141 {strides = array<i32>} : memref<16x128xf32, #tpu.memory_space<vmem>>, vector<1x16xf32>,
    %swap3A_142 = arith.constant 2 : i32
    %swap3A_143 = arith.index_cast %swap3A_142 : i32 to index
    %swap3A_144 = arith.constant 32 : index
    %swap3A_145 = tpu.vector_load %arg11[%swap3A_143, %swap3A_144] {strides = array<i32>} : memref<16x128xf32, #tpu.memory_space<vmem>>, vector<1x16xf32>,
    %swap3A_146 = vector.shape_cast %swap3A_145 : vector<1x16xf32> to vector<16xf32>
    %swap3A_147 = vector.shape_cast %broadcast_in_dim3A_34 : vector<16xf32> to vector<1x16xf32>
    tpu.vector_store %arg11[%swap3A_143, %swap3A_144], %swap3A_147 {strides = array<i32>} : memref<16x128xf32, #tpu.memory_space<vmem>>, vector<1x16xf32>,
    %swap3A_148 = arith.constant 2 : i32
    %swap3A_149 = arith.index_cast %swap3A_148 : i32 to index
    %swap3A_150 = arith.constant 48 : index
    %swap3A_151 = tpu.vector_load %arg11[%swap3A_149, %swap3A_150] {strides = array<i32>} : memref<16x128xf32, #tpu.memory_space<vmem>>, vector<1x16xf32>,
    %swap3A_152 = vector.shape_cast %swap3A_151 : vector<1x16xf32> to vector<16xf32>
    %swap3A_153 = vector.shape_cast %broadcast_in_dim3A_34 : vector<16xf32> to vector<1x16xf32>
    tpu.vector_store %arg11[%swap3A_149, %swap3A_150], %swap3A_153 {strides = array<i32>} : memref<16x128xf32, #tpu.memory_space<vmem>>, vector<1x16xf32>,
    %swap3A_154 = arith.constant 2 : i32
    %swap3A_155 = arith.index_cast %swap3A_154 : i32 to index
    %swap3A_156 = arith.constant 64 : index
    %swap3A_157 = tpu.vector_load %arg11[%swap3A_155, %swap3A_156] {strides = array<i32>} : memref<16x128xf32, #tpu.memory_space<vmem>>, vector<1x16xf32>,
    %swap3A_158 = vector.shape_cast %swap3A_157 : vector<1x16xf32> to vector<16xf32>
    %swap3A_159 = vector.shape_cast %broadcast_in_dim3A_34 : vector<16xf32> to vector<1x16xf32>
    tpu.vector_store %arg11[%swap3A_155, %swap3A_156], %swap3A_159 {strides = array<i32>} : memref<16x128xf32, #tpu.memory_space<vmem>>, vector<1x16xf32>,
    %swap3A_160 = arith.constant 2 : i32
    %swap3A_161 = arith.index_cast %swap3A_160 : i32 to index
    %swap3A_162 = arith.constant 80 : index
    %swap3A_163 = tpu.vector_load %arg11[%swap3A_161, %swap3A_162] {strides = array<i32>} : memref<16x128xf32, #tpu.memory_space<vmem>>, vector<1x16xf32>,
    %swap3A_164 = vector.shape_cast %swap3A_163 : vector<1x16xf32> to vector<16xf32>
    %swap3A_165 = vector.shape_cast %broadcast_in_dim3A_34 : vector<16xf32> to vector<1x16xf32>
    tpu.vector_store %arg11[%swap3A_161, %swap3A_162], %swap3A_165 {strides = array<i32>} : memref<16x128xf32, #tpu.memory_space<vmem>>, vector<1x16xf32>,
    %swap3A_166 = arith.constant 2 : i32
    %swap3A_167 = arith.index_cast %swap3A_166 : i32 to index
    %swap3A_168 = arith.constant 96 : index
    %swap3A_169 = tpu.vector_load %arg11[%swap3A_167, %swap3A_168] {strides = array<i32>} : memref<16x128xf32, #tpu.memory_space<vmem>>, vector<1x16xf32>,
    %swap3A_170 = vector.shape_cast %swap3A_169 : vector<1x16xf32> to vector<16xf32>
    %swap3A_171 = vector.shape_cast %broadcast_in_dim3A_34 : vector<16xf32> to vector<1x16xf32>
    tpu.vector_store %arg11[%swap3A_167, %swap3A_168], %swap3A_171 {strides = array<i32>} : memref<16x128xf32, #tpu.memory_space<vmem>>, vector<1x16xf32>,
    %swap3A_172 = arith.constant 2 : i32
    %swap3A_173 = arith.index_cast %swap3A_172 : i32 to index
    %swap3A_174 = arith.constant 112 : index
    %swap3A_175 = tpu.vector_load %arg11[%swap3A_173, %swap3A_174] {strides = array<i32>} : memref<16x128xf32, #tpu.memory_space<vmem>>, vector<1x16xf32>,
    %swap3A_176 = vector.shape_cast %swap3A_175 : vector<1x16xf32> to vector<16xf32>
    %swap3A_177 = vector.shape_cast %broadcast_in_dim3A_34 : vector<16xf32> to vector<1x16xf32>
    tpu.vector_store %arg11[%swap3A_173, %swap3A_174], %swap3A_177 {strides = array<i32>} : memref<16x128xf32, #tpu.memory_space<vmem>>, vector<1x16xf32>,
    %swap3A_178 = arith.constant 3 : i32
    %swap3A_179 = arith.index_cast %swap3A_178 : i32 to index
    %swap3A_180 = arith.constant 0 : index
    %swap3A_181 = tpu.vector_load %arg11[%swap3A_179, %swap3A_180] {strides = array<i32>} : memref<16x128xf32, #tpu.memory_space<vmem>>, vector<1x16xf32>,
    %swap3A_182 = vector.shape_cast %swap3A_181 : vector<1x16xf32> to vector<16xf32>
    %swap3A_183 = vector.shape_cast %broadcast_in_dim3A_34 : vector<16xf32> to vector<1x16xf32>
    tpu.vector_store %arg11[%swap3A_179, %swap3A_180], %swap3A_183 {strides = array<i32>} : memref<16x128xf32, #tpu.memory_space<vmem>>, vector<1x16xf32>,
    %swap3A_184 = arith.constant 3 : i32
    %swap3A_185 = arith.index_cast %swap3A_184 : i32 to index
    %swap3A_186 = arith.constant 16 : index
    %swap3A_187 = tpu.vector_load %arg11[%swap3A_185, %swap3A_186] {strides = array<i32>} : memref<16x128xf32, #tpu.memory_space<vmem>>, vector<1x16xf32>,
    %swap3A_188 = vector.shape_cast %swap3A_187 : vector<1x16xf32> to vector<16xf32>
    %swap3A_189 = vector.shape_cast %broadcast_in_dim3A_34 : vector<16xf32> to vector<1x16xf32>
    tpu.vector_store %arg11[%swap3A_185, %swap3A_186], %swap3A_189 {strides = array<i32>} : memref<16x128xf32, #tpu.memory_space<vmem>>, vector<1x16xf32>,
    %swap3A_190 = arith.constant 3 : i32
    %swap3A_191 = arith.index_cast %swap3A_190 : i32 to index
    %swap3A_192 = arith.constant 32 : index
    %swap3A_193 = tpu.vector_load %arg11[%swap3A_191, %swap3A_192] {strides = array<i32>} : memref<16x128xf32, #tpu.memory_space<vmem>>, vector<1x16xf32>,
    %swap3A_194 = vector.shape_cast %swap3A_193 : vector<1x16xf32> to vector<16xf32>
    %swap3A_195 = vector.shape_cast %broadcast_in_dim3A_34 : vector<16xf32> to vector<1x16xf32>
    tpu.vector_store %arg11[%swap3A_191, %swap3A_192], %swap3A_195 {strides = array<i32>} : memref<16x128xf32, #tpu.memory_space<vmem>>, vector<1x16xf32>,
    %swap3A_196 = arith.constant 3 : i32
    %swap3A_197 = arith.index_cast %swap3A_196 : i32 to index
    %swap3A_198 = arith.constant 48 : index
    %swap3A_199 = tpu.vector_load %arg11[%swap3A_197, %swap3A_198] {strides = array<i32>} : memref<16x128xf32, #tpu.memory_space<vmem>>, vector<1x16xf32>,
    %swap3A_200 = vector.shape_cast %swap3A_199 : vector<1x16xf32> to vector<16xf32>
    %swap3A_201 = vector.shape_cast %broadcast_in_dim3A_34 : vector<16xf32> to vector<1x16xf32>
    tpu.vector_store %arg11[%swap3A_197, %swap3A_198], %swap3A_201 {strides = array<i32>} : memref<16x128xf32, #tpu.memory_space<vmem>>, vector<1x16xf32>,
    %swap3A_202 = arith.constant 3 : i32
    %swap3A_203 = arith.index_cast %swap3A_202 : i32 to index
    %swap3A_204 = arith.constant 64 : index
    %swap3A_205 = tpu.vector_load %arg11[%swap3A_203, %swap3A_204] {strides = array<i32>} : memref<16x128xf32, #tpu.memory_space<vmem>>, vector<1x16xf32>,
    %swap3A_206 = vector.shape_cast %swap3A_205 : vector<1x16xf32> to vector<16xf32>
    %swap3A_207 = vector.shape_cast %broadcast_in_dim3A_34 : vector<16xf32> to vector<1x16xf32>
    tpu.vector_store %arg11[%swap3A_203, %swap3A_204], %swap3A_207 {strides = array<i32>} : memref<16x128xf32, #tpu.memory_space<vmem>>, vector<1x16xf32>,
    %swap3A_208 = arith.constant 3 : i32
    %swap3A_209 = arith.index_cast %swap3A_208 : i32 to index
    %swap3A_210 = arith.constant 80 : index
    %swap3A_211 = tpu.vector_load %arg11[%swap3A_209, %swap3A_210] {strides = array<i32>} : memref<16x128xf32, #tpu.memory_space<vmem>>, vector<1x16xf32>,
    %swap3A_212 = vector.shape_cast %swap3A_211 : vector<1x16xf32> to vector<16xf32>
    %swap3A_213 = vector.shape_cast %broadcast_in_dim3A_34 : vector<16xf32> to vector<1x16xf32>
    tpu.vector_store %arg11[%swap3A_209, %swap3A_210], %swap3A_213 {strides = array<i32>} : memref<16x128xf32, #tpu.memory_space<vmem>>, vector<1x16xf32>,
    %swap3A_214 = arith.constant 3 : i32
    %swap3A_215 = arith.index_cast %swap3A_214 : i32 to index
    %swap3A_216 = arith.constant 96 : index
    %swap3A_217 = tpu.vector_load %arg11[%swap3A_215, %swap3A_216] {strides = array<i32>} : memref<16x128xf32, #tpu.memory_space<vmem>>, vector<1x16xf32>,
    %swap3A_218 = vector.shape_cast %swap3A_217 : vector<1x16xf32> to vector<16xf32>
    %swap3A_219 = vector.shape_cast %broadcast_in_dim3A_34 : vector<16xf32> to vector<1x16xf32>
    tpu.vector_store %arg11[%swap3A_215, %swap3A_216], %swap3A_219 {strides = array<i32>} : memref<16x128xf32, #tpu.memory_space<vmem>>, vector<1x16xf32>,
    %swap3A_220 = arith.constant 3 : i32
    %swap3A_221 = arith.index_cast %swap3A_220 : i32 to index
    %swap3A_222 = arith.constant 112 : index
    %swap3A_223 = tpu.vector_load %arg11[%swap3A_221, %swap3A_222] {strides = array<i32>} : memref<16x128xf32, #tpu.memory_space<vmem>>, vector<1x16xf32>,
    %swap3A_224 = vector.shape_cast %swap3A_223 : vector<1x16xf32> to vector<16xf32>
    %swap3A_225 = vector.shape_cast %broadcast_in_dim3A_34 : vector<16xf32> to vector<1x16xf32>
    tpu.vector_store %arg11[%swap3A_221, %swap3A_222], %swap3A_225 {strides = array<i32>} : memref<16x128xf32, #tpu.memory_space<vmem>>, vector<1x16xf32>,
    %swap3A_226 = arith.constant 4 : i32
    %swap3A_227 = arith.index_cast %swap3A_226 : i32 to index
    %swap3A_228 = arith.constant 0 : index
    %swap3A_229 = tpu.vector_load %arg11[%swap3A_227, %swap3A_228] {strides = array<i32>} : memref<16x128xf32, #tpu.memory_space<vmem>>, vector<1x16xf32>,
    %swap3A_230 = vector.shape_cast %swap3A_229 : vector<1x16xf32> to vector<16xf32>
    %swap3A_231 = vector.shape_cast %broadcast_in_dim3A_34 : vector<16xf32> to vector<1x16xf32>
    tpu.vector_store %arg11[%swap3A_227, %swap3A_228], %swap3A_231 {strides = array<i32>} : memref<16x128xf32, #tpu.memory_space<vmem>>, vector<1x16xf32>,
    %swap3A_232 = arith.constant 4 : i32
    %swap3A_233 = arith.index_cast %swap3A_232 : i32 to index
    %swap3A_234 = arith.constant 16 : index
    %swap3A_235 = tpu.vector_load %arg11[%swap3A_233, %swap3A_234] {strides = array<i32>} : memref<16x128xf32, #tpu.memory_space<vmem>>, vector<1x16xf32>,
    %swap3A_236 = vector.shape_cast %swap3A_235 : vector<1x16xf32> to vector<16xf32>
    %swap3A_237 = vector.shape_cast %broadcast_in_dim3A_34 : vector<16xf32> to vector<1x16xf32>
    tpu.vector_store %arg11[%swap3A_233, %swap3A_234], %swap3A_237 {strides = array<i32>} : memref<16x128xf32, #tpu.memory_space<vmem>>, vector<1x16xf32>,
    %swap3A_238 = arith.constant 4 : i32
    %swap3A_239 = arith.index_cast %swap3A_238 : i32 to index
    %swap3A_240 = arith.constant 32 : index
    %swap3A_241 = tpu.vector_load %arg11[%swap3A_239, %swap3A_240] {strides = array<i32>} : memref<16x128xf32, #tpu.memory_space<vmem>>, vector<1x16xf32>,
    %swap3A_242 = vector.shape_cast %swap3A_241 : vector<1x16xf32> to vector<16xf32>
    %swap3A_243 = vector.shape_cast %broadcast_in_dim3A_34 : vector<16xf32> to vector<1x16xf32>
    tpu.vector_store %arg11[%swap3A_239, %swap3A_240], %swap3A_243 {strides = array<i32>} : memref<16x128xf32, #tpu.memory_space<vmem>>, vector<1x16xf32>,
    %swap3A_244 = arith.constant 4 : i32
    %swap3A_245 = arith.index_cast %swap3A_244 : i32 to index
    %swap3A_246 = arith.constant 48 : index
    %swap3A_247 = tpu.vector_load %arg11[%swap3A_245, %swap3A_246] {strides = array<i32>} : memref<16x128xf32, #tpu.memory_space<vmem>>, vector<1x16xf32>,
    %swap3A_248 = vector.shape_cast %swap3A_247 : vector<1x16xf32> to vector<16xf32>
    %swap3A_249 = vector.shape_cast %broadcast_in_dim3A_34 : vector<16xf32> to vector<1x16xf32>
    tpu.vector_store %arg11[%swap3A_245, %swap3A_246], %swap3A_249 {strides = array<i32>} : memref<16x128xf32, #tpu.memory_space<vmem>>, vector<1x16xf32>,
    %swap3A_250 = arith.constant 4 : i32
    %swap3A_251 = arith.index_cast %swap3A_250 : i32 to index
    %swap3A_252 = arith.constant 64 : index
    %swap3A_253 = tpu.vector_load %arg11[%swap3A_251, %swap3A_252] {strides = array<i32>} : memref<16x128xf32, #tpu.memory_space<vmem>>, vector<1x16xf32>,
    %swap3A_254 = vector.shape_cast %swap3A_253 : vector<1x16xf32> to vector<16xf32>
    %swap3A_255 = vector.shape_cast %broadcast_in_dim3A_34 : vector<16xf32> to vector<1x16xf32>
    tpu.vector_store %arg11[%swap3A_251, %swap3A_252], %swap3A_255 {strides = array<i32>} : memref<16x128xf32, #tpu.memory_space<vmem>>, vector<1x16xf32>,
    %swap3A_256 = arith.constant 4 : i32
    %swap3A_257 = arith.index_cast %swap3A_256 : i32 to index
    %swap3A_258 = arith.constant 80 : index
    %swap3A_259 = tpu.vector_load %arg11[%swap3A_257, %swap3A_258] {strides = array<i32>} : memref<16x128xf32, #tpu.memory_space<vmem>>, vector<1x16xf32>,
    %swap3A_260 = vector.shape_cast %swap3A_259 : vector<1x16xf32> to vector<16xf32>
    %swap3A_261 = vector.shape_cast %broadcast_in_dim3A_34 : vector<16xf32> to vector<1x16xf32>
    tpu.vector_store %arg11[%swap3A_257, %swap3A_258], %swap3A_261 {strides = array<i32>} : memref<16x128xf32, #tpu.memory_space<vmem>>, vector<1x16xf32>,
    %swap3A_262 = arith.constant 4 : i32
    %swap3A_263 = arith.index_cast %swap3A_262 : i32 to index
    %swap3A_264 = arith.constant 96 : index
    %swap3A_265 = tpu.vector_load %arg11[%swap3A_263, %swap3A_264] {strides = array<i32>} : memref<16x128xf32, #tpu.memory_space<vmem>>, vector<1x16xf32>,
    %swap3A_266 = vector.shape_cast %swap3A_265 : vector<1x16xf32> to vector<16xf32>
    %swap3A_267 = vector.shape_cast %broadcast_in_dim3A_34 : vector<16xf32> to vector<1x16xf32>
    tpu.vector_store %arg11[%swap3A_263, %swap3A_264], %swap3A_267 {strides = array<i32>} : memref<16x128xf32, #tpu.memory_space<vmem>>, vector<1x16xf32>,
    %swap3A_268 = arith.constant 4 : i32
    %swap3A_269 = arith.index_cast %swap3A_268 : i32 to index
    %swap3A_270 = arith.constant 112 : index
    %swap3A_271 = tpu.vector_load %arg11[%swap3A_269, %swap3A_270] {strides = array<i32>} : memref<16x128xf32, #tpu.memory_space<vmem>>, vector<1x16xf32>,
    %swap3A_272 = vector.shape_cast %swap3A_271 : vector<1x16xf32> to vector<16xf32>
    %swap3A_273 = vector.shape_cast %broadcast_in_dim3A_34 : vector<16xf32> to vector<1x16xf32>
    tpu.vector_store %arg11[%swap3A_269, %swap3A_270], %swap3A_273 {strides = array<i32>} : memref<16x128xf32, #tpu.memory_space<vmem>>, vector<1x16xf32>,
    %swap3A_274 = arith.constant 5 : i32
    %swap3A_275 = arith.index_cast %swap3A_274 : i32 to index
    %swap3A_276 = arith.constant 0 : index
    %swap3A_277 = tpu.vector_load %arg11[%swap3A_275, %swap3A_276] {strides = array<i32>} : memref<16x128xf32, #tpu.memory_space<vmem>>, vector<1x16xf32>,
    %swap3A_278 = vector.shape_cast %swap3A_277 : vector<1x16xf32> to vector<16xf32>
    %swap3A_279 = vector.shape_cast %broadcast_in_dim3A_34 : vector<16xf32> to vector<1x16xf32>
    tpu.vector_store %arg11[%swap3A_275, %swap3A_276], %swap3A_279 {strides = array<i32>} : memref<16x128xf32, #tpu.memory_space<vmem>>, vector<1x16xf32>,
    %swap3A_280 = arith.constant 5 : i32
    %swap3A_281 = arith.index_cast %swap3A_280 : i32 to index
    %swap3A_282 = arith.constant 16 : index
    %swap3A_283 = tpu.vector_load %arg11[%swap3A_281, %swap3A_282] {strides = array<i32>} : memref<16x128xf32, #tpu.memory_space<vmem>>, vector<1x16xf32>,
    %swap3A_284 = vector.shape_cast %swap3A_283 : vector<1x16xf32> to vector<16xf32>
    %swap3A_285 = vector.shape_cast %broadcast_in_dim3A_34 : vector<16xf32> to vector<1x16xf32>
    tpu.vector_store %arg11[%swap3A_281, %swap3A_282], %swap3A_285 {strides = array<i32>} : memref<16x128xf32, #tpu.memory_space<vmem>>, vector<1x16xf32>,
    %swap3A_286 = arith.constant 5 : i32
    %swap3A_287 = arith.index_cast %swap3A_286 : i32 to index
    %swap3A_288 = arith.constant 32 : index
    %swap3A_289 = tpu.vector_load %arg11[%swap3A_287, %swap3A_288] {strides = array<i32>} : memref<16x128xf32, #tpu.memory_space<vmem>>, vector<1x16xf32>,
    %swap3A_290 = vector.shape_cast %swap3A_289 : vector<1x16xf32> to vector<16xf32>
    %swap3A_291 = vector.shape_cast %broadcast_in_dim3A_34 : vector<16xf32> to vector<1x16xf32>
    tpu.vector_store %arg11[%swap3A_287, %swap3A_288], %swap3A_291 {strides = array<i32>} : memref<16x128xf32, #tpu.memory_space<vmem>>, vector<1x16xf32>,
    %swap3A_292 = arith.constant 5 : i32
    %swap3A_293 = arith.index_cast %swap3A_292 : i32 to index
    %swap3A_294 = arith.constant 48 : index
    %swap3A_295 = tpu.vector_load %arg11[%swap3A_293, %swap3A_294] {strides = array<i32>} : memref<16x128xf32, #tpu.memory_space<vmem>>, vector<1x16xf32>,
    %swap3A_296 = vector.shape_cast %swap3A_295 : vector<1x16xf32> to vector<16xf32>
    %swap3A_297 = vector.shape_cast %broadcast_in_dim3A_34 : vector<16xf32> to vector<1x16xf32>
    tpu.vector_store %arg11[%swap3A_293, %swap3A_294], %swap3A_297 {strides = array<i32>} : memref<16x128xf32, #tpu.memory_space<vmem>>, vector<1x16xf32>,
    %swap3A_298 = arith.constant 5 : i32
    %swap3A_299 = arith.index_cast %swap3A_298 : i32 to index
    %swap3A_300 = arith.constant 64 : index
    %swap3A_301 = tpu.vector_load %arg11[%swap3A_299, %swap3A_300] {strides = array<i32>} : memref<16x128xf32, #tpu.memory_space<vmem>>, vector<1x16xf32>,
    %swap3A_302 = vector.shape_cast %swap3A_301 : vector<1x16xf32> to vector<16xf32>
    %swap3A_303 = vector.shape_cast %broadcast_in_dim3A_34 : vector<16xf32> to vector<1x16xf32>
    tpu.vector_store %arg11[%swap3A_299, %swap3A_300], %swap3A_303 {strides = array<i32>} : memref<16x128xf32, #tpu.memory_space<vmem>>, vector<1x16xf32>,
    %swap3A_304 = arith.constant 5 : i32
    %swap3A_305 = arith.index_cast %swap3A_304 : i32 to index
    %swap3A_306 = arith.constant 80 : index
    %swap3A_307 = tpu.vector_load %arg11[%swap3A_305, %swap3A_306] {strides = array<i32>} : memref<16x128xf32, #tpu.memory_space<vmem>>, vector<1x16xf32>,
    %swap3A_308 = vector.shape_cast %swap3A_307 : vector<1x16xf32> to vector<16xf32>
    %swap3A_309 = vector.shape_cast %broadcast_in_dim3A_34 : vector<16xf32> to vector<1x16xf32>
    tpu.vector_store %arg11[%swap3A_305, %swap3A_306], %swap3A_309 {strides = array<i32>} : memref<16x128xf32, #tpu.memory_space<vmem>>, vector<1x16xf32>,
    %swap3A_310 = arith.constant 5 : i32
    %swap3A_311 = arith.index_cast %swap3A_310 : i32 to index
    %swap3A_312 = arith.constant 96 : index
    %swap3A_313 = tpu.vector_load %arg11[%swap3A_311, %swap3A_312] {strides = array<i32>} : memref<16x128xf32, #tpu.memory_space<vmem>>, vector<1x16xf32>,
    %swap3A_314 = vector.shape_cast %swap3A_313 : vector<1x16xf32> to vector<16xf32>
    %swap3A_315 = vector.shape_cast %broadcast_in_dim3A_34 : vector<16xf32> to vector<1x16xf32>
    tpu.vector_store %arg11[%swap3A_311, %swap3A_312], %swap3A_315 {strides = array<i32>} : memref<16x128xf32, #tpu.memory_space<vmem>>, vector<1x16xf32>,
    %swap3A_316 = arith.constant 5 : i32
    %swap3A_317 = arith.index_cast %swap3A_316 : i32 to index
    %swap3A_318 = arith.constant 112 : index
    %swap3A_319 = tpu.vector_load %arg11[%swap3A_317, %swap3A_318] {strides = array<i32>} : memref<16x128xf32, #tpu.memory_space<vmem>>, vector<1x16xf32>,
    %swap3A_320 = vector.shape_cast %swap3A_319 : vector<1x16xf32> to vector<16xf32>
    %swap3A_321 = vector.shape_cast %broadcast_in_dim3A_34 : vector<16xf32> to vector<1x16xf32>
    tpu.vector_store %arg11[%swap3A_317, %swap3A_318], %swap3A_321 {strides = array<i32>} : memref<16x128xf32, #tpu.memory_space<vmem>>, vector<1x16xf32>,
    %swap3A_322 = arith.constant 6 : i32
    %swap3A_323 = arith.index_cast %swap3A_322 : i32 to index
    %swap3A_324 = arith.constant 0 : index
    %swap3A_325 = tpu.vector_load %arg11[%swap3A_323, %swap3A_324] {strides = array<i32>} : memref<16x128xf32, #tpu.memory_space<vmem>>, vector<1x16xf32>,
    %swap3A_326 = vector.shape_cast %swap3A_325 : vector<1x16xf32> to vector<16xf32>
    %swap3A_327 = vector.shape_cast %broadcast_in_dim3A_34 : vector<16xf32> to vector<1x16xf32>
    tpu.vector_store %arg11[%swap3A_323, %swap3A_324], %swap3A_327 {strides = array<i32>} : memref<16x128xf32, #tpu.memory_space<vmem>>, vector<1x16xf32>,
    %swap3A_328 = arith.constant 6 : i32
    %swap3A_329 = arith.index_cast %swap3A_328 : i32 to index
    %swap3A_330 = arith.constant 16 : index
    %swap3A_331 = tpu.vector_load %arg11[%swap3A_329, %swap3A_330] {strides = array<i32>} : memref<16x128xf32, #tpu.memory_space<vmem>>, vector<1x16xf32>,
    %swap3A_332 = vector.shape_cast %swap3A_331 : vector<1x16xf32> to vector<16xf32>
    %swap3A_333 = vector.shape_cast %broadcast_in_dim3A_34 : vector<16xf32> to vector<1x16xf32>
    tpu.vector_store %arg11[%swap3A_329, %swap3A_330], %swap3A_333 {strides = array<i32>} : memref<16x128xf32, #tpu.memory_space<vmem>>, vector<1x16xf32>,
    %swap3A_334 = arith.constant 6 : i32
    %swap3A_335 = arith.index_cast %swap3A_334 : i32 to index
    %swap3A_336 = arith.constant 32 : index
    %swap3A_337 = tpu.vector_load %arg11[%swap3A_335, %swap3A_336] {strides = array<i32>} : memref<16x128xf32, #tpu.memory_space<vmem>>, vector<1x16xf32>,
    %swap3A_338 = vector.shape_cast %swap3A_337 : vector<1x16xf32> to vector<16xf32>
    %swap3A_339 = vector.shape_cast %broadcast_in_dim3A_34 : vector<16xf32> to vector<1x16xf32>
    tpu.vector_store %arg11[%swap3A_335, %swap3A_336], %swap3A_339 {strides = array<i32>} : memref<16x128xf32, #tpu.memory_space<vmem>>, vector<1x16xf32>,
    %swap3A_340 = arith.constant 6 : i32
    %swap3A_341 = arith.index_cast %swap3A_340 : i32 to index
    %swap3A_342 = arith.constant 48 : index
    %swap3A_343 = tpu.vector_load %arg11[%swap3A_341, %swap3A_342] {strides = array<i32>} : memref<16x128xf32, #tpu.memory_space<vmem>>, vector<1x16xf32>,
    %swap3A_344 = vector.shape_cast %swap3A_343 : vector<1x16xf32> to vector<16xf32>
    %swap3A_345 = vector.shape_cast %broadcast_in_dim3A_34 : vector<16xf32> to vector<1x16xf32>
    tpu.vector_store %arg11[%swap3A_341, %swap3A_342], %swap3A_345 {strides = array<i32>} : memref<16x128xf32, #tpu.memory_space<vmem>>, vector<1x16xf32>,
    %swap3A_346 = arith.constant 6 : i32
    %swap3A_347 = arith.index_cast %swap3A_346 : i32 to index
    %swap3A_348 = arith.constant 64 : index
    %swap3A_349 = tpu.vector_load %arg11[%swap3A_347, %swap3A_348] {strides = array<i32>} : memref<16x128xf32, #tpu.memory_space<vmem>>, vector<1x16xf32>,
    %swap3A_350 = vector.shape_cast %swap3A_349 : vector<1x16xf32> to vector<16xf32>
    %swap3A_351 = vector.shape_cast %broadcast_in_dim3A_34 : vector<16xf32> to vector<1x16xf32>
    tpu.vector_store %arg11[%swap3A_347, %swap3A_348], %swap3A_351 {strides = array<i32>} : memref<16x128xf32, #tpu.memory_space<vmem>>, vector<1x16xf32>,
    %swap3A_352 = arith.constant 6 : i32
    %swap3A_353 = arith.index_cast %swap3A_352 : i32 to index
    %swap3A_354 = arith.constant 80 : index
    %swap3A_355 = tpu.vector_load %arg11[%swap3A_353, %swap3A_354] {strides = array<i32>} : memref<16x128xf32, #tpu.memory_space<vmem>>, vector<1x16xf32>,
    %swap3A_356 = vector.shape_cast %swap3A_355 : vector<1x16xf32> to vector<16xf32>
    %swap3A_357 = vector.shape_cast %broadcast_in_dim3A_34 : vector<16xf32> to vector<1x16xf32>
    tpu.vector_store %arg11[%swap3A_353, %swap3A_354], %swap3A_357 {strides = array<i32>} : memref<16x128xf32, #tpu.memory_space<vmem>>, vector<1x16xf32>,
    %swap3A_358 = arith.constant 6 : i32
    %swap3A_359 = arith.index_cast %swap3A_358 : i32 to index
    %swap3A_360 = arith.constant 96 : index
    %swap3A_361 = tpu.vector_load %arg11[%swap3A_359, %swap3A_360] {strides = array<i32>} : memref<16x128xf32, #tpu.memory_space<vmem>>, vector<1x16xf32>,
    %swap3A_362 = vector.shape_cast %swap3A_361 : vector<1x16xf32> to vector<16xf32>
    %swap3A_363 = vector.shape_cast %broadcast_in_dim3A_34 : vector<16xf32> to vector<1x16xf32>
    tpu.vector_store %arg11[%swap3A_359, %swap3A_360], %swap3A_363 {strides = array<i32>} : memref<16x128xf32, #tpu.memory_space<vmem>>, vector<1x16xf32>,
    %swap3A_364 = arith.constant 6 : i32
    %swap3A_365 = arith.index_cast %swap3A_364 : i32 to index
    %swap3A_366 = arith.constant 112 : index
    %swap3A_367 = tpu.vector_load %arg11[%swap3A_365, %swap3A_366] {strides = array<i32>} : memref<16x128xf32, #tpu.memory_space<vmem>>, vector<1x16xf32>,
    %swap3A_368 = vector.shape_cast %swap3A_367 : vector<1x16xf32> to vector<16xf32>
    %swap3A_369 = vector.shape_cast %broadcast_in_dim3A_34 : vector<16xf32> to vector<1x16xf32>
    tpu.vector_store %arg11[%swap3A_365, %swap3A_366], %swap3A_369 {strides = array<i32>} : memref<16x128xf32, #tpu.memory_space<vmem>>, vector<1x16xf32>,
    %swap3A_370 = arith.constant 7 : i32
    %swap3A_371 = arith.index_cast %swap3A_370 : i32 to index
    %swap3A_372 = arith.constant 0 : index
    %swap3A_373 = tpu.vector_load %arg11[%swap3A_371, %swap3A_372] {strides = array<i32>} : memref<16x128xf32, #tpu.memory_space<vmem>>, vector<1x16xf32>,
    %swap3A_374 = vector.shape_cast %swap3A_373 : vector<1x16xf32> to vector<16xf32>
    %swap3A_375 = vector.shape_cast %broadcast_in_dim3A_34 : vector<16xf32> to vector<1x16xf32>
    tpu.vector_store %arg11[%swap3A_371, %swap3A_372], %swap3A_375 {strides = array<i32>} : memref<16x128xf32, #tpu.memory_space<vmem>>, vector<1x16xf32>,
    %swap3A_376 = arith.constant 7 : i32
    %swap3A_377 = arith.index_cast %swap3A_376 : i32 to index
    %swap3A_378 = arith.constant 16 : index
    %swap3A_379 = tpu.vector_load %arg11[%swap3A_377, %swap3A_378] {strides = array<i32>} : memref<16x128xf32, #tpu.memory_space<vmem>>, vector<1x16xf32>,
    %swap3A_380 = vector.shape_cast %swap3A_379 : vector<1x16xf32> to vector<16xf32>
    %swap3A_381 = vector.shape_cast %broadcast_in_dim3A_34 : vector<16xf32> to vector<1x16xf32>
    tpu.vector_store %arg11[%swap3A_377, %swap3A_378], %swap3A_381 {strides = array<i32>} : memref<16x128xf32, #tpu.memory_space<vmem>>, vector<1x16xf32>,
    %swap3A_382 = arith.constant 7 : i32
    %swap3A_383 = arith.index_cast %swap3A_382 : i32 to index
    %swap3A_384 = arith.constant 32 : index
    %swap3A_385 = tpu.vector_load %arg11[%swap3A_383, %swap3A_384] {strides = array<i32>} : memref<16x128xf32, #tpu.memory_space<vmem>>, vector<1x16xf32>,
    %swap3A_386 = vector.shape_cast %swap3A_385 : vector<1x16xf32> to vector<16xf32>
    %swap3A_387 = vector.shape_cast %broadcast_in_dim3A_34 : vector<16xf32> to vector<1x16xf32>
    tpu.vector_store %arg11[%swap3A_383, %swap3A_384], %swap3A_387 {strides = array<i32>} : memref<16x128xf32, #tpu.memory_space<vmem>>, vector<1x16xf32>,
    %swap3A_388 = arith.constant 7 : i32
    %swap3A_389 = arith.index_cast %swap3A_388 : i32 to index
    %swap3A_390 = arith.constant 48 : index
    %swap3A_391 = tpu.vector_load %arg11[%swap3A_389, %swap3A_390] {strides = array<i32>} : memref<16x128xf32, #tpu.memory_space<vmem>>, vector<1x16xf32>,
    %swap3A_392 = vector.shape_cast %swap3A_391 : vector<1x16xf32> to vector<16xf32>
    %swap3A_393 = vector.shape_cast %broadcast_in_dim3A_34 : vector<16xf32> to vector<1x16xf32>
    tpu.vector_store %arg11[%swap3A_389, %swap3A_390], %swap3A_393 {strides = array<i32>} : memref<16x128xf32, #tpu.memory_space<vmem>>, vector<1x16xf32>,
    %swap3A_394 = arith.constant 7 : i32
    %swap3A_395 = arith.index_cast %swap3A_394 : i32 to index
    %swap3A_396 = arith.constant 64 : index
    %swap3A_397 = tpu.vector_load %arg11[%swap3A_395, %swap3A_396] {strides = array<i32>} : memref<16x128xf32, #tpu.memory_space<vmem>>, vector<1x16xf32>,
    %swap3A_398 = vector.shape_cast %swap3A_397 : vector<1x16xf32> to vector<16xf32>
    %swap3A_399 = vector.shape_cast %broadcast_in_dim3A_34 : vector<16xf32> to vector<1x16xf32>
    tpu.vector_store %arg11[%swap3A_395, %swap3A_396], %swap3A_399 {strides = array<i32>} : memref<16x128xf32, #tpu.memory_space<vmem>>, vector<1x16xf32>,
    %swap3A_400 = arith.constant 7 : i32
    %swap3A_401 = arith.index_cast %swap3A_400 : i32 to index
    %swap3A_402 = arith.constant 80 : index
    %swap3A_403 = tpu.vector_load %arg11[%swap3A_401, %swap3A_402] {strides = array<i32>} : memref<16x128xf32, #tpu.memory_space<vmem>>, vector<1x16xf32>,
    %swap3A_404 = vector.shape_cast %swap3A_403 : vector<1x16xf32> to vector<16xf32>
    %swap3A_405 = vector.shape_cast %broadcast_in_dim3A_34 : vector<16xf32> to vector<1x16xf32>
    tpu.vector_store %arg11[%swap3A_401, %swap3A_402], %swap3A_405 {strides = array<i32>} : memref<16x128xf32, #tpu.memory_space<vmem>>, vector<1x16xf32>,
    %swap3A_406 = arith.constant 7 : i32
    %swap3A_407 = arith.index_cast %swap3A_406 : i32 to index
    %swap3A_408 = arith.constant 96 : index
    %swap3A_409 = tpu.vector_load %arg11[%swap3A_407, %swap3A_408] {strides = array<i32>} : memref<16x128xf32, #tpu.memory_space<vmem>>, vector<1x16xf32>,
    %swap3A_410 = vector.shape_cast %swap3A_409 : vector<1x16xf32> to vector<16xf32>
    %swap3A_411 = vector.shape_cast %broadcast_in_dim3A_34 : vector<16xf32> to vector<1x16xf32>
    tpu.vector_store %arg11[%swap3A_407, %swap3A_408], %swap3A_411 {strides = array<i32>} : memref<16x128xf32, #tpu.memory_space<vmem>>, vector<1x16xf32>,
    %swap3A_412 = arith.constant 7 : i32
    %swap3A_413 = arith.index_cast %swap3A_412 : i32 to index
    %swap3A_414 = arith.constant 112 : index
    %swap3A_415 = tpu.vector_load %arg11[%swap3A_413, %swap3A_414] {strides = array<i32>} : memref<16x128xf32, #tpu.memory_space<vmem>>, vector<1x16xf32>,
    %swap3A_416 = vector.shape_cast %swap3A_415 : vector<1x16xf32> to vector<16xf32>
    %swap3A_417 = vector.shape_cast %broadcast_in_dim3A_34 : vector<16xf32> to vector<1x16xf32>
    tpu.vector_store %arg11[%swap3A_413, %swap3A_414], %swap3A_417 {strides = array<i32>} : memref<16x128xf32, #tpu.memory_space<vmem>>, vector<1x16xf32>,
    %swap3A_418 = arith.constant 8 : i32
    %swap3A_419 = arith.index_cast %swap3A_418 : i32 to index
    %swap3A_420 = arith.constant 0 : index
    %swap3A_421 = tpu.vector_load %arg11[%swap3A_419, %swap3A_420] {strides = array<i32>} : memref<16x128xf32, #tpu.memory_space<vmem>>, vector<1x16xf32>,
    %swap3A_422 = vector.shape_cast %swap3A_421 : vector<1x16xf32> to vector<16xf32>
    %swap3A_423 = vector.shape_cast %broadcast_in_dim3A_34 : vector<16xf32> to vector<1x16xf32>
    tpu.vector_store %arg11[%swap3A_419, %swap3A_420], %swap3A_423 {strides = array<i32>} : memref<16x128xf32, #tpu.memory_space<vmem>>, vector<1x16xf32>,
    %swap3A_424 = arith.constant 8 : i32
    %swap3A_425 = arith.index_cast %swap3A_424 : i32 to index
    %swap3A_426 = arith.constant 16 : index
    %swap3A_427 = tpu.vector_load %arg11[%swap3A_425, %swap3A_426] {strides = array<i32>} : memref<16x128xf32, #tpu.memory_space<vmem>>, vector<1x16xf32>,
    %swap3A_428 = vector.shape_cast %swap3A_427 : vector<1x16xf32> to vector<16xf32>
    %swap3A_429 = vector.shape_cast %broadcast_in_dim3A_34 : vector<16xf32> to vector<1x16xf32>
    tpu.vector_store %arg11[%swap3A_425, %swap3A_426], %swap3A_429 {strides = array<i32>} : memref<16x128xf32, #tpu.memory_space<vmem>>, vector<1x16xf32>,
    %swap3A_430 = arith.constant 8 : i32
    %swap3A_431 = arith.index_cast %swap3A_430 : i32 to index
    %swap3A_432 = arith.constant 32 : index
    %swap3A_433 = tpu.vector_load %arg11[%swap3A_431, %swap3A_432] {strides = array<i32>} : memref<16x128xf32, #tpu.memory_space<vmem>>, vector<1x16xf32>,
    %swap3A_434 = vector.shape_cast %swap3A_433 : vector<1x16xf32> to vector<16xf32>
    %swap3A_435 = vector.shape_cast %broadcast_in_dim3A_34 : vector<16xf32> to vector<1x16xf32>
    tpu.vector_store %arg11[%swap3A_431, %swap3A_432], %swap3A_435 {strides = array<i32>} : memref<16x128xf32, #tpu.memory_space<vmem>>, vector<1x16xf32>,
    %swap3A_436 = arith.constant 8 : i32
    %swap3A_437 = arith.index_cast %swap3A_436 : i32 to index
    %swap3A_438 = arith.constant 48 : index
    %swap3A_439 = tpu.vector_load %arg11[%swap3A_437, %swap3A_438] {strides = array<i32>} : memref<16x128xf32, #tpu.memory_space<vmem>>, vector<1x16xf32>,
    %swap3A_440 = vector.shape_cast %swap3A_439 : vector<1x16xf32> to vector<16xf32>
    %swap3A_441 = vector.shape_cast %broadcast_in_dim3A_34 : vector<16xf32> to vector<1x16xf32>
    tpu.vector_store %arg11[%swap3A_437, %swap3A_438], %swap3A_441 {strides = array<i32>} : memref<16x128xf32, #tpu.memory_space<vmem>>, vector<1x16xf32>,
    %swap3A_442 = arith.constant 8 : i32
    %swap3A_443 = arith.index_cast %swap3A_442 : i32 to index
    %swap3A_444 = arith.constant 64 : index
    %swap3A_445 = tpu.vector_load %arg11[%swap3A_443, %swap3A_444] {strides = array<i32>} : memref<16x128xf32, #tpu.memory_space<vmem>>, vector<1x16xf32>,
    %swap3A_446 = vector.shape_cast %swap3A_445 : vector<1x16xf32> to vector<16xf32>
    %swap3A_447 = vector.shape_cast %broadcast_in_dim3A_34 : vector<16xf32> to vector<1x16xf32>
    tpu.vector_store %arg11[%swap3A_443, %swap3A_444], %swap3A_447 {strides = array<i32>} : memref<16x128xf32, #tpu.memory_space<vmem>>, vector<1x16xf32>,
    %swap3A_448 = arith.constant 8 : i32
    %swap3A_449 = arith.index_cast %swap3A_448 : i32 to index
    %swap3A_450 = arith.constant 80 : index
    %swap3A_451 = tpu.vector_load %arg11[%swap3A_449, %swap3A_450] {strides = array<i32>} : memref<16x128xf32, #tpu.memory_space<vmem>>, vector<1x16xf32>,
    %swap3A_452 = vector.shape_cast %swap3A_451 : vector<1x16xf32> to vector<16xf32>
    %swap3A_453 = vector.shape_cast %broadcast_in_dim3A_34 : vector<16xf32> to vector<1x16xf32>
    tpu.vector_store %arg11[%swap3A_449, %swap3A_450], %swap3A_453 {strides = array<i32>} : memref<16x128xf32, #tpu.memory_space<vmem>>, vector<1x16xf32>,
    %swap3A_454 = arith.constant 8 : i32
    %swap3A_455 = arith.index_cast %swap3A_454 : i32 to index
    %swap3A_456 = arith.constant 96 : index
    %swap3A_457 = tpu.vector_load %arg11[%swap3A_455, %swap3A_456] {strides = array<i32>} : memref<16x128xf32, #tpu.memory_space<vmem>>, vector<1x16xf32>,
    %swap3A_458 = vector.shape_cast %swap3A_457 : vector<1x16xf32> to vector<16xf32>
    %swap3A_459 = vector.shape_cast %broadcast_in_dim3A_34 : vector<16xf32> to vector<1x16xf32>
    tpu.vector_store %arg11[%swap3A_455, %swap3A_456], %swap3A_459 {strides = array<i32>} : memref<16x128xf32, #tpu.memory_space<vmem>>, vector<1x16xf32>,
    %swap3A_460 = arith.constant 8 : i32
    %swap3A_461 = arith.index_cast %swap3A_460 : i32 to index
    %swap3A_462 = arith.constant 112 : index
    %swap3A_463 = tpu.vector_load %arg11[%swap3A_461, %swap3A_462] {strides = array<i32>} : memref<16x128xf32, #tpu.memory_space<vmem>>, vector<1x16xf32>,
    %swap3A_464 = vector.shape_cast %swap3A_463 : vector<1x16xf32> to vector<16xf32>
    %swap3A_465 = vector.shape_cast %broadcast_in_dim3A_34 : vector<16xf32> to vector<1x16xf32>
    tpu.vector_store %arg11[%swap3A_461, %swap3A_462], %swap3A_465 {strides = array<i32>} : memref<16x128xf32, #tpu.memory_space<vmem>>, vector<1x16xf32>,
    %swap3A_466 = arith.constant 9 : i32
    %swap3A_467 = arith.index_cast %swap3A_466 : i32 to index
    %swap3A_468 = arith.constant 0 : index
    %swap3A_469 = tpu.vector_load %arg11[%swap3A_467, %swap3A_468] {strides = array<i32>} : memref<16x128xf32, #tpu.memory_space<vmem>>, vector<1x16xf32>,
    %swap3A_470 = vector.shape_cast %swap3A_469 : vector<1x16xf32> to vector<16xf32>
    %swap3A_471 = vector.shape_cast %broadcast_in_dim3A_34 : vector<16xf32> to vector<1x16xf32>
    tpu.vector_store %arg11[%swap3A_467, %swap3A_468], %swap3A_471 {strides = array<i32>} : memref<16x128xf32, #tpu.memory_space<vmem>>, vector<1x16xf32>,
    %swap3A_472 = arith.constant 9 : i32
    %swap3A_473 = arith.index_cast %swap3A_472 : i32 to index
    %swap3A_474 = arith.constant 16 : index
    %swap3A_475 = tpu.vector_load %arg11[%swap3A_473, %swap3A_474] {strides = array<i32>} : memref<16x128xf32, #tpu.memory_space<vmem>>, vector<1x16xf32>,
    %swap3A_476 = vector.shape_cast %swap3A_475 : vector<1x16xf32> to vector<16xf32>
    %swap3A_477 = vector.shape_cast %broadcast_in_dim3A_34 : vector<16xf32> to vector<1x16xf32>
    tpu.vector_store %arg11[%swap3A_473, %swap3A_474], %swap3A_477 {strides = array<i32>} : memref<16x128xf32, #tpu.memory_space<vmem>>, vector<1x16xf32>,
    %swap3A_478 = arith.constant 9 : i32
    %swap3A_479 = arith.index_cast %swap3A_478 : i32 to index
    %swap3A_480 = arith.constant 32 : index
    %swap3A_481 = tpu.vector_load %arg11[%swap3A_479, %swap3A_480] {strides = array<i32>} : memref<16x128xf32, #tpu.memory_space<vmem>>, vector<1x16xf32>,
    %swap3A_482 = vector.shape_cast %swap3A_481 : vector<1x16xf32> to vector<16xf32>
    %swap3A_483 = vector.shape_cast %broadcast_in_dim3A_34 : vector<16xf32> to vector<1x16xf32>
    tpu.vector_store %arg11[%swap3A_479, %swap3A_480], %swap3A_483 {strides = array<i32>} : memref<16x128xf32, #tpu.memory_space<vmem>>, vector<1x16xf32>,
    %swap3A_484 = arith.constant 9 : i32
    %swap3A_485 = arith.index_cast %swap3A_484 : i32 to index
    %swap3A_486 = arith.constant 48 : index
    %swap3A_487 = tpu.vector_load %arg11[%swap3A_485, %swap3A_486] {strides = array<i32>} : memref<16x128xf32, #tpu.memory_space<vmem>>, vector<1x16xf32>,
    %swap3A_488 = vector.shape_cast %swap3A_487 : vector<1x16xf32> to vector<16xf32>
    %swap3A_489 = vector.shape_cast %broadcast_in_dim3A_34 : vector<16xf32> to vector<1x16xf32>
    tpu.vector_store %arg11[%swap3A_485, %swap3A_486], %swap3A_489 {strides = array<i32>} : memref<16x128xf32, #tpu.memory_space<vmem>>, vector<1x16xf32>,
    %swap3A_490 = arith.constant 9 : i32
    %swap3A_491 = arith.index_cast %swap3A_490 : i32 to index
    %swap3A_492 = arith.constant 64 : index
    %swap3A_493 = tpu.vector_load %arg11[%swap3A_491, %swap3A_492] {strides = array<i32>} : memref<16x128xf32, #tpu.memory_space<vmem>>, vector<1x16xf32>,
    %swap3A_494 = vector.shape_cast %swap3A_493 : vector<1x16xf32> to vector<16xf32>
    %swap3A_495 = vector.shape_cast %broadcast_in_dim3A_34 : vector<16xf32> to vector<1x16xf32>
    tpu.vector_store %arg11[%swap3A_491, %swap3A_492], %swap3A_495 {strides = array<i32>} : memref<16x128xf32, #tpu.memory_space<vmem>>, vector<1x16xf32>,
    %swap3A_496 = arith.constant 9 : i32
    %swap3A_497 = arith.index_cast %swap3A_496 : i32 to index
    %swap3A_498 = arith.constant 80 : index
    %swap3A_499 = tpu.vector_load %arg11[%swap3A_497, %swap3A_498] {strides = array<i32>} : memref<16x128xf32, #tpu.memory_space<vmem>>, vector<1x16xf32>,
    %swap3A_500 = vector.shape_cast %swap3A_499 : vector<1x16xf32> to vector<16xf32>
    %swap3A_501 = vector.shape_cast %broadcast_in_dim3A_34 : vector<16xf32> to vector<1x16xf32>
    tpu.vector_store %arg11[%swap3A_497, %swap3A_498], %swap3A_501 {strides = array<i32>} : memref<16x128xf32, #tpu.memory_space<vmem>>, vector<1x16xf32>,
    %swap3A_502 = arith.constant 9 : i32
    %swap3A_503 = arith.index_cast %swap3A_502 : i32 to index
    %swap3A_504 = arith.constant 96 : index
    %swap3A_505 = tpu.vector_load %arg11[%swap3A_503, %swap3A_504] {strides = array<i32>} : memref<16x128xf32, #tpu.memory_space<vmem>>, vector<1x16xf32>,
    %swap3A_506 = vector.shape_cast %swap3A_505 : vector<1x16xf32> to vector<16xf32>
    %swap3A_507 = vector.shape_cast %broadcast_in_dim3A_34 : vector<16xf32> to vector<1x16xf32>
    tpu.vector_store %arg11[%swap3A_503, %swap3A_504], %swap3A_507 {strides = array<i32>} : memref<16x128xf32, #tpu.memory_space<vmem>>, vector<1x16xf32>,
    %swap3A_508 = arith.constant 9 : i32
    %swap3A_509 = arith.index_cast %swap3A_508 : i32 to index
    %swap3A_510 = arith.constant 112 : index
    %swap3A_511 = tpu.vector_load %arg11[%swap3A_509, %swap3A_510] {strides = array<i32>} : memref<16x128xf32, #tpu.memory_space<vmem>>, vector<1x16xf32>,
    %swap3A_512 = vector.shape_cast %swap3A_511 : vector<1x16xf32> to vector<16xf32>
    %swap3A_513 = vector.shape_cast %broadcast_in_dim3A_34 : vector<16xf32> to vector<1x16xf32>
    tpu.vector_store %arg11[%swap3A_509, %swap3A_510], %swap3A_513 {strides = array<i32>} : memref<16x128xf32, #tpu.memory_space<vmem>>, vector<1x16xf32>,
    %swap3A_514 = arith.constant 10 : i32
    %swap3A_515 = arith.index_cast %swap3A_514 : i32 to index
    %swap3A_516 = arith.constant 0 : index
    %swap3A_517 = tpu.vector_load %arg11[%swap3A_515, %swap3A_516] {strides = array<i32>} : memref<16x128xf32, #tpu.memory_space<vmem>>, vector<1x16xf32>,
    %swap3A_518 = vector.shape_cast %swap3A_517 : vector<1x16xf32> to vector<16xf32>
    %swap3A_519 = vector.shape_cast %broadcast_in_dim3A_34 : vector<16xf32> to vector<1x16xf32>
    tpu.vector_store %arg11[%swap3A_515, %swap3A_516], %swap3A_519 {strides = array<i32>} : memref<16x128xf32, #tpu.memory_space<vmem>>, vector<1x16xf32>,
    %swap3A_520 = arith.constant 10 : i32
    %swap3A_521 = arith.index_cast %swap3A_520 : i32 to index
    %swap3A_522 = arith.constant 16 : index
    %swap3A_523 = tpu.vector_load %arg11[%swap3A_521, %swap3A_522] {strides = array<i32>} : memref<16x128xf32, #tpu.memory_space<vmem>>, vector<1x16xf32>,
    %swap3A_524 = vector.shape_cast %swap3A_523 : vector<1x16xf32> to vector<16xf32>
    %swap3A_525 = vector.shape_cast %broadcast_in_dim3A_34 : vector<16xf32> to vector<1x16xf32>
    tpu.vector_store %arg11[%swap3A_521, %swap3A_522], %swap3A_525 {strides = array<i32>} : memref<16x128xf32, #tpu.memory_space<vmem>>, vector<1x16xf32>,
    %swap3A_526 = arith.constant 10 : i32
    %swap3A_527 = arith.index_cast %swap3A_526 : i32 to index
    %swap3A_528 = arith.constant 32 : index
    %swap3A_529 = tpu.vector_load %arg11[%swap3A_527, %swap3A_528] {strides = array<i32>} : memref<16x128xf32, #tpu.memory_space<vmem>>, vector<1x16xf32>,
    %swap3A_530 = vector.shape_cast %swap3A_529 : vector<1x16xf32> to vector<16xf32>
    %swap3A_531 = vector.shape_cast %broadcast_in_dim3A_34 : vector<16xf32> to vector<1x16xf32>
    tpu.vector_store %arg11[%swap3A_527, %swap3A_528], %swap3A_531 {strides = array<i32>} : memref<16x128xf32, #tpu.memory_space<vmem>>, vector<1x16xf32>,
    %swap3A_532 = arith.constant 10 : i32
    %swap3A_533 = arith.index_cast %swap3A_532 : i32 to index
    %swap3A_534 = arith.constant 48 : index
    %swap3A_535 = tpu.vector_load %arg11[%swap3A_533, %swap3A_534] {strides = array<i32>} : memref<16x128xf32, #tpu.memory_space<vmem>>, vector<1x16xf32>,
    %swap3A_536 = vector.shape_cast %swap3A_535 : vector<1x16xf32> to vector<16xf32>
    %swap3A_537 = vector.shape_cast %broadcast_in_dim3A_34 : vector<16xf32> to vector<1x16xf32>
    tpu.vector_store %arg11[%swap3A_533, %swap3A_534], %swap3A_537 {strides = array<i32>} : memref<16x128xf32, #tpu.memory_space<vmem>>, vector<1x16xf32>,
    %swap3A_538 = arith.constant 10 : i32
    %swap3A_539 = arith.index_cast %swap3A_538 : i32 to index
    %swap3A_540 = arith.constant 64 : index
    %swap3A_541 = tpu.vector_load %arg11[%swap3A_539, %swap3A_540] {strides = array<i32>} : memref<16x128xf32, #tpu.memory_space<vmem>>, vector<1x16xf32>,
    %swap3A_542 = vector.shape_cast %swap3A_541 : vector<1x16xf32> to vector<16xf32>
    %swap3A_543 = vector.shape_cast %broadcast_in_dim3A_34 : vector<16xf32> to vector<1x16xf32>
    tpu.vector_store %arg11[%swap3A_539, %swap3A_540], %swap3A_543 {strides = array<i32>} : memref<16x128xf32, #tpu.memory_space<vmem>>, vector<1x16xf32>,
    %swap3A_544 = arith.constant 10 : i32
    %swap3A_545 = arith.index_cast %swap3A_544 : i32 to index
    %swap3A_546 = arith.constant 80 : index
    %swap3A_547 = tpu.vector_load %arg11[%swap3A_545, %swap3A_546] {strides = array<i32>} : memref<16x128xf32, #tpu.memory_space<vmem>>, vector<1x16xf32>,
    %swap3A_548 = vector.shape_cast %swap3A_547 : vector<1x16xf32> to vector<16xf32>
    %swap3A_549 = vector.shape_cast %broadcast_in_dim3A_34 : vector<16xf32> to vector<1x16xf32>
    tpu.vector_store %arg11[%swap3A_545, %swap3A_546], %swap3A_549 {strides = array<i32>} : memref<16x128xf32, #tpu.memory_space<vmem>>, vector<1x16xf32>,
    %swap3A_550 = arith.constant 10 : i32
    %swap3A_551 = arith.index_cast %swap3A_550 : i32 to index
    %swap3A_552 = arith.constant 96 : index
    %swap3A_553 = tpu.vector_load %arg11[%swap3A_551, %swap3A_552] {strides = array<i32>} : memref<16x128xf32, #tpu.memory_space<vmem>>, vector<1x16xf32>,
    %swap3A_554 = vector.shape_cast %swap3A_553 : vector<1x16xf32> to vector<16xf32>
    %swap3A_555 = vector.shape_cast %broadcast_in_dim3A_34 : vector<16xf32> to vector<1x16xf32>
    tpu.vector_store %arg11[%swap3A_551, %swap3A_552], %swap3A_555 {strides = array<i32>} : memref<16x128xf32, #tpu.memory_space<vmem>>, vector<1x16xf32>,
    %swap3A_556 = arith.constant 10 : i32
    %swap3A_557 = arith.index_cast %swap3A_556 : i32 to index
    %swap3A_558 = arith.constant 112 : index
    %swap3A_559 = tpu.vector_load %arg11[%swap3A_557, %swap3A_558] {strides = array<i32>} : memref<16x128xf32, #tpu.memory_space<vmem>>, vector<1x16xf32>,
    %swap3A_560 = vector.shape_cast %swap3A_559 : vector<1x16xf32> to vector<16xf32>
    %swap3A_561 = vector.shape_cast %broadcast_in_dim3A_34 : vector<16xf32> to vector<1x16xf32>
    tpu.vector_store %arg11[%swap3A_557, %swap3A_558], %swap3A_561 {strides = array<i32>} : memref<16x128xf32, #tpu.memory_space<vmem>>, vector<1x16xf32>,
    %swap3A_562 = arith.constant 11 : i32
    %swap3A_563 = arith.index_cast %swap3A_562 : i32 to index
    %swap3A_564 = arith.constant 0 : index
    %swap3A_565 = tpu.vector_load %arg11[%swap3A_563, %swap3A_564] {strides = array<i32>} : memref<16x128xf32, #tpu.memory_space<vmem>>, vector<1x16xf32>,
    %swap3A_566 = vector.shape_cast %swap3A_565 : vector<1x16xf32> to vector<16xf32>
    %swap3A_567 = vector.shape_cast %broadcast_in_dim3A_34 : vector<16xf32> to vector<1x16xf32>
    tpu.vector_store %arg11[%swap3A_563, %swap3A_564], %swap3A_567 {strides = array<i32>} : memref<16x128xf32, #tpu.memory_space<vmem>>, vector<1x16xf32>,
    %swap3A_568 = arith.constant 11 : i32
    %swap3A_569 = arith.index_cast %swap3A_568 : i32 to index
    %swap3A_570 = arith.constant 16 : index
    %swap3A_571 = tpu.vector_load %arg11[%swap3A_569, %swap3A_570] {strides = array<i32>} : memref<16x128xf32, #tpu.memory_space<vmem>>, vector<1x16xf32>,
    %swap3A_572 = vector.shape_cast %swap3A_571 : vector<1x16xf32> to vector<16xf32>
    %swap3A_573 = vector.shape_cast %broadcast_in_dim3A_34 : vector<16xf32> to vector<1x16xf32>
    tpu.vector_store %arg11[%swap3A_569, %swap3A_570], %swap3A_573 {strides = array<i32>} : memref<16x128xf32, #tpu.memory_space<vmem>>, vector<1x16xf32>,
    %swap3A_574 = arith.constant 11 : i32
    %swap3A_575 = arith.index_cast %swap3A_574 : i32 to index
    %swap3A_576 = arith.constant 32 : index
    %swap3A_577 = tpu.vector_load %arg11[%swap3A_575, %swap3A_576] {strides = array<i32>} : memref<16x128xf32, #tpu.memory_space<vmem>>, vector<1x16xf32>,
    %swap3A_578 = vector.shape_cast %swap3A_577 : vector<1x16xf32> to vector<16xf32>
    %swap3A_579 = vector.shape_cast %broadcast_in_dim3A_34 : vector<16xf32> to vector<1x16xf32>
    tpu.vector_store %arg11[%swap3A_575, %swap3A_576], %swap3A_579 {strides = array<i32>} : memref<16x128xf32, #tpu.memory_space<vmem>>, vector<1x16xf32>,
    %swap3A_580 = arith.constant 11 : i32
    %swap3A_581 = arith.index_cast %swap3A_580 : i32 to index
    %swap3A_582 = arith.constant 48 : index
    %swap3A_583 = tpu.vector_load %arg11[%swap3A_581, %swap3A_582] {strides = array<i32>} : memref<16x128xf32, #tpu.memory_space<vmem>>, vector<1x16xf32>,
    %swap3A_584 = vector.shape_cast %swap3A_583 : vector<1x16xf32> to vector<16xf32>
    %swap3A_585 = vector.shape_cast %broadcast_in_dim3A_34 : vector<16xf32> to vector<1x16xf32>
    tpu.vector_store %arg11[%swap3A_581, %swap3A_582], %swap3A_585 {strides = array<i32>} : memref<16x128xf32, #tpu.memory_space<vmem>>, vector<1x16xf32>,
    %swap3A_586 = arith.constant 11 : i32
    %swap3A_587 = arith.index_cast %swap3A_586 : i32 to index
    %swap3A_588 = arith.constant 64 : index
    %swap3A_589 = tpu.vector_load %arg11[%swap3A_587, %swap3A_588] {strides = array<i32>} : memref<16x128xf32, #tpu.memory_space<vmem>>, vector<1x16xf32>,
    %swap3A_590 = vector.shape_cast %swap3A_589 : vector<1x16xf32> to vector<16xf32>
    %swap3A_591 = vector.shape_cast %broadcast_in_dim3A_34 : vector<16xf32> to vector<1x16xf32>
    tpu.vector_store %arg11[%swap3A_587, %swap3A_588], %swap3A_591 {strides = array<i32>} : memref<16x128xf32, #tpu.memory_space<vmem>>, vector<1x16xf32>,
    %swap3A_592 = arith.constant 11 : i32
    %swap3A_593 = arith.index_cast %swap3A_592 : i32 to index
    %swap3A_594 = arith.constant 80 : index
    %swap3A_595 = tpu.vector_load %arg11[%swap3A_593, %swap3A_594] {strides = array<i32>} : memref<16x128xf32, #tpu.memory_space<vmem>>, vector<1x16xf32>,
    %swap3A_596 = vector.shape_cast %swap3A_595 : vector<1x16xf32> to vector<16xf32>
    %swap3A_597 = vector.shape_cast %broadcast_in_dim3A_34 : vector<16xf32> to vector<1x16xf32>
    tpu.vector_store %arg11[%swap3A_593, %swap3A_594], %swap3A_597 {strides = array<i32>} : memref<16x128xf32, #tpu.memory_space<vmem>>, vector<1x16xf32>,
    %swap3A_598 = arith.constant 11 : i32
    %swap3A_599 = arith.index_cast %swap3A_598 : i32 to index
    %swap3A_600 = arith.constant 96 : index
    %swap3A_601 = tpu.vector_load %arg11[%swap3A_599, %swap3A_600] {strides = array<i32>} : memref<16x128xf32, #tpu.memory_space<vmem>>, vector<1x16xf32>,
    %swap3A_602 = vector.shape_cast %swap3A_601 : vector<1x16xf32> to vector<16xf32>
    %swap3A_603 = vector.shape_cast %broadcast_in_dim3A_34 : vector<16xf32> to vector<1x16xf32>
    tpu.vector_store %arg11[%swap3A_599, %swap3A_600], %swap3A_603 {strides = array<i32>} : memref<16x128xf32, #tpu.memory_space<vmem>>, vector<1x16xf32>,
    %swap3A_604 = arith.constant 11 : i32
    %swap3A_605 = arith.index_cast %swap3A_604 : i32 to index
    %swap3A_606 = arith.constant 112 : index
    %swap3A_607 = tpu.vector_load %arg11[%swap3A_605, %swap3A_606] {strides = array<i32>} : memref<16x128xf32, #tpu.memory_space<vmem>>, vector<1x16xf32>,
    %swap3A_608 = vector.shape_cast %swap3A_607 : vector<1x16xf32> to vector<16xf32>
    %swap3A_609 = vector.shape_cast %broadcast_in_dim3A_34 : vector<16xf32> to vector<1x16xf32>
    tpu.vector_store %arg11[%swap3A_605, %swap3A_606], %swap3A_609 {strides = array<i32>} : memref<16x128xf32, #tpu.memory_space<vmem>>, vector<1x16xf32>,
    %swap3A_610 = arith.constant 12 : i32
    %swap3A_611 = arith.index_cast %swap3A_610 : i32 to index
    %swap3A_612 = arith.constant 0 : index
    %swap3A_613 = tpu.vector_load %arg11[%swap3A_611, %swap3A_612] {strides = array<i32>} : memref<16x128xf32, #tpu.memory_space<vmem>>, vector<1x16xf32>,
    %swap3A_614 = vector.shape_cast %swap3A_613 : vector<1x16xf32> to vector<16xf32>
    %swap3A_615 = vector.shape_cast %broadcast_in_dim3A_34 : vector<16xf32> to vector<1x16xf32>
    tpu.vector_store %arg11[%swap3A_611, %swap3A_612], %swap3A_615 {strides = array<i32>} : memref<16x128xf32, #tpu.memory_space<vmem>>, vector<1x16xf32>,
    %swap3A_616 = arith.constant 12 : i32
    %swap3A_617 = arith.index_cast %swap3A_616 : i32 to index
    %swap3A_618 = arith.constant 16 : index
    %swap3A_619 = tpu.vector_load %arg11[%swap3A_617, %swap3A_618] {strides = array<i32>} : memref<16x128xf32, #tpu.memory_space<vmem>>, vector<1x16xf32>,
    %swap3A_620 = vector.shape_cast %swap3A_619 : vector<1x16xf32> to vector<16xf32>
    %swap3A_621 = vector.shape_cast %broadcast_in_dim3A_34 : vector<16xf32> to vector<1x16xf32>
    tpu.vector_store %arg11[%swap3A_617, %swap3A_618], %swap3A_621 {strides = array<i32>} : memref<16x128xf32, #tpu.memory_space<vmem>>, vector<1x16xf32>,
    %swap3A_622 = arith.constant 12 : i32
    %swap3A_623 = arith.index_cast %swap3A_622 : i32 to index
    %swap3A_624 = arith.constant 32 : index
    %swap3A_625 = tpu.vector_load %arg11[%swap3A_623, %swap3A_624] {strides = array<i32>} : memref<16x128xf32, #tpu.memory_space<vmem>>, vector<1x16xf32>,
    %swap3A_626 = vector.shape_cast %swap3A_625 : vector<1x16xf32> to vector<16xf32>
    %swap3A_627 = vector.shape_cast %broadcast_in_dim3A_34 : vector<16xf32> to vector<1x16xf32>
    tpu.vector_store %arg11[%swap3A_623, %swap3A_624], %swap3A_627 {strides = array<i32>} : memref<16x128xf32, #tpu.memory_space<vmem>>, vector<1x16xf32>,
    %swap3A_628 = arith.constant 12 : i32
    %swap3A_629 = arith.index_cast %swap3A_628 : i32 to index
    %swap3A_630 = arith.constant 48 : index
    %swap3A_631 = tpu.vector_load %arg11[%swap3A_629, %swap3A_630] {strides = array<i32>} : memref<16x128xf32, #tpu.memory_space<vmem>>, vector<1x16xf32>,
    %swap3A_632 = vector.shape_cast %swap3A_631 : vector<1x16xf32> to vector<16xf32>
    %swap3A_633 = vector.shape_cast %broadcast_in_dim3A_34 : vector<16xf32> to vector<1x16xf32>
    tpu.vector_store %arg11[%swap3A_629, %swap3A_630], %swap3A_633 {strides = array<i32>} : memref<16x128xf32, #tpu.memory_space<vmem>>, vector<1x16xf32>,
    %swap3A_634 = arith.constant 12 : i32
    %swap3A_635 = arith.index_cast %swap3A_634 : i32 to index
    %swap3A_636 = arith.constant 64 : index
    %swap3A_637 = tpu.vector_load %arg11[%swap3A_635, %swap3A_636] {strides = array<i32>} : memref<16x128xf32, #tpu.memory_space<vmem>>, vector<1x16xf32>,
    %swap3A_638 = vector.shape_cast %swap3A_637 : vector<1x16xf32> to vector<16xf32>
    %swap3A_639 = vector.shape_cast %broadcast_in_dim3A_34 : vector<16xf32> to vector<1x16xf32>
    tpu.vector_store %arg11[%swap3A_635, %swap3A_636], %swap3A_639 {strides = array<i32>} : memref<16x128xf32, #tpu.memory_space<vmem>>, vector<1x16xf32>,
    %swap3A_640 = arith.constant 12 : i32
    %swap3A_641 = arith.index_cast %swap3A_640 : i32 to index
    %swap3A_642 = arith.constant 80 : index
    %swap3A_643 = tpu.vector_load %arg11[%swap3A_641, %swap3A_642] {strides = array<i32>} : memref<16x128xf32, #tpu.memory_space<vmem>>, vector<1x16xf32>,
    %swap3A_644 = vector.shape_cast %swap3A_643 : vector<1x16xf32> to vector<16xf32>
    %swap3A_645 = vector.shape_cast %broadcast_in_dim3A_34 : vector<16xf32> to vector<1x16xf32>
    tpu.vector_store %arg11[%swap3A_641, %swap3A_642], %swap3A_645 {strides = array<i32>} : memref<16x128xf32, #tpu.memory_space<vmem>>, vector<1x16xf32>,
    %swap3A_646 = arith.constant 12 : i32
    %swap3A_647 = arith.index_cast %swap3A_646 : i32 to index
    %swap3A_648 = arith.constant 96 : index
    %swap3A_649 = tpu.vector_load %arg11[%swap3A_647, %swap3A_648] {strides = array<i32>} : memref<16x128xf32, #tpu.memory_space<vmem>>, vector<1x16xf32>,
    %swap3A_650 = vector.shape_cast %swap3A_649 : vector<1x16xf32> to vector<16xf32>
    %swap3A_651 = vector.shape_cast %broadcast_in_dim3A_34 : vector<16xf32> to vector<1x16xf32>
    tpu.vector_store %arg11[%swap3A_647, %swap3A_648], %swap3A_651 {strides = array<i32>} : memref<16x128xf32, #tpu.memory_space<vmem>>, vector<1x16xf32>,
    %swap3A_652 = arith.constant 12 : i32
    %swap3A_653 = arith.index_cast %swap3A_652 : i32 to index
    %swap3A_654 = arith.constant 112 : index
    %swap3A_655 = tpu.vector_load %arg11[%swap3A_653, %swap3A_654] {strides = array<i32>} : memref<16x128xf32, #tpu.memory_space<vmem>>, vector<1x16xf32>,
    %swap3A_656 = vector.shape_cast %swap3A_655 : vector<1x16xf32> to vector<16xf32>
    %swap3A_657 = vector.shape_cast %broadcast_in_dim3A_34 : vector<16xf32> to vector<1x16xf32>
    tpu.vector_store %arg11[%swap3A_653, %swap3A_654], %swap3A_657 {strides = array<i32>} : memref<16x128xf32, #tpu.memory_space<vmem>>, vector<1x16xf32>,
    %swap3A_658 = arith.constant 13 : i32
    %swap3A_659 = arith.index_cast %swap3A_658 : i32 to index
    %swap3A_660 = arith.constant 0 : index
    %swap3A_661 = tpu.vector_load %arg11[%swap3A_659, %swap3A_660] {strides = array<i32>} : memref<16x128xf32, #tpu.memory_space<vmem>>, vector<1x16xf32>,
    %swap3A_662 = vector.shape_cast %swap3A_661 : vector<1x16xf32> to vector<16xf32>
    %swap3A_663 = vector.shape_cast %broadcast_in_dim3A_34 : vector<16xf32> to vector<1x16xf32>
    tpu.vector_store %arg11[%swap3A_659, %swap3A_660], %swap3A_663 {strides = array<i32>} : memref<16x128xf32, #tpu.memory_space<vmem>>, vector<1x16xf32>,
    %swap3A_664 = arith.constant 13 : i32
    %swap3A_665 = arith.index_cast %swap3A_664 : i32 to index
    %swap3A_666 = arith.constant 16 : index
    %swap3A_667 = tpu.vector_load %arg11[%swap3A_665, %swap3A_666] {strides = array<i32>} : memref<16x128xf32, #tpu.memory_space<vmem>>, vector<1x16xf32>,
    %swap3A_668 = vector.shape_cast %swap3A_667 : vector<1x16xf32> to vector<16xf32>
    %swap3A_669 = vector.shape_cast %broadcast_in_dim3A_34 : vector<16xf32> to vector<1x16xf32>
    tpu.vector_store %arg11[%swap3A_665, %swap3A_666], %swap3A_669 {strides = array<i32>} : memref<16x128xf32, #tpu.memory_space<vmem>>, vector<1x16xf32>,
    %swap3A_670 = arith.constant 13 : i32
    %swap3A_671 = arith.index_cast %swap3A_670 : i32 to index
    %swap3A_672 = arith.constant 32 : index
    %swap3A_673 = tpu.vector_load %arg11[%swap3A_671, %swap3A_672] {strides = array<i32>} : memref<16x128xf32, #tpu.memory_space<vmem>>, vector<1x16xf32>,
    %swap3A_674 = vector.shape_cast %swap3A_673 : vector<1x16xf32> to vector<16xf32>
    %swap3A_675 = vector.shape_cast %broadcast_in_dim3A_34 : vector<16xf32> to vector<1x16xf32>
    tpu.vector_store %arg11[%swap3A_671, %swap3A_672], %swap3A_675 {strides = array<i32>} : memref<16x128xf32, #tpu.memory_space<vmem>>, vector<1x16xf32>,
    %swap3A_676 = arith.constant 13 : i32
    %swap3A_677 = arith.index_cast %swap3A_676 : i32 to index
    %swap3A_678 = arith.constant 48 : index
    %swap3A_679 = tpu.vector_load %arg11[%swap3A_677, %swap3A_678] {strides = array<i32>} : memref<16x128xf32, #tpu.memory_space<vmem>>, vector<1x16xf32>,
    %swap3A_680 = vector.shape_cast %swap3A_679 : vector<1x16xf32> to vector<16xf32>
    %swap3A_681 = vector.shape_cast %broadcast_in_dim3A_34 : vector<16xf32> to vector<1x16xf32>
    tpu.vector_store %arg11[%swap3A_677, %swap3A_678], %swap3A_681 {strides = array<i32>} : memref<16x128xf32, #tpu.memory_space<vmem>>, vector<1x16xf32>,
    %swap3A_682 = arith.constant 13 : i32
    %swap3A_683 = arith.index_cast %swap3A_682 : i32 to index
    %swap3A_684 = arith.constant 64 : index
    %swap3A_685 = tpu.vector_load %arg11[%swap3A_683, %swap3A_684] {strides = array<i32>} : memref<16x128xf32, #tpu.memory_space<vmem>>, vector<1x16xf32>,
    %swap3A_686 = vector.shape_cast %swap3A_685 : vector<1x16xf32> to vector<16xf32>
    %swap3A_687 = vector.shape_cast %broadcast_in_dim3A_34 : vector<16xf32> to vector<1x16xf32>
    tpu.vector_store %arg11[%swap3A_683, %swap3A_684], %swap3A_687 {strides = array<i32>} : memref<16x128xf32, #tpu.memory_space<vmem>>, vector<1x16xf32>,
    %swap3A_688 = arith.constant 13 : i32
    %swap3A_689 = arith.index_cast %swap3A_688 : i32 to index
    %swap3A_690 = arith.constant 80 : index
    %swap3A_691 = tpu.vector_load %arg11[%swap3A_689, %swap3A_690] {strides = array<i32>} : memref<16x128xf32, #tpu.memory_space<vmem>>, vector<1x16xf32>,
    %swap3A_692 = vector.shape_cast %swap3A_691 : vector<1x16xf32> to vector<16xf32>
    %swap3A_693 = vector.shape_cast %broadcast_in_dim3A_34 : vector<16xf32> to vector<1x16xf32>
    tpu.vector_store %arg11[%swap3A_689, %swap3A_690], %swap3A_693 {strides = array<i32>} : memref<16x128xf32, #tpu.memory_space<vmem>>, vector<1x16xf32>,
    %swap3A_694 = arith.constant 13 : i32
    %swap3A_695 = arith.index_cast %swap3A_694 : i32 to index
    %swap3A_696 = arith.constant 96 : index
    %swap3A_697 = tpu.vector_load %arg11[%swap3A_695, %swap3A_696] {strides = array<i32>} : memref<16x128xf32, #tpu.memory_space<vmem>>, vector<1x16xf32>,
    %swap3A_698 = vector.shape_cast %swap3A_697 : vector<1x16xf32> to vector<16xf32>
    %swap3A_699 = vector.shape_cast %broadcast_in_dim3A_34 : vector<16xf32> to vector<1x16xf32>
    tpu.vector_store %arg11[%swap3A_695, %swap3A_696], %swap3A_699 {strides = array<i32>} : memref<16x128xf32, #tpu.memory_space<vmem>>, vector<1x16xf32>,
    %swap3A_700 = arith.constant 13 : i32
    %swap3A_701 = arith.index_cast %swap3A_700 : i32 to index
    %swap3A_702 = arith.constant 112 : index
    %swap3A_703 = tpu.vector_load %arg11[%swap3A_701, %swap3A_702] {strides = array<i32>} : memref<16x128xf32, #tpu.memory_space<vmem>>, vector<1x16xf32>,
    %swap3A_704 = vector.shape_cast %swap3A_703 : vector<1x16xf32> to vector<16xf32>
    %swap3A_705 = vector.shape_cast %broadcast_in_dim3A_34 : vector<16xf32> to vector<1x16xf32>
    tpu.vector_store %arg11[%swap3A_701, %swap3A_702], %swap3A_705 {strides = array<i32>} : memref<16x128xf32, #tpu.memory_space<vmem>>, vector<1x16xf32>,
    %swap3A_706 = arith.constant 14 : i32
    %swap3A_707 = arith.index_cast %swap3A_706 : i32 to index
    %swap3A_708 = arith.constant 0 : index
    %swap3A_709 = tpu.vector_load %arg11[%swap3A_707, %swap3A_708] {strides = array<i32>} : memref<16x128xf32, #tpu.memory_space<vmem>>, vector<1x16xf32>,
    %swap3A_710 = vector.shape_cast %swap3A_709 : vector<1x16xf32> to vector<16xf32>
    %swap3A_711 = vector.shape_cast %broadcast_in_dim3A_34 : vector<16xf32> to vector<1x16xf32>
    tpu.vector_store %arg11[%swap3A_707, %swap3A_708], %swap3A_711 {strides = array<i32>} : memref<16x128xf32, #tpu.memory_space<vmem>>, vector<1x16xf32>,
    %swap3A_712 = arith.constant 14 : i32
    %swap3A_713 = arith.index_cast %swap3A_712 : i32 to index
    %swap3A_714 = arith.constant 16 : index
    %swap3A_715 = tpu.vector_load %arg11[%swap3A_713, %swap3A_714] {strides = array<i32>} : memref<16x128xf32, #tpu.memory_space<vmem>>, vector<1x16xf32>,
    %swap3A_716 = vector.shape_cast %swap3A_715 : vector<1x16xf32> to vector<16xf32>
    %swap3A_717 = vector.shape_cast %broadcast_in_dim3A_34 : vector<16xf32> to vector<1x16xf32>
    tpu.vector_store %arg11[%swap3A_713, %swap3A_714], %swap3A_717 {strides = array<i32>} : memref<16x128xf32, #tpu.memory_space<vmem>>, vector<1x16xf32>,
    %swap3A_718 = arith.constant 14 : i32
    %swap3A_719 = arith.index_cast %swap3A_718 : i32 to index
    %swap3A_720 = arith.constant 32 : index
    %swap3A_721 = tpu.vector_load %arg11[%swap3A_719, %swap3A_720] {strides = array<i32>} : memref<16x128xf32, #tpu.memory_space<vmem>>, vector<1x16xf32>,
    %swap3A_722 = vector.shape_cast %swap3A_721 : vector<1x16xf32> to vector<16xf32>
    %swap3A_723 = vector.shape_cast %broadcast_in_dim3A_34 : vector<16xf32> to vector<1x16xf32>
    tpu.vector_store %arg11[%swap3A_719, %swap3A_720], %swap3A_723 {strides = array<i32>} : memref<16x128xf32, #tpu.memory_space<vmem>>, vector<1x16xf32>,
    %swap3A_724 = arith.constant 14 : i32
    %swap3A_725 = arith.index_cast %swap3A_724 : i32 to index
    %swap3A_726 = arith.constant 48 : index
    %swap3A_727 = tpu.vector_load %arg11[%swap3A_725, %swap3A_726] {strides = array<i32>} : memref<16x128xf32, #tpu.memory_space<vmem>>, vector<1x16xf32>,
    %swap3A_728 = vector.shape_cast %swap3A_727 : vector<1x16xf32> to vector<16xf32>
    %swap3A_729 = vector.shape_cast %broadcast_in_dim3A_34 : vector<16xf32> to vector<1x16xf32>
    tpu.vector_store %arg11[%swap3A_725, %swap3A_726], %swap3A_729 {strides = array<i32>} : memref<16x128xf32, #tpu.memory_space<vmem>>, vector<1x16xf32>,
    %swap3A_730 = arith.constant 14 : i32
    %swap3A_731 = arith.index_cast %swap3A_730 : i32 to index
    %swap3A_732 = arith.constant 64 : index
    %swap3A_733 = tpu.vector_load %arg11[%swap3A_731, %swap3A_732] {strides = array<i32>} : memref<16x128xf32, #tpu.memory_space<vmem>>, vector<1x16xf32>,
    %swap3A_734 = vector.shape_cast %swap3A_733 : vector<1x16xf32> to vector<16xf32>
    %swap3A_735 = vector.shape_cast %broadcast_in_dim3A_34 : vector<16xf32> to vector<1x16xf32>
    tpu.vector_store %arg11[%swap3A_731, %swap3A_732], %swap3A_735 {strides = array<i32>} : memref<16x128xf32, #tpu.memory_space<vmem>>, vector<1x16xf32>,
    %swap3A_736 = arith.constant 14 : i32
    %swap3A_737 = arith.index_cast %swap3A_736 : i32 to index
    %swap3A_738 = arith.constant 80 : index
    %swap3A_739 = tpu.vector_load %arg11[%swap3A_737, %swap3A_738] {strides = array<i32>} : memref<16x128xf32, #tpu.memory_space<vmem>>, vector<1x16xf32>,
    %swap3A_740 = vector.shape_cast %swap3A_739 : vector<1x16xf32> to vector<16xf32>
    %swap3A_741 = vector.shape_cast %broadcast_in_dim3A_34 : vector<16xf32> to vector<1x16xf32>
    tpu.vector_store %arg11[%swap3A_737, %swap3A_738], %swap3A_741 {strides = array<i32>} : memref<16x128xf32, #tpu.memory_space<vmem>>, vector<1x16xf32>,
    %swap3A_742 = arith.constant 14 : i32
    %swap3A_743 = arith.index_cast %swap3A_742 : i32 to index
    %swap3A_744 = arith.constant 96 : index
    %swap3A_745 = tpu.vector_load %arg11[%swap3A_743, %swap3A_744] {strides = array<i32>} : memref<16x128xf32, #tpu.memory_space<vmem>>, vector<1x16xf32>,
    %swap3A_746 = vector.shape_cast %swap3A_745 : vector<1x16xf32> to vector<16xf32>
    %swap3A_747 = vector.shape_cast %broadcast_in_dim3A_34 : vector<16xf32> to vector<1x16xf32>
    tpu.vector_store %arg11[%swap3A_743, %swap3A_744], %swap3A_747 {strides = array<i32>} : memref<16x128xf32, #tpu.memory_space<vmem>>, vector<1x16xf32>,
    %swap3A_748 = arith.constant 14 : i32
    %swap3A_749 = arith.index_cast %swap3A_748 : i32 to index
    %swap3A_750 = arith.constant 112 : index
    %swap3A_751 = tpu.vector_load %arg11[%swap3A_749, %swap3A_750] {strides = array<i32>} : memref<16x128xf32, #tpu.memory_space<vmem>>, vector<1x16xf32>,
    %swap3A_752 = vector.shape_cast %swap3A_751 : vector<1x16xf32> to vector<16xf32>
    %swap3A_753 = vector.shape_cast %broadcast_in_dim3A_34 : vector<16xf32> to vector<1x16xf32>
    tpu.vector_store %arg11[%swap3A_749, %swap3A_750], %swap3A_753 {strides = array<i32>} : memref<16x128xf32, #tpu.memory_space<vmem>>, vector<1x16xf32>,
    %swap3A_754 = arith.constant 15 : i32
    %swap3A_755 = arith.index_cast %swap3A_754 : i32 to index
    %swap3A_756 = arith.constant 0 : index
    %swap3A_757 = tpu.vector_load %arg11[%swap3A_755, %swap3A_756] {strides = array<i32>} : memref<16x128xf32, #tpu.memory_space<vmem>>, vector<1x16xf32>,
    %swap3A_758 = vector.shape_cast %swap3A_757 : vector<1x16xf32> to vector<16xf32>
    %swap3A_759 = vector.shape_cast %broadcast_in_dim3A_34 : vector<16xf32> to vector<1x16xf32>
    tpu.vector_store %arg11[%swap3A_755, %swap3A_756], %swap3A_759 {strides = array<i32>} : memref<16x128xf32, #tpu.memory_space<vmem>>, vector<1x16xf32>,
    %swap3A_760 = arith.constant 15 : i32
    %swap3A_761 = arith.index_cast %swap3A_760 : i32 to index
    %swap3A_762 = arith.constant 16 : index
    %swap3A_763 = tpu.vector_load %arg11[%swap3A_761, %swap3A_762] {strides = array<i32>} : memref<16x128xf32, #tpu.memory_space<vmem>>, vector<1x16xf32>,
    %swap3A_764 = vector.shape_cast %swap3A_763 : vector<1x16xf32> to vector<16xf32>
    %swap3A_765 = vector.shape_cast %broadcast_in_dim3A_34 : vector<16xf32> to vector<1x16xf32>
    tpu.vector_store %arg11[%swap3A_761, %swap3A_762], %swap3A_765 {strides = array<i32>} : memref<16x128xf32, #tpu.memory_space<vmem>>, vector<1x16xf32>,
    %swap3A_766 = arith.constant 15 : i32
    %swap3A_767 = arith.index_cast %swap3A_766 : i32 to index
    %swap3A_768 = arith.constant 32 : index
    %swap3A_769 = tpu.vector_load %arg11[%swap3A_767, %swap3A_768] {strides = array<i32>} : memref<16x128xf32, #tpu.memory_space<vmem>>, vector<1x16xf32>,
    %swap3A_770 = vector.shape_cast %swap3A_769 : vector<1x16xf32> to vector<16xf32>
    %swap3A_771 = vector.shape_cast %broadcast_in_dim3A_34 : vector<16xf32> to vector<1x16xf32>
    tpu.vector_store %arg11[%swap3A_767, %swap3A_768], %swap3A_771 {strides = array<i32>} : memref<16x128xf32, #tpu.memory_space<vmem>>, vector<1x16xf32>,
    %swap3A_772 = arith.constant 15 : i32
    %swap3A_773 = arith.index_cast %swap3A_772 : i32 to index
    %swap3A_774 = arith.constant 48 : index
    %swap3A_775 = tpu.vector_load %arg11[%swap3A_773, %swap3A_774] {strides = array<i32>} : memref<16x128xf32, #tpu.memory_space<vmem>>, vector<1x16xf32>,
    %swap3A_776 = vector.shape_cast %swap3A_775 : vector<1x16xf32> to vector<16xf32>
    %swap3A_777 = vector.shape_cast %broadcast_in_dim3A_34 : vector<16xf32> to vector<1x16xf32>
    tpu.vector_store %arg11[%swap3A_773, %swap3A_774], %swap3A_777 {strides = array<i32>} : memref<16x128xf32, #tpu.memory_space<vmem>>, vector<1x16xf32>,
    %swap3A_778 = arith.constant 15 : i32
    %swap3A_779 = arith.index_cast %swap3A_778 : i32 to index
    %swap3A_780 = arith.constant 64 : index
    %swap3A_781 = tpu.vector_load %arg11[%swap3A_779, %swap3A_780] {strides = array<i32>} : memref<16x128xf32, #tpu.memory_space<vmem>>, vector<1x16xf32>,
    %swap3A_782 = vector.shape_cast %swap3A_781 : vector<1x16xf32> to vector<16xf32>
    %swap3A_783 = vector.shape_cast %broadcast_in_dim3A_34 : vector<16xf32> to vector<1x16xf32>
    tpu.vector_store %arg11[%swap3A_779, %swap3A_780], %swap3A_783 {strides = array<i32>} : memref<16x128xf32, #tpu.memory_space<vmem>>, vector<1x16xf32>,
    %swap3A_784 = arith.constant 15 : i32
    %swap3A_785 = arith.index_cast %swap3A_784 : i32 to index
    %swap3A_786 = arith.constant 80 : index
    %swap3A_787 = tpu.vector_load %arg11[%swap3A_785, %swap3A_786] {strides = array<i32>} : memref<16x128xf32, #tpu.memory_space<vmem>>, vector<1x16xf32>,
    %swap3A_788 = vector.shape_cast %swap3A_787 : vector<1x16xf32> to vector<16xf32>
    %swap3A_789 = vector.shape_cast %broadcast_in_dim3A_34 : vector<16xf32> to vector<1x16xf32>
    tpu.vector_store %arg11[%swap3A_785, %swap3A_786], %swap3A_789 {strides = array<i32>} : memref<16x128xf32, #tpu.memory_space<vmem>>, vector<1x16xf32>,
    %swap3A_790 = arith.constant 15 : i32
    %swap3A_791 = arith.index_cast %swap3A_790 : i32 to index
    %swap3A_792 = arith.constant 96 : index
    %swap3A_793 = tpu.vector_load %arg11[%swap3A_791, %swap3A_792] {strides = array<i32>} : memref<16x128xf32, #tpu.memory_space<vmem>>, vector<1x16xf32>,
    %swap3A_794 = vector.shape_cast %swap3A_793 : vector<1x16xf32> to vector<16xf32>
    %swap3A_795 = vector.shape_cast %broadcast_in_dim3A_34 : vector<16xf32> to vector<1x16xf32>
    tpu.vector_store %arg11[%swap3A_791, %swap3A_792], %swap3A_795 {strides = array<i32>} : memref<16x128xf32, #tpu.memory_space<vmem>>, vector<1x16xf32>,
    %swap3A_796 = arith.constant 15 : i32
    %swap3A_797 = arith.index_cast %swap3A_796 : i32 to index
    %swap3A_798 = arith.constant 112 : index
    %swap3A_799 = tpu.vector_load %arg11[%swap3A_797, %swap3A_798] {strides = array<i32>} : memref<16x128xf32, #tpu.memory_space<vmem>>, vector<1x16xf32>,
    %swap3A_800 = vector.shape_cast %swap3A_799 : vector<1x16xf32> to vector<16xf32>
    %swap3A_801 = vector.shape_cast %broadcast_in_dim3A_34 : vector<16xf32> to vector<1x16xf32>
    tpu.vector_store %arg11[%swap3A_797, %swap3A_798], %swap3A_801 {strides = array<i32>} : memref<16x128xf32, #tpu.memory_space<vmem>>, vector<1x16xf32>,
    %mul3A_802 = arith.constant 640 : i32
    %mul3A_803 = arith.muli %arg1, %mul3A_802 : i32
    %scan3A = arith.constant 0 : i32
    %scan3A_804 = arith.constant 40 : i32
    %scan3A_805 = arith.addi %scan3A, %scan3A_804 : i32
    %scan3A_806 = arith.constant 1 : i32
    scf.for %scan3A_900 = %scan3A to %scan3A_805 step %scan3A_806  : i32 {
      %mul3A_901 = arith.constant 1 : i32
      %mul3A_902 = arith.muli %scan3A_900, %mul3A_901 : i32
      %add3A_903 = arith.constant 0 : i32
      %add3A_904 = arith.addi %add3A_903, %mul3A_902 : i32
      %mul3A_905 = arith.constant 16 : i32
      %mul3A_906 = arith.muli %add3A_904, %mul3A_905 : i32
      %add3A_907 = arith.addi %mul3A_803, %mul3A_906 : i32
      "tpu.region"() ({
        %run_scoped3A = tpu.sem_alloc : memref<!tpu.dma_semaphore, #tpu.memory_space<semaphore_mem>>
        %dma_start3A_908 = arith.constant 0 : i32
        %dma_start3A_909 = tpu.memref_slice %arg12[%add3A_907, %dma_start3A_908] : memref<10240x128xf32, #tpu.memory_space<vmem_shared>> -> memref<16x128xf32, #tpu.memory_space<vmem_shared>>
        %dma_start3A_910 = arith.constant 0 : i32
        %dma_start3A_911 = tpu.memref_slice %arg12[%add3A_907, %dma_start3A_910] : memref<10240x128xf32, #tpu.memory_space<vmem_shared>> -> memref<16x128xf32, #tpu.memory_space<vmem_shared>>
        tpu.enqueue_dma source(%arg11 : memref<16x128xf32, #tpu.memory_space<vmem>>) target(%dma_start3A_911 : memref<16x128xf32, #tpu.memory_space<vmem_shared>>) target_semaphore(%run_scoped3A : memref<!tpu.dma_semaphore, #tpu.memory_space<semaphore_mem>>)
        %dma_wait3A_912 = arith.constant 0 : i32
        %dma_wait3A_913 = tpu.memref_slice %arg12[%add3A_907, %dma_wait3A_912] : memref<10240x128xf32, #tpu.memory_space<vmem_shared>> -> memref<16x128xf32, #tpu.memory_space<vmem_shared>>
        %dma_wait3A_914 = arith.constant 0 : i32
        %dma_wait3A_915 = tpu.memref_slice %arg12[%add3A_907, %dma_wait3A_914] : memref<10240x128xf32, #tpu.memory_space<vmem_shared>> -> memref<16x128xf32, #tpu.memory_space<vmem_shared>>
        tpu.wait_dma2 semaphore(%run_scoped3A : memref<!tpu.dma_semaphore, #tpu.memory_space<semaphore_mem>>) src(%arg11 : memref<16x128xf32, #tpu.memory_space<vmem>>) dst(%dma_wait3A_915 : memref<16x128xf32, #tpu.memory_space<vmem_shared>>)
        tpu.yield
      }) : () -> ()
    }
    %scan3A_807 = arith.constant 40 : i32
    %barrier3A = arith.constant 0 : index
    tpu.barrier barrier_id(%barrier3A)
    %dma_wait3A = arith.constant 0 : i32
    %dma_wait3A_808 = tpu.memref_slice %arg4[%mul3A_22, %dma_wait3A] : memref<2508x128xi32, #tpu.memory_space<hbm>> -> memref<88x128xi32, #tpu.memory_space<hbm>>
    %dma_wait3A_809 = arith.constant 0 : i32
    %dma_wait3A_810 = tpu.memref_slice %arg4[%mul3A_22, %dma_wait3A_809] : memref<2508x128xi32, #tpu.memory_space<hbm>> -> memref<88x128xi32, #tpu.memory_space<hbm>>
    tpu.wait_dma2 semaphore(%arg18 : memref<!tpu.dma_semaphore, #tpu.memory_space<semaphore_mem>>) src(%dma_wait3A_810 : memref<88x128xi32, #tpu.memory_space<hbm>>) dst(%arg8 : memref<88x128xi32, #tpu.memory_space<vmem>>)
    %dma_wait3A_811 = tpu.memref_slice %arg3[%mul3A_25] : memref<320000xi32, #tpu.memory_space<hbm>> -> memref<128xi32, #tpu.memory_space<hbm>>
    %dma_wait3A_812 = tpu.memref_slice %arg3[%mul3A_25] : memref<320000xi32, #tpu.memory_space<hbm>> -> memref<128xi32, #tpu.memory_space<hbm>>
    tpu.wait_dma2 semaphore(%arg17 : memref<!tpu.dma_semaphore, #tpu.memory_space<semaphore_mem>>) src(%dma_wait3A_812 : memref<128xi32, #tpu.memory_space<hbm>>) dst(%arg6 : memref<128xi32, #tpu.memory_space<vmem>>)
    %dma_start3A_813 = arith.constant 0 : i32
    %dma_start3A_814 = arith.constant 0 : i32
    %dma_start3A_815 = tpu.memref_slice %arg2[%dma_start3A_813, %dma_start3A_814] : memref<10000x128xf32, #tpu.memory_space<hbm>> -> memref<10000x128xf32, #tpu.memory_space<hbm>>
    tpu.enqueue_indirect_dma source(%dma_start3A_815 : memref<10000x128xf32, #tpu.memory_space<hbm>>) target(%arg9 : memref<128x128xf32, #tpu.memory_space<vmem>>) offsets(%arg6 : memref<128xi32, #tpu.memory_space<vmem>>) semaphore(%arg13 : memref<!tpu.dma_semaphore, #tpu.memory_space<semaphore_mem>>)
    %add3A_816 = arith.constant 128 : i32
    %add3A_817 = arith.addi %mul3A_25, %add3A_816 : i32
    %dma_start3A_818 = tpu.memref_slice %arg3[%add3A_817] : memref<320000xi32, #tpu.memory_space<hbm>> -> memref<128xi32, #tpu.memory_space<hbm>>
    %dma_start3A_819 = tpu.memref_slice %arg3[%add3A_817] : memref<320000xi32, #tpu.memory_space<hbm>> -> memref<128xi32, #tpu.memory_space<hbm>>
    tpu.enqueue_dma source(%dma_start3A_819 : memref<128xi32, #tpu.memory_space<hbm>>) target(%arg7 : memref<128xi32, #tpu.memory_space<vmem>>) target_semaphore(%arg17 : memref<!tpu.dma_semaphore, #tpu.memory_space<semaphore_mem>>)
    %dma_wait3A_820 = tpu.memref_slice %arg3[%mul3A_25] : memref<320000xi32, #tpu.memory_space<hbm>> -> memref<128xi32, #tpu.memory_space<hbm>>
    %dma_wait3A_821 = tpu.memref_slice %arg3[%mul3A_25] : memref<320000xi32, #tpu.memory_space<hbm>> -> memref<128xi32, #tpu.memory_space<hbm>>
    tpu.wait_dma2 semaphore(%arg17 : memref<!tpu.dma_semaphore, #tpu.memory_space<semaphore_mem>>) src(%dma_wait3A_821 : memref<128xi32, #tpu.memory_space<hbm>>) dst(%arg7 : memref<128xi32, #tpu.memory_space<vmem>>)
    %dma_start3A_822 = arith.constant 0 : i32
    %dma_start3A_823 = arith.constant 0 : i32
    %dma_start3A_824 = tpu.memref_slice %arg2[%dma_start3A_822, %dma_start3A_823] : memref<10000x128xf32, #tpu.memory_space<hbm>> -> memref<10000x128xf32, #tpu.memory_space<hbm>>
    tpu.enqueue_indirect_dma source(%dma_start3A_824 : memref<10000x128xf32, #tpu.memory_space<hbm>>) target(%arg10 : memref<128x128xf32, #tpu.memory_space<vmem>>) offsets(%arg7 : memref<128xi32, #tpu.memory_space<vmem>>) semaphore(%arg14 : memref<!tpu.dma_semaphore, #tpu.memory_space<semaphore_mem>>)
    %dma_wait3A_825 = arith.constant 0 : i32
    %dma_wait3A_826 = arith.constant 0 : i32
    %dma_wait3A_827 = tpu.memref_slice %arg2[%dma_wait3A_825, %dma_wait3A_826] : memref<10000x128xf32, #tpu.memory_space<hbm>> -> memref<10000x128xf32, #tpu.memory_space<hbm>>
    tpu.wait_indirect_dma semaphore(%arg13 : memref<!tpu.dma_semaphore, #tpu.memory_space<semaphore_mem>>) src(%dma_wait3A_827 : memref<10000x128xf32, #tpu.memory_space<hbm>>) dst(%arg9 : memref<128x128xf32, #tpu.memory_space<vmem>>)
    %add3A_828 = arith.constant 0 : i32
    %add3A_829 = arith.addi %sub3A_23, %add3A_828 : i32
    %dma_start3A_830 = arith.constant 0 : i32
    %dma_start3A_831 = tpu.memref_slice %arg8[%add3A_829, %dma_start3A_830] : memref<88x128xi32, #tpu.memory_space<vmem>> -> memref<1x128xi32, #tpu.memory_space<vmem>>
    %dma_start3A_832 = tpu.memref_squeeze %dma_start3A_831 : memref<1x128xi32, #tpu.memory_space<vmem>> -> memref<128xi32, #tpu.memory_space<vmem>>
    %dma_start3A_833 = arith.constant 0 : i32
    %dma_start3A_834 = arith.constant 0 : i32
    %dma_start3A_835 = tpu.memref_slice %arg12[%dma_start3A_833, %dma_start3A_834] : memref<10240x128xf32, #tpu.memory_space<vmem_shared>> -> memref<10240x128xf32, #tpu.memory_space<vmem_shared>>
    tpu.enqueue_indirect_dma source(%arg9 : memref<128x128xf32, #tpu.memory_space<vmem>>) target(%dma_start3A_835 : memref<10240x128xf32, #tpu.memory_space<vmem_shared>>) offsets(%dma_start3A_832 : memref<128xi32, #tpu.memory_space<vmem>>) semaphore(%arg15 : memref<!tpu.dma_semaphore, #tpu.memory_space<semaphore_mem>>) {add = true}
    %add3A_836 = arith.constant 256 : i32
    %add3A_837 = arith.addi %mul3A_25, %add3A_836 : i32
    %dma_start3A_838 = tpu.memref_slice %arg3[%add3A_837] : memref<320000xi32, #tpu.memory_space<hbm>> -> memref<128xi32, #tpu.memory_space<hbm>>
    %dma_start3A_839 = tpu.memref_slice %arg3[%add3A_837] : memref<320000xi32, #tpu.memory_space<hbm>> -> memref<128xi32, #tpu.memory_space<hbm>>
    tpu.enqueue_dma source(%dma_start3A_839 : memref<128xi32, #tpu.memory_space<hbm>>) target(%arg6 : memref<128xi32, #tpu.memory_space<vmem>>) target_semaphore(%arg17 : memref<!tpu.dma_semaphore, #tpu.memory_space<semaphore_mem>>)
    %dma_wait3A_840 = arith.constant 0 : i32
    %dma_wait3A_841 = arith.constant 0 : i32
    %dma_wait3A_842 = tpu.memref_slice %arg8[%dma_wait3A_840, %dma_wait3A_841] : memref<88x128xi32, #tpu.memory_space<vmem>> -> memref<1x128xi32, #tpu.memory_space<vmem>>
    %dma_wait3A_843 = tpu.memref_squeeze %dma_wait3A_842 : memref<1x128xi32, #tpu.memory_space<vmem>> -> memref<128xi32, #tpu.memory_space<vmem>>
    %dma_wait3A_844 = arith.constant 0 : i32
    %dma_wait3A_845 = arith.constant 0 : i32
    %dma_wait3A_846 = tpu.memref_slice %arg12[%dma_wait3A_844, %dma_wait3A_845] : memref<10240x128xf32, #tpu.memory_space<vmem_shared>> -> memref<10240x128xf32, #tpu.memory_space<vmem_shared>>
    tpu.wait_indirect_dma semaphore(%arg15 : memref<!tpu.dma_semaphore, #tpu.memory_space<semaphore_mem>>) src(%arg9 : memref<128x128xf32, #tpu.memory_space<vmem>>) dst(%dma_wait3A_846 : memref<10240x128xf32, #tpu.memory_space<vmem_shared>>)
    %dma_wait3A_847 = tpu.memref_slice %arg3[%mul3A_25] : memref<320000xi32, #tpu.memory_space<hbm>> -> memref<128xi32, #tpu.memory_space<hbm>>
    %dma_wait3A_848 = tpu.memref_slice %arg3[%mul3A_25] : memref<320000xi32, #tpu.memory_space<hbm>> -> memref<128xi32, #tpu.memory_space<hbm>>
    tpu.wait_dma2 semaphore(%arg17 : memref<!tpu.dma_semaphore, #tpu.memory_space<semaphore_mem>>) src(%dma_wait3A_848 : memref<128xi32, #tpu.memory_space<hbm>>) dst(%arg6 : memref<128xi32, #tpu.memory_space<vmem>>)
    %dma_start3A_849 = arith.constant 0 : i32
    %dma_start3A_850 = arith.constant 0 : i32
    %dma_start3A_851 = tpu.memref_slice %arg2[%dma_start3A_849, %dma_start3A_850] : memref<10000x128xf32, #tpu.memory_space<hbm>> -> memref<10000x128xf32, #tpu.memory_space<hbm>>
    tpu.enqueue_indirect_dma source(%dma_start3A_851 : memref<10000x128xf32, #tpu.memory_space<hbm>>) target(%arg9 : memref<128x128xf32, #tpu.memory_space<vmem>>) offsets(%arg6 : memref<128xi32, #tpu.memory_space<vmem>>) semaphore(%arg13 : memref<!tpu.dma_semaphore, #tpu.memory_space<semaphore_mem>>)
    %dma_wait3A_852 = arith.constant 0 : i32
    %dma_wait3A_853 = arith.constant 0 : i32
    %dma_wait3A_854 = tpu.memref_slice %arg2[%dma_wait3A_852, %dma_wait3A_853] : memref<10000x128xf32, #tpu.memory_space<hbm>> -> memref<10000x128xf32, #tpu.memory_space<hbm>>
    tpu.wait_indirect_dma semaphore(%arg14 : memref<!tpu.dma_semaphore, #tpu.memory_space<semaphore_mem>>) src(%dma_wait3A_854 : memref<10000x128xf32, #tpu.memory_space<hbm>>) dst(%arg10 : memref<128x128xf32, #tpu.memory_space<vmem>>)
    %add3A_855 = arith.constant 1 : i32
    %add3A_856 = arith.addi %sub3A_23, %add3A_855 : i32
    %dma_start3A_857 = arith.constant 0 : i32
    %dma_start3A_858 = tpu.memref_slice %arg8[%add3A_856, %dma_start3A_857] : memref<88x128xi32, #tpu.memory_space<vmem>> -> memref<1x128xi32, #tpu.memory_space<vmem>>
    %dma_start3A_859 = tpu.memref_squeeze %dma_start3A_858 : memref<1x128xi32, #tpu.memory_space<vmem>> -> memref<128xi32, #tpu.memory_space<vmem>>
    %dma_start3A_860 = arith.constant 0 : i32
    %dma_start3A_861 = arith.constant 0 : i32
    %dma_start3A_862 = tpu.memref_slice %arg12[%dma_start3A_860, %dma_start3A_861] : memref<10240x128xf32, #tpu.memory_space<vmem_shared>> -> memref<10240x128xf32, #tpu.memory_space<vmem_shared>>
    tpu.enqueue_indirect_dma source(%arg10 : memref<128x128xf32, #tpu.memory_space<vmem>>) target(%dma_start3A_862 : memref<10240x128xf32, #tpu.memory_space<vmem_shared>>) offsets(%dma_start3A_859 : memref<128xi32, #tpu.memory_space<vmem>>) semaphore(%arg16 : memref<!tpu.dma_semaphore, #tpu.memory_space<semaphore_mem>>) {add = true}
    %add3A_863 = arith.constant 384 : i32
    %add3A_864 = arith.addi %mul3A_25, %add3A_863 : i32
    %dma_start3A_865 = tpu.memref_slice %arg3[%add3A_864] : memref<320000xi32, #tpu.memory_space<hbm>> -> memref<128xi32, #tpu.memory_space<hbm>>
    %dma_start3A_866 = tpu.memref_slice %arg3[%add3A_864] : memref<320000xi32, #tpu.memory_space<hbm>> -> memref<128xi32, #tpu.memory_space<hbm>>
    tpu.enqueue_dma source(%dma_start3A_866 : memref<128xi32, #tpu.memory_space<hbm>>) target(%arg7 : memref<128xi32, #tpu.memory_space<vmem>>) target_semaphore(%arg17 : memref<!tpu.dma_semaphore, #tpu.memory_space<semaphore_mem>>)
    %dma_wait3A_867 = arith.constant 0 : i32
    %dma_wait3A_868 = arith.constant 0 : i32
    %dma_wait3A_869 = tpu.memref_slice %arg8[%dma_wait3A_867, %dma_wait3A_868] : memref<88x128xi32, #tpu.memory_space<vmem>> -> memref<1x128xi32, #tpu.memory_space<vmem>>
    %dma_wait3A_870 = tpu.memref_squeeze %dma_wait3A_869 : memref<1x128xi32, #tpu.memory_space<vmem>> -> memref<128xi32, #tpu.memory_space<vmem>>
    %dma_wait3A_871 = arith.constant 0 : i32
    %dma_wait3A_872 = arith.constant 0 : i32
    %dma_wait3A_873 = tpu.memref_slice %arg12[%dma_wait3A_871, %dma_wait3A_872] : memref<10240x128xf32, #tpu.memory_space<vmem_shared>> -> memref<10240x128xf32, #tpu.memory_space<vmem_shared>>
    tpu.wait_indirect_dma semaphore(%arg16 : memref<!tpu.dma_semaphore, #tpu.memory_space<semaphore_mem>>) src(%arg10 : memref<128x128xf32, #tpu.memory_space<vmem>>) dst(%dma_wait3A_873 : memref<10240x128xf32, #tpu.memory_space<vmem_shared>>)
    %dma_wait3A_874 = tpu.memref_slice %arg3[%mul3A_25] : memref<320000xi32, #tpu.memory_space<hbm>> -> memref<128xi32, #tpu.memory_space<hbm>>
    %dma_wait3A_875 = tpu.memref_slice %arg3[%mul3A_25] : memref<320000xi32, #tpu.memory_space<hbm>> -> memref<128xi32, #tpu.memory_space<hbm>>
    tpu.wait_dma2 semaphore(%arg17 : memref<!tpu.dma_semaphore, #tpu.memory_space<semaphore_mem>>) src(%dma_wait3A_875 : memref<128xi32, #tpu.memory_space<hbm>>) dst(%arg7 : memref<128xi32, #tpu.memory_space<vmem>>)
    %dma_start3A_876 = arith.constant 0 : i32
    %dma_start3A_877 = arith.constant 0 : i32
    %dma_start3A_878 = tpu.memref_slice %arg2[%dma_start3A_876, %dma_start3A_877] : memref<10000x128xf32, #tpu.memory_space<hbm>> -> memref<10000x128xf32, #tpu.memory_space<hbm>>
    tpu.enqueue_indirect_dma source(%dma_start3A_878 : memref<10000x128xf32, #tpu.memory_space<hbm>>) target(%arg10 : memref<128x128xf32, #tpu.memory_space<vmem>>) offsets(%arg7 : memref<128xi32, #tpu.memory_space<vmem>>) semaphore(%arg14 : memref<!tpu.dma_semaphore, #tpu.memory_space<semaphore_mem>>)
    %scan3A_879 = arith.constant 0 : i32
    %scan3A_880 = arith.constant 38 : i32
    %scan3A_881 = arith.addi %scan3A_879, %scan3A_880 : i32
    %scan3A_882 = arith.constant 1 : i32
    scf.for %scan3A_900 = %scan3A_879 to %scan3A_881 step %scan3A_882  : i32 {
      %mul3A_901 = arith.constant 2 : i32
      %mul3A_902 = arith.muli %scan3A_900, %mul3A_901 : i32
      %add3A_903 = arith.constant 2 : i32
      %add3A_904 = arith.addi %add3A_903, %mul3A_902 : i32
      %add3A_905 = arith.constant 0 : i32
      %add3A_906 = arith.addi %add3A_904, %add3A_905 : i32
      %dma_wait3A_907 = arith.constant 0 : i32
      %dma_wait3A_908 = arith.constant 0 : i32
      %dma_wait3A_909 = tpu.memref_slice %arg2[%dma_wait3A_907, %dma_wait3A_908] : memref<10000x128xf32, #tpu.memory_space<hbm>> -> memref<10000x128xf32, #tpu.memory_space<hbm>>
      tpu.wait_indirect_dma semaphore(%arg13 : memref<!tpu.dma_semaphore, #tpu.memory_space<semaphore_mem>>) src(%dma_wait3A_909 : memref<10000x128xf32, #tpu.memory_space<hbm>>) dst(%arg9 : memref<128x128xf32, #tpu.memory_space<vmem>>)
      %add3A_910 = arith.addi %sub3A_23, %add3A_906 : i32
      %dma_start3A_911 = arith.constant 0 : i32
      %dma_start3A_912 = tpu.memref_slice %arg8[%add3A_910, %dma_start3A_911] : memref<88x128xi32, #tpu.memory_space<vmem>> -> memref<1x128xi32, #tpu.memory_space<vmem>>
      %dma_start3A_913 = tpu.memref_squeeze %dma_start3A_912 : memref<1x128xi32, #tpu.memory_space<vmem>> -> memref<128xi32, #tpu.memory_space<vmem>>
      %dma_start3A_914 = arith.constant 0 : i32
      %dma_start3A_915 = arith.constant 0 : i32
      %dma_start3A_916 = tpu.memref_slice %arg12[%dma_start3A_914, %dma_start3A_915] : memref<10240x128xf32, #tpu.memory_space<vmem_shared>> -> memref<10240x128xf32, #tpu.memory_space<vmem_shared>>
      tpu.enqueue_indirect_dma source(%arg9 : memref<128x128xf32, #tpu.memory_space<vmem>>) target(%dma_start3A_916 : memref<10240x128xf32, #tpu.memory_space<vmem_shared>>) offsets(%dma_start3A_913 : memref<128xi32, #tpu.memory_space<vmem>>) semaphore(%arg15 : memref<!tpu.dma_semaphore, #tpu.memory_space<semaphore_mem>>) {add = true}
      %add3A_917 = arith.constant 2 : i32
      %add3A_918 = arith.addi %add3A_906, %add3A_917 : i32
      %lt3A_919 = arith.constant 78 : i32
      %lt3A_920 = arith.cmpi slt, %add3A_918, %lt3A_919 : i32
      %convert_element_type3A_921 = arith.extui %lt3A_920 : i1 to i32
      %cond3A_922 = arith.constant 0 : i32
      %cond3A_923 = arith.cmpi ne, %convert_element_type3A_921, %cond3A_922 : i32
      scf.if %cond3A_923 {
        %add3A_943 = arith.constant 2 : i32
        %add3A_944 = arith.addi %add3A_906, %add3A_943 : i32
        %mul3A_945 = arith.constant 128 : i32
        %mul3A_946 = arith.muli %add3A_944, %mul3A_945 : i32
        %add3A_947 = arith.addi %mul3A_25, %mul3A_946 : i32
        %dma_start3A_948 = tpu.memref_slice %arg3[%add3A_947] : memref<320000xi32, #tpu.memory_space<hbm>> -> memref<128xi32, #tpu.memory_space<hbm>>
        %dma_start3A_949 = tpu.memref_slice %arg3[%add3A_947] : memref<320000xi32, #tpu.memory_space<hbm>> -> memref<128xi32, #tpu.memory_space<hbm>>
        tpu.enqueue_dma source(%dma_start3A_949 : memref<128xi32, #tpu.memory_space<hbm>>) target(%arg6 : memref<128xi32, #tpu.memory_space<vmem>>) target_semaphore(%arg17 : memref<!tpu.dma_semaphore, #tpu.memory_space<semaphore_mem>>)
        %dma_wait3A_950 = arith.constant 0 : i32
        %dma_wait3A_951 = arith.constant 0 : i32
        %dma_wait3A_952 = tpu.memref_slice %arg8[%dma_wait3A_950, %dma_wait3A_951] : memref<88x128xi32, #tpu.memory_space<vmem>> -> memref<1x128xi32, #tpu.memory_space<vmem>>
        %dma_wait3A_953 = tpu.memref_squeeze %dma_wait3A_952 : memref<1x128xi32, #tpu.memory_space<vmem>> -> memref<128xi32, #tpu.memory_space<vmem>>
        %dma_wait3A_954 = arith.constant 0 : i32
        %dma_wait3A_955 = arith.constant 0 : i32
        %dma_wait3A_956 = tpu.memref_slice %arg12[%dma_wait3A_954, %dma_wait3A_955] : memref<10240x128xf32, #tpu.memory_space<vmem_shared>> -> memref<10240x128xf32, #tpu.memory_space<vmem_shared>>
        tpu.wait_indirect_dma semaphore(%arg15 : memref<!tpu.dma_semaphore, #tpu.memory_space<semaphore_mem>>) src(%arg9 : memref<128x128xf32, #tpu.memory_space<vmem>>) dst(%dma_wait3A_956 : memref<10240x128xf32, #tpu.memory_space<vmem_shared>>)
        %dma_wait3A_957 = tpu.memref_slice %arg3[%mul3A_25] : memref<320000xi32, #tpu.memory_space<hbm>> -> memref<128xi32, #tpu.memory_space<hbm>>
        %dma_wait3A_958 = tpu.memref_slice %arg3[%mul3A_25] : memref<320000xi32, #tpu.memory_space<hbm>> -> memref<128xi32, #tpu.memory_space<hbm>>
        tpu.wait_dma2 semaphore(%arg17 : memref<!tpu.dma_semaphore, #tpu.memory_space<semaphore_mem>>) src(%dma_wait3A_958 : memref<128xi32, #tpu.memory_space<hbm>>) dst(%arg6 : memref<128xi32, #tpu.memory_space<vmem>>)
        %dma_start3A_959 = arith.constant 0 : i32
        %dma_start3A_960 = arith.constant 0 : i32
        %dma_start3A_961 = tpu.memref_slice %arg2[%dma_start3A_959, %dma_start3A_960] : memref<10000x128xf32, #tpu.memory_space<hbm>> -> memref<10000x128xf32, #tpu.memory_space<hbm>>
        tpu.enqueue_indirect_dma source(%dma_start3A_961 : memref<10000x128xf32, #tpu.memory_space<hbm>>) target(%arg9 : memref<128x128xf32, #tpu.memory_space<vmem>>) offsets(%arg6 : memref<128xi32, #tpu.memory_space<vmem>>) semaphore(%arg13 : memref<!tpu.dma_semaphore, #tpu.memory_space<semaphore_mem>>)
      } else {
      }
      %add3A_924 = arith.constant 1 : i32
      %add3A_925 = arith.addi %add3A_904, %add3A_924 : i32
      %dma_wait3A_926 = arith.constant 0 : i32
      %dma_wait3A_927 = arith.constant 0 : i32
      %dma_wait3A_928 = tpu.memref_slice %arg2[%dma_wait3A_926, %dma_wait3A_927] : memref<10000x128xf32, #tpu.memory_space<hbm>> -> memref<10000x128xf32, #tpu.memory_space<hbm>>
      tpu.wait_indirect_dma semaphore(%arg14 : memref<!tpu.dma_semaphore, #tpu.memory_space<semaphore_mem>>) src(%dma_wait3A_928 : memref<10000x128xf32, #tpu.memory_space<hbm>>) dst(%arg10 : memref<128x128xf32, #tpu.memory_space<vmem>>)
      %add3A_929 = arith.addi %sub3A_23, %add3A_925 : i32
      %dma_start3A_930 = arith.constant 0 : i32
      %dma_start3A_931 = tpu.memref_slice %arg8[%add3A_929, %dma_start3A_930] : memref<88x128xi32, #tpu.memory_space<vmem>> -> memref<1x128xi32, #tpu.memory_space<vmem>>
      %dma_start3A_932 = tpu.memref_squeeze %dma_start3A_931 : memref<1x128xi32, #tpu.memory_space<vmem>> -> memref<128xi32, #tpu.memory_space<vmem>>
      %dma_start3A_933 = arith.constant 0 : i32
      %dma_start3A_934 = arith.constant 0 : i32
      %dma_start3A_935 = tpu.memref_slice %arg12[%dma_start3A_933, %dma_start3A_934] : memref<10240x128xf32, #tpu.memory_space<vmem_shared>> -> memref<10240x128xf32, #tpu.memory_space<vmem_shared>>
      tpu.enqueue_indirect_dma source(%arg10 : memref<128x128xf32, #tpu.memory_space<vmem>>) target(%dma_start3A_935 : memref<10240x128xf32, #tpu.memory_space<vmem_shared>>) offsets(%dma_start3A_932 : memref<128xi32, #tpu.memory_space<vmem>>) semaphore(%arg16 : memref<!tpu.dma_semaphore, #tpu.memory_space<semaphore_mem>>) {add = true}
      %add3A_936 = arith.constant 2 : i32
      %add3A_937 = arith.addi %add3A_925, %add3A_936 : i32
      %lt3A_938 = arith.constant 78 : i32
      %lt3A_939 = arith.cmpi slt, %add3A_937, %lt3A_938 : i32
      %convert_element_type3A_940 = arith.extui %lt3A_939 : i1 to i32
      %cond3A_941 = arith.constant 0 : i32
      %cond3A_942 = arith.cmpi ne, %convert_element_type3A_940, %cond3A_941 : i32
      scf.if %cond3A_942 {
        %add3A_943 = arith.constant 2 : i32
        %add3A_944 = arith.addi %add3A_925, %add3A_943 : i32
        %mul3A_945 = arith.constant 128 : i32
        %mul3A_946 = arith.muli %add3A_944, %mul3A_945 : i32
        %add3A_947 = arith.addi %mul3A_25, %mul3A_946 : i32
        %dma_start3A_948 = tpu.memref_slice %arg3[%add3A_947] : memref<320000xi32, #tpu.memory_space<hbm>> -> memref<128xi32, #tpu.memory_space<hbm>>
        %dma_start3A_949 = tpu.memref_slice %arg3[%add3A_947] : memref<320000xi32, #tpu.memory_space<hbm>> -> memref<128xi32, #tpu.memory_space<hbm>>
        tpu.enqueue_dma source(%dma_start3A_949 : memref<128xi32, #tpu.memory_space<hbm>>) target(%arg7 : memref<128xi32, #tpu.memory_space<vmem>>) target_semaphore(%arg17 : memref<!tpu.dma_semaphore, #tpu.memory_space<semaphore_mem>>)
        %dma_wait3A_950 = arith.constant 0 : i32
        %dma_wait3A_951 = arith.constant 0 : i32
        %dma_wait3A_952 = tpu.memref_slice %arg8[%dma_wait3A_950, %dma_wait3A_951] : memref<88x128xi32, #tpu.memory_space<vmem>> -> memref<1x128xi32, #tpu.memory_space<vmem>>
        %dma_wait3A_953 = tpu.memref_squeeze %dma_wait3A_952 : memref<1x128xi32, #tpu.memory_space<vmem>> -> memref<128xi32, #tpu.memory_space<vmem>>
        %dma_wait3A_954 = arith.constant 0 : i32
        %dma_wait3A_955 = arith.constant 0 : i32
        %dma_wait3A_956 = tpu.memref_slice %arg12[%dma_wait3A_954, %dma_wait3A_955] : memref<10240x128xf32, #tpu.memory_space<vmem_shared>> -> memref<10240x128xf32, #tpu.memory_space<vmem_shared>>
        tpu.wait_indirect_dma semaphore(%arg16 : memref<!tpu.dma_semaphore, #tpu.memory_space<semaphore_mem>>) src(%arg10 : memref<128x128xf32, #tpu.memory_space<vmem>>) dst(%dma_wait3A_956 : memref<10240x128xf32, #tpu.memory_space<vmem_shared>>)
        %dma_wait3A_957 = tpu.memref_slice %arg3[%mul3A_25] : memref<320000xi32, #tpu.memory_space<hbm>> -> memref<128xi32, #tpu.memory_space<hbm>>
        %dma_wait3A_958 = tpu.memref_slice %arg3[%mul3A_25] : memref<320000xi32, #tpu.memory_space<hbm>> -> memref<128xi32, #tpu.memory_space<hbm>>
        tpu.wait_dma2 semaphore(%arg17 : memref<!tpu.dma_semaphore, #tpu.memory_space<semaphore_mem>>) src(%dma_wait3A_958 : memref<128xi32, #tpu.memory_space<hbm>>) dst(%arg7 : memref<128xi32, #tpu.memory_space<vmem>>)
        %dma_start3A_959 = arith.constant 0 : i32
        %dma_start3A_960 = arith.constant 0 : i32
        %dma_start3A_961 = tpu.memref_slice %arg2[%dma_start3A_959, %dma_start3A_960] : memref<10000x128xf32, #tpu.memory_space<hbm>> -> memref<10000x128xf32, #tpu.memory_space<hbm>>
        tpu.enqueue_indirect_dma source(%dma_start3A_961 : memref<10000x128xf32, #tpu.memory_space<hbm>>) target(%arg10 : memref<128x128xf32, #tpu.memory_space<vmem>>) offsets(%arg7 : memref<128xi32, #tpu.memory_space<vmem>>) semaphore(%arg14 : memref<!tpu.dma_semaphore, #tpu.memory_space<semaphore_mem>>)
      } else {
      }
    }
    %scan3A_883 = arith.constant 38 : i32
    %dma_wait3A_884 = arith.constant 0 : i32
    %dma_wait3A_885 = arith.constant 0 : i32
    %dma_wait3A_886 = tpu.memref_slice %arg8[%dma_wait3A_884, %dma_wait3A_885] : memref<88x128xi32, #tpu.memory_space<vmem>> -> memref<1x128xi32, #tpu.memory_space<vmem>>
    %dma_wait3A_887 = tpu.memref_squeeze %dma_wait3A_886 : memref<1x128xi32, #tpu.memory_space<vmem>> -> memref<128xi32, #tpu.memory_space<vmem>>
    %dma_wait3A_888 = arith.constant 0 : i32
    %dma_wait3A_889 = arith.constant 0 : i32
    %dma_wait3A_890 = tpu.memref_slice %arg12[%dma_wait3A_888, %dma_wait3A_889] : memref<10240x128xf32, #tpu.memory_space<vmem_shared>> -> memref<10240x128xf32, #tpu.memory_space<vmem_shared>>
    tpu.wait_indirect_dma semaphore(%arg15 : memref<!tpu.dma_semaphore, #tpu.memory_space<semaphore_mem>>) src(%arg9 : memref<128x128xf32, #tpu.memory_space<vmem>>) dst(%dma_wait3A_890 : memref<10240x128xf32, #tpu.memory_space<vmem_shared>>)
    %dma_wait3A_891 = arith.constant 0 : i32
    %dma_wait3A_892 = arith.constant 0 : i32
    %dma_wait3A_893 = tpu.memref_slice %arg8[%dma_wait3A_891, %dma_wait3A_892] : memref<88x128xi32, #tpu.memory_space<vmem>> -> memref<1x128xi32, #tpu.memory_space<vmem>>
    %dma_wait3A_894 = tpu.memref_squeeze %dma_wait3A_893 : memref<1x128xi32, #tpu.memory_space<vmem>> -> memref<128xi32, #tpu.memory_space<vmem>>
    %dma_wait3A_895 = arith.constant 0 : i32
    %dma_wait3A_896 = arith.constant 0 : i32
    %dma_wait3A_897 = tpu.memref_slice %arg12[%dma_wait3A_895, %dma_wait3A_896] : memref<10240x128xf32, #tpu.memory_space<vmem_shared>> -> memref<10240x128xf32, #tpu.memory_space<vmem_shared>>
    tpu.wait_indirect_dma semaphore(%arg16 : memref<!tpu.dma_semaphore, #tpu.memory_space<semaphore_mem>>) src(%arg10 : memref<128x128xf32, #tpu.memory_space<vmem>>) dst(%dma_wait3A_897 : memref<10240x128xf32, #tpu.memory_space<vmem_shared>>)
    %convert_element_type3A = arith.extui %lt3A_26 : i1 to i32
    %cond3A = arith.constant 0 : i32
    %cond3A_898 = arith.cmpi ne, %convert_element_type3A, %cond3A : i32
    scf.if %cond3A_898 {
      %add3A_900 = arith.constant 9984 : i32
      %add3A_901 = arith.addi %mul3A_25, %add3A_900 : i32
      %dma_start3A_902 = tpu.memref_slice %arg3[%add3A_901] : memref<320000xi32, #tpu.memory_space<hbm>> -> memref<128xi32, #tpu.memory_space<hbm>>
      %dma_start3A_903 = tpu.memref_slice %arg3[%add3A_901] : memref<320000xi32, #tpu.memory_space<hbm>> -> memref<128xi32, #tpu.memory_space<hbm>>
      tpu.enqueue_dma source(%dma_start3A_903 : memref<128xi32, #tpu.memory_space<hbm>>) target(%arg6 : memref<128xi32, #tpu.memory_space<vmem>>) target_semaphore(%arg18 : memref<!tpu.dma_semaphore, #tpu.memory_space<semaphore_mem>>)
      %dma_wait3A_904 = tpu.memref_slice %arg3[%add3A_901] : memref<320000xi32, #tpu.memory_space<hbm>> -> memref<128xi32, #tpu.memory_space<hbm>>
      %dma_wait3A_905 = tpu.memref_slice %arg3[%add3A_901] : memref<320000xi32, #tpu.memory_space<hbm>> -> memref<128xi32, #tpu.memory_space<hbm>>
      tpu.wait_dma2 semaphore(%arg18 : memref<!tpu.dma_semaphore, #tpu.memory_space<semaphore_mem>>) src(%dma_wait3A_905 : memref<128xi32, #tpu.memory_space<hbm>>) dst(%arg6 : memref<128xi32, #tpu.memory_space<vmem>>)
      %dma_start3A_906 = arith.constant 0 : i32
      %dma_start3A_907 = arith.constant 0 : i32
      %dma_start3A_908 = tpu.memref_slice %arg2[%dma_start3A_906, %dma_start3A_907] : memref<10000x128xf32, #tpu.memory_space<hbm>> -> memref<10000x128xf32, #tpu.memory_space<hbm>>
      tpu.enqueue_indirect_dma source(%dma_start3A_908 : memref<10000x128xf32, #tpu.memory_space<hbm>>) target(%arg9 : memref<128x128xf32, #tpu.memory_space<vmem>>) offsets(%arg6 : memref<128xi32, #tpu.memory_space<vmem>>) semaphore(%arg18 : memref<!tpu.dma_semaphore, #tpu.memory_space<semaphore_mem>>)
      %dma_wait3A_909 = arith.constant 0 : i32
      %dma_wait3A_910 = arith.constant 0 : i32
      %dma_wait3A_911 = tpu.memref_slice %arg2[%dma_wait3A_909, %dma_wait3A_910] : memref<10000x128xf32, #tpu.memory_space<hbm>> -> memref<10000x128xf32, #tpu.memory_space<hbm>>
      tpu.wait_indirect_dma semaphore(%arg18 : memref<!tpu.dma_semaphore, #tpu.memory_space<semaphore_mem>>) src(%dma_wait3A_911 : memref<10000x128xf32, #tpu.memory_space<hbm>>) dst(%arg9 : memref<128x128xf32, #tpu.memory_space<vmem>>)
      %add3A_912 = arith.constant 78 : i32
      %add3A_913 = arith.addi %sub3A_23, %add3A_912 : i32
      "tpu.region"() ({
        %run_scoped3A = tpu.sem_alloc : memref<!tpu.dma_semaphore, #tpu.memory_space<semaphore_mem>>
        %dma_start3A_914 = arith.constant 0 : i32
        %dma_start3A_915 = tpu.memref_slice %arg8[%add3A_913, %dma_start3A_914] : memref<88x128xi32, #tpu.memory_space<vmem>> -> memref<1x128xi32, #tpu.memory_space<vmem>>
        %dma_start3A_916 = tpu.memref_squeeze %dma_start3A_915 : memref<1x128xi32, #tpu.memory_space<vmem>> -> memref<128xi32, #tpu.memory_space<vmem>>
        %dma_start3A_917 = arith.constant 0 : i32
        %dma_start3A_918 = arith.constant 0 : i32
        %dma_start3A_919 = tpu.memref_slice %arg12[%dma_start3A_917, %dma_start3A_918] : memref<10240x128xf32, #tpu.memory_space<vmem_shared>> -> memref<10240x128xf32, #tpu.memory_space<vmem_shared>>
        tpu.enqueue_indirect_dma source(%arg9 : memref<128x128xf32, #tpu.memory_space<vmem>>) target(%dma_start3A_919 : memref<10240x128xf32, #tpu.memory_space<vmem_shared>>) offsets(%dma_start3A_916 : memref<128xi32, #tpu.memory_space<vmem>>) semaphore(%run_scoped3A : memref<!tpu.dma_semaphore, #tpu.memory_space<semaphore_mem>>) {add = true}
        %dma_wait3A_920 = arith.constant 0 : i32
        %dma_wait3A_921 = tpu.memref_slice %arg8[%add3A_913, %dma_wait3A_920] : memref<88x128xi32, #tpu.memory_space<vmem>> -> memref<1x128xi32, #tpu.memory_space<vmem>>
        %dma_wait3A_922 = tpu.memref_squeeze %dma_wait3A_921 : memref<1x128xi32, #tpu.memory_space<vmem>> -> memref<128xi32, #tpu.memory_space<vmem>>
        %dma_wait3A_923 = arith.constant 0 : i32
        %dma_wait3A_924 = arith.constant 0 : i32
        %dma_wait3A_925 = tpu.memref_slice %arg12[%dma_wait3A_923, %dma_wait3A_924] : memref<10240x128xf32, #tpu.memory_space<vmem_shared>> -> memref<10240x128xf32, #tpu.memory_space<vmem_shared>>
        tpu.wait_indirect_dma semaphore(%run_scoped3A : memref<!tpu.dma_semaphore, #tpu.memory_space<semaphore_mem>>) src(%arg9 : memref<128x128xf32, #tpu.memory_space<vmem>>) dst(%dma_wait3A_925 : memref<10240x128xf32, #tpu.memory_space<vmem_shared>>)
        tpu.yield
      }) : () -> ()
    } else {
    }
    %barrier3A_899 = arith.constant 0 : index
    tpu.barrier barrier_id(%barrier3A_899)
    "tpu.region"() ({
      %run_scoped3A = tpu.sem_alloc : memref<!tpu.dma_semaphore, #tpu.memory_space<semaphore_mem>>
      %dma_start3A_900 = arith.constant 0 : i32
      %dma_start3A_901 = tpu.memref_slice %arg5[%arg0, %mul3A_803, %dma_start3A_900] : memref<2x10240x128xf32, #tpu.memory_space<hbm>> -> memref<1x640x128xf32, #tpu.memory_space<hbm>>
      %dma_start3A_902 = tpu.memref_squeeze %dma_start3A_901 : memref<1x640x128xf32, #tpu.memory_space<hbm>> -> memref<640x128xf32, #tpu.memory_space<hbm>>
      %dma_start3A_903 = arith.constant 0 : i32
      %dma_start3A_904 = tpu.memref_slice %arg12[%mul3A_803, %dma_start3A_903] : memref<10240x128xf32, #tpu.memory_space<vmem_shared>> -> memref<640x128xf32, #tpu.memory_space<vmem_shared>>
      tpu.enqueue_dma source(%dma_start3A_904 : memref<640x128xf32, #tpu.memory_space<vmem_shared>>) target(%dma_start3A_902 : memref<640x128xf32, #tpu.memory_space<hbm>>) target_semaphore(%run_scoped3A : memref<!tpu.dma_semaphore, #tpu.memory_space<semaphore_mem>>)
      %dma_wait3A_905 = arith.constant 0 : i32
      %dma_wait3A_906 = tpu.memref_slice %arg5[%arg0, %mul3A_803, %dma_wait3A_905] : memref<2x10240x128xf32, #tpu.memory_space<hbm>> -> memref<1x640x128xf32, #tpu.memory_space<hbm>>
      %dma_wait3A_907 = tpu.memref_squeeze %dma_wait3A_906 : memref<1x640x128xf32, #tpu.memory_space<hbm>> -> memref<640x128xf32, #tpu.memory_space<hbm>>
      %dma_wait3A_908 = arith.constant 0 : i32
      %dma_wait3A_909 = tpu.memref_slice %arg12[%mul3A_803, %dma_wait3A_908] : memref<10240x128xf32, #tpu.memory_space<vmem_shared>> -> memref<640x128xf32, #tpu.memory_space<vmem_shared>>
      tpu.wait_dma2 semaphore(%run_scoped3A : memref<!tpu.dma_semaphore, #tpu.memory_space<semaphore_mem>>) src(%dma_wait3A_909 : memref<640x128xf32, #tpu.memory_space<vmem_shared>>) dst(%dma_wait3A_907 : memref<640x128xf32, #tpu.memory_space<hbm>>)
      tpu.yield
    }) : () -> ()
    return
  }
}

module attributes {stable_mosaic.version = 14 : i64} {
  func.func @_stage_a_body(%arg0: memref<10000x128xf32, #tpu.memory_space<vmem>>, %arg1: memref<128x128xf32, #tpu.memory_space<vmem>>, %arg2: memref<128x128xf32, #tpu.memory_space<vmem>>, %arg3: memref<10000x128xf32, #tpu.memory_space<vmem>>, %arg4: memref<10000x128xf32, #tpu.memory_space<vmem>>) attributes {dimension_semantics = [], scalar_prefetch = 0 : i64, scratch_operands = 0 : i64, tpu.core_type = #tpu.core_type<tc>} {
    %get3A = arith.constant 0 : index
    %get3A_0 = arith.constant 0 : index
    %get3A_1 = vector.load %arg0[%get3A, %get3A_0] : memref<10000x128xf32, #tpu.memory_space<vmem>>, vector<10000x128xf32>
    %get3A_2 = arith.constant 0 : index
    %get3A_3 = arith.constant 0 : index
    %get3A_4 = vector.load %arg1[%get3A_2, %get3A_3] : memref<128x128xf32, #tpu.memory_space<vmem>>, vector<128x128xf32>
    %dot_general3A = arith.constant dense<0.000000e+00> : vector<10000x128xf32>
    %dot_general3A_5 = tpu.matmul %get3A_1, %get3A_4, %dot_general3A {dimension_numbers = #tpu.dot_dimension_numbers<[1], [0], [0], [1], [0, 0, 1, 1], [], []>, transpose_lhs_hint = false} : vector<10000x128xf32>, vector<128x128xf32>, vector<10000x128xf32> -> vector<10000x128xf32>
    %swap3A = arith.constant 0 : index
    %swap3A_6 = arith.constant 0 : index
    %swap3A_7 = vector.load %arg3[%swap3A, %swap3A_6] : memref<10000x128xf32, #tpu.memory_space<vmem>>, vector<10000x128xf32>
    tpu.vector_store %arg3[%swap3A, %swap3A_6], %dot_general3A_5 {strides = array<i32>} : memref<10000x128xf32, #tpu.memory_space<vmem>>, vector<10000x128xf32>,
    %get3A_8 = arith.constant 0 : index
    %get3A_9 = arith.constant 0 : index
    %get3A_10 = vector.load %arg2[%get3A_8, %get3A_9] : memref<128x128xf32, #tpu.memory_space<vmem>>, vector<128x128xf32>
    %dot_general3A_11 = arith.constant dense<0.000000e+00> : vector<10000x128xf32>
    %dot_general3A_12 = tpu.matmul %get3A_1, %get3A_10, %dot_general3A_11 {dimension_numbers = #tpu.dot_dimension_numbers<[1], [0], [0], [1], [0, 0, 1, 1], [], []>, transpose_lhs_hint = false} : vector<10000x128xf32>, vector<128x128xf32>, vector<10000x128xf32> -> vector<10000x128xf32>
    %swap3A_13 = arith.constant 0 : index
    %swap3A_14 = arith.constant 0 : index
    %swap3A_15 = vector.load %arg4[%swap3A_13, %swap3A_14] : memref<10000x128xf32, #tpu.memory_space<vmem>>, vector<10000x128xf32>
    tpu.vector_store %arg4[%swap3A_13, %swap3A_14], %dot_general3A_12 {strides = array<i32>} : memref<10000x128xf32, #tpu.memory_space<vmem>>, vector<10000x128xf32>,
    return
  }
}

module attributes {stable_mosaic.version = 14 : i64} {
  func.func @_stage_c_body(%arg0: memref<2x10240x128xf32, #tpu.memory_space<vmem>>, %arg1: memref<10240x1xf32, #tpu.memory_space<vmem>>, %arg2: memref<10240x1xf32, #tpu.memory_space<vmem>>, %arg3: memref<10000x128xf32, #tpu.memory_space<vmem>>, %arg4: memref<1x128xf32, #tpu.memory_space<vmem>>, %arg5: memref<128x128xf32, #tpu.memory_space<vmem>>, %arg6: memref<128x128xf32, #tpu.memory_space<vmem>>, %arg7: memref<10000x128xf32, #tpu.memory_space<vmem>>, %arg8: memref<10000x128xf32, #tpu.memory_space<vmem>>) attributes {dimension_semantics = [], scalar_prefetch = 0 : i64, scratch_operands = 0 : i64, tpu.core_type = #tpu.core_type<tc>} {
    %get3A = arith.constant 0 : index
    %get3A_0 = arith.constant 0 : index
    %get3A_1 = arith.constant 0 : index
    %get3A_2 = vector.load %arg0[%get3A, %get3A_0, %get3A_1] : memref<2x10240x128xf32, #tpu.memory_space<vmem>>, vector<1x10000x128xf32>
    %get3A_3 = vector.shape_cast %get3A_2 : vector<1x10000x128xf32> to vector<10000x128xf32>
    %get3A_4 = arith.constant 1 : index
    %get3A_5 = arith.constant 0 : index
    %get3A_6 = arith.constant 0 : index
    %get3A_7 = vector.load %arg0[%get3A_4, %get3A_5, %get3A_6] : memref<2x10240x128xf32, #tpu.memory_space<vmem>>, vector<1x10000x128xf32>
    %get3A_8 = vector.shape_cast %get3A_7 : vector<1x10000x128xf32> to vector<10000x128xf32>
    %add3A = arith.addf %get3A_3, %get3A_8 : vector<10000x128xf32>
    %get3A_9 = arith.constant 0 : index
    %get3A_10 = arith.constant 0 : index
    %get3A_11 = vector.load %arg1[%get3A_9, %get3A_10] : memref<10240x1xf32, #tpu.memory_space<vmem>>, vector<10000x1xf32>
    %get3A_12 = arith.constant 0 : index
    %get3A_13 = arith.constant 0 : index
    %get3A_14 = vector.load %arg2[%get3A_12, %get3A_13] : memref<10240x1xf32, #tpu.memory_space<vmem>>, vector<10000x1xf32>
    %add3A_15 = arith.addf %get3A_11, %get3A_14 : vector<10000x1xf32>
    %max3A = arith.constant 1.000000e+00 : f32
    %max3A_16 = vector.broadcast %max3A : f32 to vector<10000x1xf32>
    %max3A_17 = arith.maximumf %add3A_15, %max3A_16 : vector<10000x1xf32>
    %div3A = vector.broadcast %max3A_17 : vector<10000x1xf32> to vector<10000x128xf32>
    %div3A_18 = arith.divf %add3A, %div3A : vector<10000x128xf32>
    %get3A_19 = arith.constant 0 : index
    %get3A_20 = arith.constant 0 : index
    %get3A_21 = vector.load %arg4[%get3A_19, %get3A_20] : memref<1x128xf32, #tpu.memory_space<vmem>>, vector<1x128xf32>
    %add3A_22 = vector.broadcast %get3A_21 : vector<1x128xf32> to vector<10000x128xf32>
    %add3A_23 = arith.addf %div3A_18, %add3A_22 : vector<10000x128xf32>
    %get3A_24 = arith.constant 0 : index
    %get3A_25 = arith.constant 0 : index
    %get3A_26 = vector.load %arg3[%get3A_24, %get3A_25] : memref<10000x128xf32, #tpu.memory_space<vmem>>, vector<10000x128xf32>
    %add3A_27 = arith.addf %add3A_23, %get3A_26 : vector<10000x128xf32>
    %max3A_28 = arith.constant 0.000000e+00 : f32
    %max3A_29 = vector.broadcast %max3A_28 : f32 to vector<10000x128xf32>
    %max3A_30 = arith.maximumf %add3A_27, %max3A_29 : vector<10000x128xf32>
    %get3A_31 = arith.constant 0 : index
    %get3A_32 = arith.constant 0 : index
    %get3A_33 = vector.load %arg5[%get3A_31, %get3A_32] : memref<128x128xf32, #tpu.memory_space<vmem>>, vector<128x128xf32>
    %dot_general3A = arith.constant dense<0.000000e+00> : vector<10000x128xf32>
    %dot_general3A_34 = tpu.matmul %max3A_30, %get3A_33, %dot_general3A {dimension_numbers = #tpu.dot_dimension_numbers<[1], [0], [0], [1], [0, 0, 1, 1], [], []>, transpose_lhs_hint = false} : vector<10000x128xf32>, vector<128x128xf32>, vector<10000x128xf32> -> vector<10000x128xf32>
    %swap3A = arith.constant 0 : index
    %swap3A_35 = arith.constant 0 : index
    %swap3A_36 = vector.load %arg7[%swap3A, %swap3A_35] : memref<10000x128xf32, #tpu.memory_space<vmem>>, vector<10000x128xf32>
    tpu.vector_store %arg7[%swap3A, %swap3A_35], %dot_general3A_34 {strides = array<i32>} : memref<10000x128xf32, #tpu.memory_space<vmem>>, vector<10000x128xf32>,
    %get3A_37 = arith.constant 0 : index
    %get3A_38 = arith.constant 0 : index
    %get3A_39 = vector.load %arg6[%get3A_37, %get3A_38] : memref<128x128xf32, #tpu.memory_space<vmem>>, vector<128x128xf32>
    %dot_general3A_40 = arith.constant dense<0.000000e+00> : vector<10000x128xf32>
    %dot_general3A_41 = tpu.matmul %max3A_30, %get3A_39, %dot_general3A_40 {dimension_numbers = #tpu.dot_dimension_numbers<[1], [0], [0], [1], [0, 0, 1, 1], [], []>, transpose_lhs_hint = false} : vector<10000x128xf32>, vector<128x128xf32>, vector<10000x128xf32> -> vector<10000x128xf32>
    %swap3A_42 = arith.constant 0 : index
    %swap3A_43 = arith.constant 0 : index
    %swap3A_44 = vector.load %arg8[%swap3A_42, %swap3A_43] : memref<10000x128xf32, #tpu.memory_space<vmem>>, vector<10000x128xf32>
    tpu.vector_store %arg8[%swap3A_42, %swap3A_43], %dot_general3A_41 {strides = array<i32>} : memref<10000x128xf32, #tpu.memory_space<vmem>>, vector<10000x128xf32>,
    return
  }
}

module attributes {stable_mosaic.version = 14 : i64} {
  func.func @_stage_e_body(%arg0: memref<2x10240x128xf32, #tpu.memory_space<vmem>>, %arg1: memref<10240x1xf32, #tpu.memory_space<vmem>>, %arg2: memref<10240x1xf32, #tpu.memory_space<vmem>>, %arg3: memref<10000x128xf32, #tpu.memory_space<vmem>>, %arg4: memref<1x128xf32, #tpu.memory_space<vmem>>, %arg5: memref<128x64xf32, #tpu.memory_space<vmem>>, %arg6: memref<1x64xf32, #tpu.memory_space<vmem>>, %arg7: memref<128x1xf32, #tpu.memory_space<vmem>>, %arg8: memref<1x1xf32, #tpu.memory_space<vmem>>, %arg9: memref<10000x64xf32, #tpu.memory_space<vmem>>, %arg10: memref<10000x1xf32, #tpu.memory_space<vmem>>) attributes {dimension_semantics = [], scalar_prefetch = 0 : i64, scratch_operands = 0 : i64, tpu.core_type = #tpu.core_type<tc>} {
    %get3A = arith.constant 0 : index
    %get3A_0 = arith.constant 0 : index
    %get3A_1 = arith.constant 0 : index
    %get3A_2 = vector.load %arg0[%get3A, %get3A_0, %get3A_1] : memref<2x10240x128xf32, #tpu.memory_space<vmem>>, vector<1x10000x128xf32>
    %get3A_3 = vector.shape_cast %get3A_2 : vector<1x10000x128xf32> to vector<10000x128xf32>
    %get3A_4 = arith.constant 1 : index
    %get3A_5 = arith.constant 0 : index
    %get3A_6 = arith.constant 0 : index
    %get3A_7 = vector.load %arg0[%get3A_4, %get3A_5, %get3A_6] : memref<2x10240x128xf32, #tpu.memory_space<vmem>>, vector<1x10000x128xf32>
    %get3A_8 = vector.shape_cast %get3A_7 : vector<1x10000x128xf32> to vector<10000x128xf32>
    %add3A = arith.addf %get3A_3, %get3A_8 : vector<10000x128xf32>
    %get3A_9 = arith.constant 0 : index
    %get3A_10 = arith.constant 0 : index
    %get3A_11 = vector.load %arg1[%get3A_9, %get3A_10] : memref<10240x1xf32, #tpu.memory_space<vmem>>, vector<10000x1xf32>
    %get3A_12 = arith.constant 0 : index
    %get3A_13 = arith.constant 0 : index
    %get3A_14 = vector.load %arg2[%get3A_12, %get3A_13] : memref<10240x1xf32, #tpu.memory_space<vmem>>, vector<10000x1xf32>
    %add3A_15 = arith.addf %get3A_11, %get3A_14 : vector<10000x1xf32>
    %max3A = arith.constant 1.000000e+00 : f32
    %max3A_16 = vector.broadcast %max3A : f32 to vector<10000x1xf32>
    %max3A_17 = arith.maximumf %add3A_15, %max3A_16 : vector<10000x1xf32>
    %div3A = vector.broadcast %max3A_17 : vector<10000x1xf32> to vector<10000x128xf32>
    %div3A_18 = arith.divf %add3A, %div3A : vector<10000x128xf32>
    %get3A_19 = arith.constant 0 : index
    %get3A_20 = arith.constant 0 : index
    %get3A_21 = vector.load %arg4[%get3A_19, %get3A_20] : memref<1x128xf32, #tpu.memory_space<vmem>>, vector<1x128xf32>
    %add3A_22 = vector.broadcast %get3A_21 : vector<1x128xf32> to vector<10000x128xf32>
    %add3A_23 = arith.addf %div3A_18, %add3A_22 : vector<10000x128xf32>
    %get3A_24 = arith.constant 0 : index
    %get3A_25 = arith.constant 0 : index
    %get3A_26 = vector.load %arg3[%get3A_24, %get3A_25] : memref<10000x128xf32, #tpu.memory_space<vmem>>, vector<10000x128xf32>
    %add3A_27 = arith.addf %add3A_23, %get3A_26 : vector<10000x128xf32>
    %max3A_28 = arith.constant 0.000000e+00 : f32
    %max3A_29 = vector.broadcast %max3A_28 : f32 to vector<10000x128xf32>
    %max3A_30 = arith.maximumf %add3A_27, %max3A_29 : vector<10000x128xf32>
    %get3A_31 = arith.constant 0 : index
    %get3A_32 = arith.constant 0 : index
    %get3A_33 = vector.load %arg5[%get3A_31, %get3A_32] : memref<128x64xf32, #tpu.memory_space<vmem>>, vector<128x64xf32>
    %dot_general3A = arith.constant dense<0.000000e+00> : vector<10000x64xf32>
    %dot_general3A_34 = tpu.matmul %max3A_30, %get3A_33, %dot_general3A {dimension_numbers = #tpu.dot_dimension_numbers<[1], [0], [0], [1], [0, 0, 1, 1], [], []>, transpose_lhs_hint = false} : vector<10000x128xf32>, vector<128x64xf32>, vector<10000x64xf32> -> vector<10000x64xf32>
    %get3A_35 = arith.constant 0 : index
    %get3A_36 = arith.constant 0 : index
    %get3A_37 = vector.load %arg6[%get3A_35, %get3A_36] : memref<1x64xf32, #tpu.memory_space<vmem>>, vector<1x64xf32>
    %add3A_38 = vector.broadcast %get3A_37 : vector<1x64xf32> to vector<10000x64xf32>
    %add3A_39 = arith.addf %dot_general3A_34, %add3A_38 : vector<10000x64xf32>
    %swap3A = arith.constant 0 : index
    %swap3A_40 = arith.constant 0 : index
    %swap3A_41 = vector.load %arg9[%swap3A, %swap3A_40] : memref<10000x64xf32, #tpu.memory_space<vmem>>, vector<10000x64xf32>
    tpu.vector_store %arg9[%swap3A, %swap3A_40], %add3A_39 {strides = array<i32>} : memref<10000x64xf32, #tpu.memory_space<vmem>>, vector<10000x64xf32>,
    %get3A_42 = arith.constant 0 : index
    %get3A_43 = arith.constant 0 : index
    %get3A_44 = vector.load %arg7[%get3A_42, %get3A_43] : memref<128x1xf32, #tpu.memory_space<vmem>>, vector<128x1xf32>
    %dot_general3A_45 = arith.constant dense<0.000000e+00> : vector<10000x1xf32>
    %dot_general3A_46 = tpu.matmul %max3A_30, %get3A_44, %dot_general3A_45 {dimension_numbers = #tpu.dot_dimension_numbers<[1], [0], [0], [1], [0, 0, 1, 1], [], []>, transpose_lhs_hint = false} : vector<10000x128xf32>, vector<128x1xf32>, vector<10000x1xf32> -> vector<10000x1xf32>
    %get3A_47 = arith.constant 0 : index
    %get3A_48 = arith.constant 0 : index
    %get3A_49 = vector.load %arg8[%get3A_47, %get3A_48] : memref<1x1xf32, #tpu.memory_space<vmem>>, vector<1x1xf32>
    %add3A_50 = vector.broadcast %get3A_49 : vector<1x1xf32> to vector<10000x1xf32>
    %add3A_51 = arith.addf %dot_general3A_46, %add3A_50 : vector<10000x1xf32>
    %swap3A_52 = arith.constant 0 : index
    %swap3A_53 = arith.constant 0 : index
    %swap3A_54 = vector.load %arg10[%swap3A_52, %swap3A_53] : memref<10000x1xf32, #tpu.memory_space<vmem>>, vector<10000x1xf32>
    tpu.vector_store %arg10[%swap3A_52, %swap3A_53], %add3A_51 {strides = array<i32>} : memref<10000x1xf32, #tpu.memory_space<vmem>>, vector<10000x1xf32>,
    return
  }
}

</mosaic_0001>

<sc_bundles>
// kernel: kernel.10.cloned.1.call-start
scs
__scs_entry_jumppad:
0x0: {  	(pc) =	sbr.rel $0x88, $3  }
0x1: {  	(tag) =	ssettag $0x0;
	lr =	simm.s32 $0x1  }
0x2: {  	[smem:$0x3F95] =	sst lr;
	_ =	strace $0xD0000000  }
0x3: {  	_ = 	snop  }
0x4: {  	_ = 	snop  }
0x5: {  	_ = 	snop  }
0x6: {  	_ = 	snop  }
0x7: {  	_ = 	snop  }
__scs_overlays_trampoline_lowered:
0x8: {  	[smem:$0x3FA4] =	sst s0  }
0x9: {  	[smem:$0x3FA5] =	sst s1  }
0xa: {  	[smem:$0x3FA6] =	sst s2  }
0xb: {  	[smem:$0x3FA7] =	sst s3  }
0xc: {  	[smem:$0x3FA8] =	sst s4  }
0xd: {  	[smem:$0x3FA9] =	sst s5  }
0xe: {  	[smem:$0x3FAA] =	sst s6  }
0xf: {  	[smem:$0x3FAB] =	sst s7  }
0x10: {  	[smem:$0x3FAC] =	sst s8  }
0x11: {  	[smem:$0x3FAD] =	sst s9;
	s0 =	simm.s32 @!p0 $0x0  }
0x12: {  	s1 =	sld [smem:$0x3F93];
	s0 =	simm.s32 @p0 $0x1  }
0x13: {  	[smem:$0x3FAE] =	sst s0;
	s0 =	simm.s32 @!p1 $0x0  }
0x14: {  	s2 =	sld [smem:$0x3F92];
	s0 =	simm.s32 @p1 $0x1  }
0x15: {  	[smem:$0x3FAF] =	sst s0;
	s0 =	simm.s32 @!p2 $0x0  }
0x16: {  	s3 =	sld [smem:$0x3FDB];
	s0 =	simm.s32 @p2 $0x1  }
0x17: {  	s4 =	simm.s32 $0x1BF5;
	[smem:$0x3FB1] =	sst s0  }
0x18: {  	s0 =	sld [smem:$0x3F94];
	_ =	swait.ge [sflag:s4], $0x0  }
0x19: {  	s7 =	sld [smem:$0x3F95]  }
0x1a: {  	s8 =	sadd.s32 $0xFFFFE003, lr  }
0x1b: {  	s9 =	sadd.s32 $0xFFFFFEF7, lr;
	s5 =	simm.s32 $0xFFFFFFFF;
	p2 =	slt.u32 s8, $0xFFFFF086  }
0x1c: {  	p1 =	slt.u32 s9, $0xF7A;
	s5 =	simm.s32 @!p2 $0x0  }
0x1d: {  	s5 =	simm.s32 @p1 $0x1;
	p0 =	seq.s32 s7, s2  }
0x1e: {  	s7 =	smul.u32 @!p0 $0xF7A, s2;
	p2 =	seq.s32 @!p0 s5, $0x0  }
0x1f: {  	s9 =	smul.u32 $0xF7A, s1;
	s8 =	simm.s32 @!p0 $0x1BF5;
	p2 =	por !p2, p0  }
0x20: {  	[sflag:s8] =	ssyncset.s32 @!p0 $0xFFFFF086;
	s6 =	sadd.s32 @!p0 s3, s7;
	s7 =	simm.s32 @!p0 $0x108  }
0x21: {  	s3 =	sadd.s32 s3, s9;
	s6 =	sadd.s32 @!p0 $0x88, s6;
	s7 =	simm.s32 @p2 $0x1082  }
0x22: {  	[simem:s7], [sflag:s8] =	dma.local @!p0 [hbm:s6], $0xF7A  }
0x23: {  	s9 =	sor.u32 $0xD0000000, s2;
	s6 =	simm.s32 $0x108;
	_ =	swait.ge @!p0 [sflag:s8], $0x0  }
0x24: {  	s3 =	sadd.s32 $0x88, s3;
	s6 =	simm.s32 @!p1 $0x1082;
	[sflag:s4] =	ssyncset.s32 $0xFFFFF086  }
0x25: {  	[simem:s6], [sflag:s4] =	dma.local [hbm:s3], $0xF7A  }
0x26: {  	[smem:$0x3F95] =	sst s1;
	(tag) =	ssettag s2;
	_ =	strace s9  }
0x27: {  	s1 =	sld [smem:$0x3FA5]  }
0x28: {  	s2 =	sld [smem:$0x3FA6]  }
0x29: {  	s4 =	sld [smem:$0x3FA8]  }
0x2a: {  	p0 =	seq.s32 s5, $0x0;
	s5 =	sld [smem:$0x3FA9]  }
0x2b: {  	s6 =	sld [smem:$0x3FAA]  }
0x2c: {  	s7 =	sld [smem:$0x3FAB]  }
0x2d: {  	s3 =	simm.s32 $0x108;
	s8 =	sld [smem:$0x3FAC]  }
0x2e: {  	s3 =	simm.s32 @!p0 $0x1082;
	s9 =	sld [smem:$0x3FAD]  }
0x2f: {  	lr =	sadd.s32 s0, s3;
	s0 =	sld [smem:$0x3FA4]  }
0x30: {  	s3 =	sld [smem:$0x3FA7]  }
0x31: {  	[smem:$0x3FB0] =	sst s10  }
0x32: {  	s10 =	sld [smem:$0x3FAE];
	_ =	sdelay $0x3  }
0x33: {  	p0 =	seq.s32 s10, $0x1;
	s10 =	sld [smem:$0x3FB0];
	_ =	sdelay $0x3  }
0x34: {  	[smem:$0x3FB0] =	sst s10  }
0x35: {  	s10 =	sld [smem:$0x3FAF];
	_ =	sdelay $0x3  }
0x36: {  	p1 =	seq.s32 s10, $0x1;
	s10 =	sld [smem:$0x3FB0];
	_ =	sdelay $0x3  }
0x37: {  	[smem:$0x3FB0] =	sst s10  }
0x38: {  	s10 =	sld [smem:$0x3FB1]  }
0x39: {  	_ = 	snop;
	(pc) =	sbr.ind lr, $3  }
0x3a: {  	_ = 	snop  }
0x3b: {  	_ = 	snop  }
0x3c: {  	p2 =	seq.s32 s10, $0x1;
	s10 =	sld [smem:$0x3FB0]  }
0x3d: {  	_ =	shalt  }
0x3e: {  	_ =	shalt  }
0x3f: {  	_ =	shalt  }
0x40: {  	_ =	shalt  }
0x41: {  	_ =	shalt  }
0x42: {  	_ =	shalt  }
0x43: {  	_ =	shalt  }
0x44: {  	_ =	shalt  }
0x45: {  	_ =	shalt  }
0x46: {  	_ =	shalt  }
0x47: {  	_ =	shalt  }
0x48: {  	_ =	shalt  }
0x49: {  	_ =	shalt  }
0x4a: {  	_ =	shalt  }
0x4b: {  	_ =	shalt  }
0x4c: {  	_ =	shalt  }
0x4d: {  	_ =	shalt  }
0x4e: {  	_ =	shalt  }
0x4f: {  	_ =	shalt  }
0x50: {  	_ =	shalt  }
0x51: {  	_ =	shalt  }
0x52: {  	_ =	shalt  }
0x53: {  	_ =	shalt  }
0x54: {  	_ =	shalt  }
0x55: {  	_ =	shalt  }
0x56: {  	_ =	shalt  }
0x57: {  	_ =	shalt  }
0x58: {  	_ =	shalt  }
0x59: {  	_ =	shalt  }
0x5a: {  	_ =	shalt  }
0x5b: {  	_ =	shalt  }
0x5c: {  	_ =	shalt  }
0x5d: {  	_ =	shalt  }
0x5e: {  	_ =	shalt  }
0x5f: {  	_ =	shalt  }
0x60: {  	_ =	shalt  }
0x61: {  	_ =	shalt  }
0x62: {  	_ =	shalt  }
0x63: {  	_ =	shalt  }
0x64: {  	_ =	shalt  }
0x65: {  	_ =	shalt  }
0x66: {  	_ =	shalt  }
0x67: {  	_ =	shalt  }
0x68: {  	_ =	shalt  }
0x69: {  	_ =	shalt  }
0x6a: {  	_ =	shalt  }
0x6b: {  	_ =	shalt  }
0x6c: {  	_ =	shalt  }
0x6d: {  	_ =	shalt  }
0x6e: {  	_ =	shalt  }
0x6f: {  	_ =	shalt  }
0x70: {  	_ =	shalt  }
0x71: {  	_ =	shalt  }
0x72: {  	_ =	shalt  }
0x73: {  	_ =	shalt  }
0x74: {  	_ =	shalt  }
0x75: {  	_ =	shalt  }
0x76: {  	_ =	shalt  }
0x77: {  	_ =	shalt  }
0x78: {  	_ =	shalt  }
0x79: {  	_ =	shalt  }
0x7a: {  	_ =	shalt  }
0x7b: {  	_ =	shalt  }
0x7c: {  	_ =	shalt  }
0x7d: {  	_ =	shalt  }
0x7e: {  	_ =	shalt  }
0x7f: {  	_ =	shalt  }
0x80: {  	_ =	shalt  }
0x81: {  	_ =	shalt  }
0x82: {  	_ =	shalt  }
0x83: {  	_ =	shalt  }
0x84: {  	_ =	shalt  }
0x85: {  	_ =	shalt  }
0x86: {  	_ =	shalt  }
0x87: {  	_ =	shalt  }
.Lfunc_end0:
.L_simem_size_0:
called_computation.1_lowered:
.L_overlay_start_0:
0x88: {  	s2 =	sld [smem:$0x3FD9]  }
0x89: {  	s3 =	sld [smem:$0x3FFE];
	_ =	sdelay $0x1  }
0x8a: {  	s1 =	srdreg.scid  }
0x8b: {  	s0 =	sand.u32 $0x1, s1  }
0x8c: {  	s14 =	sshll.u32 s0, $0xA;
	s2 =	sadd.s32 s3, s2  }
0x8d: {  	s2 =	sadd.s32 s2, s14  }
0x8e: {  	[smem:$0x3FBC] =	sst s2  }
0x8f: {  	_ = 	snop  }
0x90: {  	s2 =	sld [smem:$0x3FD0];
	_ =	sdelay $0x2  }
0x91: {  	s15 =	simm.s32 $0xA;
	s4 =	simm.s32 $0x10  }
0x92: {  	[smem:s4], [sflag:s15] =	dma.local [hbm:s2], $0x1  }
0x93: {  	_ =	swait.eq [sflag:s15], $0x1  }
0x94: {  	[sflag:s15] =	ssyncset.done $0x0  }
0x95: {  	[sflag:s15] =	ssyncadd.s32 $0xFFFFFFFF  }
0x96: {  	s16 =	sld [smem:$0x10];
	(tm) =	ssettm $0x1  }
0x97: {  	s17 =	sld [smem:$0x3FFB];
	_ =	sdelay $0x3  }
0x98: {  	_ =	strace s17  }
0x99: {  	s3 =	sld [smem:$0x3FFC];
	_ =	sdelay $0x3  }
0x9a: {  	_ =	strace s3  }
0x9b: {  	s3 =	sld [smem:$0x3FFD];
	_ =	sdelay $0x3  }
0x9c: {  	_ =	strace s3  }
0x9d: {  	_ =	strace $0x8FFFFFFF  }
0x9e: {  	s18 =	sld [smem:$0x3FDB];
	_ =	sdelay $0x1  }
0x9f: {  	s19 =	simm.s32 $_scs_section_size  }
0xa0: {  	s5 =	simm.s32 $_size__tile_overlayer_lowered;
	s6 =	simm.s32 $_tile_overlayer_lowered  }
0xa1: {  	s22 =	simm.s32 $0x1BFF;
	s21 =	sshll.u32 s6, $0x1;
	s3 =	sadd.s32 s19, s18  }
0xa2: {  	s7 =	simm.s32 $0x0;
	s20 =	sshll.u32 s5, $0x1;
	s5 =	sadd.s32 s21, s3  }
0xa3: {  	[timem:s7], [sflag:s22] =	dma.local [hbm:s5], s20  }
0xa4: {  	_ =	swait.ge [sflag:s22], s20  }
0xa5: {  	s4 =	ssub.s32 $0x0, s20;
	[sflag:s22] =	ssyncset.done $0x0  }
0xa6: {  	[sflag:s22] =	ssyncadd.s32 s4;
	_ =	sdelay $0x1  }
0xa7: {  	s23 =	simm.s32 $0x1B8B  }
0xa8: {  	_ =	swait.ge [sflag:s23], $0x1  }
0xa9: {  	[sflag:s23] =	ssyncset.done $0x0  }
0xaa: {  	s25 =	simm.s32 $0x1B8E;
	s24 =	sld [smem:$0x3FFE];
	[sflag:s23] =	ssyncadd.s32 $0xFFFFFFFF  }
0xab: {  	s26 =	simm.s32 $execute0_lowered;
	[smem:$0x3FD2] =	sst s25  }
0xac: {  	s5 =	sshll.u32 s26, $0x1;
	_ =	strace $0x80000049;
	[dreg:$0x1] =	wrdreg $0xFFFFFFFF  }
0xad: {  	s28 =	simm.s32 $_size_execute0_lowered;
	s3 =	sadd.s32 s3, s5;
	[dreg:$0x0] =	wrdreg $0x0  }
0xae: {  	s5 =	sshll.u32 s28, $0x1;
	[dreg:$0x2] =	wrdreg s3  }
0xaf: {  	[dreg:$0x3] =	wrdreg s5  }
0xb0: {  	[dreg:$0x4] =	wrdreg $0xC0  }
0xb1: {  	_ =	task [dreg:s7], $0x5FFFF  }
0xb2: {  	[dreg:$0x1] =	wrdreg $0xFFFFFFFF  }
0xb3: {  	[dreg:$0x0] =	wrdreg $0x60  }
0xb4: {  	[dreg:$0x2] =	wrdreg s24  }
0xb5: {  	[dreg:$0x3] =	wrdreg s16  }
0xb6: {  	[dreg:$0x4] =	wrdreg $0xB5000  }
0xb7: {  	[dreg:$0x5] =	wrdreg $0x9  }
0xb8: {  	_ =	task.clear_ibuf [dreg:s7], $0x6FFFF;
	_ =	strace $0x90000049  }
0xb9: {  	s29 =	simm.s32 $0x9;
	_ =	strace $0x8000004B  }
0xba: {  	_ =	swait.ge [sflag:s29], $0x1  }
0xbb: {  	[sflag:s29] =	ssyncadd.s32 $0xFFFFFFFF  }
0xbc: {  	_ =	strace $0x9000004B  }
0xbd: {  	_ =	sfence  }
0xbe: {  	s30 =	sld [smem:$0x0];
	_ =	sdelay $0x2  }
0xbf: {  	s31 =	sshll.u32 s1, $0xD;
	s1 =	sshrl.u32 s1, $0x2  }
0xc0: {  	s3 =	sand.u32 $0x4000, s31;
	s1 =	sadd.s32 s1, s30  }
0xc1: {  	s0 =	sor.u32 s3, s0;
	s1 =	sshll.u32 s1, $0x11  }
0xc2: {  	s0 =	sor.u32 s1, s0  }
0xc3: {  	s0 =	sadd.s32 $0x8F2B, s0  }
0xc4: {  	[sflag:s0] =	ssyncadd.remote.s32 $0x1  }
0xc5: {  	_ =	sfence.sel $0xFFFF  }
0xc6: {  	[dreg:$0x0] =	wrdreg $0xFFFFFFFF;
	(pc) =	sbr.abs _section_cstart, $3  }
0xc7: {  	[dreg:$0x1] =	wrdreg $0xFFFFFFFF  }
0xc8: {  	_ =	task.clear_ibuf [dreg:s7], $0x2FFFF;
	_ =	strace $0x9FFFFFFF  }
0xc9: {  	(tm) =	ssettm $0x7FFFFFFF  }
tec
execute0_lowered:
.L_overlay_start_1:
0x0: {  	(tag) =	ssettag $0x1  }
0x1: {  	s0 =	rddreg [dreg:$0x0]  }
0x2: {  	s2 =	rddreg [dreg:$0x1]  }
0x3: {  	s1 =	rddreg [dreg:$0x2]  }
0x4: {  	s3 =	srdreg.scid;
	s18 =	stileid.u32;
	s28 =	simm.s32 $0x80  }
0x5: {  	s29 =	simm.s32 $0x2D00;
	s30 =	simm.s32 $0x6D00;
	s31 =	simm.s32 $0x1  }
0x6: {  	s5 =	sand.u32 $0x1, s3;
	s3 =	simm.s32 $0x0;
	s7 =	smul.u32 $0x14000, s18  }
0x7: {  	s4 =	sadd.s32 $0xBC00, s0;
	s9 =	sadd.s32 $0x1E00, s0;
	s12 =	smul.u32 $0x50000, s18  }
0x8: {  	s6 =	smul.u32 $0x140000, s5;
	[smem:$0x7FF] =	sst s3;
	s8 =	sshll.u32 s5, $0x4  }
0x9: {  	s10 =	ssub.s32 $0x2, s5;
	s5 =	smul.u32 $0x4E0, s5;
	_ =	strace $0x8000004A  }
0xa: {  	s8 =	sor.u32 s18, s8;
	s11 =	sshrl.u32 s10, $0x1;
	s20 =	sshrl.u32 s12, $0x2  }
0xb: {  	s6 =	sadd.s32 s7, s6;
	s13 =	smul.u32 $0x4E, s8;
	s16 =	smin.u32 s8, $0x4  }
0xc: {  	s17 =	ssub.s32 s10, s11;
	p0 =	sgt.u32 s8, $0x3;
	s6 =	sshrl.u32 s6, $0x3  }
0xd: {  	s17 =	smax.u32 s17, $0x1;
	s7 =	sadd.s32 s16, s13;
	s0 =	sadd.s32 s6, s0  }
0xe: {  	s14 =	sshll.u32 s7, $0x4;
	s15 =	sand.u32 $0x7, s7;
	s7 =	sadd.s32 s20, s1  }
0xf: {  	s19 =	sand.u32 $0x1FF80, s14;
	s6 =	sadd.s32 s9, s14;
	s22 =	sshll.u32 s15, $0x7  }
0x10: {  	s15 =	smul.u32 $0x4E, s18;
	s18 =	sshll.u32 s18, $0x1;
	s2 =	sadd.s32 s2, s19  }
0x11: {  	s21 =	sadd.s32 $0x10, s6;
	s10 =	sadd.s32 $0x100, s22;
	[dreg:$0x4] =	wrdreg s2  }
0x12: {  	s23 =	sadd.s32 $0x20, s6;
	s24 =	sadd.s32 $0x180, s22;
	[dreg:$0x5] =	wrdreg s21  }
0x13: {  	s12 =	sadd.s32 $0x30, s6;
	s13 =	sadd.s32 $0x2780, s22;
	[dreg:$0x6] =	wrdreg s10  }
0x14: {  	s14 =	sadd.s32 $0x4E0, s6;
	s18 =	ssub.s32 s16, s18;
	[dreg:$0x7] =	wrdreg s23  }
0x15: {  	[dreg:$0x8] =	wrdreg s24;
	s5 =	sadd.s32 s15, s5;
	s15 =	sor.u32 $0x2800, s22  }
0x16: {  	s26 =	sand.u32 $0x7, s18;
	s18 =	sadd.s32 $0x2700, s22;
	s23 =	simm.s32 $0xAD00  }
0x17: {  	s24 =	simm.s32 $0x7;
	s22 =	simm.s32 $0x2;
	s5 =	sadd.s32 s16, s5  }
0x18: {  	s2 =	simm.s32 $0x4;
	s16 =	sadd.s32 $0x32E00, s0;
	s25 =	sshll.u32 s5, $0x4  }
0x19: {  	s5 =	sshll.u32 s26, $0x7;
	s26 =	simm.s32 $0x5;
	s0 =	sadd.s32 s9, s25  }
0x1a: {  	s20 =	sadd.s32 $0x280, s5;
	s25 =	simm.s32 $0x6;
	s5 =	simm.s32 $0x0  }
0x1b: {  	v0 =	vimm.f32 $0.0e+00;
	s19 =	sadd.s32 $0x50, s0;
	s21 =	sadd.s32 $0x40, s0;
	s0 =	simm.s32 $0x3  }
.LBB2_1:
0x1c: {  	s8 =	rddreg [dreg:$0x4];
	s9 =	simm.s32 $0x100  }
0x1d: {  	[tilespmem:s9], [sflag:$0x6] =	stream.linear.gather [hbm4b:s8+s3], $0x2C00, $0x38;
	[tilespmem:$0x1F500] =	vst v63  }
0x1e: {  	_ = 	snop  }
0x1f: {  	[tilespmem:s3], [sflag:$0x5] =	stream.linear.gather [hbm4b:s6+s3], $0x80, $0x38;
	[tilespmem:$0x1F500] =	vst v63  }
0x20: {  	[tilespmem:$0xAD00] =	vst v0  }
0x21: {  	[tilespmem:$0xAD10] =	vst v0  }
0x22: {  	[tilespmem:$0xAD20] =	vst v0  }
0x23: {  	[tilespmem:$0xAD30] =	vst v0  }
0x24: {  	[tilespmem:$0xAD40] =	vst v0  }
0x25: {  	[tilespmem:$0xAD50] =	vst v0  }
0x26: {  	[tilespmem:$0xAD60] =	vst v0  }
0x27: {  	[tilespmem:$0xAD70] =	vst v0  }
0x28: {  	[tilespmem:$0xAD80] =	vst v0  }
0x29: {  	[tilespmem:$0xAD90] =	vst v0  }
0x2a: {  	[tilespmem:$0xADA0] =	vst v0  }
0x2b: {  	[tilespmem:$0xADB0] =	vst v0  }
0x2c: {  	[tilespmem:$0xADC0] =	vst v0  }
0x2d: {  	[tilespmem:$0xADD0] =	vst v0  }
0x2e: {  	[tilespmem:$0xADE0] =	vst v0  }
0x2f: {  	[tilespmem:$0xADF0] =	vst v0  }
0x30: {  	[tilespmem:$0xAE00] =	vst v0  }
0x31: {  	[tilespmem:$0xAE10] =	vst v0  }
0x32: {  	[tilespmem:$0xAE20] =	vst v0  }
0x33: {  	[tilespmem:$0xAE30] =	vst v0  }
0x34: {  	[tilespmem:$0xAE40] =	vst v0  }
0x35: {  	[tilespmem:$0xAE50] =	vst v0  }
0x36: {  	[tilespmem:$0xAE60] =	vst v0  }
0x37: {  	[tilespmem:$0xAE70] =	vst v0  }
0x38: {  	[tilespmem:$0xAE80] =	vst v0  }
0x39: {  	[tilespmem:$0xAE90] =	vst v0  }
0x3a: {  	[tilespmem:$0xAEA0] =	vst v0  }
0x3b: {  	[tilespmem:$0xAEB0] =	vst v0  }
0x3c: {  	[tilespmem:$0xAEC0] =	vst v0  }
0x3d: {  	[tilespmem:$0xAED0] =	vst v0  }
0x3e: {  	[tilespmem:$0xAEE0] =	vst v0  }
0x3f: {  	[tilespmem:$0xAEF0] =	vst v0  }
0x40: {  	[tilespmem:$0xAF00] =	vst v0  }
0x41: {  	[tilespmem:$0xAF10] =	vst v0  }
0x42: {  	[tilespmem:$0xAF20] =	vst v0  }
0x43: {  	[tilespmem:$0xAF30] =	vst v0  }
0x44: {  	[tilespmem:$0xAF40] =	vst v0  }
0x45: {  	[tilespmem:$0xAF50] =	vst v0  }
0x46: {  	[tilespmem:$0xAF60] =	vst v0  }
0x47: {  	[tilespmem:$0xAF70] =	vst v0  }
0x48: {  	[tilespmem:$0xAF80] =	vst v0  }
0x49: {  	[tilespmem:$0xAF90] =	vst v0  }
0x4a: {  	[tilespmem:$0xAFA0] =	vst v0  }
0x4b: {  	[tilespmem:$0xAFB0] =	vst v0  }
0x4c: {  	[tilespmem:$0xAFC0] =	vst v0  }
0x4d: {  	[tilespmem:$0xAFD0] =	vst v0  }
0x4e: {  	[tilespmem:$0xAFE0] =	vst v0  }
0x4f: {  	[tilespmem:$0xAFF0] =	vst v0  }
0x50: {  	[tilespmem:$0xB000] =	vst v0  }
0x51: {  	[tilespmem:$0xB010] =	vst v0  }
0x52: {  	[tilespmem:$0xB020] =	vst v0  }
0x53: {  	[tilespmem:$0xB030] =	vst v0  }
0x54: {  	[tilespmem:$0xB040] =	vst v0  }
0x55: {  	[tilespmem:$0xB050] =	vst v0  }
0x56: {  	[tilespmem:$0xB060] =	vst v0  }
0x57: {  	[tilespmem:$0xB070] =	vst v0  }
0x58: {  	[tilespmem:$0xB080] =	vst v0  }
0x59: {  	[tilespmem:$0xB090] =	vst v0  }
0x5a: {  	[tilespmem:$0xB0A0] =	vst v0  }
0x5b: {  	[tilespmem:$0xB0B0] =	vst v0  }
0x5c: {  	[tilespmem:$0xB0C0] =	vst v0  }
0x5d: {  	[tilespmem:$0xB0D0] =	vst v0  }
0x5e: {  	[tilespmem:$0xB0E0] =	vst v0  }
0x5f: {  	[tilespmem:$0xB0F0] =	vst v0  }
0x60: {  	[tilespmem:$0xB100] =	vst v0  }
0x61: {  	[tilespmem:$0xB110] =	vst v0  }
0x62: {  	[tilespmem:$0xB120] =	vst v0  }
0x63: {  	[tilespmem:$0xB130] =	vst v0  }
0x64: {  	[tilespmem:$0xB140] =	vst v0  }
0x65: {  	[tilespmem:$0xB150] =	vst v0  }
0x66: {  	[tilespmem:$0xB160] =	vst v0  }
0x67: {  	[tilespmem:$0xB170] =	vst v0  }
0x68: {  	[tilespmem:$0xB180] =	vst v0  }
0x69: {  	[tilespmem:$0xB190] =	vst v0  }
0x6a: {  	[tilespmem:$0xB1A0] =	vst v0  }
0x6b: {  	[tilespmem:$0xB1B0] =	vst v0  }
0x6c: {  	[tilespmem:$0xB1C0] =	vst v0  }
0x6d: {  	[tilespmem:$0xB1D0] =	vst v0  }
0x6e: {  	[tilespmem:$0xB1E0] =	vst v0  }
0x6f: {  	[tilespmem:$0xB1F0] =	vst v0  }
0x70: {  	[tilespmem:$0xB200] =	vst v0  }
0x71: {  	[tilespmem:$0xB210] =	vst v0  }
0x72: {  	[tilespmem:$0xB220] =	vst v0  }
0x73: {  	[tilespmem:$0xB230] =	vst v0  }
0x74: {  	[tilespmem:$0xB240] =	vst v0  }
0x75: {  	[tilespmem:$0xB250] =	vst v0  }
0x76: {  	[tilespmem:$0xB260] =	vst v0  }
0x77: {  	[tilespmem:$0xB270] =	vst v0  }
0x78: {  	[tilespmem:$0xB280] =	vst v0  }
0x79: {  	[tilespmem:$0xB290] =	vst v0  }
0x7a: {  	[tilespmem:$0xB2A0] =	vst v0  }
0x7b: {  	[tilespmem:$0xB2B0] =	vst v0  }
0x7c: {  	[tilespmem:$0xB2C0] =	vst v0  }
0x7d: {  	[tilespmem:$0xB2D0] =	vst v0  }
0x7e: {  	[tilespmem:$0xB2E0] =	vst v0  }
0x7f: {  	[tilespmem:$0xB2F0] =	vst v0  }
0x80: {  	[tilespmem:$0xB300] =	vst v0  }
0x81: {  	[tilespmem:$0xB310] =	vst v0  }
0x82: {  	[tilespmem:$0xB320] =	vst v0  }
0x83: {  	[tilespmem:$0xB330] =	vst v0  }
0x84: {  	[tilespmem:$0xB340] =	vst v0  }
0x85: {  	[tilespmem:$0xB350] =	vst v0  }
0x86: {  	[tilespmem:$0xB360] =	vst v0  }
0x87: {  	[tilespmem:$0xB370] =	vst v0  }
0x88: {  	[tilespmem:$0xB380] =	vst v0  }
0x89: {  	[tilespmem:$0xB390] =	vst v0  }
0x8a: {  	[tilespmem:$0xB3A0] =	vst v0  }
0x8b: {  	[tilespmem:$0xB3B0] =	vst v0  }
0x8c: {  	[tilespmem:$0xB3C0] =	vst v0  }
0x8d: {  	[tilespmem:$0xB3D0] =	vst v0  }
0x8e: {  	[tilespmem:$0xB3E0] =	vst v0  }
0x8f: {  	[tilespmem:$0xB3F0] =	vst v0  }
0x90: {  	[tilespmem:$0xB400] =	vst v0  }
0x91: {  	[tilespmem:$0xB410] =	vst v0  }
0x92: {  	[tilespmem:$0xB420] =	vst v0  }
0x93: {  	[tilespmem:$0xB430] =	vst v0  }
0x94: {  	[tilespmem:$0xB440] =	vst v0  }
0x95: {  	[tilespmem:$0xB450] =	vst v0  }
0x96: {  	[tilespmem:$0xB460] =	vst v0  }
0x97: {  	[tilespmem:$0xB470] =	vst v0  }
0x98: {  	[tilespmem:$0xB480] =	vst v0  }
0x99: {  	[tilespmem:$0xB490] =	vst v0  }
0x9a: {  	[tilespmem:$0xB4A0] =	vst v0  }
0x9b: {  	[tilespmem:$0xB4B0] =	vst v0  }
0x9c: {  	[tilespmem:$0xB4C0] =	vst v0  }
0x9d: {  	[tilespmem:$0xB4D0] =	vst v0  }
0x9e: {  	[tilespmem:$0xB4E0] =	vst v0  }
0x9f: {  	s11 =	sadd.s32 $0x0, s7;
	[tilespmem:$0xB4F0] =	vst v0  }
0xa0: {  	[spmem:s11] =	stream.linear.scatter [tilespmem:s23], [sflag:$0x7], $0x800, $0x38;
	[tilespmem:$0x1F500] =	vst v63  }
0xa1: {  	s8 =	simm.s32 $0x2000;
	_ =	swait.ge [sflag:s24], $0x800  }
.LBB2_2:
0xa2: {  	s9 =	sshra.s32 s8, $0x2;
	[sflag:s24] =	ssyncset.done $0x0;
	p1 =	sne.s32 s8, $0x4E000  }
.Ltmp0:
0xa3: {  	s9 =	sadd.s32 s9, s7;
	[sflag:s24] =	ssyncadd.s32 $0xFFFFF800;
	(pc) =	sbr.rel @p1 .LBB2_2-.Ltmp0, $3  }
0xa4: {  	[spmem:s9] =	stream.linear.scatter [tilespmem:s23], [sflag:$0x7], $0x800, $0x38;
	[tilespmem:$0x1F500] =	vst v63  }
0xa5: {  	s8 =	sadd.s32 $0x2000, s8;
	_ =	sdelay $0x1  }
0xa6: {  	_ =	swait.ge [sflag:s24], $0x800  }
0xa7: {  	[sflag:s24] =	ssyncset.done $0x0  }
0xa8: {  	[sflag:s24] =	ssyncadd.s32 $0xFFFFF800  }
0xa9: {  	[bflag:$0x0] =	sbarrier.arrive $0xFFFF  }
0xaa: {  	_ =	swait.ge [sflag:s25], $0x2C00  }
0xab: {  	[sflag:s25] =	ssyncset.done $0x0  }
0xac: {  	[sflag:s25] =	ssyncadd.s32 $0xFFFFD400  }
0xad: {  	_ =	swait.ge [sflag:s26], $0x80  }
0xae: {  	[sflag:s26] =	ssyncset.done $0x0  }
0xaf: {  	s8 =	simm.s32 $0x0;
	[sflag:s26] =	ssyncadd.s32 $0xFFFFFF80  }
0xb0: {  	[tilespmem:s29], [sflag:$0x1] =	stream.indirect.gather [hbm4b:s4+s28], $0x80, s8, s28, $0xb8;
	[tilespmem:$0x1F500] =	vst v63  }
0xb1: {  	s9 =	rddreg [dreg:$0x5]  }
0xb2: {  	[tilespmem:s28], [sflag:$0x5] =	stream.linear.gather [hbm4b:s9+s8], $0x80, $0x38;
	[tilespmem:$0x1F500] =	vst v63  }
0xb3: {  	_ =	swait.ge [sflag:s26], $0x80  }
0xb4: {  	[sflag:s26] =	ssyncset.done $0x0  }
0xb5: {  	[sflag:s26] =	ssyncadd.s32 $0xFFFFFF80  }
0xb6: {  	[tilespmem:s30], [sflag:$0x2] =	stream.indirect.gather [hbm4b:s4+s28], $0x80, s28, s28, $0xb8;
	[tilespmem:$0x1F500] =	vst v63  }
0xb7: {  	_ =	swait.ge [sflag:s31], $0x4000  }
0xb8: {  	[sflag:s31] =	ssyncset.done $0x0  }
0xb9: {  	s11 =	rddreg [dreg:$0x6];
	[sflag:s31] =	ssyncadd.s32 $0xFFFFC000  }
0xba: {  	[spmem:s1] =	stream.indirect.scatter.add.f32 [tilespmem:s29], [sflag:$0x3], $0x80, s11, s28, $0xb8;
	[tilespmem:$0x1F500] =	vst v63  }
0xbb: {  	s10 =	rddreg [dreg:$0x7]  }
0xbc: {  	[tilespmem:s8], [sflag:$0x5] =	stream.linear.gather [hbm4b:s10+s8], $0x80, $0x38;
	[tilespmem:$0x1F500] =	vst v63  }
0xbd: {  	_ =	swait.ge [sflag:s0], $0x4000  }
0xbe: {  	[sflag:s0] =	ssyncset.done $0x0  }
0xbf: {  	[sflag:s0] =	ssyncadd.s32 $0xFFFFC000  }
0xc0: {  	_ =	swait.ge [sflag:s26], $0x80  }
0xc1: {  	[sflag:s26] =	ssyncset.done $0x0  }
0xc2: {  	[sflag:s26] =	ssyncadd.s32 $0xFFFFFF80  }
0xc3: {  	[tilespmem:s29], [sflag:$0x1] =	stream.indirect.gather [hbm4b:s4+s28], $0x80, s8, s28, $0xb8;
	[tilespmem:$0x1F500] =	vst v63  }
0xc4: {  	_ =	swait.ge [sflag:s22], $0x4000  }
0xc5: {  	[sflag:s22] =	ssyncset.done $0x0  }
0xc6: {  	s11 =	rddreg [dreg:$0x8];
	[sflag:s22] =	ssyncadd.s32 $0xFFFFC000  }
0xc7: {  	[spmem:s1] =	stream.indirect.scatter.add.f32 [tilespmem:s30], [sflag:$0x4], $0x80, s11, s28, $0xb8;
	[tilespmem:$0x1F500] =	vst v63  }
0xc8: {  	_ = 	snop  }
0xc9: {  	[tilespmem:s28], [sflag:$0x5] =	stream.linear.gather [hbm4b:s12+s8], $0x80, $0x38;
	[tilespmem:$0x1F500] =	vst v63  }
0xca: {  	_ =	swait.ge [sflag:s2], $0x4000  }
0xcb: {  	[sflag:s2] =	ssyncset.done $0x0  }
0xcc: {  	[sflag:s2] =	ssyncadd.s32 $0xFFFFC000  }
0xcd: {  	_ =	swait.ge [sflag:s26], $0x80  }
0xce: {  	[sflag:s26] =	ssyncset.done $0x0  }
0xcf: {  	[sflag:s26] =	ssyncadd.s32 $0xFFFFFF80  }
0xd0: {  	[tilespmem:s30], [sflag:$0x2] =	stream.indirect.gather [hbm4b:s4+s28], $0x80, s28, s28, $0xb8;
	[tilespmem:$0x1F500] =	vst v63  }
0xd1: {  	_ =	swait.ge [sflag:s31], $0x4000  }
0xd2: {  	[sflag:s31] =	ssyncset.done $0x0  }
0xd3: {  	s9 =	sadd.s32 $0xFFFFFF80, s20;
	[sflag:s31] =	ssyncadd.s32 $0xFFFFC000  }
0xd4: {  	[spmem:s1] =	stream.indirect.scatter.add.f32 [tilespmem:s29], [sflag:$0x3], $0x80, s9, s28, $0xb8;
	[tilespmem:$0x1F500] =	vst v63  }
0xd5: {  	s10 =	sadd.s32 $0x0, s21  }
0xd6: {  	[tilespmem:s3], [sflag:$0x5] =	stream.linear.gather [hbm4b:s10+s3], $0x80, $0x38;
	[tilespmem:$0x1F500] =	vst v63  }
0xd7: {  	_ =	swait.ge [sflag:s0], $0x4000  }
0xd8: {  	[sflag:s0] =	ssyncset.done $0x0  }
0xd9: {  	[sflag:s0] =	ssyncadd.s32 $0xFFFFC000  }
0xda: {  	_ =	swait.ge [sflag:s26], $0x80  }
0xdb: {  	[sflag:s26] =	ssyncset.done $0x0  }
0xdc: {  	[sflag:s26] =	ssyncadd.s32 $0xFFFFFF80  }
0xdd: {  	[tilespmem:s29], [sflag:$0x1] =	stream.indirect.gather [hbm4b:s4+s28], $0x80, s3, s28, $0xb8;
	[tilespmem:$0x1F500] =	vst v63  }
0xde: {  	_ =	swait.ge [sflag:s22], $0x4000  }
0xdf: {  	[sflag:s22] =	ssyncset.done $0x0  }
0xe0: {  	[sflag:s22] =	ssyncadd.s32 $0xFFFFC000  }
0xe1: {  	[spmem:s1] =	stream.indirect.scatter.add.f32 [tilespmem:s30], [sflag:$0x4], $0x80, s20, s28, $0xb8;
	[tilespmem:$0x1F500] =	vst v63  }
0xe2: {  	s11 =	sadd.s32 $0x0, s19  }
0xe3: {  	[tilespmem:s28], [sflag:$0x5] =	stream.linear.gather [hbm4b:s11+s3], $0x80, $0x38;
	[tilespmem:$0x1F500] =	vst v63  }
0xe4: {  	_ =	swait.ge [sflag:s2], $0x4000  }
0xe5: {  	[sflag:s2] =	ssyncset.done $0x0  }
0xe6: {  	[sflag:s2] =	ssyncadd.s32 $0xFFFFC000  }
0xe7: {  	_ =	swait.ge [sflag:s26], $0x80  }
0xe8: {  	[sflag:s26] =	ssyncset.done $0x0  }
0xe9: {  	s8 =	simm.s32 $0x20;
	s9 =	sadd.s32 $0x100, s20;
	[sflag:s26] =	ssyncadd.s32 $0xFFFFFF80  }
.LBB2_4:
0xea: {  	[tilespmem:s30], [sflag:$0x2] =	stream.indirect.gather [hbm4b:s4+s28], $0x80, s28, s28, $0xb8;
	[tilespmem:$0x1F500] =	vst v63  }
0xeb: {  	s10 =	smov.u32 s8  }
0xec: {  	p1 =	sne.s32 s8, $0x480;
	s8 =	sadd.s32 $0x20, s8;
	_ =	swait.ge [sflag:s31], $0x4000  }
0xed: {  	[sflag:s31] =	ssyncset.done $0x0  }
0xee: {  	s11 =	sadd.s32 $0xFFFFFF80, s9;
	[sflag:s31] =	ssyncadd.s32 $0xFFFFC000  }
0xef: {  	[spmem:s1] =	stream.indirect.scatter.add.f32 [tilespmem:s29], [sflag:$0x3], $0x80, s11, s28, $0xb8;
	[tilespmem:$0x1F500] =	vst v63  }
0xf0: {  	s11 =	sadd.s32 s10, s21  }
0xf1: {  	[tilespmem:s3], [sflag:$0x5] =	stream.linear.gather [hbm4b:s11+s3], $0x80, $0x38;
	[tilespmem:$0x1F500] =	vst v63  }
0xf2: {  	_ =	swait.ge [sflag:s0], $0x4000  }
0xf3: {  	[sflag:s0] =	ssyncset.done $0x0  }
0xf4: {  	[sflag:s0] =	ssyncadd.s32 $0xFFFFC000  }
0xf5: {  	_ =	swait.ge [sflag:s26], $0x80  }
0xf6: {  	[sflag:s26] =	ssyncset.done $0x0  }
0xf7: {  	[sflag:s26] =	ssyncadd.s32 $0xFFFFFF80  }
0xf8: {  	[tilespmem:s29], [sflag:$0x1] =	stream.indirect.gather [hbm4b:s4+s28], $0x80, s3, s28, $0xb8;
	[tilespmem:$0x1F500] =	vst v63  }
0xf9: {  	_ =	swait.ge [sflag:s22], $0x4000  }
0xfa: {  	[sflag:s22] =	ssyncset.done $0x0  }
0xfb: {  	[sflag:s22] =	ssyncadd.s32 $0xFFFFC000  }
0xfc: {  	[spmem:s1] =	stream.indirect.scatter.add.f32 [tilespmem:s30], [sflag:$0x4], $0x80, s9, s28, $0xb8;
	[tilespmem:$0x1F500] =	vst v63  }
0xfd: {  	s10 =	sadd.s32 s10, s19  }
0xfe: {  	[tilespmem:s28], [sflag:$0x5] =	stream.linear.gather [hbm4b:s10+s3], $0x80, $0x38;
	[tilespmem:$0x1F500] =	vst v63  }
0xff: {  	_ =	swait.ge [sflag:s2], $0x4000  }
.Ltmp1:
0x100: {  	[sflag:s2] =	ssyncset.done $0x0;
	(pc) =	sbr.rel @p1 .LBB2_4-.Ltmp1, $4  }
0x101: {  	[sflag:s2] =	ssyncadd.s32 $0xFFFFC000  }
0x102: {  	_ =	swait.ge [sflag:s26], $0x80  }
0x103: {  	[sflag:s26] =	ssyncset.done $0x0  }
0x104: {  	s9 =	sadd.s32 $0x100, s9;
	[sflag:s26] =	ssyncadd.s32 $0xFFFFFF80  }
0x105: {  	[tilespmem:s30], [sflag:$0x2] =	stream.indirect.gather [hbm4b:s4+s28], $0x80, s28, s28, $0xb8;
	[tilespmem:$0x1F500] =	vst v63  }
0x106: {  	_ =	swait.ge [sflag:s31], $0x4000  }
0x107: {  	[sflag:s31] =	ssyncset.done $0x0  }
0x108: {  	[sflag:s31] =	ssyncadd.s32 $0xFFFFC000  }
0x109: {  	[spmem:s1] =	stream.indirect.scatter.add.f32 [tilespmem:s29], [sflag:$0x3], $0x80, s18, s28, $0xb8;
	[tilespmem:$0x1F500] =	vst v63  }
0x10a: {  	_ =	swait.ge [sflag:s22], $0x4000  }
0x10b: {  	[sflag:s22] =	ssyncset.done $0x0  }
0x10c: {  	[sflag:s22] =	ssyncadd.s32 $0xFFFFC000  }
0x10d: {  	[spmem:s1] =	stream.indirect.scatter.add.f32 [tilespmem:s30], [sflag:$0x4], $0x80, s13, s28, $0xb8;
	[tilespmem:$0x1F500] =	vst v63  }
0x10e: {  	_ =	swait.ge [sflag:s0], $0x4000  }
0x10f: {  	[sflag:s0] =	ssyncset.done $0x0  }
0x110: {  	[sflag:s0] =	ssyncadd.s32 $0xFFFFC000  }
0x111: {  	_ =	swait.ge [sflag:s2], $0x4000  }
0x112: {  	[sflag:s2] =	ssyncset.done $0x0  }
0x113: {  	s8 =	simm.s32 @!p0 $0x0;
	s9 =	simm.s32 @!p0 $0x6;
	[sflag:s2] =	ssyncadd.s32 $0xFFFFC000  }
0x114: {  	[tilespmem:s8], [sflag:$0x6] =	stream.linear.gather @!p0 [hbm4b:s14+s8], $0x80, $0x38;
	[tilespmem:$0x1F500] =	vst v63  }
0x115: {  	_ =	swait.ge @!p0 [sflag:s9], $0x80  }
0x116: {  	[sflag:s9] =	ssyncset.done @!p0 $0x0  }
0x117: {  	s10 =	simm.s32 @!p0 $0x80;
	s11 =	simm.s32 @!p0 $0x2D00;
	[sflag:s9] =	ssyncadd.s32 @!p0 $0xFFFFFF80  }
0x118: {  	[tilespmem:s11], [sflag:$0x6] =	stream.indirect.gather @!p0 [hbm4b:s4+s10], $0x80, s8, s10, $0xb8;
	[tilespmem:$0x1F500] =	vst v63  }
0x119: {  	_ =	swait.ge @!p0 [sflag:s9], $0x4000  }
0x11a: {  	[sflag:s9] =	ssyncset.done @!p0 $0x0  }
0x11b: {  	s8 =	simm.s32 @!p0 $0x7;
	[sflag:s9] =	ssyncadd.s32 @!p0 $0xFFFFC000  }
0x11c: {  	[spmem:s1] =	stream.indirect.scatter.add.f32 @!p0 [tilespmem:s11], [sflag:$0x7], $0x80, s15, s10, $0xb8;
	[tilespmem:$0x1F500] =	vst v63  }
0x11d: {  	s5 =	sadd.s32 $0x1, s5;
	_ =	swait.ge @!p0 [sflag:s8], $0x4000  }
0x11e: {  	p1 =	sne.s32 s5, s17;
	s10 =	stileid.u32;
	[sflag:s8] =	ssyncset.done @!p0 $0x0  }
0x11f: {  	s11 =	sshrl.u32 s7, $0x3;
	[sflag:s8] =	ssyncadd.s32 @!p0 $0xFFFFC000;
	s8 =	sshll.u32 s10, $0x6  }
.Ltmp2:
0x120: {  	[bflag:$0x0] =	sbarrier.arrive $0xFFFF;
	s8 =	sor.u32 $0x1C07, s8;
	(pc) =	sbr.rel @p1 .LBB2_1-.Ltmp2, $4  }
0x121: {  	[hbm:s16], [sflag:s8] =	dma.local [spmem:s11], $0x2800  }
0x122: {  	_ =	swait.ge [sflag:s24], $0x2800  }
0x123: {  	[sflag:s24] =	ssyncset.done $0x0  }
0x124: {  	[sflag:s24] =	ssyncadd.s32 $0xFFFFD800  }
0x125: {  	_ =	sfence.sel $0x180000  }
0x126: {  	[bflag:$0x0] =	sbarrier.arrive $0xFFFF  }
0x127: {  	_ =	strace $0x9000004A  }
0x128: {  	s0 =	stileid.u32;
	[bflag:$0x2] =	sbarrier.arrive $0xFFFF  }
0x129: {  	p0 =	sne.s32 s0, $0x0;
	s0 =	rddreg [dreg:$0x3]  }
0x12a: {  	s0 =	sadd.s32 @!p0 $0x100000, s0  }
0x12b: {  	[sflag:s0] =	ssyncadd.tile.s32 @!p0 $0x1;
	_ =	shalt  }
.Lfunc_end2:
_tile_overlayer_lowered:
.L_overlay_start_2:
0x12c: {  	(tag) =	ssettag $0x2  }
0x12d: {  	s0 =	rddreg [dreg:$0x0];
	s2 =	stileid.u32  }
0x12e: {  	s1 =	rddreg [dreg:$0x1];
	p0 =	sne.s32 s2, $0x0  }
0x12f: {  	s3 =	rddreg [dreg:$0x2];
	[bflag:$0x3] =	sbarrier.arrive $0xFFFF;
	s2 =	simm.s32 @!p0 $0x1C07  }
0x130: {  	[timem:s3], [sflag:s2] =	dma.local @!p0 [hbm:s0], s1  }
0x131: {  	s0 =	simm.s32 @!p0 $0x7  }
0x132: {  	_ =	swait.ge @!p0 [sflag:s0], s1  }
0x133: {  	s1 =	ssub.s32 @!p0 $0x0, s1;
	[sflag:s0] =	ssyncset.done @!p0 $0x0  }
0x134: {  	[sflag:s0] =	ssyncadd.s32 @!p0 s1  }
0x135: {  	[bflag:$0x3] =	sbarrier.arrive $0xFFFF  }
0x136: {  	_ =	shalt  }

// kernel: kernel.7.cloned.1.call-start
scs
__scs_entry_jumppad:
0x0: {  	(pc) =	sbr.rel $0x88, $3  }
0x1: {  	(tag) =	ssettag $0x0;
	lr =	simm.s32 $0x1  }
0x2: {  	[smem:$0x3F95] =	sst lr;
	_ =	strace $0xD0000000  }
0x3: {  	_ = 	snop  }
0x4: {  	_ = 	snop  }
0x5: {  	_ = 	snop  }
0x6: {  	_ = 	snop  }
0x7: {  	_ = 	snop  }
__scs_overlays_trampoline_lowered:
0x8: {  	[smem:$0x3FA4] =	sst s0  }
0x9: {  	[smem:$0x3FA5] =	sst s1  }
0xa: {  	[smem:$0x3FA6] =	sst s2  }
0xb: {  	[smem:$0x3FA7] =	sst s3  }
0xc: {  	[smem:$0x3FA8] =	sst s4  }
0xd: {  	[smem:$0x3FA9] =	sst s5  }
0xe: {  	[smem:$0x3FAA] =	sst s6  }
0xf: {  	[smem:$0x3FAB] =	sst s7  }
0x10: {  	[smem:$0x3FAC] =	sst s8  }
0x11: {  	[smem:$0x3FAD] =	sst s9;
	s0 =	simm.s32 @!p0 $0x0  }
0x12: {  	s1 =	sld [smem:$0x3F93];
	s0 =	simm.s32 @p0 $0x1  }
0x13: {  	[smem:$0x3FAE] =	sst s0;
	s0 =	simm.s32 @!p1 $0x0  }
0x14: {  	s2 =	sld [smem:$0x3F92];
	s0 =	simm.s32 @p1 $0x1  }
0x15: {  	[smem:$0x3FAF] =	sst s0;
	s0 =	simm.s32 @!p2 $0x0  }
0x16: {  	s3 =	sld [smem:$0x3FDB];
	s0 =	simm.s32 @p2 $0x1  }
0x17: {  	s4 =	simm.s32 $0x1BF5;
	[smem:$0x3FB1] =	sst s0  }
0x18: {  	s0 =	sld [smem:$0x3F94];
	_ =	swait.ge [sflag:s4], $0x0  }
0x19: {  	s7 =	sld [smem:$0x3F95]  }
0x1a: {  	s8 =	sadd.s32 $0xFFFFE003, lr  }
0x1b: {  	s9 =	sadd.s32 $0xFFFFFEF7, lr;
	s5 =	simm.s32 $0xFFFFFFFF;
	p2 =	slt.u32 s8, $0xFFFFF086  }
0x1c: {  	p1 =	slt.u32 s9, $0xF7A;
	s5 =	simm.s32 @!p2 $0x0  }
0x1d: {  	s5 =	simm.s32 @p1 $0x1;
	p0 =	seq.s32 s7, s2  }
0x1e: {  	s7 =	smul.u32 @!p0 $0xF7A, s2;
	p2 =	seq.s32 @!p0 s5, $0x0  }
0x1f: {  	s9 =	smul.u32 $0xF7A, s1;
	s8 =	simm.s32 @!p0 $0x1BF5;
	p2 =	por !p2, p0  }
0x20: {  	[sflag:s8] =	ssyncset.s32 @!p0 $0xFFFFF086;
	s6 =	sadd.s32 @!p0 s3, s7;
	s7 =	simm.s32 @!p0 $0x108  }
0x21: {  	s3 =	sadd.s32 s3, s9;
	s6 =	sadd.s32 @!p0 $0x88, s6;
	s7 =	simm.s32 @p2 $0x1082  }
0x22: {  	[simem:s7], [sflag:s8] =	dma.local @!p0 [hbm:s6], $0xF7A  }
0x23: {  	s9 =	sor.u32 $0xD0000000, s2;
	s6 =	simm.s32 $0x108;
	_ =	swait.ge @!p0 [sflag:s8], $0x0  }
0x24: {  	s3 =	sadd.s32 $0x88, s3;
	s6 =	simm.s32 @!p1 $0x1082;
	[sflag:s4] =	ssyncset.s32 $0xFFFFF086  }
0x25: {  	[simem:s6], [sflag:s4] =	dma.local [hbm:s3], $0xF7A  }
0x26: {  	[smem:$0x3F95] =	sst s1;
	(tag) =	ssettag s2;
	_ =	strace s9  }
0x27: {  	s1 =	sld [smem:$0x3FA5]  }
0x28: {  	s2 =	sld [smem:$0x3FA6]  }
0x29: {  	s4 =	sld [smem:$0x3FA8]  }
0x2a: {  	p0 =	seq.s32 s5, $0x0;
	s5 =	sld [smem:$0x3FA9]  }
0x2b: {  	s6 =	sld [smem:$0x3FAA]  }
0x2c: {  	s7 =	sld [smem:$0x3FAB]  }
0x2d: {  	s3 =	simm.s32 $0x108;
	s8 =	sld [smem:$0x3FAC]  }
0x2e: {  	s3 =	simm.s32 @!p0 $0x1082;
	s9 =	sld [smem:$0x3FAD]  }
0x2f: {  	lr =	sadd.s32 s0, s3;
	s0 =	sld [smem:$0x3FA4]  }
0x30: {  	s3 =	sld [smem:$0x3FA7]  }
0x31: {  	[smem:$0x3FB0] =	sst s10  }
0x32: {  	s10 =	sld [smem:$0x3FAE];
	_ =	sdelay $0x3  }
0x33: {  	p0 =	seq.s32 s10, $0x1;
	s10 =	sld [smem:$0x3FB0];
	_ =	sdelay $0x3  }
0x34: {  	[smem:$0x3FB0] =	sst s10  }
0x35: {  	s10 =	sld [smem:$0x3FAF];
	_ =	sdelay $0x3  }
0x36: {  	p1 =	seq.s32 s10, $0x1;
	s10 =	sld [smem:$0x3FB0];
	_ =	sdelay $0x3  }
0x37: {  	[smem:$0x3FB0] =	sst s10  }
0x38: {  	s10 =	sld [smem:$0x3FB1]  }
0x39: {  	_ = 	snop;
	(pc) =	sbr.ind lr, $3  }
0x3a: {  	_ = 	snop  }
0x3b: {  	_ = 	snop  }
0x3c: {  	p2 =	seq.s32 s10, $0x1;
	s10 =	sld [smem:$0x3FB0]  }
0x3d: {  	_ =	shalt  }
0x3e: {  	_ =	shalt  }
0x3f: {  	_ =	shalt  }
0x40: {  	_ =	shalt  }
0x41: {  	_ =	shalt  }
0x42: {  	_ =	shalt  }
0x43: {  	_ =	shalt  }
0x44: {  	_ =	shalt  }
0x45: {  	_ =	shalt  }
0x46: {  	_ =	shalt  }
0x47: {  	_ =	shalt  }
0x48: {  	_ =	shalt  }
0x49: {  	_ =	shalt  }
0x4a: {  	_ =	shalt  }
0x4b: {  	_ =	shalt  }
0x4c: {  	_ =	shalt  }
0x4d: {  	_ =	shalt  }
0x4e: {  	_ =	shalt  }
0x4f: {  	_ =	shalt  }
0x50: {  	_ =	shalt  }
0x51: {  	_ =	shalt  }
0x52: {  	_ =	shalt  }
0x53: {  	_ =	shalt  }
0x54: {  	_ =	shalt  }
0x55: {  	_ =	shalt  }
0x56: {  	_ =	shalt  }
0x57: {  	_ =	shalt  }
0x58: {  	_ =	shalt  }
0x59: {  	_ =	shalt  }
0x5a: {  	_ =	shalt  }
0x5b: {  	_ =	shalt  }
0x5c: {  	_ =	shalt  }
0x5d: {  	_ =	shalt  }
0x5e: {  	_ =	shalt  }
0x5f: {  	_ =	shalt  }
0x60: {  	_ =	shalt  }
0x61: {  	_ =	shalt  }
0x62: {  	_ =	shalt  }
0x63: {  	_ =	shalt  }
0x64: {  	_ =	shalt  }
0x65: {  	_ =	shalt  }
0x66: {  	_ =	shalt  }
0x67: {  	_ =	shalt  }
0x68: {  	_ =	shalt  }
0x69: {  	_ =	shalt  }
0x6a: {  	_ =	shalt  }
0x6b: {  	_ =	shalt  }
0x6c: {  	_ =	shalt  }
0x6d: {  	_ =	shalt  }
0x6e: {  	_ =	shalt  }
0x6f: {  	_ =	shalt  }
0x70: {  	_ =	shalt  }
0x71: {  	_ =	shalt  }
0x72: {  	_ =	shalt  }
0x73: {  	_ =	shalt  }
0x74: {  	_ =	shalt  }
0x75: {  	_ =	shalt  }
0x76: {  	_ =	shalt  }
0x77: {  	_ =	shalt  }
0x78: {  	_ =	shalt  }
0x79: {  	_ =	shalt  }
0x7a: {  	_ =	shalt  }
0x7b: {  	_ =	shalt  }
0x7c: {  	_ =	shalt  }
0x7d: {  	_ =	shalt  }
0x7e: {  	_ =	shalt  }
0x7f: {  	_ =	shalt  }
0x80: {  	_ =	shalt  }
0x81: {  	_ =	shalt  }
0x82: {  	_ =	shalt  }
0x83: {  	_ =	shalt  }
0x84: {  	_ =	shalt  }
0x85: {  	_ =	shalt  }
0x86: {  	_ =	shalt  }
0x87: {  	_ =	shalt  }
.Lfunc_end0:
.L_simem_size_0:
called_computation_lowered:
.L_overlay_start_0:
0x88: {  	s2 =	sld [smem:$0x3FD9]  }
0x89: {  	s3 =	sld [smem:$0x3FFE];
	_ =	sdelay $0x1  }
0x8a: {  	s1 =	srdreg.scid  }
0x8b: {  	s0 =	sand.u32 $0x1, s1  }
0x8c: {  	s14 =	sshll.u32 s0, $0xA;
	s2 =	sadd.s32 s3, s2  }
0x8d: {  	s2 =	sadd.s32 s2, s14  }
0x8e: {  	[smem:$0x3FBC] =	sst s2  }
0x8f: {  	_ = 	snop  }
0x90: {  	s2 =	sld [smem:$0x3FD0];
	_ =	sdelay $0x2  }
0x91: {  	s15 =	simm.s32 $0xA;
	s4 =	simm.s32 $0x10  }
0x92: {  	[smem:s4], [sflag:s15] =	dma.local [hbm:s2], $0x1  }
0x93: {  	_ =	swait.eq [sflag:s15], $0x1  }
0x94: {  	[sflag:s15] =	ssyncset.done $0x0  }
0x95: {  	[sflag:s15] =	ssyncadd.s32 $0xFFFFFFFF  }
0x96: {  	s16 =	sld [smem:$0x10];
	(tm) =	ssettm $0x1  }
0x97: {  	s17 =	sld [smem:$0x3FFB];
	_ =	sdelay $0x3  }
0x98: {  	_ =	strace s17  }
0x99: {  	s3 =	sld [smem:$0x3FFC];
	_ =	sdelay $0x3  }
0x9a: {  	_ =	strace s3  }
0x9b: {  	s3 =	sld [smem:$0x3FFD];
	_ =	sdelay $0x3  }
0x9c: {  	_ =	strace s3  }
0x9d: {  	_ =	strace $0x8FFFFFFF  }
0x9e: {  	s18 =	sld [smem:$0x3FDB];
	_ =	sdelay $0x1  }
0x9f: {  	s19 =	simm.s32 $_scs_section_size  }
0xa0: {  	s5 =	simm.s32 $_size__tile_overlayer_lowered;
	s6 =	simm.s32 $_tile_overlayer_lowered  }
0xa1: {  	s22 =	simm.s32 $0x1BFF;
	s21 =	sshll.u32 s6, $0x1;
	s3 =	sadd.s32 s19, s18  }
0xa2: {  	s7 =	simm.s32 $0x0;
	s20 =	sshll.u32 s5, $0x1;
	s5 =	sadd.s32 s21, s3  }
0xa3: {  	[timem:s7], [sflag:s22] =	dma.local [hbm:s5], s20  }
0xa4: {  	_ =	swait.ge [sflag:s22], s20  }
0xa5: {  	s4 =	ssub.s32 $0x0, s20;
	[sflag:s22] =	ssyncset.done $0x0  }
0xa6: {  	[sflag:s22] =	ssyncadd.s32 s4;
	_ =	sdelay $0x1  }
0xa7: {  	s23 =	simm.s32 $0x1B8B  }
0xa8: {  	_ =	swait.ge [sflag:s23], $0x1  }
0xa9: {  	[sflag:s23] =	ssyncset.done $0x0  }
0xaa: {  	s25 =	simm.s32 $0x1B8E;
	s24 =	sld [smem:$0x3FFE];
	[sflag:s23] =	ssyncadd.s32 $0xFFFFFFFF  }
0xab: {  	s26 =	simm.s32 $execute0_lowered;
	[smem:$0x3FD2] =	sst s25  }
0xac: {  	s5 =	sshll.u32 s26, $0x1;
	_ =	strace $0x80000046;
	[dreg:$0x1] =	wrdreg $0xFFFFFFFF  }
0xad: {  	s28 =	simm.s32 $_size_execute0_lowered;
	s3 =	sadd.s32 s3, s5;
	[dreg:$0x0] =	wrdreg $0x0  }
0xae: {  	s5 =	sshll.u32 s28, $0x1;
	[dreg:$0x2] =	wrdreg s3  }
0xaf: {  	[dreg:$0x3] =	wrdreg s5  }
0xb0: {  	[dreg:$0x4] =	wrdreg $0xC0  }
0xb1: {  	_ =	task [dreg:s7], $0x5FFFF  }
0xb2: {  	[dreg:$0x1] =	wrdreg $0xFFFFFFFF  }
0xb3: {  	[dreg:$0x0] =	wrdreg $0x60  }
0xb4: {  	[dreg:$0x2] =	wrdreg s24  }
0xb5: {  	[dreg:$0x3] =	wrdreg s16  }
0xb6: {  	[dreg:$0x4] =	wrdreg $0xB5000  }
0xb7: {  	[dreg:$0x5] =	wrdreg $0x1F8000  }
0xb8: {  	[dreg:$0x6] =	wrdreg $0x9  }
0xb9: {  	_ =	task.clear_ibuf [dreg:s7], $0x7FFFF;
	_ =	strace $0x90000046  }
0xba: {  	s29 =	simm.s32 $0x9;
	_ =	strace $0x80000048  }
0xbb: {  	_ =	swait.ge [sflag:s29], $0x1  }
0xbc: {  	[sflag:s29] =	ssyncadd.s32 $0xFFFFFFFF  }
0xbd: {  	_ =	strace $0x90000048  }
0xbe: {  	_ =	sfence  }
0xbf: {  	s30 =	sld [smem:$0x0];
	_ =	sdelay $0x2  }
0xc0: {  	s31 =	sshll.u32 s1, $0xD;
	s1 =	sshrl.u32 s1, $0x2  }
0xc1: {  	s3 =	sand.u32 $0x4000, s31;
	s1 =	sadd.s32 s1, s30  }
0xc2: {  	s0 =	sor.u32 s3, s0;
	s1 =	sshll.u32 s1, $0x11  }
0xc3: {  	s0 =	sor.u32 s1, s0  }
0xc4: {  	s0 =	sadd.s32 $0x8F2B, s0  }
0xc5: {  	[sflag:s0] =	ssyncadd.remote.s32 $0x1  }
0xc6: {  	_ =	sfence.sel $0xFFFF  }
0xc7: {  	[dreg:$0x0] =	wrdreg $0xFFFFFFFF;
	(pc) =	sbr.abs _section_cstart, $3  }
0xc8: {  	[dreg:$0x1] =	wrdreg $0xFFFFFFFF  }
0xc9: {  	_ =	task.clear_ibuf [dreg:s7], $0x2FFFF;
	_ =	strace $0x9FFFFFFF  }
0xca: {  	(tm) =	ssettm $0x7FFFFFFF  }
0xcb: {  	_ =	shalt  }
tec
execute0_lowered:
.L_overlay_start_1:
0x0: {  	(tag) =	ssettag $0x1  }
0x1: {  	s0 =	rddreg [dreg:$0x0]  }
0x2: {  	s3 =	rddreg [dreg:$0x1]  }
0x3: {  	s1 =	rddreg [dreg:$0x2];
	s19 =	stileid.u32  }
0x4: {  	s2 =	rddreg [dreg:$0x3];
	s4 =	simm.s32 $0x0;
	s8 =	smul.u32 $0x14000, s19  }
0x5: {  	s5 =	srdreg.scid;
	s28 =	simm.s32 $0x9;
	s9 =	smul.u32 $0x500, s19  }
0x6: {  	s31 =	simm.s32 $0x5;
	s29 =	simm.s32 $0x6D00;
	s13 =	smul.u32 $0x50000, s19  }
0x7: {  	[smem:$0x7FF] =	sst s4;
	s6 =	sand.u32 $0x1, s5;
	s17 =	smul.u32 $0xA00, s19  }
0x8: {  	s5 =	sadd.s32 $0xBC00, s0;
	s12 =	sadd.s32 $0x1E00, s0;
	s7 =	smul.u32 $0x140000, s6  }
0x9: {  	_ =	strace $0x80000047;
	s10 =	sshll.u32 s6, $0x4;
	s11 =	sshll.u32 s6, $0x7  }
0xa: {  	s22 =	ssub.s32 $0x2, s6;
	s6 =	smul.u32 $0x4E0, s6;
	s10 =	sor.u32 s19, s10  }
0xb: {  	s18 =	sor.u32 s11, s9;
	s15 =	sshrl.u32 s22, $0x1;
	s25 =	sshrl.u32 s13, $0x2  }
0xc: {  	s26 =	sshrl.u32 s17, $0x2;
	s7 =	sadd.s32 s8, s7;
	s20 =	smul.u32 $0x4E, s10  }
0xd: {  	s8 =	sshrl.u32 s18, $0x3;
	s14 =	smin.u32 s10, $0x4;
	s15 =	ssub.s32 s22, s15  }
0xe: {  	s30 =	sadd.s32 s26, s2;
	p0 =	sgt.u32 s10, $0x3;
	s10 =	simm.s32 $0x3  }
0xf: {  	s7 =	sshrl.u32 s7, $0x3;
	s26 =	smax.u32 s15, $0x1;
	s15 =	simm.s32 $0x7  }
0x10: {  	s7 =	sadd.s32 s7, s0;
	s0 =	sadd.s32 s8, s0;
	s21 =	sadd.s32 s14, s20  }
0x11: {  	s8 =	sadd.s32 s25, s1;
	s20 =	smul.u32 $0x4E, s19;
	[dreg:$0xe] =	wrdreg s26  }
0x12: {  	s26 =	simm.s32 $0xAD00;
	s23 =	sshll.u32 s21, $0x4;
	s7 =	sadd.s32 $0x33800, s7  }
0x13: {  	s18 =	sand.u32 $0x7, s21;
	s0 =	sadd.s32 $0x32E00, s0;
	[dreg:$0xc] =	wrdreg s7  }
0x14: {  	s16 =	sand.u32 $0x1FF80, s23;
	s24 =	sadd.s32 s12, s23;
	[dreg:$0xd] =	wrdreg s0  }
0x15: {  	s6 =	sadd.s32 s20, s6;
	s3 =	sadd.s32 s3, s16;
	[dreg:$0x6] =	wrdreg s24  }
0x16: {  	s23 =	sshll.u32 s19, $0x1;
	s11 =	sadd.s32 $0x10, s24;
	[dreg:$0x5] =	wrdreg s3  }
0x17: {  	s17 =	sadd.s32 $0x20, s24;
	s21 =	sadd.s32 $0x30, s24;
	[dreg:$0x7] =	wrdreg s11  }
0x18: {  	s22 =	sadd.s32 $0x4E0, s24;
	s24 =	sadd.s32 s14, s6;
	[dreg:$0x9] =	wrdreg s17  }
0x19: {  	s25 =	ssub.s32 s14, s23;
	s14 =	simm.s32 $0x4;
	[dreg:$0xa] =	wrdreg s21  }
0x1a: {  	s3 =	sshll.u32 s18, $0x7;
	[dreg:$0xb] =	wrdreg s22;
	s0 =	sshll.u32 s24, $0x4  }
0x1b: {  	s6 =	sand.u32 $0x7, s25;
	s25 =	simm.s32 $0x2D00;
	s17 =	simm.s32 $0x8  }
0x1c: {  	s13 =	sadd.s32 $0x100, s3;
	s18 =	sadd.s32 $0x180, s3;
	s16 =	sor.u32 $0x2800, s3  }
0x1d: {  	s20 =	sadd.s32 $0x2700, s3;
	s0 =	sadd.s32 s12, s0;
	s6 =	sshll.u32 s6, $0x7  }
0x1e: {  	s21 =	sadd.s32 $0x2780, s3;
	s3 =	simm.s32 $0x1;
	[dreg:$0x8] =	wrdreg s13  }
0x1f: {  	s12 =	simm.s32 $0x2;
	[dreg:$0xf] =	wrdreg s18;
	s22 =	sadd.s32 $0x50, s0  }
0x20: {  	s23 =	sadd.s32 $0x280, s6;
	s24 =	sadd.s32 $0x40, s0;
	s0 =	simm.s32 $0x80  }
0x21: {  	v0 =	vimm.f32 $0.0e+00;
	v1 =	vimm.f32 $1.000000000e+00;
	s6 =	simm.s32 $0x1F500;
	s18 =	simm.s32 $0x0;
	s13 =	simm.s32 $0x10  }
.LBB2_1:
0x22: {  	s7 =	rddreg [dreg:$0x5];
	s9 =	simm.s32 $0x100  }
0x23: {  	[tilespmem:s9], [sflag:$0x6] =	stream.linear.gather [hbm4b:s7+s4], $0x2C00, $0x38;
	[tilespmem:$0x1FA80] =	vst v63  }
0x24: {  	s11 =	rddreg [dreg:$0x6]  }
0x25: {  	[tilespmem:s4], [sflag:$0x5] =	stream.linear.gather [hbm4b:s11+s4], $0x80, $0x38;
	[tilespmem:$0x1FA80] =	vst v63  }
0x26: {  	[tilespmem:$0xAD00] =	vst v0  }
0x27: {  	[tilespmem:$0xAD10] =	vst v0  }
0x28: {  	[tilespmem:$0xAD20] =	vst v0  }
0x29: {  	[tilespmem:$0xAD30] =	vst v0  }
0x2a: {  	[tilespmem:$0xAD40] =	vst v0  }
0x2b: {  	[tilespmem:$0xAD50] =	vst v0  }
0x2c: {  	[tilespmem:$0xAD60] =	vst v0  }
0x2d: {  	[tilespmem:$0xAD70] =	vst v0  }
0x2e: {  	[tilespmem:$0xAD80] =	vst v0  }
0x2f: {  	[tilespmem:$0xAD90] =	vst v0  }
0x30: {  	[tilespmem:$0xADA0] =	vst v0  }
0x31: {  	[tilespmem:$0xADB0] =	vst v0  }
0x32: {  	[tilespmem:$0xADC0] =	vst v0  }
0x33: {  	[tilespmem:$0xADD0] =	vst v0  }
0x34: {  	[tilespmem:$0xADE0] =	vst v0  }
0x35: {  	[tilespmem:$0xADF0] =	vst v0  }
0x36: {  	[tilespmem:$0xAE00] =	vst v0  }
0x37: {  	[tilespmem:$0xAE10] =	vst v0  }
0x38: {  	[tilespmem:$0xAE20] =	vst v0  }
0x39: {  	[tilespmem:$0xAE30] =	vst v0  }
0x3a: {  	[tilespmem:$0xAE40] =	vst v0  }
0x3b: {  	[tilespmem:$0xAE50] =	vst v0  }
0x3c: {  	[tilespmem:$0xAE60] =	vst v0  }
0x3d: {  	[tilespmem:$0xAE70] =	vst v0  }
0x3e: {  	[tilespmem:$0xAE80] =	vst v0  }
0x3f: {  	[tilespmem:$0xAE90] =	vst v0  }
0x40: {  	[tilespmem:$0xAEA0] =	vst v0  }
0x41: {  	[tilespmem:$0xAEB0] =	vst v0  }
0x42: {  	[tilespmem:$0xAEC0] =	vst v0  }
0x43: {  	[tilespmem:$0xAED0] =	vst v0  }
0x44: {  	[tilespmem:$0xAEE0] =	vst v0  }
0x45: {  	[tilespmem:$0xAEF0] =	vst v0  }
0x46: {  	[tilespmem:$0xAF00] =	vst v0  }
0x47: {  	[tilespmem:$0xAF10] =	vst v0  }
0x48: {  	[tilespmem:$0xAF20] =	vst v0  }
0x49: {  	[tilespmem:$0xAF30] =	vst v0  }
0x4a: {  	[tilespmem:$0xAF40] =	vst v0  }
0x4b: {  	[tilespmem:$0xAF50] =	vst v0  }
0x4c: {  	[tilespmem:$0xAF60] =	vst v0  }
0x4d: {  	[tilespmem:$0xAF70] =	vst v0  }
0x4e: {  	[tilespmem:$0xAF80] =	vst v0  }
0x4f: {  	[tilespmem:$0xAF90] =	vst v0  }
0x50: {  	[tilespmem:$0xAFA0] =	vst v0  }
0x51: {  	[tilespmem:$0xAFB0] =	vst v0  }
0x52: {  	[tilespmem:$0xAFC0] =	vst v0  }
0x53: {  	[tilespmem:$0xAFD0] =	vst v0  }
0x54: {  	[tilespmem:$0xAFE0] =	vst v0  }
0x55: {  	[tilespmem:$0xAFF0] =	vst v0  }
0x56: {  	[tilespmem:$0xB000] =	vst v0  }
0x57: {  	[tilespmem:$0xB010] =	vst v0  }
0x58: {  	[tilespmem:$0xB020] =	vst v0  }
0x59: {  	[tilespmem:$0xB030] =	vst v0  }
0x5a: {  	[tilespmem:$0xB040] =	vst v0  }
0x5b: {  	[tilespmem:$0xB050] =	vst v0  }
0x5c: {  	[tilespmem:$0xB060] =	vst v0  }
0x5d: {  	[tilespmem:$0xB070] =	vst v0  }
0x5e: {  	[tilespmem:$0xB080] =	vst v0  }
0x5f: {  	[tilespmem:$0xB090] =	vst v0  }
0x60: {  	[tilespmem:$0xB0A0] =	vst v0  }
0x61: {  	[tilespmem:$0xB0B0] =	vst v0  }
0x62: {  	[tilespmem:$0xB0C0] =	vst v0  }
0x63: {  	[tilespmem:$0xB0D0] =	vst v0  }
0x64: {  	[tilespmem:$0xB0E0] =	vst v0  }
0x65: {  	[tilespmem:$0xB0F0] =	vst v0  }
0x66: {  	[tilespmem:$0xB100] =	vst v0  }
0x67: {  	[tilespmem:$0xB110] =	vst v0  }
0x68: {  	[tilespmem:$0xB120] =	vst v0  }
0x69: {  	[tilespmem:$0xB130] =	vst v0  }
0x6a: {  	[tilespmem:$0xB140] =	vst v0  }
0x6b: {  	[tilespmem:$0xB150] =	vst v0  }
0x6c: {  	[tilespmem:$0xB160] =	vst v0  }
0x6d: {  	[tilespmem:$0xB170] =	vst v0  }
0x6e: {  	[tilespmem:$0xB180] =	vst v0  }
0x6f: {  	[tilespmem:$0xB190] =	vst v0  }
0x70: {  	[tilespmem:$0xB1A0] =	vst v0  }
0x71: {  	[tilespmem:$0xB1B0] =	vst v0  }
0x72: {  	[tilespmem:$0xB1C0] =	vst v0  }
0x73: {  	[tilespmem:$0xB1D0] =	vst v0  }
0x74: {  	[tilespmem:$0xB1E0] =	vst v0  }
0x75: {  	[tilespmem:$0xB1F0] =	vst v0  }
0x76: {  	[tilespmem:$0xB200] =	vst v0  }
0x77: {  	[tilespmem:$0xB210] =	vst v0  }
0x78: {  	[tilespmem:$0xB220] =	vst v0  }
0x79: {  	[tilespmem:$0xB230] =	vst v0  }
0x7a: {  	[tilespmem:$0xB240] =	vst v0  }
0x7b: {  	[tilespmem:$0xB250] =	vst v0  }
0x7c: {  	[tilespmem:$0xB260] =	vst v0  }
0x7d: {  	[tilespmem:$0xB270] =	vst v0  }
0x7e: {  	[tilespmem:$0xB280] =	vst v0  }
0x7f: {  	[tilespmem:$0xB290] =	vst v0  }
0x80: {  	[tilespmem:$0xB2A0] =	vst v0  }
0x81: {  	[tilespmem:$0xB2B0] =	vst v0  }
0x82: {  	[tilespmem:$0xB2C0] =	vst v0  }
0x83: {  	[tilespmem:$0xB2D0] =	vst v0  }
0x84: {  	[tilespmem:$0xB2E0] =	vst v0  }
0x85: {  	[tilespmem:$0xB2F0] =	vst v0  }
0x86: {  	[tilespmem:$0xB300] =	vst v0  }
0x87: {  	[tilespmem:$0xB310] =	vst v0  }
0x88: {  	[tilespmem:$0xB320] =	vst v0  }
0x89: {  	[tilespmem:$0xB330] =	vst v0  }
0x8a: {  	[tilespmem:$0xB340] =	vst v0  }
0x8b: {  	[tilespmem:$0xB350] =	vst v0  }
0x8c: {  	[tilespmem:$0xB360] =	vst v0  }
0x8d: {  	[tilespmem:$0xB370] =	vst v0  }
0x8e: {  	[tilespmem:$0xB380] =	vst v0  }
0x8f: {  	[tilespmem:$0xB390] =	vst v0  }
0x90: {  	[tilespmem:$0xB3A0] =	vst v0  }
0x91: {  	[tilespmem:$0xB3B0] =	vst v0  }
0x92: {  	[tilespmem:$0xB3C0] =	vst v0  }
0x93: {  	[tilespmem:$0xB3D0] =	vst v0  }
0x94: {  	[tilespmem:$0xB3E0] =	vst v0  }
0x95: {  	[tilespmem:$0xB3F0] =	vst v0  }
0x96: {  	[tilespmem:$0xB400] =	vst v0  }
0x97: {  	[tilespmem:$0xB410] =	vst v0  }
0x98: {  	[tilespmem:$0xB420] =	vst v0  }
0x99: {  	[tilespmem:$0xB430] =	vst v0  }
0x9a: {  	[tilespmem:$0xB440] =	vst v0  }
0x9b: {  	[tilespmem:$0xB450] =	vst v0  }
0x9c: {  	[tilespmem:$0xB460] =	vst v0  }
0x9d: {  	[tilespmem:$0xB470] =	vst v0  }
0x9e: {  	[tilespmem:$0xB480] =	vst v0  }
0x9f: {  	[tilespmem:$0xB490] =	vst v0  }
0xa0: {  	[tilespmem:$0xB4A0] =	vst v0  }
0xa1: {  	[tilespmem:$0xB4B0] =	vst v0  }
0xa2: {  	[tilespmem:$0xB4C0] =	vst v0  }
0xa3: {  	[tilespmem:$0xB4D0] =	vst v0  }
0xa4: {  	[tilespmem:$0xB4E0] =	vst v0  }
0xa5: {  	s19 =	sadd.s32 $0x0, s8;
	[tilespmem:$0xB4F0] =	vst v0  }
0xa6: {  	[spmem:s19] =	stream.linear.scatter [tilespmem:s26], [sflag:$0x9], $0x800, $0x38;
	[tilespmem:$0x1FA80] =	vst v63  }
0xa7: {  	s7 =	simm.s32 $0x2000;
	_ =	swait.ge [sflag:s28], $0x800  }
.LBB2_2:
0xa8: {  	s19 =	sshra.s32 s7, $0x2;
	[sflag:s28] =	ssyncset.done $0x0;
	p1 =	sne.s32 s7, $0x4E000  }
.Ltmp0:
0xa9: {  	s19 =	sadd.s32 s19, s8;
	[sflag:s28] =	ssyncadd.s32 $0xFFFFF800;
	(pc) =	sbr.rel @p1 .LBB2_2-.Ltmp0, $3  }
0xaa: {  	[spmem:s19] =	stream.linear.scatter [tilespmem:s26], [sflag:$0x9], $0x800, $0x38;
	[tilespmem:$0x1FA80] =	vst v63  }
0xab: {  	s7 =	sadd.s32 $0x2000, s7;
	_ =	sdelay $0x1  }
0xac: {  	_ =	swait.ge [sflag:s28], $0x800  }
0xad: {  	[sflag:s28] =	ssyncset.done $0x0  }
0xae: {  	[sflag:s28] =	ssyncadd.s32 $0xFFFFF800  }
0xaf: {  	[tilespmem:$0x1F500] =	vst v1  }
0xb0: {  	[tilespmem:$0x1F510] =	vst v1  }
0xb1: {  	[tilespmem:$0x1F520] =	vst v1  }
0xb2: {  	[tilespmem:$0x1F530] =	vst v1  }
0xb3: {  	[tilespmem:$0x1F540] =	vst v1  }
0xb4: {  	[tilespmem:$0x1F550] =	vst v1  }
0xb5: {  	[tilespmem:$0x1F560] =	vst v1  }
0xb6: {  	[tilespmem:$0x1F570] =	vst v1  }
0xb7: {  	[tilespmem:$0x1F580] =	vst v0  }
0xb8: {  	[tilespmem:$0x1F590] =	vst v0  }
0xb9: {  	[tilespmem:$0x1F5A0] =	vst v0  }
0xba: {  	[tilespmem:$0x1F5B0] =	vst v0  }
0xbb: {  	[tilespmem:$0x1F5C0] =	vst v0  }
0xbc: {  	[tilespmem:$0x1F5D0] =	vst v0  }
0xbd: {  	[tilespmem:$0x1F5E0] =	vst v0  }
0xbe: {  	[tilespmem:$0x1F5F0] =	vst v0  }
0xbf: {  	[tilespmem:$0x1F600] =	vst v0  }
0xc0: {  	[tilespmem:$0x1F610] =	vst v0  }
0xc1: {  	[tilespmem:$0x1F620] =	vst v0  }
0xc2: {  	[tilespmem:$0x1F630] =	vst v0  }
0xc3: {  	[tilespmem:$0x1F640] =	vst v0  }
0xc4: {  	[tilespmem:$0x1F650] =	vst v0  }
0xc5: {  	[tilespmem:$0x1F660] =	vst v0  }
0xc6: {  	[tilespmem:$0x1F670] =	vst v0  }
0xc7: {  	[tilespmem:$0x1F680] =	vst v0  }
0xc8: {  	[tilespmem:$0x1F690] =	vst v0  }
0xc9: {  	[tilespmem:$0x1F6A0] =	vst v0  }
0xca: {  	[tilespmem:$0x1F6B0] =	vst v0  }
0xcb: {  	[tilespmem:$0x1F6C0] =	vst v0  }
0xcc: {  	[tilespmem:$0x1F6D0] =	vst v0  }
0xcd: {  	[tilespmem:$0x1F6E0] =	vst v0  }
0xce: {  	[tilespmem:$0x1F6F0] =	vst v0  }
0xcf: {  	[tilespmem:$0x1F700] =	vst v0  }
0xd0: {  	[tilespmem:$0x1F710] =	vst v0  }
0xd1: {  	[tilespmem:$0x1F720] =	vst v0  }
0xd2: {  	[tilespmem:$0x1F730] =	vst v0  }
0xd3: {  	[tilespmem:$0x1F740] =	vst v0  }
0xd4: {  	[tilespmem:$0x1F750] =	vst v0  }
0xd5: {  	[tilespmem:$0x1F760] =	vst v0  }
0xd6: {  	[tilespmem:$0x1F770] =	vst v0  }
0xd7: {  	[tilespmem:$0x1F780] =	vst v0  }
0xd8: {  	[tilespmem:$0x1F790] =	vst v0  }
0xd9: {  	[tilespmem:$0x1F7A0] =	vst v0  }
0xda: {  	[tilespmem:$0x1F7B0] =	vst v0  }
0xdb: {  	[tilespmem:$0x1F7C0] =	vst v0  }
0xdc: {  	[tilespmem:$0x1F7D0] =	vst v0  }
0xdd: {  	[tilespmem:$0x1F7E0] =	vst v0  }
0xde: {  	s7 =	simm.s32 $0x1F580;
	[tilespmem:$0x1F7F0] =	vst v0  }
0xdf: {  	[spmem:s30] =	stream.linear.scatter [tilespmem:s7], [sflag:$0x9], $0x280, $0x38;
	[tilespmem:$0x1FA80] =	vst v63  }
0xe0: {  	_ =	swait.ge [sflag:s28], $0x280  }
0xe1: {  	[sflag:s28] =	ssyncset.done $0x0  }
0xe2: {  	[sflag:s28] =	ssyncadd.s32 $0xFFFFFD80  }
0xe3: {  	s9 =	simm.s32 $0x6;
	[bflag:$0x0] =	sbarrier.arrive $0xFFFF  }
0xe4: {  	_ =	swait.ge [sflag:s9], $0x2C00  }
0xe5: {  	[sflag:s9] =	ssyncset.done $0x0  }
0xe6: {  	[sflag:s9] =	ssyncadd.s32 $0xFFFFD400  }
0xe7: {  	_ =	swait.ge [sflag:s31], $0x80  }
0xe8: {  	[sflag:s31] =	ssyncset.done $0x0  }
0xe9: {  	s7 =	simm.s32 $0x0;
	[sflag:s31] =	ssyncadd.s32 $0xFFFFFF80  }
0xea: {  	[tilespmem:s25], [sflag:$0x1] =	stream.indirect.gather [hbm4b:s5+s0], $0x80, s7, s0, $0xb8;
	[tilespmem:$0x1FA80] =	vst v63  }
0xeb: {  	s9 =	rddreg [dreg:$0x7]  }
0xec: {  	[tilespmem:s0], [sflag:$0x5] =	stream.linear.gather [hbm4b:s9+s7], $0x80, $0x38;
	[tilespmem:$0x1FA80] =	vst v63  }
0xed: {  	_ =	swait.ge [sflag:s31], $0x80  }
0xee: {  	[sflag:s31] =	ssyncset.done $0x0  }
0xef: {  	[sflag:s31] =	ssyncadd.s32 $0xFFFFFF80  }
0xf0: {  	[tilespmem:s29], [sflag:$0x2] =	stream.indirect.gather [hbm4b:s5+s0], $0x80, s0, s0, $0xb8;
	[tilespmem:$0x1FA80] =	vst v63  }
0xf1: {  	_ =	swait.ge [sflag:s3], $0x4000  }
0xf2: {  	[sflag:s3] =	ssyncset.done $0x0  }
0xf3: {  	s19 =	rddreg [dreg:$0x8];
	[sflag:s3] =	ssyncadd.s32 $0xFFFFC000  }
0xf4: {  	[spmem:s1] =	stream.indirect.scatter.add.f32 [tilespmem:s25], [sflag:$0x3], $0x80, s19, s0, $0xb8;
	[tilespmem:$0x1FA80] =	vst v63  }
0xf5: {  	_ = 	snop  }
0xf6: {  	[spmem:s2] =	stream.indirect.scatter.add.f32 [tilespmem:s6], [sflag:$0x7], $0x1, s19, s0, $0xb8;
	[tilespmem:$0x1FA80] =	vst v63  }
0xf7: {  	s11 =	smov.u32 s30;
	s30 =	rddreg [dreg:$0x9]  }
0xf8: {  	[tilespmem:s7], [sflag:$0x5] =	stream.linear.gather [hbm4b:s30+s7], $0x80, $0x38;
	[tilespmem:$0x1FA80] =	vst v63  }
0xf9: {  	_ =	swait.ge [sflag:s10], $0x4000  }
0xfa: {  	[sflag:s10] =	ssyncset.done $0x0  }
0xfb: {  	[sflag:s10] =	ssyncadd.s32 $0xFFFFC000  }
0xfc: {  	_ =	swait.ge [sflag:s31], $0x80  }
0xfd: {  	[sflag:s31] =	ssyncset.done $0x0  }
0xfe: {  	[sflag:s31] =	ssyncadd.s32 $0xFFFFFF80  }
0xff: {  	[tilespmem:s25], [sflag:$0x1] =	stream.indirect.gather [hbm4b:s5+s0], $0x80, s7, s0, $0xb8;
	[tilespmem:$0x1FA80] =	vst v63  }
0x100: {  	_ =	swait.ge [sflag:s12], $0x4000  }
0x101: {  	[sflag:s12] =	ssyncset.done $0x0  }
0x102: {  	s19 =	rddreg [dreg:$0xf];
	[sflag:s12] =	ssyncadd.s32 $0xFFFFC000  }
0x103: {  	[spmem:s1] =	stream.indirect.scatter.add.f32 [tilespmem:s29], [sflag:$0x4], $0x80, s19, s0, $0xb8;
	[tilespmem:$0x1FA80] =	vst v63  }
0x104: {  	_ = 	snop  }
0x105: {  	[spmem:s2] =	stream.indirect.scatter.add.f32 [tilespmem:s6], [sflag:$0x8], $0x1, s19, s0, $0xb8;
	[tilespmem:$0x1FA80] =	vst v63  }
0x106: {  	s30 =	rddreg [dreg:$0xa]  }
0x107: {  	[tilespmem:s0], [sflag:$0x5] =	stream.linear.gather [hbm4b:s30+s7], $0x80, $0x38;
	[tilespmem:$0x1FA80] =	vst v63  }
0x108: {  	_ =	swait.ge [sflag:s14], $0x4000  }
0x109: {  	[sflag:s14] =	ssyncset.done $0x0  }
0x10a: {  	[sflag:s14] =	ssyncadd.s32 $0xFFFFC000  }
0x10b: {  	_ =	swait.ge [sflag:s31], $0x80  }
0x10c: {  	[sflag:s31] =	ssyncset.done $0x0  }
0x10d: {  	[sflag:s31] =	ssyncadd.s32 $0xFFFFFF80  }
0x10e: {  	[tilespmem:s29], [sflag:$0x2] =	stream.indirect.gather [hbm4b:s5+s0], $0x80, s0, s0, $0xb8;
	[tilespmem:$0x1FA80] =	vst v63  }
0x10f: {  	_ =	swait.ge [sflag:s3], $0x4000  }
0x110: {  	[sflag:s3] =	ssyncset.done $0x0  }
0x111: {  	s9 =	sadd.s32 $0xFFFFFF80, s23;
	[sflag:s3] =	ssyncadd.s32 $0xFFFFC000  }
0x112: {  	[spmem:s1] =	stream.indirect.scatter.add.f32 [tilespmem:s25], [sflag:$0x3], $0x80, s9, s0, $0xb8;
	[tilespmem:$0x1FA80] =	vst v63  }
0x113: {  	_ =	swait.ge [sflag:s15], $0x80  }
0x114: {  	[sflag:s15] =	ssyncset.done $0x0  }
0x115: {  	[sflag:s15] =	ssyncadd.s32 $0xFFFFFF80  }
0x116: {  	[spmem:s2] =	stream.indirect.scatter.add.f32 [tilespmem:s6], [sflag:$0x7], $0x1, s9, s0, $0xb8;
	[tilespmem:$0x1FA80] =	vst v63  }
0x117: {  	s19 =	sadd.s32 $0x0, s24  }
0x118: {  	[tilespmem:s4], [sflag:$0x5] =	stream.linear.gather [hbm4b:s19+s4], $0x80, $0x38;
	[tilespmem:$0x1FA80] =	vst v63  }
0x119: {  	_ =	swait.ge [sflag:s10], $0x4000  }
0x11a: {  	[sflag:s10] =	ssyncset.done $0x0  }
0x11b: {  	[sflag:s10] =	ssyncadd.s32 $0xFFFFC000  }
0x11c: {  	_ =	swait.ge [sflag:s31], $0x80  }
0x11d: {  	[sflag:s31] =	ssyncset.done $0x0  }
0x11e: {  	[sflag:s31] =	ssyncadd.s32 $0xFFFFFF80  }
0x11f: {  	[tilespmem:s25], [sflag:$0x1] =	stream.indirect.gather [hbm4b:s5+s0], $0x80, s4, s0, $0xb8;
	[tilespmem:$0x1FA80] =	vst v63  }
0x120: {  	_ =	swait.ge [sflag:s12], $0x4000  }
0x121: {  	[sflag:s12] =	ssyncset.done $0x0  }
0x122: {  	[sflag:s12] =	ssyncadd.s32 $0xFFFFC000  }
0x123: {  	[spmem:s1] =	stream.indirect.scatter.add.f32 [tilespmem:s29], [sflag:$0x4], $0x80, s23, s0, $0xb8;
	[tilespmem:$0x1FA80] =	vst v63  }
0x124: {  	_ =	swait.ge [sflag:s17], $0x80  }
0x125: {  	[sflag:s17] =	ssyncset.done $0x0  }
0x126: {  	[sflag:s17] =	ssyncadd.s32 $0xFFFFFF80  }
0x127: {  	[spmem:s2] =	stream.indirect.scatter.add.f32 [tilespmem:s6], [sflag:$0x8], $0x1, s23, s0, $0xb8;
	[tilespmem:$0x1FA80] =	vst v63  }
0x128: {  	s30 =	sadd.s32 $0x0, s22  }
0x129: {  	[tilespmem:s0], [sflag:$0x5] =	stream.linear.gather [hbm4b:s30+s4], $0x80, $0x38;
	[tilespmem:$0x1FA80] =	vst v63  }
0x12a: {  	_ =	swait.ge [sflag:s14], $0x4000  }
0x12b: {  	[sflag:s14] =	ssyncset.done $0x0  }
0x12c: {  	[sflag:s14] =	ssyncadd.s32 $0xFFFFC000  }
0x12d: {  	_ =	swait.ge [sflag:s31], $0x80  }
0x12e: {  	[sflag:s31] =	ssyncset.done $0x0  }
0x12f: {  	s7 =	sadd.s32 $0x100, s23;
	s19 =	simm.s32 $0x20;
	[sflag:s31] =	ssyncadd.s32 $0xFFFFFF80  }
.LBB2_4:
0x130: {  	[tilespmem:s29], [sflag:$0x2] =	stream.indirect.gather [hbm4b:s5+s0], $0x80, s0, s0, $0xb8;
	[tilespmem:$0x1FA80] =	vst v63  }
0x131: {  	s30 =	smov.u32 s19  }
0x132: {  	p1 =	sne.s32 s19, $0x480;
	s19 =	sadd.s32 $0x20, s19;
	_ =	swait.ge [sflag:s3], $0x4000  }
0x133: {  	[sflag:s3] =	ssyncset.done $0x0  }
0x134: {  	s9 =	sadd.s32 $0xFFFFFF80, s7;
	[sflag:s3] =	ssyncadd.s32 $0xFFFFC000  }
0x135: {  	[spmem:s1] =	stream.indirect.scatter.add.f32 [tilespmem:s25], [sflag:$0x3], $0x80, s9, s0, $0xb8;
	[tilespmem:$0x1FA80] =	vst v63  }
0x136: {  	_ =	swait.ge [sflag:s15], $0x80  }
0x137: {  	[sflag:s15] =	ssyncset.done $0x0  }
0x138: {  	[sflag:s15] =	ssyncadd.s32 $0xFFFFFF80  }
0x139: {  	[spmem:s2] =	stream.indirect.scatter.add.f32 [tilespmem:s6], [sflag:$0x7], $0x1, s9, s0, $0xb8;
	[tilespmem:$0x1FA80] =	vst v63  }
0x13a: {  	s9 =	sadd.s32 s30, s24  }
0x13b: {  	[tilespmem:s4], [sflag:$0x5] =	stream.linear.gather [hbm4b:s9+s4], $0x80, $0x38;
	[tilespmem:$0x1FA80] =	vst v63  }
0x13c: {  	_ =	swait.ge [sflag:s10], $0x4000  }
0x13d: {  	[sflag:s10] =	ssyncset.done $0x0  }
0x13e: {  	[sflag:s10] =	ssyncadd.s32 $0xFFFFC000  }
0x13f: {  	_ =	swait.ge [sflag:s31], $0x80  }
0x140: {  	[sflag:s31] =	ssyncset.done $0x0  }
0x141: {  	[sflag:s31] =	ssyncadd.s32 $0xFFFFFF80  }
0x142: {  	[tilespmem:s25], [sflag:$0x1] =	stream.indirect.gather [hbm4b:s5+s0], $0x80, s4, s0, $0xb8;
	[tilespmem:$0x1FA80] =	vst v63  }
0x143: {  	_ =	swait.ge [sflag:s12], $0x4000  }
0x144: {  	[sflag:s12] =	ssyncset.done $0x0  }
0x145: {  	[sflag:s12] =	ssyncadd.s32 $0xFFFFC000  }
0x146: {  	[spmem:s1] =	stream.indirect.scatter.add.f32 [tilespmem:s29], [sflag:$0x4], $0x80, s7, s0, $0xb8;
	[tilespmem:$0x1FA80] =	vst v63  }
0x147: {  	_ =	swait.ge [sflag:s17], $0x80  }
0x148: {  	[sflag:s17] =	ssyncset.done $0x0  }
0x149: {  	[sflag:s17] =	ssyncadd.s32 $0xFFFFFF80  }
0x14a: {  	[spmem:s2] =	stream.indirect.scatter.add.f32 [tilespmem:s6], [sflag:$0x8], $0x1, s7, s0, $0xb8;
	[tilespmem:$0x1FA80] =	vst v63  }
0x14b: {  	s9 =	sadd.s32 s30, s22  }
0x14c: {  	[tilespmem:s0], [sflag:$0x5] =	stream.linear.gather [hbm4b:s9+s4], $0x80, $0x38;
	[tilespmem:$0x1FA80] =	vst v63  }
0x14d: {  	_ =	swait.ge [sflag:s14], $0x4000  }
.Ltmp1:
0x14e: {  	[sflag:s14] =	ssyncset.done $0x0;
	(pc) =	sbr.rel @p1 .LBB2_4-.Ltmp1, $4  }
0x14f: {  	[sflag:s14] =	ssyncadd.s32 $0xFFFFC000  }
0x150: {  	_ =	swait.ge [sflag:s31], $0x80  }
0x151: {  	[sflag:s31] =	ssyncset.done $0x0  }
0x152: {  	s7 =	sadd.s32 $0x100, s7;
	[sflag:s31] =	ssyncadd.s32 $0xFFFFFF80  }
0x153: {  	[tilespmem:s29], [sflag:$0x2] =	stream.indirect.gather [hbm4b:s5+s0], $0x80, s0, s0, $0xb8;
	[tilespmem:$0x1FA80] =	vst v63  }
0x154: {  	_ =	swait.ge [sflag:s3], $0x4000  }
0x155: {  	[sflag:s3] =	ssyncset.done $0x0  }
0x156: {  	[sflag:s3] =	ssyncadd.s32 $0xFFFFC000  }
0x157: {  	[spmem:s1] =	stream.indirect.scatter.add.f32 [tilespmem:s25], [sflag:$0x3], $0x80, s20, s0, $0xb8;
	[tilespmem:$0x1FA80] =	vst v63  }
0x158: {  	_ =	swait.ge [sflag:s15], $0x80  }
0x159: {  	[sflag:s15] =	ssyncset.done $0x0  }
0x15a: {  	[sflag:s15] =	ssyncadd.s32 $0xFFFFFF80  }
0x15b: {  	[spmem:s2] =	stream.indirect.scatter.add.f32 [tilespmem:s6], [sflag:$0x7], $0x1, s20, s0, $0xb8;
	[tilespmem:$0x1FA80] =	vst v63  }
0x15c: {  	_ =	swait.ge [sflag:s12], $0x4000  }
0x15d: {  	[sflag:s12] =	ssyncset.done $0x0  }
0x15e: {  	[sflag:s12] =	ssyncadd.s32 $0xFFFFC000  }
0x15f: {  	[spmem:s1] =	stream.indirect.scatter.add.f32 [tilespmem:s29], [sflag:$0x4], $0x80, s21, s0, $0xb8;
	[tilespmem:$0x1FA80] =	vst v63  }
0x160: {  	_ =	swait.ge [sflag:s17], $0x80  }
0x161: {  	[sflag:s17] =	ssyncset.done $0x0  }
0x162: {  	[sflag:s17] =	ssyncadd.s32 $0xFFFFFF80  }
0x163: {  	[spmem:s2] =	stream.indirect.scatter.add.f32 [tilespmem:s6], [sflag:$0x8], $0x1, s21, s0, $0xb8;
	[tilespmem:$0x1FA80] =	vst v63  }
0x164: {  	_ =	swait.ge [sflag:s10], $0x4000  }
0x165: {  	[sflag:s10] =	ssyncset.done $0x0  }
0x166: {  	[sflag:s10] =	ssyncadd.s32 $0xFFFFC000  }
0x167: {  	_ =	swait.ge [sflag:s14], $0x4000  }
0x168: {  	[sflag:s14] =	ssyncset.done $0x0  }
0x169: {  	[sflag:s14] =	ssyncadd.s32 $0xFFFFC000  }
0x16a: {  	_ =	swait.ge [sflag:s15], $0x80  }
0x16b: {  	[sflag:s15] =	ssyncset.done $0x0  }
0x16c: {  	[sflag:s15] =	ssyncadd.s32 $0xFFFFFF80  }
0x16d: {  	_ =	swait.ge [sflag:s17], $0x80  }
0x16e: {  	[sflag:s17] =	ssyncset.done $0x0  }
0x16f: {  	s7 =	simm.s32 @!p0 $0x0;
	s9 =	rddreg [dreg:$0xb];
	[sflag:s17] =	ssyncadd.s32 $0xFFFFFF80  }
0x170: {  	[tilespmem:s7], [sflag:$0x6] =	stream.linear.gather @!p0 [hbm4b:s9+s7], $0x80, $0x38;
	[tilespmem:$0x1FA80] =	vst v63  }
0x171: {  	s9 =	simm.s32 @!p0 $0x6  }
0x172: {  	_ =	swait.ge @!p0 [sflag:s9], $0x80  }
0x173: {  	[sflag:s9] =	ssyncset.done @!p0 $0x0  }
0x174: {  	s19 =	simm.s32 @!p0 $0x80;
	s30 =	simm.s32 @!p0 $0x2D00;
	[sflag:s9] =	ssyncadd.s32 @!p0 $0xFFFFFF80  }
0x175: {  	[tilespmem:s30], [sflag:$0x6] =	stream.indirect.gather @!p0 [hbm4b:s5+s19], $0x80, s7, s19, $0xb8;
	[tilespmem:$0x1FA80] =	vst v63  }
0x176: {  	_ =	swait.ge @!p0 [sflag:s9], $0x4000  }
0x177: {  	[sflag:s9] =	ssyncset.done @!p0 $0x0  }
0x178: {  	s7 =	simm.s32 @!p0 $0x9;
	[sflag:s9] =	ssyncadd.s32 @!p0 $0xFFFFC000  }
0x179: {  	[spmem:s1] =	stream.indirect.scatter.add.f32 @!p0 [tilespmem:s30], [sflag:$0x9], $0x80, s16, s19, $0xb8;
	[tilespmem:$0x1FA80] =	vst v63  }
0x17a: {  	_ =	swait.ge @!p0 [sflag:s7], $0x4000  }
0x17b: {  	[sflag:s7] =	ssyncset.done @!p0 $0x0  }
0x17c: {  	[sflag:s7] =	ssyncadd.s32 @!p0 $0xFFFFC000;
	s7 =	simm.s32 @!p0 $0x1F500  }
0x17d: {  	[spmem:s2] =	stream.indirect.scatter.add.f32 @!p0 [tilespmem:s7], [sflag:$0x6], $0x1, s16, s19, $0xb8;
	[tilespmem:$0x1FA80] =	vst v63  }
0x17e: {  	_ =	swait.ge @!p0 [sflag:s9], $0x80  }
0x17f: {  	[sflag:s9] =	ssyncset.done @!p0 $0x0  }
0x180: {  	[sflag:s9] =	ssyncadd.s32 @!p0 $0xFFFFFF80;
	s9 =	stileid.u32  }
0x181: {  	s7 =	sshll.u32 s9, $0x6;
	[bflag:$0x0] =	sbarrier.arrive $0xFFFF  }
0x182: {  	s9 =	sshrl.u32 s8, $0x3;
	s7 =	sor.u32 $0x1C09, s7;
	s19 =	rddreg [dreg:$0xc]  }
0x183: {  	[hbm:s19], [sflag:s7] =	dma.local [spmem:s9], $0x2800  }
0x184: {  	_ =	swait.ge [sflag:s28], $0x2800  }
0x185: {  	s30 =	smov.u32 s11;
	s9 =	sshrl.u32 s11, $0x3;
	[sflag:s28] =	ssyncset.done $0x0  }
0x186: {  	s19 =	simm.s32 $0x20;
	s11 =	rddreg [dreg:$0xd];
	[sflag:s28] =	ssyncadd.s32 $0xFFFFD800  }
0x187: {  	[hbm:s11@s19], [sflag:s7] =	dma.strided [spmem:s9@s13], $0x50, s3, $0x10   }
0x188: {  	_ =	swait.ge [sflag:s28], $0x50  }
0x189: {  	s18 =	sadd.s32 $0x1, s18;
	s19 =	rddreg [dreg:$0xe]  }
0x18a: {  	p1 =	sne.s32 s18, s19  }
.Ltmp2:
0x18b: {  	_ = 	snop;
	(pc) =	sbr.rel @p1 .LBB2_1-.Ltmp2, $3  }
0x18c: {  	_ =	sdelay $0x1  }
0x18d: {  	[sflag:s28] =	ssyncset.done $0x0  }
0x18e: {  	[sflag:s28] =	ssyncadd.s32 $0xFFFFFFB0  }
0x18f: {  	_ =	sfence.sel $0x180000  }
0x190: {  	[bflag:$0x0] =	sbarrier.arrive $0xFFFF  }
0x191: {  	_ =	strace $0x90000047  }
0x192: {  	s0 =	stileid.u32;
	[bflag:$0x2] =	sbarrier.arrive $0xFFFF  }
0x193: {  	p0 =	sne.s32 s0, $0x0;
	s0 =	rddreg [dreg:$0x4]  }
0x194: {  	s0 =	sadd.s32 @!p0 $0x100000, s0  }
0x195: {  	[sflag:s0] =	ssyncadd.tile.s32 @!p0 $0x1;
	_ =	shalt  }
.Lfunc_end2:
_tile_overlayer_lowered:
.L_overlay_start_2:
0x196: {  	(tag) =	ssettag $0x2  }
0x197: {  	s0 =	rddreg [dreg:$0x0];
	s2 =	stileid.u32  }
0x198: {  	s1 =	rddreg [dreg:$0x1];
	p0 =	sne.s32 s2, $0x0  }
0x199: {  	s3 =	rddreg [dreg:$0x2];
	[bflag:$0x3] =	sbarrier.arrive $0xFFFF;
	s2 =	simm.s32 @!p0 $0x1C09  }
0x19a: {  	[timem:s3], [sflag:s2] =	dma.local @!p0 [hbm:s0], s1  }
0x19b: {  	s0 =	simm.s32 @!p0 $0x9  }
0x19c: {  	_ =	swait.ge @!p0 [sflag:s0], s1  }
0x19d: {  	s1 =	ssub.s32 @!p0 $0x0, s1;
	[sflag:s0] =	ssyncset.done @!p0 $0x0  }
0x19e: {  	[sflag:s0] =	ssyncadd.s32 @!p0 s1  }
0x19f: {  	[bflag:$0x3] =	sbarrier.arrive $0xFFFF  }
0x1a0: {  	_ =	shalt  }

</sc_bundles>
